<compile_context>
chip_gen: v7x
topology: tpu7x:2x2x1
jax: 0.10.2.dev20260603
libtpu: 0.0.44.dev20260713+nightly
codegen_flags: <defaults>
</compile_context>

<pallas_src>
import functools

import jax
import jax.numpy as jnp
from jax import lax
from jax.experimental import pallas as pl
from jax.experimental.pallas import tpu as pltpu
from jax.experimental.pallas import tpu_sc as plsc

N = 10000
H = 128
NP = 10240
E = 320000
EP = 327680
NTILES = 32
EPT = EP // 16
CH = 128
NCH = EPT // CH
RPT = NP // 16
SPT = 16384 // 16

_mesh = plsc.VectorSubcoreMesh(core_axis_name="c", subcore_axis_name="s")
_mesh1 = plsc.VectorSubcoreMesh(core_axis_name="c", subcore_axis_name="s",
                                num_cores=1)



def _proj_body(x_ref, w_ref, al_ref, ar_ref, h_ref, el_ref, er_ref):
    h = jnp.dot(x_ref[...], w_ref[...], preferred_element_type=jnp.float32)
    h_ref[...] = h
    el_ref[...] = jnp.sum(h * al_ref[...], axis=1)
    er_ref[...] = jnp.sum(h * ar_ref[...], axis=1)


def _proj(x, w, al, ar):
    return pl.pallas_call(
        _proj_body,
        out_shape=[
            jax.ShapeDtypeStruct((NP, H), jnp.float32),
            jax.ShapeDtypeStruct((NP,), jnp.float32),
            jax.ShapeDtypeStruct((NP,), jnp.float32),
        ],
    )(x, w, al, ar)



@functools.partial(
    pl.kernel,
    out_type=(
        jax.ShapeDtypeStruct((NP, H), jnp.float32),
        jax.ShapeDtypeStruct((16384,), jnp.float32),
    ),
    mesh=_mesh1,
    compiler_params=pltpu.CompilerParams(needs_layout_passes=False),
    scratch_types=[
        pltpu.VMEM((NP,), jnp.float32),
        pltpu.VMEM((NP,), jnp.float32),
        pltpu.VMEM((CH,), jnp.int32),
        pltpu.VMEM((CH,), jnp.int32),
        pltpu.VMEM((CH,), jnp.float32),
        pltpu.VMEM((CH, H), jnp.float32),
        pltpu.VMEM_SHARED((NP, H), jnp.float32),
        pltpu.VMEM_SHARED((16384,), jnp.float32),
        pltpu.SemaphoreType.DMA,
    ],
)
def _edge(h_hbm, el_hbm, er_hbm, src_hbm, dst_hbm,
          npart_hbm, spart_hbm,
          el_t, er_t, src_c, dst_c, ex_c, rows, n_sh, s_sh, sem):
    sid = lax.axis_index("s")
    wid = sid

    z16 = jnp.zeros((16,), jnp.float32)

    def _zrow(r, carry):
        for k in range(8):
            rows[r, pl.ds(16 * k, 16)] = z16
        return carry

    lax.fori_loop(0, CH, _zrow, 0)

    def _zex(i, carry):
        ex_c[pl.ds(16 * i, 16)] = z16
        return carry

    lax.fori_loop(0, CH // 16, _zex, 0)

    rb = sid * RPT
    for z in range(RPT // CH):
        pltpu.sync_copy(rows, n_sh.at[pl.ds(rb + z * CH, CH), :])
    sb = sid * SPT
    for z in range(SPT // CH):
        pltpu.sync_copy(ex_c, s_sh.at[pl.ds(sb + z * CH, CH)])

    pltpu.sync_copy(el_hbm, el_t)
    pltpu.sync_copy(er_hbm, er_t)
    plsc.subcore_barrier()

    ebase = wid * EPT

    def _chunk(ci, carry):
        cb = ebase + ci * CH
        pltpu.sync_copy(src_hbm.at[pl.ds(cb, CH)], src_c)
        pltpu.sync_copy(dst_hbm.at[pl.ds(cb, CH)], dst_c)
        for j in range(CH // 16):
            sv = src_c[pl.ds(16 * j, 16)]
            dv = dst_c[pl.ds(16 * j, 16)]
            e = plsc.load_gather(el_t, [sv]) + plsc.load_gather(er_t, [dv])
            e = jnp.where(e > 0, e, 0.2 * e)
            ex_c[pl.ds(16 * j, 16)] = jnp.exp(e)
        pltpu.async_copy(h_hbm.at[src_c], rows, sem).wait()

        def _scale(r, c2):
            b = plsc.load_gather(ex_c, [jnp.full((16,), r, jnp.int32)])
            for k in range(8):
                rows[r, pl.ds(16 * k, 16)] = rows[r, pl.ds(16 * k, 16)] * b
            return c2

        lax.fori_loop(0, CH, _scale, 0)
        pltpu.sync_copy(rows, n_sh.at[dst_c], add=True)
        pltpu.sync_copy(ex_c, s_sh.at[dst_c], add=True)
        return carry

    lax.fori_loop(0, NCH, _chunk, 0)
    plsc.subcore_barrier()

    pltpu.sync_copy(n_sh.at[pl.ds(rb, RPT), :],
                    npart_hbm.at[pl.ds(rb, RPT), :])
    pltpu.sync_copy(s_sh.at[pl.ds(sb, SPT)], spart_hbm.at[pl.ds(sb, SPT)])



@functools.partial(
    pl.kernel,
    out_type=jax.ShapeDtypeStruct((NP, H), jnp.float32),
    mesh=_mesh,
    compiler_params=pltpu.CompilerParams(needs_layout_passes=False),
    scratch_types=[
        pltpu.VMEM((128, H), jnp.float32),
        pltpu.VMEM((16384,), jnp.float32),
        pltpu.VMEM((H,), jnp.float32),
    ],
)
def _fin(npart_hbm, spart_hbm, b_hbm, x_hbm, n0, s0, bt):
    cid = lax.axis_index("c")
    sid = lax.axis_index("s")
    wid = sid * 2 + cid
    pltpu.sync_copy(b_hbm, bt)
    pltpu.sync_copy(spart_hbm, s0)

    def _ssum(v, carry):
        sl = pl.ds(16 * v, 16)
        s0[sl] = s0[sl] + 1e-9
        return carry

    lax.fori_loop(0, 16384 // 16, _ssum, 0)

    def _unit(i, carry):
        q = wid + NTILES * i

        @pl.when(q < NP // 128)
        def _do():
            rb = q * 128
            pltpu.sync_copy(npart_hbm.at[pl.ds(rb, 128), :], n0)

            def _row(r, c2):
                d = plsc.load_gather(s0, [jnp.full((16,), rb + r, jnp.int32)])
                for k in range(8):
                    n0[r, pl.ds(16 * k, 16)] = (
                        n0[r, pl.ds(16 * k, 16)] / d + bt[pl.ds(16 * k, 16)])
                return c2

            lax.fori_loop(0, 128, _row, 0)
            pltpu.sync_copy(n0, x_hbm.at[pl.ds(rb, 128), :])

        return carry

    lax.fori_loop(0, (NP // 128 + NTILES - 1) // NTILES, _unit, 0)



def kernel(feat, edge_index, efeat,
           W1, al1, ar1, b1, W2, al2, ar2, b2, W3, al3, ar3, b3):
    src = jnp.full((EP,), NP - 1, jnp.int32).at[:E].set(edge_index[0])
    dst = jnp.full((EP,), NP - 1, jnp.int32).at[:E].set(edge_index[1])
    x = jnp.zeros((NP, H), jnp.float32).at[:N].set(feat)
    for (w, al, ar, b) in ((W1, al1, ar1, b1),
                           (W2, al2, ar2, b2),
                           (W3, al3, ar3, b3)):
        h, el, er = _proj(x, w, al.reshape(1, H), ar.reshape(1, H))
        npart, spart = _edge(h, el, er, src, dst)
        x = _fin(npart, spart, b)
    return x[:N]

# --- scband reference (transcript-rebuilt; emitter-appended) ---
"""Pipeline reference for scband-custom-network-37340445671627 (READ-ONLY COPY).

The authoritative reference and input builder live on the scoring server;
editing this copy changes nothing except your own understanding.
"""

import jax, jax.numpy as jnp
import numpy as np

N_NODES = 10000
N_EDGES = 320000
D_FEAT = 128
HIDDEN = 128
D_EDGE = 4


def setup_inputs(seed: int = 0) -> dict:
    key = jax.random.key(seed)
    ks = jax.random.split(key, 16)
    feat = jax.random.normal(ks[0], (N_NODES, D_FEAT), dtype=jnp.float32)
    edge_index = jax.random.randint(ks[1], (2, N_EDGES), 0, N_NODES, dtype=jnp.int32)
    efeat = jax.random.normal(ks[2], (N_EDGES, D_EDGE), dtype=jnp.float32)

    def xav(k, shape):
        fan_in, fan_out = shape[0], shape[-1]
        lim = (6.0 / (fan_in + fan_out)) ** 0.5
        return jax.random.uniform(k, shape, dtype=jnp.float32, minval=-lim, maxval=lim)

    # GATConv layer 1: input_size -> hidden_size (num_heads=1)
    W1 = xav(ks[3], (D_FEAT, HIDDEN))
    al1 = xav(ks[4], (1, HIDDEN)).reshape(HIDDEN)
    ar1 = xav(ks[5], (1, HIDDEN)).reshape(HIDDEN)
    b1 = jnp.zeros((HIDDEN,), dtype=jnp.float32)
    # GATConv layer 2
    W2 = xav(ks[6], (HIDDEN, HIDDEN))
    al2 = xav(ks[7], (1, HIDDEN)).reshape(HIDDEN)
    ar2 = xav(ks[8], (1, HIDDEN)).reshape(HIDDEN)
    b2 = jnp.zeros((HIDDEN,), dtype=jnp.float32)
    # GATConv layer 3
    W3 = xav(ks[9], (HIDDEN, HIDDEN))
    al3 = xav(ks[10], (1, HIDDEN)).reshape(HIDDEN)
    ar3 = xav(ks[11], (1, HIDDEN)).reshape(HIDDEN)
    b3 = jnp.zeros((HIDDEN,), dtype=jnp.float32)
    return {
        "feat": feat, "edge_index": edge_index, "efeat": efeat,
        "W1": W1, "al1": al1, "ar1": ar1, "b1": b1,
        "W2": W2, "al2": al2, "ar2": ar2, "b2": b2,
        "W3": W3, "al3": al3, "ar3": ar3, "b3": b3,
    }


def _gat_layer(x, src, dst, W, al, ar, b):
    # DGL GATConv, num_heads=1, negative_slope=0.2, activation=None,
    # allow_zero_in_degree=True, bias=True
    h = x @ W                               # [N, H] projected features
    el = jnp.sum(h * al, axis=-1)           # [N] attn_l . feat_src
    er = jnp.sum(h * ar, axis=-1)           # [N] attn_r . feat_dst
    e = jax.nn.leaky_relu(el[src] + er[dst], negative_slope=0.2)  # [E]
    # edge_softmax over incoming edges of each dst node (numerically stable)
    m = jax.ops.segment_max(e, dst, num_segments=N_NODES)
    m = jnp.where(jnp.isfinite(m), m, 0.0)  # zero-in-degree nodes
    m = jax.lax.stop_gradient(m)
    ex = jnp.exp(e - m[dst])
    s = jax.ops.segment_sum(ex, dst, num_segments=N_NODES)
    alpha = ex / (s[dst] + 1e-9)            # [E]
    out = jax.ops.segment_sum(alpha[:, None] * h[src], dst, num_segments=N_NODES)
    return out + b


def reference(feat, edge_index, efeat, W1, al1, ar1, b1, W2, al2, ar2, b2, W3, al3, ar3, b3):
    # EncoderNet.forward: 3 stacked GATConv layers (efeat is accepted but unused
    # by the original forward, exactly as in the torch module)
    src = edge_index[0]
    dst = edge_index[1]
    h = _gat_layer(feat, src, dst, W1, al1, ar1, b1)
    h = _gat_layer(h, src, dst, W2, al2, ar2, b2)
    h = _gat_layer(h, src, dst, W3, al3, ar3, b3)
    return h

if __name__ == "__main__":
    import jax
    _d = setup_inputs()
    print(jax.jit(kernel)(*tuple(_d.values())))

</pallas_src>

<mosaic_0001>
#map = affine_map<(d0, d1) -> (0, 0)>
#map1 = affine_map<(d0, d1) -> (0)>
module attributes {stable_mosaic.version = 14 : i64} {
  func.func @_edge(%arg0: i32, %arg1: i32, %arg2: memref<10240x128xf32, #tpu.memory_space<hbm>>, %arg3: memref<10240xf32, #tpu.memory_space<hbm>>, %arg4: memref<10240xf32, #tpu.memory_space<hbm>>, %arg5: memref<327680xi32, #tpu.memory_space<hbm>>, %arg6: memref<327680xi32, #tpu.memory_space<hbm>>, %arg7: memref<10240x128xf32, #tpu.memory_space<hbm>>, %arg8: memref<16384xf32, #tpu.memory_space<hbm>>, %arg9: memref<10240xf32, #tpu.memory_space<vmem>>, %arg10: memref<10240xf32, #tpu.memory_space<vmem>>, %arg11: memref<128xi32, #tpu.memory_space<vmem>>, %arg12: memref<128xi32, #tpu.memory_space<vmem>>, %arg13: memref<128xf32, #tpu.memory_space<vmem>>, %arg14: memref<128x128xf32, #tpu.memory_space<vmem>>, %arg15: memref<10240x128xf32, #tpu.memory_space<vmem_shared>>, %arg16: memref<16384xf32, #tpu.memory_space<vmem_shared>>, %arg17: memref<!tpu.dma_semaphore, #tpu.memory_space<semaphore_mem>>) attributes {dimension_semantics = [#tpu.dimension_semantics<core_parallel>, #tpu.dimension_semantics<subcore_parallel>], iteration_bounds = array<i64: 1, 16>, scalar_prefetch = 0 : i64, scratch_operands = 9 : i64, tpu.core_type = #tpu.core_type<sc_vector_subcore>, window_params = [{transform_indices = #map}, {transform_indices = #map1}, {transform_indices = #map1}, {transform_indices = #map1}, {transform_indices = #map1}, {transform_indices = #map}, {transform_indices = #map1}]} {
    %broadcast_in_dim3A = arith.constant 0.000000e+00 : f32
    %broadcast_in_dim3A_0 = vector.broadcast %broadcast_in_dim3A : f32 to vector<16xf32>
    %scan3A = arith.constant 0 : i32
    %scan3A_1 = arith.constant 0 : i32
    %scan3A_2 = arith.constant 128 : i32
    %scan3A_3 = arith.addi %scan3A_1, %scan3A_2 : i32
    %scan3A_4 = arith.constant 1 : i32
    scf.for %scan3A_49 = %scan3A_1 to %scan3A_3 step %scan3A_4  : i32 {
      %swap3A = arith.index_cast %scan3A_49 : i32 to index
      %swap3A_50 = arith.constant 0 : index
      %swap3A_51 = tpu.vector_load %arg14[%swap3A, %swap3A_50] {strides = array<i32>} : memref<128x128xf32, #tpu.memory_space<vmem>>, vector<16xf32>,
      tpu.vector_store %arg14[%swap3A, %swap3A_50], %broadcast_in_dim3A_0 {strides = array<i32>} : memref<128x128xf32, #tpu.memory_space<vmem>>, vector<16xf32>,
      %swap3A_52 = arith.index_cast %scan3A_49 : i32 to index
      %swap3A_53 = arith.constant 16 : index
      %swap3A_54 = tpu.vector_load %arg14[%swap3A_52, %swap3A_53] {strides = array<i32>} : memref<128x128xf32, #tpu.memory_space<vmem>>, vector<16xf32>,
      tpu.vector_store %arg14[%swap3A_52, %swap3A_53], %broadcast_in_dim3A_0 {strides = array<i32>} : memref<128x128xf32, #tpu.memory_space<vmem>>, vector<16xf32>,
      %swap3A_55 = arith.index_cast %scan3A_49 : i32 to index
      %swap3A_56 = arith.constant 32 : index
      %swap3A_57 = tpu.vector_load %arg14[%swap3A_55, %swap3A_56] {strides = array<i32>} : memref<128x128xf32, #tpu.memory_space<vmem>>, vector<16xf32>,
      tpu.vector_store %arg14[%swap3A_55, %swap3A_56], %broadcast_in_dim3A_0 {strides = array<i32>} : memref<128x128xf32, #tpu.memory_space<vmem>>, vector<16xf32>,
      %swap3A_58 = arith.index_cast %scan3A_49 : i32 to index
      %swap3A_59 = arith.constant 48 : index
      %swap3A_60 = tpu.vector_load %arg14[%swap3A_58, %swap3A_59] {strides = array<i32>} : memref<128x128xf32, #tpu.memory_space<vmem>>, vector<16xf32>,
      tpu.vector_store %arg14[%swap3A_58, %swap3A_59], %broadcast_in_dim3A_0 {strides = array<i32>} : memref<128x128xf32, #tpu.memory_space<vmem>>, vector<16xf32>,
      %swap3A_61 = arith.index_cast %scan3A_49 : i32 to index
      %swap3A_62 = arith.constant 64 : index
      %swap3A_63 = tpu.vector_load %arg14[%swap3A_61, %swap3A_62] {strides = array<i32>} : memref<128x128xf32, #tpu.memory_space<vmem>>, vector<16xf32>,
      tpu.vector_store %arg14[%swap3A_61, %swap3A_62], %broadcast_in_dim3A_0 {strides = array<i32>} : memref<128x128xf32, #tpu.memory_space<vmem>>, vector<16xf32>,
      %swap3A_64 = arith.index_cast %scan3A_49 : i32 to index
      %swap3A_65 = arith.constant 80 : index
      %swap3A_66 = tpu.vector_load %arg14[%swap3A_64, %swap3A_65] {strides = array<i32>} : memref<128x128xf32, #tpu.memory_space<vmem>>, vector<16xf32>,
      tpu.vector_store %arg14[%swap3A_64, %swap3A_65], %broadcast_in_dim3A_0 {strides = array<i32>} : memref<128x128xf32, #tpu.memory_space<vmem>>, vector<16xf32>,
      %swap3A_67 = arith.index_cast %scan3A_49 : i32 to index
      %swap3A_68 = arith.constant 96 : index
      %swap3A_69 = tpu.vector_load %arg14[%swap3A_67, %swap3A_68] {strides = array<i32>} : memref<128x128xf32, #tpu.memory_space<vmem>>, vector<16xf32>,
      tpu.vector_store %arg14[%swap3A_67, %swap3A_68], %broadcast_in_dim3A_0 {strides = array<i32>} : memref<128x128xf32, #tpu.memory_space<vmem>>, vector<16xf32>,
      %swap3A_70 = arith.index_cast %scan3A_49 : i32 to index
      %swap3A_71 = arith.constant 112 : index
      %swap3A_72 = tpu.vector_load %arg14[%swap3A_70, %swap3A_71] {strides = array<i32>} : memref<128x128xf32, #tpu.memory_space<vmem>>, vector<16xf32>,
      tpu.vector_store %arg14[%swap3A_70, %swap3A_71], %broadcast_in_dim3A_0 {strides = array<i32>} : memref<128x128xf32, #tpu.memory_space<vmem>>, vector<16xf32>,
    }
    %scan3A_5 = arith.constant 128 : i32
    %scan3A_6 = arith.constant 0 : i32
    %scan3A_7 = arith.constant 0 : i32
    %scan3A_8 = arith.constant 8 : i32
    %scan3A_9 = arith.addi %scan3A_7, %scan3A_8 : i32
    %scan3A_10 = arith.constant 1 : i32
    scf.for %scan3A_49 = %scan3A_7 to %scan3A_9 step %scan3A_10  : i32 {
      %mul3A_50 = arith.constant 16 : i32
      %mul3A_51 = arith.muli %mul3A_50, %scan3A_49 : i32
      %swap3A = arith.index_cast %mul3A_51 : i32 to index
      %swap3A_52 = tpu.vector_load %arg13[%swap3A] {strides = array<i32>} : memref<128xf32, #tpu.memory_space<vmem>>, vector<16xf32>,
      tpu.vector_store %arg13[%swap3A], %broadcast_in_dim3A_0 {strides = array<i32>} : memref<128xf32, #tpu.memory_space<vmem>>, vector<16xf32>,
    }
    %scan3A_11 = arith.constant 8 : i32
    %mul3A = arith.constant 640 : i32
    %mul3A_12 = arith.muli %arg1, %mul3A : i32
    %add3A = arith.constant 0 : i32
    %add3A_13 = arith.addi %mul3A_12, %add3A : i32
    "tpu.region"() ({
      %run_scoped3A = tpu.sem_alloc : memref<!tpu.dma_semaphore, #tpu.memory_space<semaphore_mem>>
      %dma_start3A = arith.constant 0 : i32
      %dma_start3A_49 = tpu.memref_slice %arg15[%add3A_13, %dma_start3A] : memref<10240x128xf32, #tpu.memory_space<vmem_shared>> -> memref<128x128xf32, #tpu.memory_space<vmem_shared>>
      %dma_start3A_50 = arith.constant 0 : i32
      %dma_start3A_51 = tpu.memref_slice %arg15[%add3A_13, %dma_start3A_50] : memref<10240x128xf32, #tpu.memory_space<vmem_shared>> -> memref<128x128xf32, #tpu.memory_space<vmem_shared>>
      tpu.enqueue_dma source(%arg14 : memref<128x128xf32, #tpu.memory_space<vmem>>) target(%dma_start3A_51 : memref<128x128xf32, #tpu.memory_space<vmem_shared>>) target_semaphore(%run_scoped3A : memref<!tpu.dma_semaphore, #tpu.memory_space<semaphore_mem>>)
      %dma_wait3A = arith.constant 0 : i32
      %dma_wait3A_52 = tpu.memref_slice %arg15[%add3A_13, %dma_wait3A] : memref<10240x128xf32, #tpu.memory_space<vmem_shared>> -> memref<128x128xf32, #tpu.memory_space<vmem_shared>>
      %dma_wait3A_53 = arith.constant 0 : i32
      %dma_wait3A_54 = tpu.memref_slice %arg15[%add3A_13, %dma_wait3A_53] : memref<10240x128xf32, #tpu.memory_space<vmem_shared>> -> memref<128x128xf32, #tpu.memory_space<vmem_shared>>
      tpu.wait_dma2 semaphore(%run_scoped3A : memref<!tpu.dma_semaphore, #tpu.memory_space<semaphore_mem>>) src(%arg14 : memref<128x128xf32, #tpu.memory_space<vmem>>) dst(%dma_wait3A_54 : memref<128x128xf32, #tpu.memory_space<vmem_shared>>)
      tpu.yield
    }) : () -> ()
    %add3A_14 = arith.constant 128 : i32
    %add3A_15 = arith.addi %mul3A_12, %add3A_14 : i32
    "tpu.region"() ({
      %run_scoped3A = tpu.sem_alloc : memref<!tpu.dma_semaphore, #tpu.memory_space<semaphore_mem>>
      %dma_start3A = arith.constant 0 : i32
      %dma_start3A_49 = tpu.memref_slice %arg15[%add3A_15, %dma_start3A] : memref<10240x128xf32, #tpu.memory_space<vmem_shared>> -> memref<128x128xf32, #tpu.memory_space<vmem_shared>>
      %dma_start3A_50 = arith.constant 0 : i32
      %dma_start3A_51 = tpu.memref_slice %arg15[%add3A_15, %dma_start3A_50] : memref<10240x128xf32, #tpu.memory_space<vmem_shared>> -> memref<128x128xf32, #tpu.memory_space<vmem_shared>>
      tpu.enqueue_dma source(%arg14 : memref<128x128xf32, #tpu.memory_space<vmem>>) target(%dma_start3A_51 : memref<128x128xf32, #tpu.memory_space<vmem_shared>>) target_semaphore(%run_scoped3A : memref<!tpu.dma_semaphore, #tpu.memory_space<semaphore_mem>>)
      %dma_wait3A = arith.constant 0 : i32
      %dma_wait3A_52 = tpu.memref_slice %arg15[%add3A_15, %dma_wait3A] : memref<10240x128xf32, #tpu.memory_space<vmem_shared>> -> memref<128x128xf32, #tpu.memory_space<vmem_shared>>
      %dma_wait3A_53 = arith.constant 0 : i32
      %dma_wait3A_54 = tpu.memref_slice %arg15[%add3A_15, %dma_wait3A_53] : memref<10240x128xf32, #tpu.memory_space<vmem_shared>> -> memref<128x128xf32, #tpu.memory_space<vmem_shared>>
      tpu.wait_dma2 semaphore(%run_scoped3A : memref<!tpu.dma_semaphore, #tpu.memory_space<semaphore_mem>>) src(%arg14 : memref<128x128xf32, #tpu.memory_space<vmem>>) dst(%dma_wait3A_54 : memref<128x128xf32, #tpu.memory_space<vmem_shared>>)
      tpu.yield
    }) : () -> ()
    %add3A_16 = arith.constant 256 : i32
    %add3A_17 = arith.addi %mul3A_12, %add3A_16 : i32
    "tpu.region"() ({
      %run_scoped3A = tpu.sem_alloc : memref<!tpu.dma_semaphore, #tpu.memory_space<semaphore_mem>>
      %dma_start3A = arith.constant 0 : i32
      %dma_start3A_49 = tpu.memref_slice %arg15[%add3A_17, %dma_start3A] : memref<10240x128xf32, #tpu.memory_space<vmem_shared>> -> memref<128x128xf32, #tpu.memory_space<vmem_shared>>
      %dma_start3A_50 = arith.constant 0 : i32
      %dma_start3A_51 = tpu.memref_slice %arg15[%add3A_17, %dma_start3A_50] : memref<10240x128xf32, #tpu.memory_space<vmem_shared>> -> memref<128x128xf32, #tpu.memory_space<vmem_shared>>
      tpu.enqueue_dma source(%arg14 : memref<128x128xf32, #tpu.memory_space<vmem>>) target(%dma_start3A_51 : memref<128x128xf32, #tpu.memory_space<vmem_shared>>) target_semaphore(%run_scoped3A : memref<!tpu.dma_semaphore, #tpu.memory_space<semaphore_mem>>)
      %dma_wait3A = arith.constant 0 : i32
      %dma_wait3A_52 = tpu.memref_slice %arg15[%add3A_17, %dma_wait3A] : memref<10240x128xf32, #tpu.memory_space<vmem_shared>> -> memref<128x128xf32, #tpu.memory_space<vmem_shared>>
      %dma_wait3A_53 = arith.constant 0 : i32
      %dma_wait3A_54 = tpu.memref_slice %arg15[%add3A_17, %dma_wait3A_53] : memref<10240x128xf32, #tpu.memory_space<vmem_shared>> -> memref<128x128xf32, #tpu.memory_space<vmem_shared>>
      tpu.wait_dma2 semaphore(%run_scoped3A : memref<!tpu.dma_semaphore, #tpu.memory_space<semaphore_mem>>) src(%arg14 : memref<128x128xf32, #tpu.memory_space<vmem>>) dst(%dma_wait3A_54 : memref<128x128xf32, #tpu.memory_space<vmem_shared>>)
      tpu.yield
    }) : () -> ()
    %add3A_18 = arith.constant 384 : i32
    %add3A_19 = arith.addi %mul3A_12, %add3A_18 : i32
    "tpu.region"() ({
      %run_scoped3A = tpu.sem_alloc : memref<!tpu.dma_semaphore, #tpu.memory_space<semaphore_mem>>
      %dma_start3A = arith.constant 0 : i32
      %dma_start3A_49 = tpu.memref_slice %arg15[%add3A_19, %dma_start3A] : memref<10240x128xf32, #tpu.memory_space<vmem_shared>> -> memref<128x128xf32, #tpu.memory_space<vmem_shared>>
      %dma_start3A_50 = arith.constant 0 : i32
      %dma_start3A_51 = tpu.memref_slice %arg15[%add3A_19, %dma_start3A_50] : memref<10240x128xf32, #tpu.memory_space<vmem_shared>> -> memref<128x128xf32, #tpu.memory_space<vmem_shared>>
      tpu.enqueue_dma source(%arg14 : memref<128x128xf32, #tpu.memory_space<vmem>>) target(%dma_start3A_51 : memref<128x128xf32, #tpu.memory_space<vmem_shared>>) target_semaphore(%run_scoped3A : memref<!tpu.dma_semaphore, #tpu.memory_space<semaphore_mem>>)
      %dma_wait3A = arith.constant 0 : i32
      %dma_wait3A_52 = tpu.memref_slice %arg15[%add3A_19, %dma_wait3A] : memref<10240x128xf32, #tpu.memory_space<vmem_shared>> -> memref<128x128xf32, #tpu.memory_space<vmem_shared>>
      %dma_wait3A_53 = arith.constant 0 : i32
      %dma_wait3A_54 = tpu.memref_slice %arg15[%add3A_19, %dma_wait3A_53] : memref<10240x128xf32, #tpu.memory_space<vmem_shared>> -> memref<128x128xf32, #tpu.memory_space<vmem_shared>>
      tpu.wait_dma2 semaphore(%run_scoped3A : memref<!tpu.dma_semaphore, #tpu.memory_space<semaphore_mem>>) src(%arg14 : memref<128x128xf32, #tpu.memory_space<vmem>>) dst(%dma_wait3A_54 : memref<128x128xf32, #tpu.memory_space<vmem_shared>>)
      tpu.yield
    }) : () -> ()
    %add3A_20 = arith.constant 512 : i32
    %add3A_21 = arith.addi %mul3A_12, %add3A_20 : i32
    "tpu.region"() ({
      %run_scoped3A = tpu.sem_alloc : memref<!tpu.dma_semaphore, #tpu.memory_space<semaphore_mem>>
      %dma_start3A = arith.constant 0 : i32
      %dma_start3A_49 = tpu.memref_slice %arg15[%add3A_21, %dma_start3A] : memref<10240x128xf32, #tpu.memory_space<vmem_shared>> -> memref<128x128xf32, #tpu.memory_space<vmem_shared>>
      %dma_start3A_50 = arith.constant 0 : i32
      %dma_start3A_51 = tpu.memref_slice %arg15[%add3A_21, %dma_start3A_50] : memref<10240x128xf32, #tpu.memory_space<vmem_shared>> -> memref<128x128xf32, #tpu.memory_space<vmem_shared>>
      tpu.enqueue_dma source(%arg14 : memref<128x128xf32, #tpu.memory_space<vmem>>) target(%dma_start3A_51 : memref<128x128xf32, #tpu.memory_space<vmem_shared>>) target_semaphore(%run_scoped3A : memref<!tpu.dma_semaphore, #tpu.memory_space<semaphore_mem>>)
      %dma_wait3A = arith.constant 0 : i32
      %dma_wait3A_52 = tpu.memref_slice %arg15[%add3A_21, %dma_wait3A] : memref<10240x128xf32, #tpu.memory_space<vmem_shared>> -> memref<128x128xf32, #tpu.memory_space<vmem_shared>>
      %dma_wait3A_53 = arith.constant 0 : i32
      %dma_wait3A_54 = tpu.memref_slice %arg15[%add3A_21, %dma_wait3A_53] : memref<10240x128xf32, #tpu.memory_space<vmem_shared>> -> memref<128x128xf32, #tpu.memory_space<vmem_shared>>
      tpu.wait_dma2 semaphore(%run_scoped3A : memref<!tpu.dma_semaphore, #tpu.memory_space<semaphore_mem>>) src(%arg14 : memref<128x128xf32, #tpu.memory_space<vmem>>) dst(%dma_wait3A_54 : memref<128x128xf32, #tpu.memory_space<vmem_shared>>)
      tpu.yield
    }) : () -> ()
    %mul3A_22 = arith.constant 1024 : i32
    %mul3A_23 = arith.muli %arg1, %mul3A_22 : i32
    %add3A_24 = arith.constant 0 : i32
    %add3A_25 = arith.addi %mul3A_23, %add3A_24 : i32
    "tpu.region"() ({
      %run_scoped3A = tpu.sem_alloc : memref<!tpu.dma_semaphore, #tpu.memory_space<semaphore_mem>>
      %dma_start3A = tpu.memref_slice %arg16[%add3A_25] : memref<16384xf32, #tpu.memory_space<vmem_shared>> -> memref<128xf32, #tpu.memory_space<vmem_shared>>
      %dma_start3A_49 = tpu.memref_slice %arg16[%add3A_25] : memref<16384xf32, #tpu.memory_space<vmem_shared>> -> memref<128xf32, #tpu.memory_space<vmem_shared>>
      tpu.enqueue_dma source(%arg13 : memref<128xf32, #tpu.memory_space<vmem>>) target(%dma_start3A_49 : memref<128xf32, #tpu.memory_space<vmem_shared>>) target_semaphore(%run_scoped3A : memref<!tpu.dma_semaphore, #tpu.memory_space<semaphore_mem>>)
      %dma_wait3A = tpu.memref_slice %arg16[%add3A_25] : memref<16384xf32, #tpu.memory_space<vmem_shared>> -> memref<128xf32, #tpu.memory_space<vmem_shared>>
      %dma_wait3A_50 = tpu.memref_slice %arg16[%add3A_25] : memref<16384xf32, #tpu.memory_space<vmem_shared>> -> memref<128xf32, #tpu.memory_space<vmem_shared>>
      tpu.wait_dma2 semaphore(%run_scoped3A : memref<!tpu.dma_semaphore, #tpu.memory_space<semaphore_mem>>) src(%arg13 : memref<128xf32, #tpu.memory_space<vmem>>) dst(%dma_wait3A_50 : memref<128xf32, #tpu.memory_space<vmem_shared>>)
      tpu.yield
    }) : () -> ()
    %add3A_26 = arith.constant 128 : i32
    %add3A_27 = arith.addi %mul3A_23, %add3A_26 : i32
    "tpu.region"() ({
      %run_scoped3A = tpu.sem_alloc : memref<!tpu.dma_semaphore, #tpu.memory_space<semaphore_mem>>
      %dma_start3A = tpu.memref_slice %arg16[%add3A_27] : memref<16384xf32, #tpu.memory_space<vmem_shared>> -> memref<128xf32, #tpu.memory_space<vmem_shared>>
      %dma_start3A_49 = tpu.memref_slice %arg16[%add3A_27] : memref<16384xf32, #tpu.memory_space<vmem_shared>> -> memref<128xf32, #tpu.memory_space<vmem_shared>>
      tpu.enqueue_dma source(%arg13 : memref<128xf32, #tpu.memory_space<vmem>>) target(%dma_start3A_49 : memref<128xf32, #tpu.memory_space<vmem_shared>>) target_semaphore(%run_scoped3A : memref<!tpu.dma_semaphore, #tpu.memory_space<semaphore_mem>>)
      %dma_wait3A = tpu.memref_slice %arg16[%add3A_27] : memref<16384xf32, #tpu.memory_space<vmem_shared>> -> memref<128xf32, #tpu.memory_space<vmem_shared>>
      %dma_wait3A_50 = tpu.memref_slice %arg16[%add3A_27] : memref<16384xf32, #tpu.memory_space<vmem_shared>> -> memref<128xf32, #tpu.memory_space<vmem_shared>>
      tpu.wait_dma2 semaphore(%run_scoped3A : memref<!tpu.dma_semaphore, #tpu.memory_space<semaphore_mem>>) src(%arg13 : memref<128xf32, #tpu.memory_space<vmem>>) dst(%dma_wait3A_50 : memref<128xf32, #tpu.memory_space<vmem_shared>>)
      tpu.yield
    }) : () -> ()
    %add3A_28 = arith.constant 256 : i32
    %add3A_29 = arith.addi %mul3A_23, %add3A_28 : i32
    "tpu.region"() ({
      %run_scoped3A = tpu.sem_alloc : memref<!tpu.dma_semaphore, #tpu.memory_space<semaphore_mem>>
      %dma_start3A = tpu.memref_slice %arg16[%add3A_29] : memref<16384xf32, #tpu.memory_space<vmem_shared>> -> memref<128xf32, #tpu.memory_space<vmem_shared>>
      %dma_start3A_49 = tpu.memref_slice %arg16[%add3A_29] : memref<16384xf32, #tpu.memory_space<vmem_shared>> -> memref<128xf32, #tpu.memory_space<vmem_shared>>
      tpu.enqueue_dma source(%arg13 : memref<128xf32, #tpu.memory_space<vmem>>) target(%dma_start3A_49 : memref<128xf32, #tpu.memory_space<vmem_shared>>) target_semaphore(%run_scoped3A : memref<!tpu.dma_semaphore, #tpu.memory_space<semaphore_mem>>)
      %dma_wait3A = tpu.memref_slice %arg16[%add3A_29] : memref<16384xf32, #tpu.memory_space<vmem_shared>> -> memref<128xf32, #tpu.memory_space<vmem_shared>>
      %dma_wait3A_50 = tpu.memref_slice %arg16[%add3A_29] : memref<16384xf32, #tpu.memory_space<vmem_shared>> -> memref<128xf32, #tpu.memory_space<vmem_shared>>
      tpu.wait_dma2 semaphore(%run_scoped3A : memref<!tpu.dma_semaphore, #tpu.memory_space<semaphore_mem>>) src(%arg13 : memref<128xf32, #tpu.memory_space<vmem>>) dst(%dma_wait3A_50 : memref<128xf32, #tpu.memory_space<vmem_shared>>)
      tpu.yield
    }) : () -> ()
    %add3A_30 = arith.constant 384 : i32
    %add3A_31 = arith.addi %mul3A_23, %add3A_30 : i32
    "tpu.region"() ({
      %run_scoped3A = tpu.sem_alloc : memref<!tpu.dma_semaphore, #tpu.memory_space<semaphore_mem>>
      %dma_start3A = tpu.memref_slice %arg16[%add3A_31] : memref<16384xf32, #tpu.memory_space<vmem_shared>> -> memref<128xf32, #tpu.memory_space<vmem_shared>>
      %dma_start3A_49 = tpu.memref_slice %arg16[%add3A_31] : memref<16384xf32, #tpu.memory_space<vmem_shared>> -> memref<128xf32, #tpu.memory_space<vmem_shared>>
      tpu.enqueue_dma source(%arg13 : memref<128xf32, #tpu.memory_space<vmem>>) target(%dma_start3A_49 : memref<128xf32, #tpu.memory_space<vmem_shared>>) target_semaphore(%run_scoped3A : memref<!tpu.dma_semaphore, #tpu.memory_space<semaphore_mem>>)
      %dma_wait3A = tpu.memref_slice %arg16[%add3A_31] : memref<16384xf32, #tpu.memory_space<vmem_shared>> -> memref<128xf32, #tpu.memory_space<vmem_shared>>
      %dma_wait3A_50 = tpu.memref_slice %arg16[%add3A_31] : memref<16384xf32, #tpu.memory_space<vmem_shared>> -> memref<128xf32, #tpu.memory_space<vmem_shared>>
      tpu.wait_dma2 semaphore(%run_scoped3A : memref<!tpu.dma_semaphore, #tpu.memory_space<semaphore_mem>>) src(%arg13 : memref<128xf32, #tpu.memory_space<vmem>>) dst(%dma_wait3A_50 : memref<128xf32, #tpu.memory_space<vmem_shared>>)
      tpu.yield
    }) : () -> ()
    %add3A_32 = arith.constant 512 : i32
    %add3A_33 = arith.addi %mul3A_23, %add3A_32 : i32
    "tpu.region"() ({
      %run_scoped3A = tpu.sem_alloc : memref<!tpu.dma_semaphore, #tpu.memory_space<semaphore_mem>>
      %dma_start3A = tpu.memref_slice %arg16[%add3A_33] : memref<16384xf32, #tpu.memory_space<vmem_shared>> -> memref<128xf32, #tpu.memory_space<vmem_shared>>
      %dma_start3A_49 = tpu.memref_slice %arg16[%add3A_33] : memref<16384xf32, #tpu.memory_space<vmem_shared>> -> memref<128xf32, #tpu.memory_space<vmem_shared>>
      tpu.enqueue_dma source(%arg13 : memref<128xf32, #tpu.memory_space<vmem>>) target(%dma_start3A_49 : memref<128xf32, #tpu.memory_space<vmem_shared>>) target_semaphore(%run_scoped3A : memref<!tpu.dma_semaphore, #tpu.memory_space<semaphore_mem>>)
      %dma_wait3A = tpu.memref_slice %arg16[%add3A_33] : memref<16384xf32, #tpu.memory_space<vmem_shared>> -> memref<128xf32, #tpu.memory_space<vmem_shared>>
      %dma_wait3A_50 = tpu.memref_slice %arg16[%add3A_33] : memref<16384xf32, #tpu.memory_space<vmem_shared>> -> memref<128xf32, #tpu.memory_space<vmem_shared>>
      tpu.wait_dma2 semaphore(%run_scoped3A : memref<!tpu.dma_semaphore, #tpu.memory_space<semaphore_mem>>) src(%arg13 : memref<128xf32, #tpu.memory_space<vmem>>) dst(%dma_wait3A_50 : memref<128xf32, #tpu.memory_space<vmem_shared>>)
      tpu.yield
    }) : () -> ()
    %add3A_34 = arith.constant 640 : i32
    %add3A_35 = arith.addi %mul3A_23, %add3A_34 : i32
    "tpu.region"() ({
      %run_scoped3A = tpu.sem_alloc : memref<!tpu.dma_semaphore, #tpu.memory_space<semaphore_mem>>
      %dma_start3A = tpu.memref_slice %arg16[%add3A_35] : memref<16384xf32, #tpu.memory_space<vmem_shared>> -> memref<128xf32, #tpu.memory_space<vmem_shared>>
      %dma_start3A_49 = tpu.memref_slice %arg16[%add3A_35] : memref<16384xf32, #tpu.memory_space<vmem_shared>> -> memref<128xf32, #tpu.memory_space<vmem_shared>>
      tpu.enqueue_dma source(%arg13 : memref<128xf32, #tpu.memory_space<vmem>>) target(%dma_start3A_49 : memref<128xf32, #tpu.memory_space<vmem_shared>>) target_semaphore(%run_scoped3A : memref<!tpu.dma_semaphore, #tpu.memory_space<semaphore_mem>>)
      %dma_wait3A = tpu.memref_slice %arg16[%add3A_35] : memref<16384xf32, #tpu.memory_space<vmem_shared>> -> memref<128xf32, #tpu.memory_space<vmem_shared>>
      %dma_wait3A_50 = tpu.memref_slice %arg16[%add3A_35] : memref<16384xf32, #tpu.memory_space<vmem_shared>> -> memref<128xf32, #tpu.memory_space<vmem_shared>>
      tpu.wait_dma2 semaphore(%run_scoped3A : memref<!tpu.dma_semaphore, #tpu.memory_space<semaphore_mem>>) src(%arg13 : memref<128xf32, #tpu.memory_space<vmem>>) dst(%dma_wait3A_50 : memref<128xf32, #tpu.memory_space<vmem_shared>>)
      tpu.yield
    }) : () -> ()
    %add3A_36 = arith.constant 768 : i32
    %add3A_37 = arith.addi %mul3A_23, %add3A_36 : i32
    "tpu.region"() ({
      %run_scoped3A = tpu.sem_alloc : memref<!tpu.dma_semaphore, #tpu.memory_space<semaphore_mem>>
      %dma_start3A = tpu.memref_slice %arg16[%add3A_37] : memref<16384xf32, #tpu.memory_space<vmem_shared>> -> memref<128xf32, #tpu.memory_space<vmem_shared>>
      %dma_start3A_49 = tpu.memref_slice %arg16[%add3A_37] : memref<16384xf32, #tpu.memory_space<vmem_shared>> -> memref<128xf32, #tpu.memory_space<vmem_shared>>
      tpu.enqueue_dma source(%arg13 : memref<128xf32, #tpu.memory_space<vmem>>) target(%dma_start3A_49 : memref<128xf32, #tpu.memory_space<vmem_shared>>) target_semaphore(%run_scoped3A : memref<!tpu.dma_semaphore, #tpu.memory_space<semaphore_mem>>)
      %dma_wait3A = tpu.memref_slice %arg16[%add3A_37] : memref<16384xf32, #tpu.memory_space<vmem_shared>> -> memref<128xf32, #tpu.memory_space<vmem_shared>>
      %dma_wait3A_50 = tpu.memref_slice %arg16[%add3A_37] : memref<16384xf32, #tpu.memory_space<vmem_shared>> -> memref<128xf32, #tpu.memory_space<vmem_shared>>
      tpu.wait_dma2 semaphore(%run_scoped3A : memref<!tpu.dma_semaphore, #tpu.memory_space<semaphore_mem>>) src(%arg13 : memref<128xf32, #tpu.memory_space<vmem>>) dst(%dma_wait3A_50 : memref<128xf32, #tpu.memory_space<vmem_shared>>)
      tpu.yield
    }) : () -> ()
    %add3A_38 = arith.constant 896 : i32
    %add3A_39 = arith.addi %mul3A_23, %add3A_38 : i32
    "tpu.region"() ({
      %run_scoped3A = tpu.sem_alloc : memref<!tpu.dma_semaphore, #tpu.memory_space<semaphore_mem>>
      %dma_start3A = tpu.memref_slice %arg16[%add3A_39] : memref<16384xf32, #tpu.memory_space<vmem_shared>> -> memref<128xf32, #tpu.memory_space<vmem_shared>>
      %dma_start3A_49 = tpu.memref_slice %arg16[%add3A_39] : memref<16384xf32, #tpu.memory_space<vmem_shared>> -> memref<128xf32, #tpu.memory_space<vmem_shared>>
      tpu.enqueue_dma source(%arg13 : memref<128xf32, #tpu.memory_space<vmem>>) target(%dma_start3A_49 : memref<128xf32, #tpu.memory_space<vmem_shared>>) target_semaphore(%run_scoped3A : memref<!tpu.dma_semaphore, #tpu.memory_space<semaphore_mem>>)
      %dma_wait3A = tpu.memref_slice %arg16[%add3A_39] : memref<16384xf32, #tpu.memory_space<vmem_shared>> -> memref<128xf32, #tpu.memory_space<vmem_shared>>
      %dma_wait3A_50 = tpu.memref_slice %arg16[%add3A_39] : memref<16384xf32, #tpu.memory_space<vmem_shared>> -> memref<128xf32, #tpu.memory_space<vmem_shared>>
      tpu.wait_dma2 semaphore(%run_scoped3A : memref<!tpu.dma_semaphore, #tpu.memory_space<semaphore_mem>>) src(%arg13 : memref<128xf32, #tpu.memory_space<vmem>>) dst(%dma_wait3A_50 : memref<128xf32, #tpu.memory_space<vmem_shared>>)
      tpu.yield
    }) : () -> ()
    "tpu.region"() ({
      %run_scoped3A = tpu.sem_alloc : memref<!tpu.dma_semaphore, #tpu.memory_space<semaphore_mem>>
      tpu.enqueue_dma source(%arg3 : memref<10240xf32, #tpu.memory_space<hbm>>) target(%arg9 : memref<10240xf32, #tpu.memory_space<vmem>>) target_semaphore(%run_scoped3A : memref<!tpu.dma_semaphore, #tpu.memory_space<semaphore_mem>>)
      tpu.wait_dma2 semaphore(%run_scoped3A : memref<!tpu.dma_semaphore, #tpu.memory_space<semaphore_mem>>) src(%arg3 : memref<10240xf32, #tpu.memory_space<hbm>>) dst(%arg9 : memref<10240xf32, #tpu.memory_space<vmem>>)
      tpu.yield
    }) : () -> ()
    "tpu.region"() ({
      %run_scoped3A = tpu.sem_alloc : memref<!tpu.dma_semaphore, #tpu.memory_space<semaphore_mem>>
      tpu.enqueue_dma source(%arg4 : memref<10240xf32, #tpu.memory_space<hbm>>) target(%arg10 : memref<10240xf32, #tpu.memory_space<vmem>>) target_semaphore(%run_scoped3A : memref<!tpu.dma_semaphore, #tpu.memory_space<semaphore_mem>>)
      tpu.wait_dma2 semaphore(%run_scoped3A : memref<!tpu.dma_semaphore, #tpu.memory_space<semaphore_mem>>) src(%arg4 : memref<10240xf32, #tpu.memory_space<hbm>>) dst(%arg10 : memref<10240xf32, #tpu.memory_space<vmem>>)
      tpu.yield
    }) : () -> ()
    %barrier3A = arith.constant 0 : index
    tpu.barrier barrier_id(%barrier3A)
    %mul3A_40 = arith.constant 20480 : i32
    %mul3A_41 = arith.muli %arg1, %mul3A_40 : i32
    %scan3A_42 = arith.constant 0 : i32
    %scan3A_43 = arith.constant 0 : i32
    %scan3A_44 = arith.constant 160 : i32
    %scan3A_45 = arith.addi %scan3A_43, %scan3A_44 : i32
    %scan3A_46 = arith.constant 1 : i32
    scf.for %scan3A_49 = %scan3A_43 to %scan3A_45 step %scan3A_46  : i32 {
      %mul3A_50 = arith.constant 128 : i32
      %mul3A_51 = arith.muli %scan3A_49, %mul3A_50 : i32
      %add3A_52 = arith.addi %mul3A_41, %mul3A_51 : i32
      "tpu.region"() ({
        %run_scoped3A = tpu.sem_alloc : memref<!tpu.dma_semaphore, #tpu.memory_space<semaphore_mem>>
        %dma_start3A_193 = tpu.memref_slice %arg5[%add3A_52] : memref<327680xi32, #tpu.memory_space<hbm>> -> memref<128xi32, #tpu.memory_space<hbm>>
        %dma_start3A_194 = tpu.memref_slice %arg5[%add3A_52] : memref<327680xi32, #tpu.memory_space<hbm>> -> memref<128xi32, #tpu.memory_space<hbm>>
        tpu.enqueue_dma source(%dma_start3A_194 : memref<128xi32, #tpu.memory_space<hbm>>) target(%arg11 : memref<128xi32, #tpu.memory_space<vmem>>) target_semaphore(%run_scoped3A : memref<!tpu.dma_semaphore, #tpu.memory_space<semaphore_mem>>)
        %dma_wait3A_195 = tpu.memref_slice %arg5[%add3A_52] : memref<327680xi32, #tpu.memory_space<hbm>> -> memref<128xi32, #tpu.memory_space<hbm>>
        %dma_wait3A_196 = tpu.memref_slice %arg5[%add3A_52] : memref<327680xi32, #tpu.memory_space<hbm>> -> memref<128xi32, #tpu.memory_space<hbm>>
        tpu.wait_dma2 semaphore(%run_scoped3A : memref<!tpu.dma_semaphore, #tpu.memory_space<semaphore_mem>>) src(%dma_wait3A_196 : memref<128xi32, #tpu.memory_space<hbm>>) dst(%arg11 : memref<128xi32, #tpu.memory_space<vmem>>)
        tpu.yield
      }) : () -> ()
      "tpu.region"() ({
        %run_scoped3A = tpu.sem_alloc : memref<!tpu.dma_semaphore, #tpu.memory_space<semaphore_mem>>
        %dma_start3A_193 = tpu.memref_slice %arg6[%add3A_52] : memref<327680xi32, #tpu.memory_space<hbm>> -> memref<128xi32, #tpu.memory_space<hbm>>
        %dma_start3A_194 = tpu.memref_slice %arg6[%add3A_52] : memref<327680xi32, #tpu.memory_space<hbm>> -> memref<128xi32, #tpu.memory_space<hbm>>
        tpu.enqueue_dma source(%dma_start3A_194 : memref<128xi32, #tpu.memory_space<hbm>>) target(%arg12 : memref<128xi32, #tpu.memory_space<vmem>>) target_semaphore(%run_scoped3A : memref<!tpu.dma_semaphore, #tpu.memory_space<semaphore_mem>>)
        %dma_wait3A_195 = tpu.memref_slice %arg6[%add3A_52] : memref<327680xi32, #tpu.memory_space<hbm>> -> memref<128xi32, #tpu.memory_space<hbm>>
        %dma_wait3A_196 = tpu.memref_slice %arg6[%add3A_52] : memref<327680xi32, #tpu.memory_space<hbm>> -> memref<128xi32, #tpu.memory_space<hbm>>
        tpu.wait_dma2 semaphore(%run_scoped3A : memref<!tpu.dma_semaphore, #tpu.memory_space<semaphore_mem>>) src(%dma_wait3A_196 : memref<128xi32, #tpu.memory_space<hbm>>) dst(%arg12 : memref<128xi32, #tpu.memory_space<vmem>>)
        tpu.yield
      }) : () -> ()
      %get3A = arith.constant 0 : index
      %get3A_53 = tpu.vector_load %arg11[%get3A] {strides = array<i32>} : memref<128xi32, #tpu.memory_space<vmem>>, vector<16xi32>,
      %get3A_54 = arith.constant 0 : index
      %get3A_55 = tpu.vector_load %arg12[%get3A_54] {strides = array<i32>} : memref<128xi32, #tpu.memory_space<vmem>>, vector<16xi32>,
      %gather3A = tpu.vector_load_idx %arg9[%get3A_53] : memref<10240xf32, #tpu.memory_space<vmem>>[vector<16xi32>], vector<16xf32>,
      %gather3A_56 = tpu.vector_load_idx %arg10[%get3A_55] : memref<10240xf32, #tpu.memory_space<vmem>>[vector<16xi32>], vector<16xf32>,
      %add3A_57 = arith.addf %gather3A, %gather3A_56 : vector<16xf32>
      %gt3A = arith.constant 0.000000e+00 : f32
      %gt3A_58 = vector.broadcast %gt3A : f32 to vector<16xf32>
      %gt3A_59 = arith.cmpf ogt, %add3A_57, %gt3A_58 : vector<16xf32>
      %mul3A_60 = arith.constant 2.000000e-01 : f32
      %mul3A_61 = vector.broadcast %mul3A_60 : f32 to vector<16xf32>
      %mul3A_62 = arith.mulf %mul3A_61, %add3A_57 : vector<16xf32>
      %select_n3A = arith.select %gt3A_59, %add3A_57, %mul3A_62 : vector<16xi1>, vector<16xf32>
      %exp3A = math.exp %select_n3A : vector<16xf32>
      %swap3A = arith.constant 0 : index
      %swap3A_63 = tpu.vector_load %arg13[%swap3A] {strides = array<i32>} : memref<128xf32, #tpu.memory_space<vmem>>, vector<16xf32>,
      tpu.vector_store %arg13[%swap3A], %exp3A {strides = array<i32>} : memref<128xf32, #tpu.memory_space<vmem>>, vector<16xf32>,
      %get3A_64 = arith.constant 16 : index
      %get3A_65 = tpu.vector_load %arg11[%get3A_64] {strides = array<i32>} : memref<128xi32, #tpu.memory_space<vmem>>, vector<16xi32>,
      %get3A_66 = arith.constant 16 : index
      %get3A_67 = tpu.vector_load %arg12[%get3A_66] {strides = array<i32>} : memref<128xi32, #tpu.memory_space<vmem>>, vector<16xi32>,
      %gather3A_68 = tpu.vector_load_idx %arg9[%get3A_65] : memref<10240xf32, #tpu.memory_space<vmem>>[vector<16xi32>], vector<16xf32>,
      %gather3A_69 = tpu.vector_load_idx %arg10[%get3A_67] : memref<10240xf32, #tpu.memory_space<vmem>>[vector<16xi32>], vector<16xf32>,
      %add3A_70 = arith.addf %gather3A_68, %gather3A_69 : vector<16xf32>
      %gt3A_71 = arith.constant 0.000000e+00 : f32
      %gt3A_72 = vector.broadcast %gt3A_71 : f32 to vector<16xf32>
      %gt3A_73 = arith.cmpf ogt, %add3A_70, %gt3A_72 : vector<16xf32>
      %mul3A_74 = arith.constant 2.000000e-01 : f32
      %mul3A_75 = vector.broadcast %mul3A_74 : f32 to vector<16xf32>
      %mul3A_76 = arith.mulf %mul3A_75, %add3A_70 : vector<16xf32>
      %select_n3A_77 = arith.select %gt3A_73, %add3A_70, %mul3A_76 : vector<16xi1>, vector<16xf32>
      %exp3A_78 = math.exp %select_n3A_77 : vector<16xf32>
      %swap3A_79 = arith.constant 16 : index
      %swap3A_80 = tpu.vector_load %arg13[%swap3A_79] {strides = array<i32>} : memref<128xf32, #tpu.memory_space<vmem>>, vector<16xf32>,
      tpu.vector_store %arg13[%swap3A_79], %exp3A_78 {strides = array<i32>} : memref<128xf32, #tpu.memory_space<vmem>>, vector<16xf32>,
      %get3A_81 = arith.constant 32 : index
      %get3A_82 = tpu.vector_load %arg11[%get3A_81] {strides = array<i32>} : memref<128xi32, #tpu.memory_space<vmem>>, vector<16xi32>,
      %get3A_83 = arith.constant 32 : index
      %get3A_84 = tpu.vector_load %arg12[%get3A_83] {strides = array<i32>} : memref<128xi32, #tpu.memory_space<vmem>>, vector<16xi32>,
      %gather3A_85 = tpu.vector_load_idx %arg9[%get3A_82] : memref<10240xf32, #tpu.memory_space<vmem>>[vector<16xi32>], vector<16xf32>,
      %gather3A_86 = tpu.vector_load_idx %arg10[%get3A_84] : memref<10240xf32, #tpu.memory_space<vmem>>[vector<16xi32>], vector<16xf32>,
      %add3A_87 = arith.addf %gather3A_85, %gather3A_86 : vector<16xf32>
      %gt3A_88 = arith.constant 0.000000e+00 : f32
      %gt3A_89 = vector.broadcast %gt3A_88 : f32 to vector<16xf32>
      %gt3A_90 = arith.cmpf ogt, %add3A_87, %gt3A_89 : vector<16xf32>
      %mul3A_91 = arith.constant 2.000000e-01 : f32
      %mul3A_92 = vector.broadcast %mul3A_91 : f32 to vector<16xf32>
      %mul3A_93 = arith.mulf %mul3A_92, %add3A_87 : vector<16xf32>
      %select_n3A_94 = arith.select %gt3A_90, %add3A_87, %mul3A_93 : vector<16xi1>, vector<16xf32>
      %exp3A_95 = math.exp %select_n3A_94 : vector<16xf32>
      %swap3A_96 = arith.constant 32 : index
      %swap3A_97 = tpu.vector_load %arg13[%swap3A_96] {strides = array<i32>} : memref<128xf32, #tpu.memory_space<vmem>>, vector<16xf32>,
      tpu.vector_store %arg13[%swap3A_96], %exp3A_95 {strides = array<i32>} : memref<128xf32, #tpu.memory_space<vmem>>, vector<16xf32>,
      %get3A_98 = arith.constant 48 : index
      %get3A_99 = tpu.vector_load %arg11[%get3A_98] {strides = array<i32>} : memref<128xi32, #tpu.memory_space<vmem>>, vector<16xi32>,
      %get3A_100 = arith.constant 48 : index
      %get3A_101 = tpu.vector_load %arg12[%get3A_100] {strides = array<i32>} : memref<128xi32, #tpu.memory_space<vmem>>, vector<16xi32>,
      %gather3A_102 = tpu.vector_load_idx %arg9[%get3A_99] : memref<10240xf32, #tpu.memory_space<vmem>>[vector<16xi32>], vector<16xf32>,
      %gather3A_103 = tpu.vector_load_idx %arg10[%get3A_101] : memref<10240xf32, #tpu.memory_space<vmem>>[vector<16xi32>], vector<16xf32>,
      %add3A_104 = arith.addf %gather3A_102, %gather3A_103 : vector<16xf32>
      %gt3A_105 = arith.constant 0.000000e+00 : f32
      %gt3A_106 = vector.broadcast %gt3A_105 : f32 to vector<16xf32>
      %gt3A_107 = arith.cmpf ogt, %add3A_104, %gt3A_106 : vector<16xf32>
      %mul3A_108 = arith.constant 2.000000e-01 : f32
      %mul3A_109 = vector.broadcast %mul3A_108 : f32 to vector<16xf32>
      %mul3A_110 = arith.mulf %mul3A_109, %add3A_104 : vector<16xf32>
      %select_n3A_111 = arith.select %gt3A_107, %add3A_104, %mul3A_110 : vector<16xi1>, vector<16xf32>
      %exp3A_112 = math.exp %select_n3A_111 : vector<16xf32>
      %swap3A_113 = arith.constant 48 : index
      %swap3A_114 = tpu.vector_load %arg13[%swap3A_113] {strides = array<i32>} : memref<128xf32, #tpu.memory_space<vmem>>, vector<16xf32>,
      tpu.vector_store %arg13[%swap3A_113], %exp3A_112 {strides = array<i32>} : memref<128xf32, #tpu.memory_space<vmem>>, vector<16xf32>,
      %get3A_115 = arith.constant 64 : index
      %get3A_116 = tpu.vector_load %arg11[%get3A_115] {strides = array<i32>} : memref<128xi32, #tpu.memory_space<vmem>>, vector<16xi32>,
      %get3A_117 = arith.constant 64 : index
      %get3A_118 = tpu.vector_load %arg12[%get3A_117] {strides = array<i32>} : memref<128xi32, #tpu.memory_space<vmem>>, vector<16xi32>,
      %gather3A_119 = tpu.vector_load_idx %arg9[%get3A_116] : memref<10240xf32, #tpu.memory_space<vmem>>[vector<16xi32>], vector<16xf32>,
      %gather3A_120 = tpu.vector_load_idx %arg10[%get3A_118] : memref<10240xf32, #tpu.memory_space<vmem>>[vector<16xi32>], vector<16xf32>,
      %add3A_121 = arith.addf %gather3A_119, %gather3A_120 : vector<16xf32>
      %gt3A_122 = arith.constant 0.000000e+00 : f32
      %gt3A_123 = vector.broadcast %gt3A_122 : f32 to vector<16xf32>
      %gt3A_124 = arith.cmpf ogt, %add3A_121, %gt3A_123 : vector<16xf32>
      %mul3A_125 = arith.constant 2.000000e-01 : f32
      %mul3A_126 = vector.broadcast %mul3A_125 : f32 to vector<16xf32>
      %mul3A_127 = arith.mulf %mul3A_126, %add3A_121 : vector<16xf32>
      %select_n3A_128 = arith.select %gt3A_124, %add3A_121, %mul3A_127 : vector<16xi1>, vector<16xf32>
      %exp3A_129 = math.exp %select_n3A_128 : vector<16xf32>
      %swap3A_130 = arith.constant 64 : index
      %swap3A_131 = tpu.vector_load %arg13[%swap3A_130] {strides = array<i32>} : memref<128xf32, #tpu.memory_space<vmem>>, vector<16xf32>,
      tpu.vector_store %arg13[%swap3A_130], %exp3A_129 {strides = array<i32>} : memref<128xf32, #tpu.memory_space<vmem>>, vector<16xf32>,
      %get3A_132 = arith.constant 80 : index
      %get3A_133 = tpu.vector_load %arg11[%get3A_132] {strides = array<i32>} : memref<128xi32, #tpu.memory_space<vmem>>, vector<16xi32>,
      %get3A_134 = arith.constant 80 : index
      %get3A_135 = tpu.vector_load %arg12[%get3A_134] {strides = array<i32>} : memref<128xi32, #tpu.memory_space<vmem>>, vector<16xi32>,
      %gather3A_136 = tpu.vector_load_idx %arg9[%get3A_133] : memref<10240xf32, #tpu.memory_space<vmem>>[vector<16xi32>], vector<16xf32>,
      %gather3A_137 = tpu.vector_load_idx %arg10[%get3A_135] : memref<10240xf32, #tpu.memory_space<vmem>>[vector<16xi32>], vector<16xf32>,
      %add3A_138 = arith.addf %gather3A_136, %gather3A_137 : vector<16xf32>
      %gt3A_139 = arith.constant 0.000000e+00 : f32
      %gt3A_140 = vector.broadcast %gt3A_139 : f32 to vector<16xf32>
      %gt3A_141 = arith.cmpf ogt, %add3A_138, %gt3A_140 : vector<16xf32>
      %mul3A_142 = arith.constant 2.000000e-01 : f32
      %mul3A_143 = vector.broadcast %mul3A_142 : f32 to vector<16xf32>
      %mul3A_144 = arith.mulf %mul3A_143, %add3A_138 : vector<16xf32>
      %select_n3A_145 = arith.select %gt3A_141, %add3A_138, %mul3A_144 : vector<16xi1>, vector<16xf32>
      %exp3A_146 = math.exp %select_n3A_145 : vector<16xf32>
      %swap3A_147 = arith.constant 80 : index
      %swap3A_148 = tpu.vector_load %arg13[%swap3A_147] {strides = array<i32>} : memref<128xf32, #tpu.memory_space<vmem>>, vector<16xf32>,
      tpu.vector_store %arg13[%swap3A_147], %exp3A_146 {strides = array<i32>} : memref<128xf32, #tpu.memory_space<vmem>>, vector<16xf32>,
      %get3A_149 = arith.constant 96 : index
      %get3A_150 = tpu.vector_load %arg11[%get3A_149] {strides = array<i32>} : memref<128xi32, #tpu.memory_space<vmem>>, vector<16xi32>,
      %get3A_151 = arith.constant 96 : index
      %get3A_152 = tpu.vector_load %arg12[%get3A_151] {strides = array<i32>} : memref<128xi32, #tpu.memory_space<vmem>>, vector<16xi32>,
      %gather3A_153 = tpu.vector_load_idx %arg9[%get3A_150] : memref<10240xf32, #tpu.memory_space<vmem>>[vector<16xi32>], vector<16xf32>,
      %gather3A_154 = tpu.vector_load_idx %arg10[%get3A_152] : memref<10240xf32, #tpu.memory_space<vmem>>[vector<16xi32>], vector<16xf32>,
      %add3A_155 = arith.addf %gather3A_153, %gather3A_154 : vector<16xf32>
      %gt3A_156 = arith.constant 0.000000e+00 : f32
      %gt3A_157 = vector.broadcast %gt3A_156 : f32 to vector<16xf32>
      %gt3A_158 = arith.cmpf ogt, %add3A_155, %gt3A_157 : vector<16xf32>
      %mul3A_159 = arith.constant 2.000000e-01 : f32
      %mul3A_160 = vector.broadcast %mul3A_159 : f32 to vector<16xf32>
      %mul3A_161 = arith.mulf %mul3A_160, %add3A_155 : vector<16xf32>
      %select_n3A_162 = arith.select %gt3A_158, %add3A_155, %mul3A_161 : vector<16xi1>, vector<16xf32>
      %exp3A_163 = math.exp %select_n3A_162 : vector<16xf32>
      %swap3A_164 = arith.constant 96 : index
      %swap3A_165 = tpu.vector_load %arg13[%swap3A_164] {strides = array<i32>} : memref<128xf32, #tpu.memory_space<vmem>>, vector<16xf32>,
      tpu.vector_store %arg13[%swap3A_164], %exp3A_163 {strides = array<i32>} : memref<128xf32, #tpu.memory_space<vmem>>, vector<16xf32>,
      %get3A_166 = arith.constant 112 : index
      %get3A_167 = tpu.vector_load %arg11[%get3A_166] {strides = array<i32>} : memref<128xi32, #tpu.memory_space<vmem>>, vector<16xi32>,
      %get3A_168 = arith.constant 112 : index
      %get3A_169 = tpu.vector_load %arg12[%get3A_168] {strides = array<i32>} : memref<128xi32, #tpu.memory_space<vmem>>, vector<16xi32>,
      %gather3A_170 = tpu.vector_load_idx %arg9[%get3A_167] : memref<10240xf32, #tpu.memory_space<vmem>>[vector<16xi32>], vector<16xf32>,
      %gather3A_171 = tpu.vector_load_idx %arg10[%get3A_169] : memref<10240xf32, #tpu.memory_space<vmem>>[vector<16xi32>], vector<16xf32>,
      %add3A_172 = arith.addf %gather3A_170, %gather3A_171 : vector<16xf32>
      %gt3A_173 = arith.constant 0.000000e+00 : f32
      %gt3A_174 = vector.broadcast %gt3A_173 : f32 to vector<16xf32>
      %gt3A_175 = arith.cmpf ogt, %add3A_172, %gt3A_174 : vector<16xf32>
      %mul3A_176 = arith.constant 2.000000e-01 : f32
      %mul3A_177 = vector.broadcast %mul3A_176 : f32 to vector<16xf32>
      %mul3A_178 = arith.mulf %mul3A_177, %add3A_172 : vector<16xf32>
      %select_n3A_179 = arith.select %gt3A_175, %add3A_172, %mul3A_178 : vector<16xi1>, vector<16xf32>
      %exp3A_180 = math.exp %select_n3A_179 : vector<16xf32>
      %swap3A_181 = arith.constant 112 : index
      %swap3A_182 = tpu.vector_load %arg13[%swap3A_181] {strides = array<i32>} : memref<128xf32, #tpu.memory_space<vmem>>, vector<16xf32>,
      tpu.vector_store %arg13[%swap3A_181], %exp3A_180 {strides = array<i32>} : memref<128xf32, #tpu.memory_space<vmem>>, vector<16xf32>,
      %dma_start3A = arith.constant 0 : i32
      %dma_start3A_183 = arith.constant 0 : i32
      %dma_start3A_184 = tpu.memref_slice %arg2[%dma_start3A, %dma_start3A_183] : memref<10240x128xf32, #tpu.memory_space<hbm>> -> memref<10240x128xf32, #tpu.memory_space<hbm>>
      tpu.enqueue_indirect_dma source(%dma_start3A_184 : memref<10240x128xf32, #tpu.memory_space<hbm>>) target(%arg14 : memref<128x128xf32, #tpu.memory_space<vmem>>) offsets(%arg11 : memref<128xi32, #tpu.memory_space<vmem>>) semaphore(%arg17 : memref<!tpu.dma_semaphore, #tpu.memory_space<semaphore_mem>>)
      %dma_wait3A = arith.constant 0 : i32
      %dma_wait3A_185 = arith.constant 0 : i32
      %dma_wait3A_186 = tpu.memref_slice %arg2[%dma_wait3A, %dma_wait3A_185] : memref<10240x128xf32, #tpu.memory_space<hbm>> -> memref<10240x128xf32, #tpu.memory_space<hbm>>
      tpu.wait_indirect_dma semaphore(%arg17 : memref<!tpu.dma_semaphore, #tpu.memory_space<semaphore_mem>>) src(%dma_wait3A_186 : memref<10240x128xf32, #tpu.memory_space<hbm>>) dst(%arg14 : memref<128x128xf32, #tpu.memory_space<vmem>>)
      %scan3A_187 = arith.constant 0 : i32
      %scan3A_188 = arith.constant 0 : i32
      %scan3A_189 = arith.constant 128 : i32
      %scan3A_190 = arith.addi %scan3A_188, %scan3A_189 : i32
      %scan3A_191 = arith.constant 1 : i32
      scf.for %scan3A_193 = %scan3A_188 to %scan3A_190 step %scan3A_191  : i32 {
        %broadcast_in_dim3A_194 = vector.broadcast %scan3A_193 : i32 to vector<16xi32>
        %gather3A_195 = tpu.vector_load_idx %arg13[%broadcast_in_dim3A_194] : memref<128xf32, #tpu.memory_space<vmem>>[vector<16xi32>], vector<16xf32>,
        %get3A_196 = arith.index_cast %scan3A_193 : i32 to index
        %get3A_197 = arith.constant 0 : index
        %get3A_198 = tpu.vector_load %arg14[%get3A_196, %get3A_197] {strides = array<i32>} : memref<128x128xf32, #tpu.memory_space<vmem>>, vector<16xf32>,
        %mul3A_199 = arith.mulf %get3A_198, %gather3A_195 : vector<16xf32>
        %swap3A_200 = arith.index_cast %scan3A_193 : i32 to index
        %swap3A_201 = arith.constant 0 : index
        %swap3A_202 = tpu.vector_load %arg14[%swap3A_200, %swap3A_201] {strides = array<i32>} : memref<128x128xf32, #tpu.memory_space<vmem>>, vector<16xf32>,
        tpu.vector_store %arg14[%swap3A_200, %swap3A_201], %mul3A_199 {strides = array<i32>} : memref<128x128xf32, #tpu.memory_space<vmem>>, vector<16xf32>,
        %get3A_203 = arith.index_cast %scan3A_193 : i32 to index
        %get3A_204 = arith.constant 16 : index
        %get3A_205 = tpu.vector_load %arg14[%get3A_203, %get3A_204] {strides = array<i32>} : memref<128x128xf32, #tpu.memory_space<vmem>>, vector<16xf32>,
        %mul3A_206 = arith.mulf %get3A_205, %gather3A_195 : vector<16xf32>
        %swap3A_207 = arith.index_cast %scan3A_193 : i32 to index
        %swap3A_208 = arith.constant 16 : index
        %swap3A_209 = tpu.vector_load %arg14[%swap3A_207, %swap3A_208] {strides = array<i32>} : memref<128x128xf32, #tpu.memory_space<vmem>>, vector<16xf32>,
        tpu.vector_store %arg14[%swap3A_207, %swap3A_208], %mul3A_206 {strides = array<i32>} : memref<128x128xf32, #tpu.memory_space<vmem>>, vector<16xf32>,
        %get3A_210 = arith.index_cast %scan3A_193 : i32 to index
        %get3A_211 = arith.constant 32 : index
        %get3A_212 = tpu.vector_load %arg14[%get3A_210, %get3A_211] {strides = array<i32>} : memref<128x128xf32, #tpu.memory_space<vmem>>, vector<16xf32>,
        %mul3A_213 = arith.mulf %get3A_212, %gather3A_195 : vector<16xf32>
        %swap3A_214 = arith.index_cast %scan3A_193 : i32 to index
        %swap3A_215 = arith.constant 32 : index
        %swap3A_216 = tpu.vector_load %arg14[%swap3A_214, %swap3A_215] {strides = array<i32>} : memref<128x128xf32, #tpu.memory_space<vmem>>, vector<16xf32>,
        tpu.vector_store %arg14[%swap3A_214, %swap3A_215], %mul3A_213 {strides = array<i32>} : memref<128x128xf32, #tpu.memory_space<vmem>>, vector<16xf32>,
        %get3A_217 = arith.index_cast %scan3A_193 : i32 to index
        %get3A_218 = arith.constant 48 : index
        %get3A_219 = tpu.vector_load %arg14[%get3A_217, %get3A_218] {strides = array<i32>} : memref<128x128xf32, #tpu.memory_space<vmem>>, vector<16xf32>,
        %mul3A_220 = arith.mulf %get3A_219, %gather3A_195 : vector<16xf32>
        %swap3A_221 = arith.index_cast %scan3A_193 : i32 to index
        %swap3A_222 = arith.constant 48 : index
        %swap3A_223 = tpu.vector_load %arg14[%swap3A_221, %swap3A_222] {strides = array<i32>} : memref<128x128xf32, #tpu.memory_space<vmem>>, vector<16xf32>,
        tpu.vector_store %arg14[%swap3A_221, %swap3A_222], %mul3A_220 {strides = array<i32>} : memref<128x128xf32, #tpu.memory_space<vmem>>, vector<16xf32>,
        %get3A_224 = arith.index_cast %scan3A_193 : i32 to index
        %get3A_225 = arith.constant 64 : index
        %get3A_226 = tpu.vector_load %arg14[%get3A_224, %get3A_225] {strides = array<i32>} : memref<128x128xf32, #tpu.memory_space<vmem>>, vector<16xf32>,
        %mul3A_227 = arith.mulf %get3A_226, %gather3A_195 : vector<16xf32>
        %swap3A_228 = arith.index_cast %scan3A_193 : i32 to index
        %swap3A_229 = arith.constant 64 : index
        %swap3A_230 = tpu.vector_load %arg14[%swap3A_228, %swap3A_229] {strides = array<i32>} : memref<128x128xf32, #tpu.memory_space<vmem>>, vector<16xf32>,
        tpu.vector_store %arg14[%swap3A_228, %swap3A_229], %mul3A_227 {strides = array<i32>} : memref<128x128xf32, #tpu.memory_space<vmem>>, vector<16xf32>,
        %get3A_231 = arith.index_cast %scan3A_193 : i32 to index
        %get3A_232 = arith.constant 80 : index
        %get3A_233 = tpu.vector_load %arg14[%get3A_231, %get3A_232] {strides = array<i32>} : memref<128x128xf32, #tpu.memory_space<vmem>>, vector<16xf32>,
        %mul3A_234 = arith.mulf %get3A_233, %gather3A_195 : vector<16xf32>
        %swap3A_235 = arith.index_cast %scan3A_193 : i32 to index
        %swap3A_236 = arith.constant 80 : index
        %swap3A_237 = tpu.vector_load %arg14[%swap3A_235, %swap3A_236] {strides = array<i32>} : memref<128x128xf32, #tpu.memory_space<vmem>>, vector<16xf32>,
        tpu.vector_store %arg14[%swap3A_235, %swap3A_236], %mul3A_234 {strides = array<i32>} : memref<128x128xf32, #tpu.memory_space<vmem>>, vector<16xf32>,
        %get3A_238 = arith.index_cast %scan3A_193 : i32 to index
        %get3A_239 = arith.constant 96 : index
        %get3A_240 = tpu.vector_load %arg14[%get3A_238, %get3A_239] {strides = array<i32>} : memref<128x128xf32, #tpu.memory_space<vmem>>, vector<16xf32>,
        %mul3A_241 = arith.mulf %get3A_240, %gather3A_195 : vector<16xf32>
        %swap3A_242 = arith.index_cast %scan3A_193 : i32 to index
        %swap3A_243 = arith.constant 96 : index
        %swap3A_244 = tpu.vector_load %arg14[%swap3A_242, %swap3A_243] {strides = array<i32>} : memref<128x128xf32, #tpu.memory_space<vmem>>, vector<16xf32>,
        tpu.vector_store %arg14[%swap3A_242, %swap3A_243], %mul3A_241 {strides = array<i32>} : memref<128x128xf32, #tpu.memory_space<vmem>>, vector<16xf32>,
        %get3A_245 = arith.index_cast %scan3A_193 : i32 to index
        %get3A_246 = arith.constant 112 : index
        %get3A_247 = tpu.vector_load %arg14[%get3A_245, %get3A_246] {strides = array<i32>} : memref<128x128xf32, #tpu.memory_space<vmem>>, vector<16xf32>,
        %mul3A_248 = arith.mulf %get3A_247, %gather3A_195 : vector<16xf32>
        %swap3A_249 = arith.index_cast %scan3A_193 : i32 to index
        %swap3A_250 = arith.constant 112 : index
        %swap3A_251 = tpu.vector_load %arg14[%swap3A_249, %swap3A_250] {strides = array<i32>} : memref<128x128xf32, #tpu.memory_space<vmem>>, vector<16xf32>,
        tpu.vector_store %arg14[%swap3A_249, %swap3A_250], %mul3A_248 {strides = array<i32>} : memref<128x128xf32, #tpu.memory_space<vmem>>, vector<16xf32>,
      }
      %scan3A_192 = arith.constant 128 : i32
      "tpu.region"() ({
        %run_scoped3A = tpu.sem_alloc : memref<!tpu.dma_semaphore, #tpu.memory_space<semaphore_mem>>
        %dma_start3A_193 = arith.constant 0 : i32
        %dma_start3A_194 = arith.constant 0 : i32
        %dma_start3A_195 = tpu.memref_slice %arg15[%dma_start3A_193, %dma_start3A_194] : memref<10240x128xf32, #tpu.memory_space<vmem_shared>> -> memref<10240x128xf32, #tpu.memory_space<vmem_shared>>
        tpu.enqueue_indirect_dma source(%arg14 : memref<128x128xf32, #tpu.memory_space<vmem>>) target(%dma_start3A_195 : memref<10240x128xf32, #tpu.memory_space<vmem_shared>>) offsets(%arg12 : memref<128xi32, #tpu.memory_space<vmem>>) semaphore(%run_scoped3A : memref<!tpu.dma_semaphore, #tpu.memory_space<semaphore_mem>>) {add = true}
        %dma_wait3A_196 = arith.constant 0 : i32
        %dma_wait3A_197 = arith.constant 0 : i32
        %dma_wait3A_198 = tpu.memref_slice %arg15[%dma_wait3A_196, %dma_wait3A_197] : memref<10240x128xf32, #tpu.memory_space<vmem_shared>> -> memref<10240x128xf32, #tpu.memory_space<vmem_shared>>
        tpu.wait_indirect_dma semaphore(%run_scoped3A : memref<!tpu.dma_semaphore, #tpu.memory_space<semaphore_mem>>) src(%arg14 : memref<128x128xf32, #tpu.memory_space<vmem>>) dst(%dma_wait3A_198 : memref<10240x128xf32, #tpu.memory_space<vmem_shared>>)
        tpu.yield
      }) : () -> ()
      "tpu.region"() ({
        %run_scoped3A = tpu.sem_alloc : memref<!tpu.dma_semaphore, #tpu.memory_space<semaphore_mem>>
        %dma_start3A_193 = arith.constant 0 : i32
        %dma_start3A_194 = tpu.memref_slice %arg16[%dma_start3A_193] : memref<16384xf32, #tpu.memory_space<vmem_shared>> -> memref<16384xf32, #tpu.memory_space<vmem_shared>>
        tpu.enqueue_indirect_dma source(%arg13 : memref<128xf32, #tpu.memory_space<vmem>>) target(%dma_start3A_194 : memref<16384xf32, #tpu.memory_space<vmem_shared>>) offsets(%arg12 : memref<128xi32, #tpu.memory_space<vmem>>) semaphore(%run_scoped3A : memref<!tpu.dma_semaphore, #tpu.memory_space<semaphore_mem>>) {add = true}
        %dma_wait3A_195 = arith.constant 0 : i32
        %dma_wait3A_196 = tpu.memref_slice %arg16[%dma_wait3A_195] : memref<16384xf32, #tpu.memory_space<vmem_shared>> -> memref<16384xf32, #tpu.memory_space<vmem_shared>>
        tpu.wait_indirect_dma semaphore(%run_scoped3A : memref<!tpu.dma_semaphore, #tpu.memory_space<semaphore_mem>>) src(%arg13 : memref<128xf32, #tpu.memory_space<vmem>>) dst(%dma_wait3A_196 : memref<16384xf32, #tpu.memory_space<vmem_shared>>)
        tpu.yield
      }) : () -> ()
    }
    %scan3A_47 = arith.constant 160 : i32
    %barrier3A_48 = arith.constant 0 : index
    tpu.barrier barrier_id(%barrier3A_48)
    "tpu.region"() ({
      %run_scoped3A = tpu.sem_alloc : memref<!tpu.dma_semaphore, #tpu.memory_space<semaphore_mem>>
      %dma_start3A = arith.constant 0 : i32
      %dma_start3A_49 = tpu.memref_slice %arg7[%mul3A_12, %dma_start3A] : memref<10240x128xf32, #tpu.memory_space<hbm>> -> memref<640x128xf32, #tpu.memory_space<hbm>>
      %dma_start3A_50 = arith.constant 0 : i32
      %dma_start3A_51 = tpu.memref_slice %arg15[%mul3A_12, %dma_start3A_50] : memref<10240x128xf32, #tpu.memory_space<vmem_shared>> -> memref<640x128xf32, #tpu.memory_space<vmem_shared>>
      tpu.enqueue_dma source(%dma_start3A_51 : memref<640x128xf32, #tpu.memory_space<vmem_shared>>) target(%dma_start3A_49 : memref<640x128xf32, #tpu.memory_space<hbm>>) target_semaphore(%run_scoped3A : memref<!tpu.dma_semaphore, #tpu.memory_space<semaphore_mem>>)
      %dma_wait3A = arith.constant 0 : i32
      %dma_wait3A_52 = tpu.memref_slice %arg7[%mul3A_12, %dma_wait3A] : memref<10240x128xf32, #tpu.memory_space<hbm>> -> memref<640x128xf32, #tpu.memory_space<hbm>>
      %dma_wait3A_53 = arith.constant 0 : i32
      %dma_wait3A_54 = tpu.memref_slice %arg15[%mul3A_12, %dma_wait3A_53] : memref<10240x128xf32, #tpu.memory_space<vmem_shared>> -> memref<640x128xf32, #tpu.memory_space<vmem_shared>>
      tpu.wait_dma2 semaphore(%run_scoped3A : memref<!tpu.dma_semaphore, #tpu.memory_space<semaphore_mem>>) src(%dma_wait3A_54 : memref<640x128xf32, #tpu.memory_space<vmem_shared>>) dst(%dma_wait3A_52 : memref<640x128xf32, #tpu.memory_space<hbm>>)
      tpu.yield
    }) : () -> ()
    "tpu.region"() ({
      %run_scoped3A = tpu.sem_alloc : memref<!tpu.dma_semaphore, #tpu.memory_space<semaphore_mem>>
      %dma_start3A = tpu.memref_slice %arg8[%mul3A_23] : memref<16384xf32, #tpu.memory_space<hbm>> -> memref<1024xf32, #tpu.memory_space<hbm>>
      %dma_start3A_49 = tpu.memref_slice %arg16[%mul3A_23] : memref<16384xf32, #tpu.memory_space<vmem_shared>> -> memref<1024xf32, #tpu.memory_space<vmem_shared>>
      tpu.enqueue_dma source(%dma_start3A_49 : memref<1024xf32, #tpu.memory_space<vmem_shared>>) target(%dma_start3A : memref<1024xf32, #tpu.memory_space<hbm>>) target_semaphore(%run_scoped3A : memref<!tpu.dma_semaphore, #tpu.memory_space<semaphore_mem>>)
      %dma_wait3A = tpu.memref_slice %arg8[%mul3A_23] : memref<16384xf32, #tpu.memory_space<hbm>> -> memref<1024xf32, #tpu.memory_space<hbm>>
      %dma_wait3A_50 = tpu.memref_slice %arg16[%mul3A_23] : memref<16384xf32, #tpu.memory_space<vmem_shared>> -> memref<1024xf32, #tpu.memory_space<vmem_shared>>
      tpu.wait_dma2 semaphore(%run_scoped3A : memref<!tpu.dma_semaphore, #tpu.memory_space<semaphore_mem>>) src(%dma_wait3A_50 : memref<1024xf32, #tpu.memory_space<vmem_shared>>) dst(%dma_wait3A : memref<1024xf32, #tpu.memory_space<hbm>>)
      tpu.yield
    }) : () -> ()
    return
  }
}

#map = affine_map<(d0, d1) -> (0, 0)>
#map1 = affine_map<(d0, d1) -> (0)>
module attributes {stable_mosaic.version = 14 : i64} {
  func.func @_fin(%arg0: i32, %arg1: i32, %arg2: memref<10240x128xf32, #tpu.memory_space<hbm>>, %arg3: memref<16384xf32, #tpu.memory_space<hbm>>, %arg4: memref<128xf32, #tpu.memory_space<hbm>>, %arg5: memref<10240x128xf32, #tpu.memory_space<hbm>>, %arg6: memref<128x128xf32, #tpu.memory_space<vmem>>, %arg7: memref<16384xf32, #tpu.memory_space<vmem>>, %arg8: memref<128xf32, #tpu.memory_space<vmem>>) attributes {dimension_semantics = [#tpu.dimension_semantics<core_parallel>, #tpu.dimension_semantics<subcore_parallel>], iteration_bounds = array<i64: 2, 16>, scalar_prefetch = 0 : i64, scratch_operands = 3 : i64, tpu.core_type = #tpu.core_type<sc_vector_subcore>, window_params = [{transform_indices = #map}, {transform_indices = #map1}, {transform_indices = #map1}, {transform_indices = #map}]} {
    %mul3A = arith.constant 2 : i32
    %mul3A_0 = arith.muli %arg1, %mul3A : i32
    %add3A = arith.addi %mul3A_0, %arg0 : i32
    "tpu.region"() ({
      %run_scoped3A = tpu.sem_alloc : memref<!tpu.dma_semaphore, #tpu.memory_space<semaphore_mem>>
      tpu.enqueue_dma source(%arg4 : memref<128xf32, #tpu.memory_space<hbm>>) target(%arg8 : memref<128xf32, #tpu.memory_space<vmem>>) target_semaphore(%run_scoped3A : memref<!tpu.dma_semaphore, #tpu.memory_space<semaphore_mem>>)
      tpu.wait_dma2 semaphore(%run_scoped3A : memref<!tpu.dma_semaphore, #tpu.memory_space<semaphore_mem>>) src(%arg4 : memref<128xf32, #tpu.memory_space<hbm>>) dst(%arg8 : memref<128xf32, #tpu.memory_space<vmem>>)
      tpu.yield
    }) : () -> ()
    "tpu.region"() ({
      %run_scoped3A = tpu.sem_alloc : memref<!tpu.dma_semaphore, #tpu.memory_space<semaphore_mem>>
      tpu.enqueue_dma source(%arg3 : memref<16384xf32, #tpu.memory_space<hbm>>) target(%arg7 : memref<16384xf32, #tpu.memory_space<vmem>>) target_semaphore(%run_scoped3A : memref<!tpu.dma_semaphore, #tpu.memory_space<semaphore_mem>>)
      tpu.wait_dma2 semaphore(%run_scoped3A : memref<!tpu.dma_semaphore, #tpu.memory_space<semaphore_mem>>) src(%arg3 : memref<16384xf32, #tpu.memory_space<hbm>>) dst(%arg7 : memref<16384xf32, #tpu.memory_space<vmem>>)
      tpu.yield
    }) : () -> ()
    %scan3A = arith.constant 0 : i32
    %scan3A_1 = arith.constant 0 : i32
    %scan3A_2 = arith.constant 1024 : i32
    %scan3A_3 = arith.addi %scan3A_1, %scan3A_2 : i32
    %scan3A_4 = arith.constant 1 : i32
    scf.for %scan3A_12 = %scan3A_1 to %scan3A_3 step %scan3A_4  : i32 {
      %mul3A_13 = arith.constant 16 : i32
      %mul3A_14 = arith.muli %mul3A_13, %scan3A_12 : i32
      %get3A = arith.index_cast %mul3A_14 : i32 to index
      %get3A_15 = tpu.vector_load %arg7[%get3A] {strides = array<i32>} : memref<16384xf32, #tpu.memory_space<vmem>>, vector<16xf32>,
      %add3A_16 = arith.constant 9.99999971E-10 : f32
      %add3A_17 = vector.broadcast %add3A_16 : f32 to vector<16xf32>
      %add3A_18 = arith.addf %get3A_15, %add3A_17 : vector<16xf32>
      %swap3A = arith.index_cast %mul3A_14 : i32 to index
      %swap3A_19 = tpu.vector_load %arg7[%swap3A] {strides = array<i32>} : memref<16384xf32, #tpu.memory_space<vmem>>, vector<16xf32>,
      tpu.vector_store %arg7[%swap3A], %add3A_18 {strides = array<i32>} : memref<16384xf32, #tpu.memory_space<vmem>>, vector<16xf32>,
    }
    %scan3A_5 = arith.constant 1024 : i32
    %scan3A_6 = arith.constant 0 : i32
    %scan3A_7 = arith.constant 0 : i32
    %scan3A_8 = arith.constant 3 : i32
    %scan3A_9 = arith.addi %scan3A_7, %scan3A_8 : i32
    %scan3A_10 = arith.constant 1 : i32
    scf.for %scan3A_12 = %scan3A_7 to %scan3A_9 step %scan3A_10  : i32 {
      %mul3A_13 = arith.constant 32 : i32
      %mul3A_14 = arith.muli %mul3A_13, %scan3A_12 : i32
      %add3A_15 = arith.addi %add3A, %mul3A_14 : i32
      %lt3A = arith.constant 80 : i32
      %lt3A_16 = arith.cmpi slt, %add3A_15, %lt3A : i32
      %convert_element_type3A = arith.extui %lt3A_16 : i1 to i32
      %cond3A = arith.constant 0 : i32
      %cond3A_17 = arith.cmpi ne, %convert_element_type3A, %cond3A : i32
      scf.if %cond3A_17 {
        %mul3A_18 = arith.constant 128 : i32
        %mul3A_19 = arith.muli %add3A_15, %mul3A_18 : i32
        "tpu.region"() ({
          %run_scoped3A = tpu.sem_alloc : memref<!tpu.dma_semaphore, #tpu.memory_space<semaphore_mem>>
          %dma_start3A = arith.constant 0 : i32
          %dma_start3A_26 = tpu.memref_slice %arg2[%mul3A_19, %dma_start3A] : memref<10240x128xf32, #tpu.memory_space<hbm>> -> memref<128x128xf32, #tpu.memory_space<hbm>>
          %dma_start3A_27 = arith.constant 0 : i32
          %dma_start3A_28 = tpu.memref_slice %arg2[%mul3A_19, %dma_start3A_27] : memref<10240x128xf32, #tpu.memory_space<hbm>> -> memref<128x128xf32, #tpu.memory_space<hbm>>
          tpu.enqueue_dma source(%dma_start3A_28 : memref<128x128xf32, #tpu.memory_space<hbm>>) target(%arg6 : memref<128x128xf32, #tpu.memory_space<vmem>>) target_semaphore(%run_scoped3A : memref<!tpu.dma_semaphore, #tpu.memory_space<semaphore_mem>>)
          %dma_wait3A = arith.constant 0 : i32
          %dma_wait3A_29 = tpu.memref_slice %arg2[%mul3A_19, %dma_wait3A] : memref<10240x128xf32, #tpu.memory_space<hbm>> -> memref<128x128xf32, #tpu.memory_space<hbm>>
          %dma_wait3A_30 = arith.constant 0 : i32
          %dma_wait3A_31 = tpu.memref_slice %arg2[%mul3A_19, %dma_wait3A_30] : memref<10240x128xf32, #tpu.memory_space<hbm>> -> memref<128x128xf32, #tpu.memory_space<hbm>>
          tpu.wait_dma2 semaphore(%run_scoped3A : memref<!tpu.dma_semaphore, #tpu.memory_space<semaphore_mem>>) src(%dma_wait3A_31 : memref<128x128xf32, #tpu.memory_space<hbm>>) dst(%arg6 : memref<128x128xf32, #tpu.memory_space<vmem>>)
          tpu.yield
        }) : () -> ()
        %scan3A_20 = arith.constant 0 : i32
        %scan3A_21 = arith.constant 0 : i32
        %scan3A_22 = arith.constant 128 : i32
        %scan3A_23 = arith.addi %scan3A_21, %scan3A_22 : i32
        %scan3A_24 = arith.constant 1 : i32
        scf.for %scan3A_26 = %scan3A_21 to %scan3A_23 step %scan3A_24  : i32 {
          %add3A_27 = arith.addi %mul3A_19, %scan3A_26 : i32
          %broadcast_in_dim3A = vector.broadcast %add3A_27 : i32 to vector<16xi32>
          %gather3A = tpu.vector_load_idx %arg7[%broadcast_in_dim3A] : memref<16384xf32, #tpu.memory_space<vmem>>[vector<16xi32>], vector<16xf32>,
          %get3A = arith.index_cast %scan3A_26 : i32 to index
          %get3A_28 = arith.constant 0 : index
          %get3A_29 = tpu.vector_load %arg6[%get3A, %get3A_28] {strides = array<i32>} : memref<128x128xf32, #tpu.memory_space<vmem>>, vector<16xf32>,
          %div3A = arith.divf %get3A_29, %gather3A : vector<16xf32>
          %get3A_30 = arith.constant 0 : index
          %get3A_31 = tpu.vector_load %arg8[%get3A_30] {strides = array<i32>} : memref<128xf32, #tpu.memory_space<vmem>>, vector<16xf32>,
          %add3A_32 = arith.addf %div3A, %get3A_31 : vector<16xf32>
          %swap3A = arith.index_cast %scan3A_26 : i32 to index
          %swap3A_33 = arith.constant 0 : index
          %swap3A_34 = tpu.vector_load %arg6[%swap3A, %swap3A_33] {strides = array<i32>} : memref<128x128xf32, #tpu.memory_space<vmem>>, vector<16xf32>,
          tpu.vector_store %arg6[%swap3A, %swap3A_33], %add3A_32 {strides = array<i32>} : memref<128x128xf32, #tpu.memory_space<vmem>>, vector<16xf32>,
          %get3A_35 = arith.index_cast %scan3A_26 : i32 to index
          %get3A_36 = arith.constant 16 : index
          %get3A_37 = tpu.vector_load %arg6[%get3A_35, %get3A_36] {strides = array<i32>} : memref<128x128xf32, #tpu.memory_space<vmem>>, vector<16xf32>,
          %div3A_38 = arith.divf %get3A_37, %gather3A : vector<16xf32>
          %get3A_39 = arith.constant 16 : index
          %get3A_40 = tpu.vector_load %arg8[%get3A_39] {strides = array<i32>} : memref<128xf32, #tpu.memory_space<vmem>>, vector<16xf32>,
          %add3A_41 = arith.addf %div3A_38, %get3A_40 : vector<16xf32>
          %swap3A_42 = arith.index_cast %scan3A_26 : i32 to index
          %swap3A_43 = arith.constant 16 : index
          %swap3A_44 = tpu.vector_load %arg6[%swap3A_42, %swap3A_43] {strides = array<i32>} : memref<128x128xf32, #tpu.memory_space<vmem>>, vector<16xf32>,
          tpu.vector_store %arg6[%swap3A_42, %swap3A_43], %add3A_41 {strides = array<i32>} : memref<128x128xf32, #tpu.memory_space<vmem>>, vector<16xf32>,
          %get3A_45 = arith.index_cast %scan3A_26 : i32 to index
          %get3A_46 = arith.constant 32 : index
          %get3A_47 = tpu.vector_load %arg6[%get3A_45, %get3A_46] {strides = array<i32>} : memref<128x128xf32, #tpu.memory_space<vmem>>, vector<16xf32>,
          %div3A_48 = arith.divf %get3A_47, %gather3A : vector<16xf32>
          %get3A_49 = arith.constant 32 : index
          %get3A_50 = tpu.vector_load %arg8[%get3A_49] {strides = array<i32>} : memref<128xf32, #tpu.memory_space<vmem>>, vector<16xf32>,
          %add3A_51 = arith.addf %div3A_48, %get3A_50 : vector<16xf32>
          %swap3A_52 = arith.index_cast %scan3A_26 : i32 to index
          %swap3A_53 = arith.constant 32 : index
          %swap3A_54 = tpu.vector_load %arg6[%swap3A_52, %swap3A_53] {strides = array<i32>} : memref<128x128xf32, #tpu.memory_space<vmem>>, vector<16xf32>,
          tpu.vector_store %arg6[%swap3A_52, %swap3A_53], %add3A_51 {strides = array<i32>} : memref<128x128xf32, #tpu.memory_space<vmem>>, vector<16xf32>,
          %get3A_55 = arith.index_cast %scan3A_26 : i32 to index
          %get3A_56 = arith.constant 48 : index
          %get3A_57 = tpu.vector_load %arg6[%get3A_55, %get3A_56] {strides = array<i32>} : memref<128x128xf32, #tpu.memory_space<vmem>>, vector<16xf32>,
          %div3A_58 = arith.divf %get3A_57, %gather3A : vector<16xf32>
          %get3A_59 = arith.constant 48 : index
          %get3A_60 = tpu.vector_load %arg8[%get3A_59] {strides = array<i32>} : memref<128xf32, #tpu.memory_space<vmem>>, vector<16xf32>,
          %add3A_61 = arith.addf %div3A_58, %get3A_60 : vector<16xf32>
          %swap3A_62 = arith.index_cast %scan3A_26 : i32 to index
          %swap3A_63 = arith.constant 48 : index
          %swap3A_64 = tpu.vector_load %arg6[%swap3A_62, %swap3A_63] {strides = array<i32>} : memref<128x128xf32, #tpu.memory_space<vmem>>, vector<16xf32>,
          tpu.vector_store %arg6[%swap3A_62, %swap3A_63], %add3A_61 {strides = array<i32>} : memref<128x128xf32, #tpu.memory_space<vmem>>, vector<16xf32>,
          %get3A_65 = arith.index_cast %scan3A_26 : i32 to index
          %get3A_66 = arith.constant 64 : index
          %get3A_67 = tpu.vector_load %arg6[%get3A_65, %get3A_66] {strides = array<i32>} : memref<128x128xf32, #tpu.memory_space<vmem>>, vector<16xf32>,
          %div3A_68 = arith.divf %get3A_67, %gather3A : vector<16xf32>
          %get3A_69 = arith.constant 64 : index
          %get3A_70 = tpu.vector_load %arg8[%get3A_69] {strides = array<i32>} : memref<128xf32, #tpu.memory_space<vmem>>, vector<16xf32>,
          %add3A_71 = arith.addf %div3A_68, %get3A_70 : vector<16xf32>
          %swap3A_72 = arith.index_cast %scan3A_26 : i32 to index
          %swap3A_73 = arith.constant 64 : index
          %swap3A_74 = tpu.vector_load %arg6[%swap3A_72, %swap3A_73] {strides = array<i32>} : memref<128x128xf32, #tpu.memory_space<vmem>>, vector<16xf32>,
          tpu.vector_store %arg6[%swap3A_72, %swap3A_73], %add3A_71 {strides = array<i32>} : memref<128x128xf32, #tpu.memory_space<vmem>>, vector<16xf32>,
          %get3A_75 = arith.index_cast %scan3A_26 : i32 to index
          %get3A_76 = arith.constant 80 : index
          %get3A_77 = tpu.vector_load %arg6[%get3A_75, %get3A_76] {strides = array<i32>} : memref<128x128xf32, #tpu.memory_space<vmem>>, vector<16xf32>,
          %div3A_78 = arith.divf %get3A_77, %gather3A : vector<16xf32>
          %get3A_79 = arith.constant 80 : index
          %get3A_80 = tpu.vector_load %arg8[%get3A_79] {strides = array<i32>} : memref<128xf32, #tpu.memory_space<vmem>>, vector<16xf32>,
          %add3A_81 = arith.addf %div3A_78, %get3A_80 : vector<16xf32>
          %swap3A_82 = arith.index_cast %scan3A_26 : i32 to index
          %swap3A_83 = arith.constant 80 : index
          %swap3A_84 = tpu.vector_load %arg6[%swap3A_82, %swap3A_83] {strides = array<i32>} : memref<128x128xf32, #tpu.memory_space<vmem>>, vector<16xf32>,
          tpu.vector_store %arg6[%swap3A_82, %swap3A_83], %add3A_81 {strides = array<i32>} : memref<128x128xf32, #tpu.memory_space<vmem>>, vector<16xf32>,
          %get3A_85 = arith.index_cast %scan3A_26 : i32 to index
          %get3A_86 = arith.constant 96 : index
          %get3A_87 = tpu.vector_load %arg6[%get3A_85, %get3A_86] {strides = array<i32>} : memref<128x128xf32, #tpu.memory_space<vmem>>, vector<16xf32>,
          %div3A_88 = arith.divf %get3A_87, %gather3A : vector<16xf32>
          %get3A_89 = arith.constant 96 : index
          %get3A_90 = tpu.vector_load %arg8[%get3A_89] {strides = array<i32>} : memref<128xf32, #tpu.memory_space<vmem>>, vector<16xf32>,
          %add3A_91 = arith.addf %div3A_88, %get3A_90 : vector<16xf32>
          %swap3A_92 = arith.index_cast %scan3A_26 : i32 to index
          %swap3A_93 = arith.constant 96 : index
          %swap3A_94 = tpu.vector_load %arg6[%swap3A_92, %swap3A_93] {strides = array<i32>} : memref<128x128xf32, #tpu.memory_space<vmem>>, vector<16xf32>,
          tpu.vector_store %arg6[%swap3A_92, %swap3A_93], %add3A_91 {strides = array<i32>} : memref<128x128xf32, #tpu.memory_space<vmem>>, vector<16xf32>,
          %get3A_95 = arith.index_cast %scan3A_26 : i32 to index
          %get3A_96 = arith.constant 112 : index
          %get3A_97 = tpu.vector_load %arg6[%get3A_95, %get3A_96] {strides = array<i32>} : memref<128x128xf32, #tpu.memory_space<vmem>>, vector<16xf32>,
          %div3A_98 = arith.divf %get3A_97, %gather3A : vector<16xf32>
          %get3A_99 = arith.constant 112 : index
          %get3A_100 = tpu.vector_load %arg8[%get3A_99] {strides = array<i32>} : memref<128xf32, #tpu.memory_space<vmem>>, vector<16xf32>,
          %add3A_101 = arith.addf %div3A_98, %get3A_100 : vector<16xf32>
          %swap3A_102 = arith.index_cast %scan3A_26 : i32 to index
          %swap3A_103 = arith.constant 112 : index
          %swap3A_104 = tpu.vector_load %arg6[%swap3A_102, %swap3A_103] {strides = array<i32>} : memref<128x128xf32, #tpu.memory_space<vmem>>, vector<16xf32>,
          tpu.vector_store %arg6[%swap3A_102, %swap3A_103], %add3A_101 {strides = array<i32>} : memref<128x128xf32, #tpu.memory_space<vmem>>, vector<16xf32>,
        }
        %scan3A_25 = arith.constant 128 : i32
        "tpu.region"() ({
          %run_scoped3A = tpu.sem_alloc : memref<!tpu.dma_semaphore, #tpu.memory_space<semaphore_mem>>
          %dma_start3A = arith.constant 0 : i32
          %dma_start3A_26 = tpu.memref_slice %arg5[%mul3A_19, %dma_start3A] : memref<10240x128xf32, #tpu.memory_space<hbm>> -> memref<128x128xf32, #tpu.memory_space<hbm>>
          %dma_start3A_27 = arith.constant 0 : i32
          %dma_start3A_28 = tpu.memref_slice %arg5[%mul3A_19, %dma_start3A_27] : memref<10240x128xf32, #tpu.memory_space<hbm>> -> memref<128x128xf32, #tpu.memory_space<hbm>>
          tpu.enqueue_dma source(%arg6 : memref<128x128xf32, #tpu.memory_space<vmem>>) target(%dma_start3A_28 : memref<128x128xf32, #tpu.memory_space<hbm>>) target_semaphore(%run_scoped3A : memref<!tpu.dma_semaphore, #tpu.memory_space<semaphore_mem>>)
          %dma_wait3A = arith.constant 0 : i32
          %dma_wait3A_29 = tpu.memref_slice %arg5[%mul3A_19, %dma_wait3A] : memref<10240x128xf32, #tpu.memory_space<hbm>> -> memref<128x128xf32, #tpu.memory_space<hbm>>
          %dma_wait3A_30 = arith.constant 0 : i32
          %dma_wait3A_31 = tpu.memref_slice %arg5[%mul3A_19, %dma_wait3A_30] : memref<10240x128xf32, #tpu.memory_space<hbm>> -> memref<128x128xf32, #tpu.memory_space<hbm>>
          tpu.wait_dma2 semaphore(%run_scoped3A : memref<!tpu.dma_semaphore, #tpu.memory_space<semaphore_mem>>) src(%arg6 : memref<128x128xf32, #tpu.memory_space<vmem>>) dst(%dma_wait3A_31 : memref<128x128xf32, #tpu.memory_space<hbm>>)
          tpu.yield
        }) : () -> ()
      } else {
      }
    }
    %scan3A_11 = arith.constant 3 : i32
    return
  }
}

#map = affine_map<(d0, d1) -> (0, 0)>
#map1 = affine_map<(d0, d1) -> (0)>
module attributes {stable_mosaic.version = 14 : i64} {
  func.func @_edge(%arg0: i32, %arg1: i32, %arg2: memref<10240x128xf32, #tpu.memory_space<hbm>>, %arg3: memref<10240xf32, #tpu.memory_space<hbm>>, %arg4: memref<10240xf32, #tpu.memory_space<hbm>>, %arg5: memref<327680xi32, #tpu.memory_space<hbm>>, %arg6: memref<327680xi32, #tpu.memory_space<hbm>>, %arg7: memref<10240x128xf32, #tpu.memory_space<hbm>>, %arg8: memref<16384xf32, #tpu.memory_space<hbm>>, %arg9: memref<10240xf32, #tpu.memory_space<vmem>>, %arg10: memref<10240xf32, #tpu.memory_space<vmem>>, %arg11: memref<128xi32, #tpu.memory_space<vmem>>, %arg12: memref<128xi32, #tpu.memory_space<vmem>>, %arg13: memref<128xf32, #tpu.memory_space<vmem>>, %arg14: memref<128x128xf32, #tpu.memory_space<vmem>>, %arg15: memref<10240x128xf32, #tpu.memory_space<vmem_shared>>, %arg16: memref<16384xf32, #tpu.memory_space<vmem_shared>>, %arg17: memref<!tpu.dma_semaphore, #tpu.memory_space<semaphore_mem>>) attributes {dimension_semantics = [#tpu.dimension_semantics<core_parallel>, #tpu.dimension_semantics<subcore_parallel>], iteration_bounds = array<i64: 1, 16>, scalar_prefetch = 0 : i64, scratch_operands = 9 : i64, tpu.core_type = #tpu.core_type<sc_vector_subcore>, window_params = [{transform_indices = #map}, {transform_indices = #map1}, {transform_indices = #map1}, {transform_indices = #map1}, {transform_indices = #map1}, {transform_indices = #map}, {transform_indices = #map1}]} {
    %broadcast_in_dim3A = arith.constant 0.000000e+00 : f32
    %broadcast_in_dim3A_0 = vector.broadcast %broadcast_in_dim3A : f32 to vector<16xf32>
    %scan3A = arith.constant 0 : i32
    %scan3A_1 = arith.constant 0 : i32
    %scan3A_2 = arith.constant 128 : i32
    %scan3A_3 = arith.addi %scan3A_1, %scan3A_2 : i32
    %scan3A_4 = arith.constant 1 : i32
    scf.for %scan3A_49 = %scan3A_1 to %scan3A_3 step %scan3A_4  : i32 {
      %swap3A = arith.index_cast %scan3A_49 : i32 to index
      %swap3A_50 = arith.constant 0 : index
      %swap3A_51 = tpu.vector_load %arg14[%swap3A, %swap3A_50] {strides = array<i32>} : memref<128x128xf32, #tpu.memory_space<vmem>>, vector<16xf32>,
      tpu.vector_store %arg14[%swap3A, %swap3A_50], %broadcast_in_dim3A_0 {strides = array<i32>} : memref<128x128xf32, #tpu.memory_space<vmem>>, vector<16xf32>,
      %swap3A_52 = arith.index_cast %scan3A_49 : i32 to index
      %swap3A_53 = arith.constant 16 : index
      %swap3A_54 = tpu.vector_load %arg14[%swap3A_52, %swap3A_53] {strides = array<i32>} : memref<128x128xf32, #tpu.memory_space<vmem>>, vector<16xf32>,
      tpu.vector_store %arg14[%swap3A_52, %swap3A_53], %broadcast_in_dim3A_0 {strides = array<i32>} : memref<128x128xf32, #tpu.memory_space<vmem>>, vector<16xf32>,
      %swap3A_55 = arith.index_cast %scan3A_49 : i32 to index
      %swap3A_56 = arith.constant 32 : index
      %swap3A_57 = tpu.vector_load %arg14[%swap3A_55, %swap3A_56] {strides = array<i32>} : memref<128x128xf32, #tpu.memory_space<vmem>>, vector<16xf32>,
      tpu.vector_store %arg14[%swap3A_55, %swap3A_56], %broadcast_in_dim3A_0 {strides = array<i32>} : memref<128x128xf32, #tpu.memory_space<vmem>>, vector<16xf32>,
      %swap3A_58 = arith.index_cast %scan3A_49 : i32 to index
      %swap3A_59 = arith.constant 48 : index
      %swap3A_60 = tpu.vector_load %arg14[%swap3A_58, %swap3A_59] {strides = array<i32>} : memref<128x128xf32, #tpu.memory_space<vmem>>, vector<16xf32>,
      tpu.vector_store %arg14[%swap3A_58, %swap3A_59], %broadcast_in_dim3A_0 {strides = array<i32>} : memref<128x128xf32, #tpu.memory_space<vmem>>, vector<16xf32>,
      %swap3A_61 = arith.index_cast %scan3A_49 : i32 to index
      %swap3A_62 = arith.constant 64 : index
      %swap3A_63 = tpu.vector_load %arg14[%swap3A_61, %swap3A_62] {strides = array<i32>} : memref<128x128xf32, #tpu.memory_space<vmem>>, vector<16xf32>,
      tpu.vector_store %arg14[%swap3A_61, %swap3A_62], %broadcast_in_dim3A_0 {strides = array<i32>} : memref<128x128xf32, #tpu.memory_space<vmem>>, vector<16xf32>,
      %swap3A_64 = arith.index_cast %scan3A_49 : i32 to index
      %swap3A_65 = arith.constant 80 : index
      %swap3A_66 = tpu.vector_load %arg14[%swap3A_64, %swap3A_65] {strides = array<i32>} : memref<128x128xf32, #tpu.memory_space<vmem>>, vector<16xf32>,
      tpu.vector_store %arg14[%swap3A_64, %swap3A_65], %broadcast_in_dim3A_0 {strides = array<i32>} : memref<128x128xf32, #tpu.memory_space<vmem>>, vector<16xf32>,
      %swap3A_67 = arith.index_cast %scan3A_49 : i32 to index
      %swap3A_68 = arith.constant 96 : index
      %swap3A_69 = tpu.vector_load %arg14[%swap3A_67, %swap3A_68] {strides = array<i32>} : memref<128x128xf32, #tpu.memory_space<vmem>>, vector<16xf32>,
      tpu.vector_store %arg14[%swap3A_67, %swap3A_68], %broadcast_in_dim3A_0 {strides = array<i32>} : memref<128x128xf32, #tpu.memory_space<vmem>>, vector<16xf32>,
      %swap3A_70 = arith.index_cast %scan3A_49 : i32 to index
      %swap3A_71 = arith.constant 112 : index
      %swap3A_72 = tpu.vector_load %arg14[%swap3A_70, %swap3A_71] {strides = array<i32>} : memref<128x128xf32, #tpu.memory_space<vmem>>, vector<16xf32>,
      tpu.vector_store %arg14[%swap3A_70, %swap3A_71], %broadcast_in_dim3A_0 {strides = array<i32>} : memref<128x128xf32, #tpu.memory_space<vmem>>, vector<16xf32>,
    }
    %scan3A_5 = arith.constant 128 : i32
    %scan3A_6 = arith.constant 0 : i32
    %scan3A_7 = arith.constant 0 : i32
    %scan3A_8 = arith.constant 8 : i32
    %scan3A_9 = arith.addi %scan3A_7, %scan3A_8 : i32
    %scan3A_10 = arith.constant 1 : i32
    scf.for %scan3A_49 = %scan3A_7 to %scan3A_9 step %scan3A_10  : i32 {
      %mul3A_50 = arith.constant 16 : i32
      %mul3A_51 = arith.muli %mul3A_50, %scan3A_49 : i32
      %swap3A = arith.index_cast %mul3A_51 : i32 to index
      %swap3A_52 = tpu.vector_load %arg13[%swap3A] {strides = array<i32>} : memref<128xf32, #tpu.memory_space<vmem>>, vector<16xf32>,
      tpu.vector_store %arg13[%swap3A], %broadcast_in_dim3A_0 {strides = array<i32>} : memref<128xf32, #tpu.memory_space<vmem>>, vector<16xf32>,
    }
    %scan3A_11 = arith.constant 8 : i32
    %mul3A = arith.constant 640 : i32
    %mul3A_12 = arith.muli %arg1, %mul3A : i32
    %add3A = arith.constant 0 : i32
    %add3A_13 = arith.addi %mul3A_12, %add3A : i32
    "tpu.region"() ({
      %run_scoped3A = tpu.sem_alloc : memref<!tpu.dma_semaphore, #tpu.memory_space<semaphore_mem>>
      %dma_start3A = arith.constant 0 : i32
      %dma_start3A_49 = tpu.memref_slice %arg15[%add3A_13, %dma_start3A] : memref<10240x128xf32, #tpu.memory_space<vmem_shared>> -> memref<128x128xf32, #tpu.memory_space<vmem_shared>>
      %dma_start3A_50 = arith.constant 0 : i32
      %dma_start3A_51 = tpu.memref_slice %arg15[%add3A_13, %dma_start3A_50] : memref<10240x128xf32, #tpu.memory_space<vmem_shared>> -> memref<128x128xf32, #tpu.memory_space<vmem_shared>>
      tpu.enqueue_dma source(%arg14 : memref<128x128xf32, #tpu.memory_space<vmem>>) target(%dma_start3A_51 : memref<128x128xf32, #tpu.memory_space<vmem_shared>>) target_semaphore(%run_scoped3A : memref<!tpu.dma_semaphore, #tpu.memory_space<semaphore_mem>>)
      %dma_wait3A = arith.constant 0 : i32
      %dma_wait3A_52 = tpu.memref_slice %arg15[%add3A_13, %dma_wait3A] : memref<10240x128xf32, #tpu.memory_space<vmem_shared>> -> memref<128x128xf32, #tpu.memory_space<vmem_shared>>
      %dma_wait3A_53 = arith.constant 0 : i32
      %dma_wait3A_54 = tpu.memref_slice %arg15[%add3A_13, %dma_wait3A_53] : memref<10240x128xf32, #tpu.memory_space<vmem_shared>> -> memref<128x128xf32, #tpu.memory_space<vmem_shared>>
      tpu.wait_dma2 semaphore(%run_scoped3A : memref<!tpu.dma_semaphore, #tpu.memory_space<semaphore_mem>>) src(%arg14 : memref<128x128xf32, #tpu.memory_space<vmem>>) dst(%dma_wait3A_54 : memref<128x128xf32, #tpu.memory_space<vmem_shared>>)
      tpu.yield
    }) : () -> ()
    %add3A_14 = arith.constant 128 : i32
    %add3A_15 = arith.addi %mul3A_12, %add3A_14 : i32
    "tpu.region"() ({
      %run_scoped3A = tpu.sem_alloc : memref<!tpu.dma_semaphore, #tpu.memory_space<semaphore_mem>>
      %dma_start3A = arith.constant 0 : i32
      %dma_start3A_49 = tpu.memref_slice %arg15[%add3A_15, %dma_start3A] : memref<10240x128xf32, #tpu.memory_space<vmem_shared>> -> memref<128x128xf32, #tpu.memory_space<vmem_shared>>
      %dma_start3A_50 = arith.constant 0 : i32
      %dma_start3A_51 = tpu.memref_slice %arg15[%add3A_15, %dma_start3A_50] : memref<10240x128xf32, #tpu.memory_space<vmem_shared>> -> memref<128x128xf32, #tpu.memory_space<vmem_shared>>
      tpu.enqueue_dma source(%arg14 : memref<128x128xf32, #tpu.memory_space<vmem>>) target(%dma_start3A_51 : memref<128x128xf32, #tpu.memory_space<vmem_shared>>) target_semaphore(%run_scoped3A : memref<!tpu.dma_semaphore, #tpu.memory_space<semaphore_mem>>)
      %dma_wait3A = arith.constant 0 : i32
      %dma_wait3A_52 = tpu.memref_slice %arg15[%add3A_15, %dma_wait3A] : memref<10240x128xf32, #tpu.memory_space<vmem_shared>> -> memref<128x128xf32, #tpu.memory_space<vmem_shared>>
      %dma_wait3A_53 = arith.constant 0 : i32
      %dma_wait3A_54 = tpu.memref_slice %arg15[%add3A_15, %dma_wait3A_53] : memref<10240x128xf32, #tpu.memory_space<vmem_shared>> -> memref<128x128xf32, #tpu.memory_space<vmem_shared>>
      tpu.wait_dma2 semaphore(%run_scoped3A : memref<!tpu.dma_semaphore, #tpu.memory_space<semaphore_mem>>) src(%arg14 : memref<128x128xf32, #tpu.memory_space<vmem>>) dst(%dma_wait3A_54 : memref<128x128xf32, #tpu.memory_space<vmem_shared>>)
      tpu.yield
    }) : () -> ()
    %add3A_16 = arith.constant 256 : i32
    %add3A_17 = arith.addi %mul3A_12, %add3A_16 : i32
    "tpu.region"() ({
      %run_scoped3A = tpu.sem_alloc : memref<!tpu.dma_semaphore, #tpu.memory_space<semaphore_mem>>
      %dma_start3A = arith.constant 0 : i32
      %dma_start3A_49 = tpu.memref_slice %arg15[%add3A_17, %dma_start3A] : memref<10240x128xf32, #tpu.memory_space<vmem_shared>> -> memref<128x128xf32, #tpu.memory_space<vmem_shared>>
      %dma_start3A_50 = arith.constant 0 : i32
      %dma_start3A_51 = tpu.memref_slice %arg15[%add3A_17, %dma_start3A_50] : memref<10240x128xf32, #tpu.memory_space<vmem_shared>> -> memref<128x128xf32, #tpu.memory_space<vmem_shared>>
      tpu.enqueue_dma source(%arg14 : memref<128x128xf32, #tpu.memory_space<vmem>>) target(%dma_start3A_51 : memref<128x128xf32, #tpu.memory_space<vmem_shared>>) target_semaphore(%run_scoped3A : memref<!tpu.dma_semaphore, #tpu.memory_space<semaphore_mem>>)
      %dma_wait3A = arith.constant 0 : i32
      %dma_wait3A_52 = tpu.memref_slice %arg15[%add3A_17, %dma_wait3A] : memref<10240x128xf32, #tpu.memory_space<vmem_shared>> -> memref<128x128xf32, #tpu.memory_space<vmem_shared>>
      %dma_wait3A_53 = arith.constant 0 : i32
      %dma_wait3A_54 = tpu.memref_slice %arg15[%add3A_17, %dma_wait3A_53] : memref<10240x128xf32, #tpu.memory_space<vmem_shared>> -> memref<128x128xf32, #tpu.memory_space<vmem_shared>>
      tpu.wait_dma2 semaphore(%run_scoped3A : memref<!tpu.dma_semaphore, #tpu.memory_space<semaphore_mem>>) src(%arg14 : memref<128x128xf32, #tpu.memory_space<vmem>>) dst(%dma_wait3A_54 : memref<128x128xf32, #tpu.memory_space<vmem_shared>>)
      tpu.yield
    }) : () -> ()
    %add3A_18 = arith.constant 384 : i32
    %add3A_19 = arith.addi %mul3A_12, %add3A_18 : i32
    "tpu.region"() ({
      %run_scoped3A = tpu.sem_alloc : memref<!tpu.dma_semaphore, #tpu.memory_space<semaphore_mem>>
      %dma_start3A = arith.constant 0 : i32
      %dma_start3A_49 = tpu.memref_slice %arg15[%add3A_19, %dma_start3A] : memref<10240x128xf32, #tpu.memory_space<vmem_shared>> -> memref<128x128xf32, #tpu.memory_space<vmem_shared>>
      %dma_start3A_50 = arith.constant 0 : i32
      %dma_start3A_51 = tpu.memref_slice %arg15[%add3A_19, %dma_start3A_50] : memref<10240x128xf32, #tpu.memory_space<vmem_shared>> -> memref<128x128xf32, #tpu.memory_space<vmem_shared>>
      tpu.enqueue_dma source(%arg14 : memref<128x128xf32, #tpu.memory_space<vmem>>) target(%dma_start3A_51 : memref<128x128xf32, #tpu.memory_space<vmem_shared>>) target_semaphore(%run_scoped3A : memref<!tpu.dma_semaphore, #tpu.memory_space<semaphore_mem>>)
      %dma_wait3A = arith.constant 0 : i32
      %dma_wait3A_52 = tpu.memref_slice %arg15[%add3A_19, %dma_wait3A] : memref<10240x128xf32, #tpu.memory_space<vmem_shared>> -> memref<128x128xf32, #tpu.memory_space<vmem_shared>>
      %dma_wait3A_53 = arith.constant 0 : i32
      %dma_wait3A_54 = tpu.memref_slice %arg15[%add3A_19, %dma_wait3A_53] : memref<10240x128xf32, #tpu.memory_space<vmem_shared>> -> memref<128x128xf32, #tpu.memory_space<vmem_shared>>
      tpu.wait_dma2 semaphore(%run_scoped3A : memref<!tpu.dma_semaphore, #tpu.memory_space<semaphore_mem>>) src(%arg14 : memref<128x128xf32, #tpu.memory_space<vmem>>) dst(%dma_wait3A_54 : memref<128x128xf32, #tpu.memory_space<vmem_shared>>)
      tpu.yield
    }) : () -> ()
    %add3A_20 = arith.constant 512 : i32
    %add3A_21 = arith.addi %mul3A_12, %add3A_20 : i32
    "tpu.region"() ({
      %run_scoped3A = tpu.sem_alloc : memref<!tpu.dma_semaphore, #tpu.memory_space<semaphore_mem>>
      %dma_start3A = arith.constant 0 : i32
      %dma_start3A_49 = tpu.memref_slice %arg15[%add3A_21, %dma_start3A] : memref<10240x128xf32, #tpu.memory_space<vmem_shared>> -> memref<128x128xf32, #tpu.memory_space<vmem_shared>>
      %dma_start3A_50 = arith.constant 0 : i32
      %dma_start3A_51 = tpu.memref_slice %arg15[%add3A_21, %dma_start3A_50] : memref<10240x128xf32, #tpu.memory_space<vmem_shared>> -> memref<128x128xf32, #tpu.memory_space<vmem_shared>>
      tpu.enqueue_dma source(%arg14 : memref<128x128xf32, #tpu.memory_space<vmem>>) target(%dma_start3A_51 : memref<128x128xf32, #tpu.memory_space<vmem_shared>>) target_semaphore(%run_scoped3A : memref<!tpu.dma_semaphore, #tpu.memory_space<semaphore_mem>>)
      %dma_wait3A = arith.constant 0 : i32
      %dma_wait3A_52 = tpu.memref_slice %arg15[%add3A_21, %dma_wait3A] : memref<10240x128xf32, #tpu.memory_space<vmem_shared>> -> memref<128x128xf32, #tpu.memory_space<vmem_shared>>
      %dma_wait3A_53 = arith.constant 0 : i32
      %dma_wait3A_54 = tpu.memref_slice %arg15[%add3A_21, %dma_wait3A_53] : memref<10240x128xf32, #tpu.memory_space<vmem_shared>> -> memref<128x128xf32, #tpu.memory_space<vmem_shared>>
      tpu.wait_dma2 semaphore(%run_scoped3A : memref<!tpu.dma_semaphore, #tpu.memory_space<semaphore_mem>>) src(%arg14 : memref<128x128xf32, #tpu.memory_space<vmem>>) dst(%dma_wait3A_54 : memref<128x128xf32, #tpu.memory_space<vmem_shared>>)
      tpu.yield
    }) : () -> ()
    %mul3A_22 = arith.constant 1024 : i32
    %mul3A_23 = arith.muli %arg1, %mul3A_22 : i32
    %add3A_24 = arith.constant 0 : i32
    %add3A_25 = arith.addi %mul3A_23, %add3A_24 : i32
    "tpu.region"() ({
      %run_scoped3A = tpu.sem_alloc : memref<!tpu.dma_semaphore, #tpu.memory_space<semaphore_mem>>
      %dma_start3A = tpu.memref_slice %arg16[%add3A_25] : memref<16384xf32, #tpu.memory_space<vmem_shared>> -> memref<128xf32, #tpu.memory_space<vmem_shared>>
      %dma_start3A_49 = tpu.memref_slice %arg16[%add3A_25] : memref<16384xf32, #tpu.memory_space<vmem_shared>> -> memref<128xf32, #tpu.memory_space<vmem_shared>>
      tpu.enqueue_dma source(%arg13 : memref<128xf32, #tpu.memory_space<vmem>>) target(%dma_start3A_49 : memref<128xf32, #tpu.memory_space<vmem_shared>>) target_semaphore(%run_scoped3A : memref<!tpu.dma_semaphore, #tpu.memory_space<semaphore_mem>>)
      %dma_wait3A = tpu.memref_slice %arg16[%add3A_25] : memref<16384xf32, #tpu.memory_space<vmem_shared>> -> memref<128xf32, #tpu.memory_space<vmem_shared>>
      %dma_wait3A_50 = tpu.memref_slice %arg16[%add3A_25] : memref<16384xf32, #tpu.memory_space<vmem_shared>> -> memref<128xf32, #tpu.memory_space<vmem_shared>>
      tpu.wait_dma2 semaphore(%run_scoped3A : memref<!tpu.dma_semaphore, #tpu.memory_space<semaphore_mem>>) src(%arg13 : memref<128xf32, #tpu.memory_space<vmem>>) dst(%dma_wait3A_50 : memref<128xf32, #tpu.memory_space<vmem_shared>>)
      tpu.yield
    }) : () -> ()
    %add3A_26 = arith.constant 128 : i32
    %add3A_27 = arith.addi %mul3A_23, %add3A_26 : i32
    "tpu.region"() ({
      %run_scoped3A = tpu.sem_alloc : memref<!tpu.dma_semaphore, #tpu.memory_space<semaphore_mem>>
      %dma_start3A = tpu.memref_slice %arg16[%add3A_27] : memref<16384xf32, #tpu.memory_space<vmem_shared>> -> memref<128xf32, #tpu.memory_space<vmem_shared>>
      %dma_start3A_49 = tpu.memref_slice %arg16[%add3A_27] : memref<16384xf32, #tpu.memory_space<vmem_shared>> -> memref<128xf32, #tpu.memory_space<vmem_shared>>
      tpu.enqueue_dma source(%arg13 : memref<128xf32, #tpu.memory_space<vmem>>) target(%dma_start3A_49 : memref<128xf32, #tpu.memory_space<vmem_shared>>) target_semaphore(%run_scoped3A : memref<!tpu.dma_semaphore, #tpu.memory_space<semaphore_mem>>)
      %dma_wait3A = tpu.memref_slice %arg16[%add3A_27] : memref<16384xf32, #tpu.memory_space<vmem_shared>> -> memref<128xf32, #tpu.memory_space<vmem_shared>>
      %dma_wait3A_50 = tpu.memref_slice %arg16[%add3A_27] : memref<16384xf32, #tpu.memory_space<vmem_shared>> -> memref<128xf32, #tpu.memory_space<vmem_shared>>
      tpu.wait_dma2 semaphore(%run_scoped3A : memref<!tpu.dma_semaphore, #tpu.memory_space<semaphore_mem>>) src(%arg13 : memref<128xf32, #tpu.memory_space<vmem>>) dst(%dma_wait3A_50 : memref<128xf32, #tpu.memory_space<vmem_shared>>)
      tpu.yield
    }) : () -> ()
    %add3A_28 = arith.constant 256 : i32
    %add3A_29 = arith.addi %mul3A_23, %add3A_28 : i32
    "tpu.region"() ({
      %run_scoped3A = tpu.sem_alloc : memref<!tpu.dma_semaphore, #tpu.memory_space<semaphore_mem>>
      %dma_start3A = tpu.memref_slice %arg16[%add3A_29] : memref<16384xf32, #tpu.memory_space<vmem_shared>> -> memref<128xf32, #tpu.memory_space<vmem_shared>>
      %dma_start3A_49 = tpu.memref_slice %arg16[%add3A_29] : memref<16384xf32, #tpu.memory_space<vmem_shared>> -> memref<128xf32, #tpu.memory_space<vmem_shared>>
      tpu.enqueue_dma source(%arg13 : memref<128xf32, #tpu.memory_space<vmem>>) target(%dma_start3A_49 : memref<128xf32, #tpu.memory_space<vmem_shared>>) target_semaphore(%run_scoped3A : memref<!tpu.dma_semaphore, #tpu.memory_space<semaphore_mem>>)
      %dma_wait3A = tpu.memref_slice %arg16[%add3A_29] : memref<16384xf32, #tpu.memory_space<vmem_shared>> -> memref<128xf32, #tpu.memory_space<vmem_shared>>
      %dma_wait3A_50 = tpu.memref_slice %arg16[%add3A_29] : memref<16384xf32, #tpu.memory_space<vmem_shared>> -> memref<128xf32, #tpu.memory_space<vmem_shared>>
      tpu.wait_dma2 semaphore(%run_scoped3A : memref<!tpu.dma_semaphore, #tpu.memory_space<semaphore_mem>>) src(%arg13 : memref<128xf32, #tpu.memory_space<vmem>>) dst(%dma_wait3A_50 : memref<128xf32, #tpu.memory_space<vmem_shared>>)
      tpu.yield
    }) : () -> ()
    %add3A_30 = arith.constant 384 : i32
    %add3A_31 = arith.addi %mul3A_23, %add3A_30 : i32
    "tpu.region"() ({
      %run_scoped3A = tpu.sem_alloc : memref<!tpu.dma_semaphore, #tpu.memory_space<semaphore_mem>>
      %dma_start3A = tpu.memref_slice %arg16[%add3A_31] : memref<16384xf32, #tpu.memory_space<vmem_shared>> -> memref<128xf32, #tpu.memory_space<vmem_shared>>
      %dma_start3A_49 = tpu.memref_slice %arg16[%add3A_31] : memref<16384xf32, #tpu.memory_space<vmem_shared>> -> memref<128xf32, #tpu.memory_space<vmem_shared>>
      tpu.enqueue_dma source(%arg13 : memref<128xf32, #tpu.memory_space<vmem>>) target(%dma_start3A_49 : memref<128xf32, #tpu.memory_space<vmem_shared>>) target_semaphore(%run_scoped3A : memref<!tpu.dma_semaphore, #tpu.memory_space<semaphore_mem>>)
      %dma_wait3A = tpu.memref_slice %arg16[%add3A_31] : memref<16384xf32, #tpu.memory_space<vmem_shared>> -> memref<128xf32, #tpu.memory_space<vmem_shared>>
      %dma_wait3A_50 = tpu.memref_slice %arg16[%add3A_31] : memref<16384xf32, #tpu.memory_space<vmem_shared>> -> memref<128xf32, #tpu.memory_space<vmem_shared>>
      tpu.wait_dma2 semaphore(%run_scoped3A : memref<!tpu.dma_semaphore, #tpu.memory_space<semaphore_mem>>) src(%arg13 : memref<128xf32, #tpu.memory_space<vmem>>) dst(%dma_wait3A_50 : memref<128xf32, #tpu.memory_space<vmem_shared>>)
      tpu.yield
    }) : () -> ()
    %add3A_32 = arith.constant 512 : i32
    %add3A_33 = arith.addi %mul3A_23, %add3A_32 : i32
    "tpu.region"() ({
      %run_scoped3A = tpu.sem_alloc : memref<!tpu.dma_semaphore, #tpu.memory_space<semaphore_mem>>
      %dma_start3A = tpu.memref_slice %arg16[%add3A_33] : memref<16384xf32, #tpu.memory_space<vmem_shared>> -> memref<128xf32, #tpu.memory_space<vmem_shared>>
      %dma_start3A_49 = tpu.memref_slice %arg16[%add3A_33] : memref<16384xf32, #tpu.memory_space<vmem_shared>> -> memref<128xf32, #tpu.memory_space<vmem_shared>>
      tpu.enqueue_dma source(%arg13 : memref<128xf32, #tpu.memory_space<vmem>>) target(%dma_start3A_49 : memref<128xf32, #tpu.memory_space<vmem_shared>>) target_semaphore(%run_scoped3A : memref<!tpu.dma_semaphore, #tpu.memory_space<semaphore_mem>>)
      %dma_wait3A = tpu.memref_slice %arg16[%add3A_33] : memref<16384xf32, #tpu.memory_space<vmem_shared>> -> memref<128xf32, #tpu.memory_space<vmem_shared>>
      %dma_wait3A_50 = tpu.memref_slice %arg16[%add3A_33] : memref<16384xf32, #tpu.memory_space<vmem_shared>> -> memref<128xf32, #tpu.memory_space<vmem_shared>>
      tpu.wait_dma2 semaphore(%run_scoped3A : memref<!tpu.dma_semaphore, #tpu.memory_space<semaphore_mem>>) src(%arg13 : memref<128xf32, #tpu.memory_space<vmem>>) dst(%dma_wait3A_50 : memref<128xf32, #tpu.memory_space<vmem_shared>>)
      tpu.yield
    }) : () -> ()
    %add3A_34 = arith.constant 640 : i32
    %add3A_35 = arith.addi %mul3A_23, %add3A_34 : i32
    "tpu.region"() ({
      %run_scoped3A = tpu.sem_alloc : memref<!tpu.dma_semaphore, #tpu.memory_space<semaphore_mem>>
      %dma_start3A = tpu.memref_slice %arg16[%add3A_35] : memref<16384xf32, #tpu.memory_space<vmem_shared>> -> memref<128xf32, #tpu.memory_space<vmem_shared>>
      %dma_start3A_49 = tpu.memref_slice %arg16[%add3A_35] : memref<16384xf32, #tpu.memory_space<vmem_shared>> -> memref<128xf32, #tpu.memory_space<vmem_shared>>
      tpu.enqueue_dma source(%arg13 : memref<128xf32, #tpu.memory_space<vmem>>) target(%dma_start3A_49 : memref<128xf32, #tpu.memory_space<vmem_shared>>) target_semaphore(%run_scoped3A : memref<!tpu.dma_semaphore, #tpu.memory_space<semaphore_mem>>)
      %dma_wait3A = tpu.memref_slice %arg16[%add3A_35] : memref<16384xf32, #tpu.memory_space<vmem_shared>> -> memref<128xf32, #tpu.memory_space<vmem_shared>>
      %dma_wait3A_50 = tpu.memref_slice %arg16[%add3A_35] : memref<16384xf32, #tpu.memory_space<vmem_shared>> -> memref<128xf32, #tpu.memory_space<vmem_shared>>
      tpu.wait_dma2 semaphore(%run_scoped3A : memref<!tpu.dma_semaphore, #tpu.memory_space<semaphore_mem>>) src(%arg13 : memref<128xf32, #tpu.memory_space<vmem>>) dst(%dma_wait3A_50 : memref<128xf32, #tpu.memory_space<vmem_shared>>)
      tpu.yield
    }) : () -> ()
    %add3A_36 = arith.constant 768 : i32
    %add3A_37 = arith.addi %mul3A_23, %add3A_36 : i32
    "tpu.region"() ({
      %run_scoped3A = tpu.sem_alloc : memref<!tpu.dma_semaphore, #tpu.memory_space<semaphore_mem>>
      %dma_start3A = tpu.memref_slice %arg16[%add3A_37] : memref<16384xf32, #tpu.memory_space<vmem_shared>> -> memref<128xf32, #tpu.memory_space<vmem_shared>>
      %dma_start3A_49 = tpu.memref_slice %arg16[%add3A_37] : memref<16384xf32, #tpu.memory_space<vmem_shared>> -> memref<128xf32, #tpu.memory_space<vmem_shared>>
      tpu.enqueue_dma source(%arg13 : memref<128xf32, #tpu.memory_space<vmem>>) target(%dma_start3A_49 : memref<128xf32, #tpu.memory_space<vmem_shared>>) target_semaphore(%run_scoped3A : memref<!tpu.dma_semaphore, #tpu.memory_space<semaphore_mem>>)
      %dma_wait3A = tpu.memref_slice %arg16[%add3A_37] : memref<16384xf32, #tpu.memory_space<vmem_shared>> -> memref<128xf32, #tpu.memory_space<vmem_shared>>
      %dma_wait3A_50 = tpu.memref_slice %arg16[%add3A_37] : memref<16384xf32, #tpu.memory_space<vmem_shared>> -> memref<128xf32, #tpu.memory_space<vmem_shared>>
      tpu.wait_dma2 semaphore(%run_scoped3A : memref<!tpu.dma_semaphore, #tpu.memory_space<semaphore_mem>>) src(%arg13 : memref<128xf32, #tpu.memory_space<vmem>>) dst(%dma_wait3A_50 : memref<128xf32, #tpu.memory_space<vmem_shared>>)
      tpu.yield
    }) : () -> ()
    %add3A_38 = arith.constant 896 : i32
    %add3A_39 = arith.addi %mul3A_23, %add3A_38 : i32
    "tpu.region"() ({
      %run_scoped3A = tpu.sem_alloc : memref<!tpu.dma_semaphore, #tpu.memory_space<semaphore_mem>>
      %dma_start3A = tpu.memref_slice %arg16[%add3A_39] : memref<16384xf32, #tpu.memory_space<vmem_shared>> -> memref<128xf32, #tpu.memory_space<vmem_shared>>
      %dma_start3A_49 = tpu.memref_slice %arg16[%add3A_39] : memref<16384xf32, #tpu.memory_space<vmem_shared>> -> memref<128xf32, #tpu.memory_space<vmem_shared>>
      tpu.enqueue_dma source(%arg13 : memref<128xf32, #tpu.memory_space<vmem>>) target(%dma_start3A_49 : memref<128xf32, #tpu.memory_space<vmem_shared>>) target_semaphore(%run_scoped3A : memref<!tpu.dma_semaphore, #tpu.memory_space<semaphore_mem>>)
      %dma_wait3A = tpu.memref_slice %arg16[%add3A_39] : memref<16384xf32, #tpu.memory_space<vmem_shared>> -> memref<128xf32, #tpu.memory_space<vmem_shared>>
      %dma_wait3A_50 = tpu.memref_slice %arg16[%add3A_39] : memref<16384xf32, #tpu.memory_space<vmem_shared>> -> memref<128xf32, #tpu.memory_space<vmem_shared>>
      tpu.wait_dma2 semaphore(%run_scoped3A : memref<!tpu.dma_semaphore, #tpu.memory_space<semaphore_mem>>) src(%arg13 : memref<128xf32, #tpu.memory_space<vmem>>) dst(%dma_wait3A_50 : memref<128xf32, #tpu.memory_space<vmem_shared>>)
      tpu.yield
    }) : () -> ()
    "tpu.region"() ({
      %run_scoped3A = tpu.sem_alloc : memref<!tpu.dma_semaphore, #tpu.memory_space<semaphore_mem>>
      tpu.enqueue_dma source(%arg3 : memref<10240xf32, #tpu.memory_space<hbm>>) target(%arg9 : memref<10240xf32, #tpu.memory_space<vmem>>) target_semaphore(%run_scoped3A : memref<!tpu.dma_semaphore, #tpu.memory_space<semaphore_mem>>)
      tpu.wait_dma2 semaphore(%run_scoped3A : memref<!tpu.dma_semaphore, #tpu.memory_space<semaphore_mem>>) src(%arg3 : memref<10240xf32, #tpu.memory_space<hbm>>) dst(%arg9 : memref<10240xf32, #tpu.memory_space<vmem>>)
      tpu.yield
    }) : () -> ()
    "tpu.region"() ({
      %run_scoped3A = tpu.sem_alloc : memref<!tpu.dma_semaphore, #tpu.memory_space<semaphore_mem>>
      tpu.enqueue_dma source(%arg4 : memref<10240xf32, #tpu.memory_space<hbm>>) target(%arg10 : memref<10240xf32, #tpu.memory_space<vmem>>) target_semaphore(%run_scoped3A : memref<!tpu.dma_semaphore, #tpu.memory_space<semaphore_mem>>)
      tpu.wait_dma2 semaphore(%run_scoped3A : memref<!tpu.dma_semaphore, #tpu.memory_space<semaphore_mem>>) src(%arg4 : memref<10240xf32, #tpu.memory_space<hbm>>) dst(%arg10 : memref<10240xf32, #tpu.memory_space<vmem>>)
      tpu.yield
    }) : () -> ()
    %barrier3A = arith.constant 0 : index
    tpu.barrier barrier_id(%barrier3A)
    %mul3A_40 = arith.constant 20480 : i32
    %mul3A_41 = arith.muli %arg1, %mul3A_40 : i32
    %scan3A_42 = arith.constant 0 : i32
    %scan3A_43 = arith.constant 0 : i32
    %scan3A_44 = arith.constant 160 : i32
    %scan3A_45 = arith.addi %scan3A_43, %scan3A_44 : i32
    %scan3A_46 = arith.constant 1 : i32
    scf.for %scan3A_49 = %scan3A_43 to %scan3A_45 step %scan3A_46  : i32 {
      %mul3A_50 = arith.constant 128 : i32
      %mul3A_51 = arith.muli %scan3A_49, %mul3A_50 : i32
      %add3A_52 = arith.addi %mul3A_41, %mul3A_51 : i32
      "tpu.region"() ({
        %run_scoped3A = tpu.sem_alloc : memref<!tpu.dma_semaphore, #tpu.memory_space<semaphore_mem>>
        %dma_start3A_193 = tpu.memref_slice %arg5[%add3A_52] : memref<327680xi32, #tpu.memory_space<hbm>> -> memref<128xi32, #tpu.memory_space<hbm>>
        %dma_start3A_194 = tpu.memref_slice %arg5[%add3A_52] : memref<327680xi32, #tpu.memory_space<hbm>> -> memref<128xi32, #tpu.memory_space<hbm>>
        tpu.enqueue_dma source(%dma_start3A_194 : memref<128xi32, #tpu.memory_space<hbm>>) target(%arg11 : memref<128xi32, #tpu.memory_space<vmem>>) target_semaphore(%run_scoped3A : memref<!tpu.dma_semaphore, #tpu.memory_space<semaphore_mem>>)
        %dma_wait3A_195 = tpu.memref_slice %arg5[%add3A_52] : memref<327680xi32, #tpu.memory_space<hbm>> -> memref<128xi32, #tpu.memory_space<hbm>>
        %dma_wait3A_196 = tpu.memref_slice %arg5[%add3A_52] : memref<327680xi32, #tpu.memory_space<hbm>> -> memref<128xi32, #tpu.memory_space<hbm>>
        tpu.wait_dma2 semaphore(%run_scoped3A : memref<!tpu.dma_semaphore, #tpu.memory_space<semaphore_mem>>) src(%dma_wait3A_196 : memref<128xi32, #tpu.memory_space<hbm>>) dst(%arg11 : memref<128xi32, #tpu.memory_space<vmem>>)
        tpu.yield
      }) : () -> ()
      "tpu.region"() ({
        %run_scoped3A = tpu.sem_alloc : memref<!tpu.dma_semaphore, #tpu.memory_space<semaphore_mem>>
        %dma_start3A_193 = tpu.memref_slice %arg6[%add3A_52] : memref<327680xi32, #tpu.memory_space<hbm>> -> memref<128xi32, #tpu.memory_space<hbm>>
        %dma_start3A_194 = tpu.memref_slice %arg6[%add3A_52] : memref<327680xi32, #tpu.memory_space<hbm>> -> memref<128xi32, #tpu.memory_space<hbm>>
        tpu.enqueue_dma source(%dma_start3A_194 : memref<128xi32, #tpu.memory_space<hbm>>) target(%arg12 : memref<128xi32, #tpu.memory_space<vmem>>) target_semaphore(%run_scoped3A : memref<!tpu.dma_semaphore, #tpu.memory_space<semaphore_mem>>)
        %dma_wait3A_195 = tpu.memref_slice %arg6[%add3A_52] : memref<327680xi32, #tpu.memory_space<hbm>> -> memref<128xi32, #tpu.memory_space<hbm>>
        %dma_wait3A_196 = tpu.memref_slice %arg6[%add3A_52] : memref<327680xi32, #tpu.memory_space<hbm>> -> memref<128xi32, #tpu.memory_space<hbm>>
        tpu.wait_dma2 semaphore(%run_scoped3A : memref<!tpu.dma_semaphore, #tpu.memory_space<semaphore_mem>>) src(%dma_wait3A_196 : memref<128xi32, #tpu.memory_space<hbm>>) dst(%arg12 : memref<128xi32, #tpu.memory_space<vmem>>)
        tpu.yield
      }) : () -> ()
      %get3A = arith.constant 0 : index
      %get3A_53 = tpu.vector_load %arg11[%get3A] {strides = array<i32>} : memref<128xi32, #tpu.memory_space<vmem>>, vector<16xi32>,
      %get3A_54 = arith.constant 0 : index
      %get3A_55 = tpu.vector_load %arg12[%get3A_54] {strides = array<i32>} : memref<128xi32, #tpu.memory_space<vmem>>, vector<16xi32>,
      %gather3A = tpu.vector_load_idx %arg9[%get3A_53] : memref<10240xf32, #tpu.memory_space<vmem>>[vector<16xi32>], vector<16xf32>,
      %gather3A_56 = tpu.vector_load_idx %arg10[%get3A_55] : memref<10240xf32, #tpu.memory_space<vmem>>[vector<16xi32>], vector<16xf32>,
      %add3A_57 = arith.addf %gather3A, %gather3A_56 : vector<16xf32>
      %gt3A = arith.constant 0.000000e+00 : f32
      %gt3A_58 = vector.broadcast %gt3A : f32 to vector<16xf32>
      %gt3A_59 = arith.cmpf ogt, %add3A_57, %gt3A_58 : vector<16xf32>
      %mul3A_60 = arith.constant 2.000000e-01 : f32
      %mul3A_61 = vector.broadcast %mul3A_60 : f32 to vector<16xf32>
      %mul3A_62 = arith.mulf %mul3A_61, %add3A_57 : vector<16xf32>
      %select_n3A = arith.select %gt3A_59, %add3A_57, %mul3A_62 : vector<16xi1>, vector<16xf32>
      %exp3A = math.exp %select_n3A : vector<16xf32>
      %swap3A = arith.constant 0 : index
      %swap3A_63 = tpu.vector_load %arg13[%swap3A] {strides = array<i32>} : memref<128xf32, #tpu.memory_space<vmem>>, vector<16xf32>,
      tpu.vector_store %arg13[%swap3A], %exp3A {strides = array<i32>} : memref<128xf32, #tpu.memory_space<vmem>>, vector<16xf32>,
      %get3A_64 = arith.constant 16 : index
      %get3A_65 = tpu.vector_load %arg11[%get3A_64] {strides = array<i32>} : memref<128xi32, #tpu.memory_space<vmem>>, vector<16xi32>,
      %get3A_66 = arith.constant 16 : index
      %get3A_67 = tpu.vector_load %arg12[%get3A_66] {strides = array<i32>} : memref<128xi32, #tpu.memory_space<vmem>>, vector<16xi32>,
      %gather3A_68 = tpu.vector_load_idx %arg9[%get3A_65] : memref<10240xf32, #tpu.memory_space<vmem>>[vector<16xi32>], vector<16xf32>,
      %gather3A_69 = tpu.vector_load_idx %arg10[%get3A_67] : memref<10240xf32, #tpu.memory_space<vmem>>[vector<16xi32>], vector<16xf32>,
      %add3A_70 = arith.addf %gather3A_68, %gather3A_69 : vector<16xf32>
      %gt3A_71 = arith.constant 0.000000e+00 : f32
      %gt3A_72 = vector.broadcast %gt3A_71 : f32 to vector<16xf32>
      %gt3A_73 = arith.cmpf ogt, %add3A_70, %gt3A_72 : vector<16xf32>
      %mul3A_74 = arith.constant 2.000000e-01 : f32
      %mul3A_75 = vector.broadcast %mul3A_74 : f32 to vector<16xf32>
      %mul3A_76 = arith.mulf %mul3A_75, %add3A_70 : vector<16xf32>
      %select_n3A_77 = arith.select %gt3A_73, %add3A_70, %mul3A_76 : vector<16xi1>, vector<16xf32>
      %exp3A_78 = math.exp %select_n3A_77 : vector<16xf32>
      %swap3A_79 = arith.constant 16 : index
      %swap3A_80 = tpu.vector_load %arg13[%swap3A_79] {strides = array<i32>} : memref<128xf32, #tpu.memory_space<vmem>>, vector<16xf32>,
      tpu.vector_store %arg13[%swap3A_79], %exp3A_78 {strides = array<i32>} : memref<128xf32, #tpu.memory_space<vmem>>, vector<16xf32>,
      %get3A_81 = arith.constant 32 : index
      %get3A_82 = tpu.vector_load %arg11[%get3A_81] {strides = array<i32>} : memref<128xi32, #tpu.memory_space<vmem>>, vector<16xi32>,
      %get3A_83 = arith.constant 32 : index
      %get3A_84 = tpu.vector_load %arg12[%get3A_83] {strides = array<i32>} : memref<128xi32, #tpu.memory_space<vmem>>, vector<16xi32>,
      %gather3A_85 = tpu.vector_load_idx %arg9[%get3A_82] : memref<10240xf32, #tpu.memory_space<vmem>>[vector<16xi32>], vector<16xf32>,
      %gather3A_86 = tpu.vector_load_idx %arg10[%get3A_84] : memref<10240xf32, #tpu.memory_space<vmem>>[vector<16xi32>], vector<16xf32>,
      %add3A_87 = arith.addf %gather3A_85, %gather3A_86 : vector<16xf32>
      %gt3A_88 = arith.constant 0.000000e+00 : f32
      %gt3A_89 = vector.broadcast %gt3A_88 : f32 to vector<16xf32>
      %gt3A_90 = arith.cmpf ogt, %add3A_87, %gt3A_89 : vector<16xf32>
      %mul3A_91 = arith.constant 2.000000e-01 : f32
      %mul3A_92 = vector.broadcast %mul3A_91 : f32 to vector<16xf32>
      %mul3A_93 = arith.mulf %mul3A_92, %add3A_87 : vector<16xf32>
      %select_n3A_94 = arith.select %gt3A_90, %add3A_87, %mul3A_93 : vector<16xi1>, vector<16xf32>
      %exp3A_95 = math.exp %select_n3A_94 : vector<16xf32>
      %swap3A_96 = arith.constant 32 : index
      %swap3A_97 = tpu.vector_load %arg13[%swap3A_96] {strides = array<i32>} : memref<128xf32, #tpu.memory_space<vmem>>, vector<16xf32>,
      tpu.vector_store %arg13[%swap3A_96], %exp3A_95 {strides = array<i32>} : memref<128xf32, #tpu.memory_space<vmem>>, vector<16xf32>,
      %get3A_98 = arith.constant 48 : index
      %get3A_99 = tpu.vector_load %arg11[%get3A_98] {strides = array<i32>} : memref<128xi32, #tpu.memory_space<vmem>>, vector<16xi32>,
      %get3A_100 = arith.constant 48 : index
      %get3A_101 = tpu.vector_load %arg12[%get3A_100] {strides = array<i32>} : memref<128xi32, #tpu.memory_space<vmem>>, vector<16xi32>,
      %gather3A_102 = tpu.vector_load_idx %arg9[%get3A_99] : memref<10240xf32, #tpu.memory_space<vmem>>[vector<16xi32>], vector<16xf32>,
      %gather3A_103 = tpu.vector_load_idx %arg10[%get3A_101] : memref<10240xf32, #tpu.memory_space<vmem>>[vector<16xi32>], vector<16xf32>,
      %add3A_104 = arith.addf %gather3A_102, %gather3A_103 : vector<16xf32>
      %gt3A_105 = arith.constant 0.000000e+00 : f32
      %gt3A_106 = vector.broadcast %gt3A_105 : f32 to vector<16xf32>
      %gt3A_107 = arith.cmpf ogt, %add3A_104, %gt3A_106 : vector<16xf32>
      %mul3A_108 = arith.constant 2.000000e-01 : f32
      %mul3A_109 = vector.broadcast %mul3A_108 : f32 to vector<16xf32>
      %mul3A_110 = arith.mulf %mul3A_109, %add3A_104 : vector<16xf32>
      %select_n3A_111 = arith.select %gt3A_107, %add3A_104, %mul3A_110 : vector<16xi1>, vector<16xf32>
      %exp3A_112 = math.exp %select_n3A_111 : vector<16xf32>
      %swap3A_113 = arith.constant 48 : index
      %swap3A_114 = tpu.vector_load %arg13[%swap3A_113] {strides = array<i32>} : memref<128xf32, #tpu.memory_space<vmem>>, vector<16xf32>,
      tpu.vector_store %arg13[%swap3A_113], %exp3A_112 {strides = array<i32>} : memref<128xf32, #tpu.memory_space<vmem>>, vector<16xf32>,
      %get3A_115 = arith.constant 64 : index
      %get3A_116 = tpu.vector_load %arg11[%get3A_115] {strides = array<i32>} : memref<128xi32, #tpu.memory_space<vmem>>, vector<16xi32>,
      %get3A_117 = arith.constant 64 : index
      %get3A_118 = tpu.vector_load %arg12[%get3A_117] {strides = array<i32>} : memref<128xi32, #tpu.memory_space<vmem>>, vector<16xi32>,
      %gather3A_119 = tpu.vector_load_idx %arg9[%get3A_116] : memref<10240xf32, #tpu.memory_space<vmem>>[vector<16xi32>], vector<16xf32>,
      %gather3A_120 = tpu.vector_load_idx %arg10[%get3A_118] : memref<10240xf32, #tpu.memory_space<vmem>>[vector<16xi32>], vector<16xf32>,
      %add3A_121 = arith.addf %gather3A_119, %gather3A_120 : vector<16xf32>
      %gt3A_122 = arith.constant 0.000000e+00 : f32
      %gt3A_123 = vector.broadcast %gt3A_122 : f32 to vector<16xf32>
      %gt3A_124 = arith.cmpf ogt, %add3A_121, %gt3A_123 : vector<16xf32>
      %mul3A_125 = arith.constant 2.000000e-01 : f32
      %mul3A_126 = vector.broadcast %mul3A_125 : f32 to vector<16xf32>
      %mul3A_127 = arith.mulf %mul3A_126, %add3A_121 : vector<16xf32>
      %select_n3A_128 = arith.select %gt3A_124, %add3A_121, %mul3A_127 : vector<16xi1>, vector<16xf32>
      %exp3A_129 = math.exp %select_n3A_128 : vector<16xf32>
      %swap3A_130 = arith.constant 64 : index
      %swap3A_131 = tpu.vector_load %arg13[%swap3A_130] {strides = array<i32>} : memref<128xf32, #tpu.memory_space<vmem>>, vector<16xf32>,
      tpu.vector_store %arg13[%swap3A_130], %exp3A_129 {strides = array<i32>} : memref<128xf32, #tpu.memory_space<vmem>>, vector<16xf32>,
      %get3A_132 = arith.constant 80 : index
      %get3A_133 = tpu.vector_load %arg11[%get3A_132] {strides = array<i32>} : memref<128xi32, #tpu.memory_space<vmem>>, vector<16xi32>,
      %get3A_134 = arith.constant 80 : index
      %get3A_135 = tpu.vector_load %arg12[%get3A_134] {strides = array<i32>} : memref<128xi32, #tpu.memory_space<vmem>>, vector<16xi32>,
      %gather3A_136 = tpu.vector_load_idx %arg9[%get3A_133] : memref<10240xf32, #tpu.memory_space<vmem>>[vector<16xi32>], vector<16xf32>,
      %gather3A_137 = tpu.vector_load_idx %arg10[%get3A_135] : memref<10240xf32, #tpu.memory_space<vmem>>[vector<16xi32>], vector<16xf32>,
      %add3A_138 = arith.addf %gather3A_136, %gather3A_137 : vector<16xf32>
      %gt3A_139 = arith.constant 0.000000e+00 : f32
      %gt3A_140 = vector.broadcast %gt3A_139 : f32 to vector<16xf32>
      %gt3A_141 = arith.cmpf ogt, %add3A_138, %gt3A_140 : vector<16xf32>
      %mul3A_142 = arith.constant 2.000000e-01 : f32
      %mul3A_143 = vector.broadcast %mul3A_142 : f32 to vector<16xf32>
      %mul3A_144 = arith.mulf %mul3A_143, %add3A_138 : vector<16xf32>
      %select_n3A_145 = arith.select %gt3A_141, %add3A_138, %mul3A_144 : vector<16xi1>, vector<16xf32>
      %exp3A_146 = math.exp %select_n3A_145 : vector<16xf32>
      %swap3A_147 = arith.constant 80 : index
      %swap3A_148 = tpu.vector_load %arg13[%swap3A_147] {strides = array<i32>} : memref<128xf32, #tpu.memory_space<vmem>>, vector<16xf32>,
      tpu.vector_store %arg13[%swap3A_147], %exp3A_146 {strides = array<i32>} : memref<128xf32, #tpu.memory_space<vmem>>, vector<16xf32>,
      %get3A_149 = arith.constant 96 : index
      %get3A_150 = tpu.vector_load %arg11[%get3A_149] {strides = array<i32>} : memref<128xi32, #tpu.memory_space<vmem>>, vector<16xi32>,
      %get3A_151 = arith.constant 96 : index
      %get3A_152 = tpu.vector_load %arg12[%get3A_151] {strides = array<i32>} : memref<128xi32, #tpu.memory_space<vmem>>, vector<16xi32>,
      %gather3A_153 = tpu.vector_load_idx %arg9[%get3A_150] : memref<10240xf32, #tpu.memory_space<vmem>>[vector<16xi32>], vector<16xf32>,
      %gather3A_154 = tpu.vector_load_idx %arg10[%get3A_152] : memref<10240xf32, #tpu.memory_space<vmem>>[vector<16xi32>], vector<16xf32>,
      %add3A_155 = arith.addf %gather3A_153, %gather3A_154 : vector<16xf32>
      %gt3A_156 = arith.constant 0.000000e+00 : f32
      %gt3A_157 = vector.broadcast %gt3A_156 : f32 to vector<16xf32>
      %gt3A_158 = arith.cmpf ogt, %add3A_155, %gt3A_157 : vector<16xf32>
      %mul3A_159 = arith.constant 2.000000e-01 : f32
      %mul3A_160 = vector.broadcast %mul3A_159 : f32 to vector<16xf32>
      %mul3A_161 = arith.mulf %mul3A_160, %add3A_155 : vector<16xf32>
      %select_n3A_162 = arith.select %gt3A_158, %add3A_155, %mul3A_161 : vector<16xi1>, vector<16xf32>
      %exp3A_163 = math.exp %select_n3A_162 : vector<16xf32>
      %swap3A_164 = arith.constant 96 : index
      %swap3A_165 = tpu.vector_load %arg13[%swap3A_164] {strides = array<i32>} : memref<128xf32, #tpu.memory_space<vmem>>, vector<16xf32>,
      tpu.vector_store %arg13[%swap3A_164], %exp3A_163 {strides = array<i32>} : memref<128xf32, #tpu.memory_space<vmem>>, vector<16xf32>,
      %get3A_166 = arith.constant 112 : index
      %get3A_167 = tpu.vector_load %arg11[%get3A_166] {strides = array<i32>} : memref<128xi32, #tpu.memory_space<vmem>>, vector<16xi32>,
      %get3A_168 = arith.constant 112 : index
      %get3A_169 = tpu.vector_load %arg12[%get3A_168] {strides = array<i32>} : memref<128xi32, #tpu.memory_space<vmem>>, vector<16xi32>,
      %gather3A_170 = tpu.vector_load_idx %arg9[%get3A_167] : memref<10240xf32, #tpu.memory_space<vmem>>[vector<16xi32>], vector<16xf32>,
      %gather3A_171 = tpu.vector_load_idx %arg10[%get3A_169] : memref<10240xf32, #tpu.memory_space<vmem>>[vector<16xi32>], vector<16xf32>,
      %add3A_172 = arith.addf %gather3A_170, %gather3A_171 : vector<16xf32>
      %gt3A_173 = arith.constant 0.000000e+00 : f32
      %gt3A_174 = vector.broadcast %gt3A_173 : f32 to vector<16xf32>
      %gt3A_175 = arith.cmpf ogt, %add3A_172, %gt3A_174 : vector<16xf32>
      %mul3A_176 = arith.constant 2.000000e-01 : f32
      %mul3A_177 = vector.broadcast %mul3A_176 : f32 to vector<16xf32>
      %mul3A_178 = arith.mulf %mul3A_177, %add3A_172 : vector<16xf32>
      %select_n3A_179 = arith.select %gt3A_175, %add3A_172, %mul3A_178 : vector<16xi1>, vector<16xf32>
      %exp3A_180 = math.exp %select_n3A_179 : vector<16xf32>
      %swap3A_181 = arith.constant 112 : index
      %swap3A_182 = tpu.vector_load %arg13[%swap3A_181] {strides = array<i32>} : memref<128xf32, #tpu.memory_space<vmem>>, vector<16xf32>,
      tpu.vector_store %arg13[%swap3A_181], %exp3A_180 {strides = array<i32>} : memref<128xf32, #tpu.memory_space<vmem>>, vector<16xf32>,
      %dma_start3A = arith.constant 0 : i32
      %dma_start3A_183 = arith.constant 0 : i32
      %dma_start3A_184 = tpu.memref_slice %arg2[%dma_start3A, %dma_start3A_183] : memref<10240x128xf32, #tpu.memory_space<hbm>> -> memref<10240x128xf32, #tpu.memory_space<hbm>>
      tpu.enqueue_indirect_dma source(%dma_start3A_184 : memref<10240x128xf32, #tpu.memory_space<hbm>>) target(%arg14 : memref<128x128xf32, #tpu.memory_space<vmem>>) offsets(%arg11 : memref<128xi32, #tpu.memory_space<vmem>>) semaphore(%arg17 : memref<!tpu.dma_semaphore, #tpu.memory_space<semaphore_mem>>)
      %dma_wait3A = arith.constant 0 : i32
      %dma_wait3A_185 = arith.constant 0 : i32
      %dma_wait3A_186 = tpu.memref_slice %arg2[%dma_wait3A, %dma_wait3A_185] : memref<10240x128xf32, #tpu.memory_space<hbm>> -> memref<10240x128xf32, #tpu.memory_space<hbm>>
      tpu.wait_indirect_dma semaphore(%arg17 : memref<!tpu.dma_semaphore, #tpu.memory_space<semaphore_mem>>) src(%dma_wait3A_186 : memref<10240x128xf32, #tpu.memory_space<hbm>>) dst(%arg14 : memref<128x128xf32, #tpu.memory_space<vmem>>)
      %scan3A_187 = arith.constant 0 : i32
      %scan3A_188 = arith.constant 0 : i32
      %scan3A_189 = arith.constant 128 : i32
      %scan3A_190 = arith.addi %scan3A_188, %scan3A_189 : i32
      %scan3A_191 = arith.constant 1 : i32
      scf.for %scan3A_193 = %scan3A_188 to %scan3A_190 step %scan3A_191  : i32 {
        %broadcast_in_dim3A_194 = vector.broadcast %scan3A_193 : i32 to vector<16xi32>
        %gather3A_195 = tpu.vector_load_idx %arg13[%broadcast_in_dim3A_194] : memref<128xf32, #tpu.memory_space<vmem>>[vector<16xi32>], vector<16xf32>,
        %get3A_196 = arith.index_cast %scan3A_193 : i32 to index
        %get3A_197 = arith.constant 0 : index
        %get3A_198 = tpu.vector_load %arg14[%get3A_196, %get3A_197] {strides = array<i32>} : memref<128x128xf32, #tpu.memory_space<vmem>>, vector<16xf32>,
        %mul3A_199 = arith.mulf %get3A_198, %gather3A_195 : vector<16xf32>
        %swap3A_200 = arith.index_cast %scan3A_193 : i32 to index
        %swap3A_201 = arith.constant 0 : index
        %swap3A_202 = tpu.vector_load %arg14[%swap3A_200, %swap3A_201] {strides = array<i32>} : memref<128x128xf32, #tpu.memory_space<vmem>>, vector<16xf32>,
        tpu.vector_store %arg14[%swap3A_200, %swap3A_201], %mul3A_199 {strides = array<i32>} : memref<128x128xf32, #tpu.memory_space<vmem>>, vector<16xf32>,
        %get3A_203 = arith.index_cast %scan3A_193 : i32 to index
        %get3A_204 = arith.constant 16 : index
        %get3A_205 = tpu.vector_load %arg14[%get3A_203, %get3A_204] {strides = array<i32>} : memref<128x128xf32, #tpu.memory_space<vmem>>, vector<16xf32>,
        %mul3A_206 = arith.mulf %get3A_205, %gather3A_195 : vector<16xf32>
        %swap3A_207 = arith.index_cast %scan3A_193 : i32 to index
        %swap3A_208 = arith.constant 16 : index
        %swap3A_209 = tpu.vector_load %arg14[%swap3A_207, %swap3A_208] {strides = array<i32>} : memref<128x128xf32, #tpu.memory_space<vmem>>, vector<16xf32>,
        tpu.vector_store %arg14[%swap3A_207, %swap3A_208], %mul3A_206 {strides = array<i32>} : memref<128x128xf32, #tpu.memory_space<vmem>>, vector<16xf32>,
        %get3A_210 = arith.index_cast %scan3A_193 : i32 to index
        %get3A_211 = arith.constant 32 : index
        %get3A_212 = tpu.vector_load %arg14[%get3A_210, %get3A_211] {strides = array<i32>} : memref<128x128xf32, #tpu.memory_space<vmem>>, vector<16xf32>,
        %mul3A_213 = arith.mulf %get3A_212, %gather3A_195 : vector<16xf32>
        %swap3A_214 = arith.index_cast %scan3A_193 : i32 to index
        %swap3A_215 = arith.constant 32 : index
        %swap3A_216 = tpu.vector_load %arg14[%swap3A_214, %swap3A_215] {strides = array<i32>} : memref<128x128xf32, #tpu.memory_space<vmem>>, vector<16xf32>,
        tpu.vector_store %arg14[%swap3A_214, %swap3A_215], %mul3A_213 {strides = array<i32>} : memref<128x128xf32, #tpu.memory_space<vmem>>, vector<16xf32>,
        %get3A_217 = arith.index_cast %scan3A_193 : i32 to index
        %get3A_218 = arith.constant 48 : index
        %get3A_219 = tpu.vector_load %arg14[%get3A_217, %get3A_218] {strides = array<i32>} : memref<128x128xf32, #tpu.memory_space<vmem>>, vector<16xf32>,
        %mul3A_220 = arith.mulf %get3A_219, %gather3A_195 : vector<16xf32>
        %swap3A_221 = arith.index_cast %scan3A_193 : i32 to index
        %swap3A_222 = arith.constant 48 : index
        %swap3A_223 = tpu.vector_load %arg14[%swap3A_221, %swap3A_222] {strides = array<i32>} : memref<128x128xf32, #tpu.memory_space<vmem>>, vector<16xf32>,
        tpu.vector_store %arg14[%swap3A_221, %swap3A_222], %mul3A_220 {strides = array<i32>} : memref<128x128xf32, #tpu.memory_space<vmem>>, vector<16xf32>,
        %get3A_224 = arith.index_cast %scan3A_193 : i32 to index
        %get3A_225 = arith.constant 64 : index
        %get3A_226 = tpu.vector_load %arg14[%get3A_224, %get3A_225] {strides = array<i32>} : memref<128x128xf32, #tpu.memory_space<vmem>>, vector<16xf32>,
        %mul3A_227 = arith.mulf %get3A_226, %gather3A_195 : vector<16xf32>
        %swap3A_228 = arith.index_cast %scan3A_193 : i32 to index
        %swap3A_229 = arith.constant 64 : index
        %swap3A_230 = tpu.vector_load %arg14[%swap3A_228, %swap3A_229] {strides = array<i32>} : memref<128x128xf32, #tpu.memory_space<vmem>>, vector<16xf32>,
        tpu.vector_store %arg14[%swap3A_228, %swap3A_229], %mul3A_227 {strides = array<i32>} : memref<128x128xf32, #tpu.memory_space<vmem>>, vector<16xf32>,
        %get3A_231 = arith.index_cast %scan3A_193 : i32 to index
        %get3A_232 = arith.constant 80 : index
        %get3A_233 = tpu.vector_load %arg14[%get3A_231, %get3A_232] {strides = array<i32>} : memref<128x128xf32, #tpu.memory_space<vmem>>, vector<16xf32>,
        %mul3A_234 = arith.mulf %get3A_233, %gather3A_195 : vector<16xf32>
        %swap3A_235 = arith.index_cast %scan3A_193 : i32 to index
        %swap3A_236 = arith.constant 80 : index
        %swap3A_237 = tpu.vector_load %arg14[%swap3A_235, %swap3A_236] {strides = array<i32>} : memref<128x128xf32, #tpu.memory_space<vmem>>, vector<16xf32>,
        tpu.vector_store %arg14[%swap3A_235, %swap3A_236], %mul3A_234 {strides = array<i32>} : memref<128x128xf32, #tpu.memory_space<vmem>>, vector<16xf32>,
        %get3A_238 = arith.index_cast %scan3A_193 : i32 to index
        %get3A_239 = arith.constant 96 : index
        %get3A_240 = tpu.vector_load %arg14[%get3A_238, %get3A_239] {strides = array<i32>} : memref<128x128xf32, #tpu.memory_space<vmem>>, vector<16xf32>,
        %mul3A_241 = arith.mulf %get3A_240, %gather3A_195 : vector<16xf32>
        %swap3A_242 = arith.index_cast %scan3A_193 : i32 to index
        %swap3A_243 = arith.constant 96 : index
        %swap3A_244 = tpu.vector_load %arg14[%swap3A_242, %swap3A_243] {strides = array<i32>} : memref<128x128xf32, #tpu.memory_space<vmem>>, vector<16xf32>,
        tpu.vector_store %arg14[%swap3A_242, %swap3A_243], %mul3A_241 {strides = array<i32>} : memref<128x128xf32, #tpu.memory_space<vmem>>, vector<16xf32>,
        %get3A_245 = arith.index_cast %scan3A_193 : i32 to index
        %get3A_246 = arith.constant 112 : index
        %get3A_247 = tpu.vector_load %arg14[%get3A_245, %get3A_246] {strides = array<i32>} : memref<128x128xf32, #tpu.memory_space<vmem>>, vector<16xf32>,
        %mul3A_248 = arith.mulf %get3A_247, %gather3A_195 : vector<16xf32>
        %swap3A_249 = arith.index_cast %scan3A_193 : i32 to index
        %swap3A_250 = arith.constant 112 : index
        %swap3A_251 = tpu.vector_load %arg14[%swap3A_249, %swap3A_250] {strides = array<i32>} : memref<128x128xf32, #tpu.memory_space<vmem>>, vector<16xf32>,
        tpu.vector_store %arg14[%swap3A_249, %swap3A_250], %mul3A_248 {strides = array<i32>} : memref<128x128xf32, #tpu.memory_space<vmem>>, vector<16xf32>,
      }
      %scan3A_192 = arith.constant 128 : i32
      "tpu.region"() ({
        %run_scoped3A = tpu.sem_alloc : memref<!tpu.dma_semaphore, #tpu.memory_space<semaphore_mem>>
        %dma_start3A_193 = arith.constant 0 : i32
        %dma_start3A_194 = arith.constant 0 : i32
        %dma_start3A_195 = tpu.memref_slice %arg15[%dma_start3A_193, %dma_start3A_194] : memref<10240x128xf32, #tpu.memory_space<vmem_shared>> -> memref<10240x128xf32, #tpu.memory_space<vmem_shared>>
        tpu.enqueue_indirect_dma source(%arg14 : memref<128x128xf32, #tpu.memory_space<vmem>>) target(%dma_start3A_195 : memref<10240x128xf32, #tpu.memory_space<vmem_shared>>) offsets(%arg12 : memref<128xi32, #tpu.memory_space<vmem>>) semaphore(%run_scoped3A : memref<!tpu.dma_semaphore, #tpu.memory_space<semaphore_mem>>) {add = true}
        %dma_wait3A_196 = arith.constant 0 : i32
        %dma_wait3A_197 = arith.constant 0 : i32
        %dma_wait3A_198 = tpu.memref_slice %arg15[%dma_wait3A_196, %dma_wait3A_197] : memref<10240x128xf32, #tpu.memory_space<vmem_shared>> -> memref<10240x128xf32, #tpu.memory_space<vmem_shared>>
        tpu.wait_indirect_dma semaphore(%run_scoped3A : memref<!tpu.dma_semaphore, #tpu.memory_space<semaphore_mem>>) src(%arg14 : memref<128x128xf32, #tpu.memory_space<vmem>>) dst(%dma_wait3A_198 : memref<10240x128xf32, #tpu.memory_space<vmem_shared>>)
        tpu.yield
      }) : () -> ()
      "tpu.region"() ({
        %run_scoped3A = tpu.sem_alloc : memref<!tpu.dma_semaphore, #tpu.memory_space<semaphore_mem>>
        %dma_start3A_193 = arith.constant 0 : i32
        %dma_start3A_194 = tpu.memref_slice %arg16[%dma_start3A_193] : memref<16384xf32, #tpu.memory_space<vmem_shared>> -> memref<16384xf32, #tpu.memory_space<vmem_shared>>
        tpu.enqueue_indirect_dma source(%arg13 : memref<128xf32, #tpu.memory_space<vmem>>) target(%dma_start3A_194 : memref<16384xf32, #tpu.memory_space<vmem_shared>>) offsets(%arg12 : memref<128xi32, #tpu.memory_space<vmem>>) semaphore(%run_scoped3A : memref<!tpu.dma_semaphore, #tpu.memory_space<semaphore_mem>>) {add = true}
        %dma_wait3A_195 = arith.constant 0 : i32
        %dma_wait3A_196 = tpu.memref_slice %arg16[%dma_wait3A_195] : memref<16384xf32, #tpu.memory_space<vmem_shared>> -> memref<16384xf32, #tpu.memory_space<vmem_shared>>
        tpu.wait_indirect_dma semaphore(%run_scoped3A : memref<!tpu.dma_semaphore, #tpu.memory_space<semaphore_mem>>) src(%arg13 : memref<128xf32, #tpu.memory_space<vmem>>) dst(%dma_wait3A_196 : memref<16384xf32, #tpu.memory_space<vmem_shared>>)
        tpu.yield
      }) : () -> ()
    }
    %scan3A_47 = arith.constant 160 : i32
    %barrier3A_48 = arith.constant 0 : index
    tpu.barrier barrier_id(%barrier3A_48)
    "tpu.region"() ({
      %run_scoped3A = tpu.sem_alloc : memref<!tpu.dma_semaphore, #tpu.memory_space<semaphore_mem>>
      %dma_start3A = arith.constant 0 : i32
      %dma_start3A_49 = tpu.memref_slice %arg7[%mul3A_12, %dma_start3A] : memref<10240x128xf32, #tpu.memory_space<hbm>> -> memref<640x128xf32, #tpu.memory_space<hbm>>
      %dma_start3A_50 = arith.constant 0 : i32
      %dma_start3A_51 = tpu.memref_slice %arg15[%mul3A_12, %dma_start3A_50] : memref<10240x128xf32, #tpu.memory_space<vmem_shared>> -> memref<640x128xf32, #tpu.memory_space<vmem_shared>>
      tpu.enqueue_dma source(%dma_start3A_51 : memref<640x128xf32, #tpu.memory_space<vmem_shared>>) target(%dma_start3A_49 : memref<640x128xf32, #tpu.memory_space<hbm>>) target_semaphore(%run_scoped3A : memref<!tpu.dma_semaphore, #tpu.memory_space<semaphore_mem>>)
      %dma_wait3A = arith.constant 0 : i32
      %dma_wait3A_52 = tpu.memref_slice %arg7[%mul3A_12, %dma_wait3A] : memref<10240x128xf32, #tpu.memory_space<hbm>> -> memref<640x128xf32, #tpu.memory_space<hbm>>
      %dma_wait3A_53 = arith.constant 0 : i32
      %dma_wait3A_54 = tpu.memref_slice %arg15[%mul3A_12, %dma_wait3A_53] : memref<10240x128xf32, #tpu.memory_space<vmem_shared>> -> memref<640x128xf32, #tpu.memory_space<vmem_shared>>
      tpu.wait_dma2 semaphore(%run_scoped3A : memref<!tpu.dma_semaphore, #tpu.memory_space<semaphore_mem>>) src(%dma_wait3A_54 : memref<640x128xf32, #tpu.memory_space<vmem_shared>>) dst(%dma_wait3A_52 : memref<640x128xf32, #tpu.memory_space<hbm>>)
      tpu.yield
    }) : () -> ()
    "tpu.region"() ({
      %run_scoped3A = tpu.sem_alloc : memref<!tpu.dma_semaphore, #tpu.memory_space<semaphore_mem>>
      %dma_start3A = tpu.memref_slice %arg8[%mul3A_23] : memref<16384xf32, #tpu.memory_space<hbm>> -> memref<1024xf32, #tpu.memory_space<hbm>>
      %dma_start3A_49 = tpu.memref_slice %arg16[%mul3A_23] : memref<16384xf32, #tpu.memory_space<vmem_shared>> -> memref<1024xf32, #tpu.memory_space<vmem_shared>>
      tpu.enqueue_dma source(%dma_start3A_49 : memref<1024xf32, #tpu.memory_space<vmem_shared>>) target(%dma_start3A : memref<1024xf32, #tpu.memory_space<hbm>>) target_semaphore(%run_scoped3A : memref<!tpu.dma_semaphore, #tpu.memory_space<semaphore_mem>>)
      %dma_wait3A = tpu.memref_slice %arg8[%mul3A_23] : memref<16384xf32, #tpu.memory_space<hbm>> -> memref<1024xf32, #tpu.memory_space<hbm>>
      %dma_wait3A_50 = tpu.memref_slice %arg16[%mul3A_23] : memref<16384xf32, #tpu.memory_space<vmem_shared>> -> memref<1024xf32, #tpu.memory_space<vmem_shared>>
      tpu.wait_dma2 semaphore(%run_scoped3A : memref<!tpu.dma_semaphore, #tpu.memory_space<semaphore_mem>>) src(%dma_wait3A_50 : memref<1024xf32, #tpu.memory_space<vmem_shared>>) dst(%dma_wait3A : memref<1024xf32, #tpu.memory_space<hbm>>)
      tpu.yield
    }) : () -> ()
    return
  }
}

#map = affine_map<(d0, d1) -> (0, 0)>
#map1 = affine_map<(d0, d1) -> (0)>
module attributes {stable_mosaic.version = 14 : i64} {
  func.func @_fin(%arg0: i32, %arg1: i32, %arg2: memref<10240x128xf32, #tpu.memory_space<hbm>>, %arg3: memref<16384xf32, #tpu.memory_space<hbm>>, %arg4: memref<128xf32, #tpu.memory_space<hbm>>, %arg5: memref<10240x128xf32, #tpu.memory_space<hbm>>, %arg6: memref<128x128xf32, #tpu.memory_space<vmem>>, %arg7: memref<16384xf32, #tpu.memory_space<vmem>>, %arg8: memref<128xf32, #tpu.memory_space<vmem>>) attributes {dimension_semantics = [#tpu.dimension_semantics<core_parallel>, #tpu.dimension_semantics<subcore_parallel>], iteration_bounds = array<i64: 2, 16>, scalar_prefetch = 0 : i64, scratch_operands = 3 : i64, tpu.core_type = #tpu.core_type<sc_vector_subcore>, window_params = [{transform_indices = #map}, {transform_indices = #map1}, {transform_indices = #map1}, {transform_indices = #map}]} {
    %mul3A = arith.constant 2 : i32
    %mul3A_0 = arith.muli %arg1, %mul3A : i32
    %add3A = arith.addi %mul3A_0, %arg0 : i32
    "tpu.region"() ({
      %run_scoped3A = tpu.sem_alloc : memref<!tpu.dma_semaphore, #tpu.memory_space<semaphore_mem>>
      tpu.enqueue_dma source(%arg4 : memref<128xf32, #tpu.memory_space<hbm>>) target(%arg8 : memref<128xf32, #tpu.memory_space<vmem>>) target_semaphore(%run_scoped3A : memref<!tpu.dma_semaphore, #tpu.memory_space<semaphore_mem>>)
      tpu.wait_dma2 semaphore(%run_scoped3A : memref<!tpu.dma_semaphore, #tpu.memory_space<semaphore_mem>>) src(%arg4 : memref<128xf32, #tpu.memory_space<hbm>>) dst(%arg8 : memref<128xf32, #tpu.memory_space<vmem>>)
      tpu.yield
    }) : () -> ()
    "tpu.region"() ({
      %run_scoped3A = tpu.sem_alloc : memref<!tpu.dma_semaphore, #tpu.memory_space<semaphore_mem>>
      tpu.enqueue_dma source(%arg3 : memref<16384xf32, #tpu.memory_space<hbm>>) target(%arg7 : memref<16384xf32, #tpu.memory_space<vmem>>) target_semaphore(%run_scoped3A : memref<!tpu.dma_semaphore, #tpu.memory_space<semaphore_mem>>)
      tpu.wait_dma2 semaphore(%run_scoped3A : memref<!tpu.dma_semaphore, #tpu.memory_space<semaphore_mem>>) src(%arg3 : memref<16384xf32, #tpu.memory_space<hbm>>) dst(%arg7 : memref<16384xf32, #tpu.memory_space<vmem>>)
      tpu.yield
    }) : () -> ()
    %scan3A = arith.constant 0 : i32
    %scan3A_1 = arith.constant 0 : i32
    %scan3A_2 = arith.constant 1024 : i32
    %scan3A_3 = arith.addi %scan3A_1, %scan3A_2 : i32
    %scan3A_4 = arith.constant 1 : i32
    scf.for %scan3A_12 = %scan3A_1 to %scan3A_3 step %scan3A_4  : i32 {
      %mul3A_13 = arith.constant 16 : i32
      %mul3A_14 = arith.muli %mul3A_13, %scan3A_12 : i32
      %get3A = arith.index_cast %mul3A_14 : i32 to index
      %get3A_15 = tpu.vector_load %arg7[%get3A] {strides = array<i32>} : memref<16384xf32, #tpu.memory_space<vmem>>, vector<16xf32>,
      %add3A_16 = arith.constant 9.99999971E-10 : f32
      %add3A_17 = vector.broadcast %add3A_16 : f32 to vector<16xf32>
      %add3A_18 = arith.addf %get3A_15, %add3A_17 : vector<16xf32>
      %swap3A = arith.index_cast %mul3A_14 : i32 to index
      %swap3A_19 = tpu.vector_load %arg7[%swap3A] {strides = array<i32>} : memref<16384xf32, #tpu.memory_space<vmem>>, vector<16xf32>,
      tpu.vector_store %arg7[%swap3A], %add3A_18 {strides = array<i32>} : memref<16384xf32, #tpu.memory_space<vmem>>, vector<16xf32>,
    }
    %scan3A_5 = arith.constant 1024 : i32
    %scan3A_6 = arith.constant 0 : i32
    %scan3A_7 = arith.constant 0 : i32
    %scan3A_8 = arith.constant 3 : i32
    %scan3A_9 = arith.addi %scan3A_7, %scan3A_8 : i32
    %scan3A_10 = arith.constant 1 : i32
    scf.for %scan3A_12 = %scan3A_7 to %scan3A_9 step %scan3A_10  : i32 {
      %mul3A_13 = arith.constant 32 : i32
      %mul3A_14 = arith.muli %mul3A_13, %scan3A_12 : i32
      %add3A_15 = arith.addi %add3A, %mul3A_14 : i32
      %lt3A = arith.constant 80 : i32
      %lt3A_16 = arith.cmpi slt, %add3A_15, %lt3A : i32
      %convert_element_type3A = arith.extui %lt3A_16 : i1 to i32
      %cond3A = arith.constant 0 : i32
      %cond3A_17 = arith.cmpi ne, %convert_element_type3A, %cond3A : i32
      scf.if %cond3A_17 {
        %mul3A_18 = arith.constant 128 : i32
        %mul3A_19 = arith.muli %add3A_15, %mul3A_18 : i32
        "tpu.region"() ({
          %run_scoped3A = tpu.sem_alloc : memref<!tpu.dma_semaphore, #tpu.memory_space<semaphore_mem>>
          %dma_start3A = arith.constant 0 : i32
          %dma_start3A_26 = tpu.memref_slice %arg2[%mul3A_19, %dma_start3A] : memref<10240x128xf32, #tpu.memory_space<hbm>> -> memref<128x128xf32, #tpu.memory_space<hbm>>
          %dma_start3A_27 = arith.constant 0 : i32
          %dma_start3A_28 = tpu.memref_slice %arg2[%mul3A_19, %dma_start3A_27] : memref<10240x128xf32, #tpu.memory_space<hbm>> -> memref<128x128xf32, #tpu.memory_space<hbm>>
          tpu.enqueue_dma source(%dma_start3A_28 : memref<128x128xf32, #tpu.memory_space<hbm>>) target(%arg6 : memref<128x128xf32, #tpu.memory_space<vmem>>) target_semaphore(%run_scoped3A : memref<!tpu.dma_semaphore, #tpu.memory_space<semaphore_mem>>)
          %dma_wait3A = arith.constant 0 : i32
          %dma_wait3A_29 = tpu.memref_slice %arg2[%mul3A_19, %dma_wait3A] : memref<10240x128xf32, #tpu.memory_space<hbm>> -> memref<128x128xf32, #tpu.memory_space<hbm>>
          %dma_wait3A_30 = arith.constant 0 : i32
          %dma_wait3A_31 = tpu.memref_slice %arg2[%mul3A_19, %dma_wait3A_30] : memref<10240x128xf32, #tpu.memory_space<hbm>> -> memref<128x128xf32, #tpu.memory_space<hbm>>
          tpu.wait_dma2 semaphore(%run_scoped3A : memref<!tpu.dma_semaphore, #tpu.memory_space<semaphore_mem>>) src(%dma_wait3A_31 : memref<128x128xf32, #tpu.memory_space<hbm>>) dst(%arg6 : memref<128x128xf32, #tpu.memory_space<vmem>>)
          tpu.yield
        }) : () -> ()
        %scan3A_20 = arith.constant 0 : i32
        %scan3A_21 = arith.constant 0 : i32
        %scan3A_22 = arith.constant 128 : i32
        %scan3A_23 = arith.addi %scan3A_21, %scan3A_22 : i32
        %scan3A_24 = arith.constant 1 : i32
        scf.for %scan3A_26 = %scan3A_21 to %scan3A_23 step %scan3A_24  : i32 {
          %add3A_27 = arith.addi %mul3A_19, %scan3A_26 : i32
          %broadcast_in_dim3A = vector.broadcast %add3A_27 : i32 to vector<16xi32>
          %gather3A = tpu.vector_load_idx %arg7[%broadcast_in_dim3A] : memref<16384xf32, #tpu.memory_space<vmem>>[vector<16xi32>], vector<16xf32>,
          %get3A = arith.index_cast %scan3A_26 : i32 to index
          %get3A_28 = arith.constant 0 : index
          %get3A_29 = tpu.vector_load %arg6[%get3A, %get3A_28] {strides = array<i32>} : memref<128x128xf32, #tpu.memory_space<vmem>>, vector<16xf32>,
          %div3A = arith.divf %get3A_29, %gather3A : vector<16xf32>
          %get3A_30 = arith.constant 0 : index
          %get3A_31 = tpu.vector_load %arg8[%get3A_30] {strides = array<i32>} : memref<128xf32, #tpu.memory_space<vmem>>, vector<16xf32>,
          %add3A_32 = arith.addf %div3A, %get3A_31 : vector<16xf32>
          %swap3A = arith.index_cast %scan3A_26 : i32 to index
          %swap3A_33 = arith.constant 0 : index
          %swap3A_34 = tpu.vector_load %arg6[%swap3A, %swap3A_33] {strides = array<i32>} : memref<128x128xf32, #tpu.memory_space<vmem>>, vector<16xf32>,
          tpu.vector_store %arg6[%swap3A, %swap3A_33], %add3A_32 {strides = array<i32>} : memref<128x128xf32, #tpu.memory_space<vmem>>, vector<16xf32>,
          %get3A_35 = arith.index_cast %scan3A_26 : i32 to index
          %get3A_36 = arith.constant 16 : index
          %get3A_37 = tpu.vector_load %arg6[%get3A_35, %get3A_36] {strides = array<i32>} : memref<128x128xf32, #tpu.memory_space<vmem>>, vector<16xf32>,
          %div3A_38 = arith.divf %get3A_37, %gather3A : vector<16xf32>
          %get3A_39 = arith.constant 16 : index
          %get3A_40 = tpu.vector_load %arg8[%get3A_39] {strides = array<i32>} : memref<128xf32, #tpu.memory_space<vmem>>, vector<16xf32>,
          %add3A_41 = arith.addf %div3A_38, %get3A_40 : vector<16xf32>
          %swap3A_42 = arith.index_cast %scan3A_26 : i32 to index
          %swap3A_43 = arith.constant 16 : index
          %swap3A_44 = tpu.vector_load %arg6[%swap3A_42, %swap3A_43] {strides = array<i32>} : memref<128x128xf32, #tpu.memory_space<vmem>>, vector<16xf32>,
          tpu.vector_store %arg6[%swap3A_42, %swap3A_43], %add3A_41 {strides = array<i32>} : memref<128x128xf32, #tpu.memory_space<vmem>>, vector<16xf32>,
          %get3A_45 = arith.index_cast %scan3A_26 : i32 to index
          %get3A_46 = arith.constant 32 : index
          %get3A_47 = tpu.vector_load %arg6[%get3A_45, %get3A_46] {strides = array<i32>} : memref<128x128xf32, #tpu.memory_space<vmem>>, vector<16xf32>,
          %div3A_48 = arith.divf %get3A_47, %gather3A : vector<16xf32>
          %get3A_49 = arith.constant 32 : index
          %get3A_50 = tpu.vector_load %arg8[%get3A_49] {strides = array<i32>} : memref<128xf32, #tpu.memory_space<vmem>>, vector<16xf32>,
          %add3A_51 = arith.addf %div3A_48, %get3A_50 : vector<16xf32>
          %swap3A_52 = arith.index_cast %scan3A_26 : i32 to index
          %swap3A_53 = arith.constant 32 : index
          %swap3A_54 = tpu.vector_load %arg6[%swap3A_52, %swap3A_53] {strides = array<i32>} : memref<128x128xf32, #tpu.memory_space<vmem>>, vector<16xf32>,
          tpu.vector_store %arg6[%swap3A_52, %swap3A_53], %add3A_51 {strides = array<i32>} : memref<128x128xf32, #tpu.memory_space<vmem>>, vector<16xf32>,
          %get3A_55 = arith.index_cast %scan3A_26 : i32 to index
          %get3A_56 = arith.constant 48 : index
          %get3A_57 = tpu.vector_load %arg6[%get3A_55, %get3A_56] {strides = array<i32>} : memref<128x128xf32, #tpu.memory_space<vmem>>, vector<16xf32>,
          %div3A_58 = arith.divf %get3A_57, %gather3A : vector<16xf32>
          %get3A_59 = arith.constant 48 : index
          %get3A_60 = tpu.vector_load %arg8[%get3A_59] {strides = array<i32>} : memref<128xf32, #tpu.memory_space<vmem>>, vector<16xf32>,
          %add3A_61 = arith.addf %div3A_58, %get3A_60 : vector<16xf32>
          %swap3A_62 = arith.index_cast %scan3A_26 : i32 to index
          %swap3A_63 = arith.constant 48 : index
          %swap3A_64 = tpu.vector_load %arg6[%swap3A_62, %swap3A_63] {strides = array<i32>} : memref<128x128xf32, #tpu.memory_space<vmem>>, vector<16xf32>,
          tpu.vector_store %arg6[%swap3A_62, %swap3A_63], %add3A_61 {strides = array<i32>} : memref<128x128xf32, #tpu.memory_space<vmem>>, vector<16xf32>,
          %get3A_65 = arith.index_cast %scan3A_26 : i32 to index
          %get3A_66 = arith.constant 64 : index
          %get3A_67 = tpu.vector_load %arg6[%get3A_65, %get3A_66] {strides = array<i32>} : memref<128x128xf32, #tpu.memory_space<vmem>>, vector<16xf32>,
          %div3A_68 = arith.divf %get3A_67, %gather3A : vector<16xf32>
          %get3A_69 = arith.constant 64 : index
          %get3A_70 = tpu.vector_load %arg8[%get3A_69] {strides = array<i32>} : memref<128xf32, #tpu.memory_space<vmem>>, vector<16xf32>,
          %add3A_71 = arith.addf %div3A_68, %get3A_70 : vector<16xf32>
          %swap3A_72 = arith.index_cast %scan3A_26 : i32 to index
          %swap3A_73 = arith.constant 64 : index
          %swap3A_74 = tpu.vector_load %arg6[%swap3A_72, %swap3A_73] {strides = array<i32>} : memref<128x128xf32, #tpu.memory_space<vmem>>, vector<16xf32>,
          tpu.vector_store %arg6[%swap3A_72, %swap3A_73], %add3A_71 {strides = array<i32>} : memref<128x128xf32, #tpu.memory_space<vmem>>, vector<16xf32>,
          %get3A_75 = arith.index_cast %scan3A_26 : i32 to index
          %get3A_76 = arith.constant 80 : index
          %get3A_77 = tpu.vector_load %arg6[%get3A_75, %get3A_76] {strides = array<i32>} : memref<128x128xf32, #tpu.memory_space<vmem>>, vector<16xf32>,
          %div3A_78 = arith.divf %get3A_77, %gather3A : vector<16xf32>
          %get3A_79 = arith.constant 80 : index
          %get3A_80 = tpu.vector_load %arg8[%get3A_79] {strides = array<i32>} : memref<128xf32, #tpu.memory_space<vmem>>, vector<16xf32>,
          %add3A_81 = arith.addf %div3A_78, %get3A_80 : vector<16xf32>
          %swap3A_82 = arith.index_cast %scan3A_26 : i32 to index
          %swap3A_83 = arith.constant 80 : index
          %swap3A_84 = tpu.vector_load %arg6[%swap3A_82, %swap3A_83] {strides = array<i32>} : memref<128x128xf32, #tpu.memory_space<vmem>>, vector<16xf32>,
          tpu.vector_store %arg6[%swap3A_82, %swap3A_83], %add3A_81 {strides = array<i32>} : memref<128x128xf32, #tpu.memory_space<vmem>>, vector<16xf32>,
          %get3A_85 = arith.index_cast %scan3A_26 : i32 to index
          %get3A_86 = arith.constant 96 : index
          %get3A_87 = tpu.vector_load %arg6[%get3A_85, %get3A_86] {strides = array<i32>} : memref<128x128xf32, #tpu.memory_space<vmem>>, vector<16xf32>,
          %div3A_88 = arith.divf %get3A_87, %gather3A : vector<16xf32>
          %get3A_89 = arith.constant 96 : index
          %get3A_90 = tpu.vector_load %arg8[%get3A_89] {strides = array<i32>} : memref<128xf32, #tpu.memory_space<vmem>>, vector<16xf32>,
          %add3A_91 = arith.addf %div3A_88, %get3A_90 : vector<16xf32>
          %swap3A_92 = arith.index_cast %scan3A_26 : i32 to index
          %swap3A_93 = arith.constant 96 : index
          %swap3A_94 = tpu.vector_load %arg6[%swap3A_92, %swap3A_93] {strides = array<i32>} : memref<128x128xf32, #tpu.memory_space<vmem>>, vector<16xf32>,
          tpu.vector_store %arg6[%swap3A_92, %swap3A_93], %add3A_91 {strides = array<i32>} : memref<128x128xf32, #tpu.memory_space<vmem>>, vector<16xf32>,
          %get3A_95 = arith.index_cast %scan3A_26 : i32 to index
          %get3A_96 = arith.constant 112 : index
          %get3A_97 = tpu.vector_load %arg6[%get3A_95, %get3A_96] {strides = array<i32>} : memref<128x128xf32, #tpu.memory_space<vmem>>, vector<16xf32>,
          %div3A_98 = arith.divf %get3A_97, %gather3A : vector<16xf32>
          %get3A_99 = arith.constant 112 : index
          %get3A_100 = tpu.vector_load %arg8[%get3A_99] {strides = array<i32>} : memref<128xf32, #tpu.memory_space<vmem>>, vector<16xf32>,
          %add3A_101 = arith.addf %div3A_98, %get3A_100 : vector<16xf32>
          %swap3A_102 = arith.index_cast %scan3A_26 : i32 to index
          %swap3A_103 = arith.constant 112 : index
          %swap3A_104 = tpu.vector_load %arg6[%swap3A_102, %swap3A_103] {strides = array<i32>} : memref<128x128xf32, #tpu.memory_space<vmem>>, vector<16xf32>,
          tpu.vector_store %arg6[%swap3A_102, %swap3A_103], %add3A_101 {strides = array<i32>} : memref<128x128xf32, #tpu.memory_space<vmem>>, vector<16xf32>,
        }
        %scan3A_25 = arith.constant 128 : i32
        "tpu.region"() ({
          %run_scoped3A = tpu.sem_alloc : memref<!tpu.dma_semaphore, #tpu.memory_space<semaphore_mem>>
          %dma_start3A = arith.constant 0 : i32
          %dma_start3A_26 = tpu.memref_slice %arg5[%mul3A_19, %dma_start3A] : memref<10240x128xf32, #tpu.memory_space<hbm>> -> memref<128x128xf32, #tpu.memory_space<hbm>>
          %dma_start3A_27 = arith.constant 0 : i32
          %dma_start3A_28 = tpu.memref_slice %arg5[%mul3A_19, %dma_start3A_27] : memref<10240x128xf32, #tpu.memory_space<hbm>> -> memref<128x128xf32, #tpu.memory_space<hbm>>
          tpu.enqueue_dma source(%arg6 : memref<128x128xf32, #tpu.memory_space<vmem>>) target(%dma_start3A_28 : memref<128x128xf32, #tpu.memory_space<hbm>>) target_semaphore(%run_scoped3A : memref<!tpu.dma_semaphore, #tpu.memory_space<semaphore_mem>>)
          %dma_wait3A = arith.constant 0 : i32
          %dma_wait3A_29 = tpu.memref_slice %arg5[%mul3A_19, %dma_wait3A] : memref<10240x128xf32, #tpu.memory_space<hbm>> -> memref<128x128xf32, #tpu.memory_space<hbm>>
          %dma_wait3A_30 = arith.constant 0 : i32
          %dma_wait3A_31 = tpu.memref_slice %arg5[%mul3A_19, %dma_wait3A_30] : memref<10240x128xf32, #tpu.memory_space<hbm>> -> memref<128x128xf32, #tpu.memory_space<hbm>>
          tpu.wait_dma2 semaphore(%run_scoped3A : memref<!tpu.dma_semaphore, #tpu.memory_space<semaphore_mem>>) src(%arg6 : memref<128x128xf32, #tpu.memory_space<vmem>>) dst(%dma_wait3A_31 : memref<128x128xf32, #tpu.memory_space<hbm>>)
          tpu.yield
        }) : () -> ()
      } else {
      }
    }
    %scan3A_11 = arith.constant 3 : i32
    return
  }
}

#map = affine_map<(d0, d1) -> (0, 0)>
#map1 = affine_map<(d0, d1) -> (0)>
module attributes {stable_mosaic.version = 14 : i64} {
  func.func @_edge(%arg0: i32, %arg1: i32, %arg2: memref<10240x128xf32, #tpu.memory_space<hbm>>, %arg3: memref<10240xf32, #tpu.memory_space<hbm>>, %arg4: memref<10240xf32, #tpu.memory_space<hbm>>, %arg5: memref<327680xi32, #tpu.memory_space<hbm>>, %arg6: memref<327680xi32, #tpu.memory_space<hbm>>, %arg7: memref<10240x128xf32, #tpu.memory_space<hbm>>, %arg8: memref<16384xf32, #tpu.memory_space<hbm>>, %arg9: memref<10240xf32, #tpu.memory_space<vmem>>, %arg10: memref<10240xf32, #tpu.memory_space<vmem>>, %arg11: memref<128xi32, #tpu.memory_space<vmem>>, %arg12: memref<128xi32, #tpu.memory_space<vmem>>, %arg13: memref<128xf32, #tpu.memory_space<vmem>>, %arg14: memref<128x128xf32, #tpu.memory_space<vmem>>, %arg15: memref<10240x128xf32, #tpu.memory_space<vmem_shared>>, %arg16: memref<16384xf32, #tpu.memory_space<vmem_shared>>, %arg17: memref<!tpu.dma_semaphore, #tpu.memory_space<semaphore_mem>>) attributes {dimension_semantics = [#tpu.dimension_semantics<core_parallel>, #tpu.dimension_semantics<subcore_parallel>], iteration_bounds = array<i64: 1, 16>, scalar_prefetch = 0 : i64, scratch_operands = 9 : i64, tpu.core_type = #tpu.core_type<sc_vector_subcore>, window_params = [{transform_indices = #map}, {transform_indices = #map1}, {transform_indices = #map1}, {transform_indices = #map1}, {transform_indices = #map1}, {transform_indices = #map}, {transform_indices = #map1}]} {
    %broadcast_in_dim3A = arith.constant 0.000000e+00 : f32
    %broadcast_in_dim3A_0 = vector.broadcast %broadcast_in_dim3A : f32 to vector<16xf32>
    %scan3A = arith.constant 0 : i32
    %scan3A_1 = arith.constant 0 : i32
    %scan3A_2 = arith.constant 128 : i32
    %scan3A_3 = arith.addi %scan3A_1, %scan3A_2 : i32
    %scan3A_4 = arith.constant 1 : i32
    scf.for %scan3A_49 = %scan3A_1 to %scan3A_3 step %scan3A_4  : i32 {
      %swap3A = arith.index_cast %scan3A_49 : i32 to index
      %swap3A_50 = arith.constant 0 : index
      %swap3A_51 = tpu.vector_load %arg14[%swap3A, %swap3A_50] {strides = array<i32>} : memref<128x128xf32, #tpu.memory_space<vmem>>, vector<16xf32>,
      tpu.vector_store %arg14[%swap3A, %swap3A_50], %broadcast_in_dim3A_0 {strides = array<i32>} : memref<128x128xf32, #tpu.memory_space<vmem>>, vector<16xf32>,
      %swap3A_52 = arith.index_cast %scan3A_49 : i32 to index
      %swap3A_53 = arith.constant 16 : index
      %swap3A_54 = tpu.vector_load %arg14[%swap3A_52, %swap3A_53] {strides = array<i32>} : memref<128x128xf32, #tpu.memory_space<vmem>>, vector<16xf32>,
      tpu.vector_store %arg14[%swap3A_52, %swap3A_53], %broadcast_in_dim3A_0 {strides = array<i32>} : memref<128x128xf32, #tpu.memory_space<vmem>>, vector<16xf32>,
      %swap3A_55 = arith.index_cast %scan3A_49 : i32 to index
      %swap3A_56 = arith.constant 32 : index
      %swap3A_57 = tpu.vector_load %arg14[%swap3A_55, %swap3A_56] {strides = array<i32>} : memref<128x128xf32, #tpu.memory_space<vmem>>, vector<16xf32>,
      tpu.vector_store %arg14[%swap3A_55, %swap3A_56], %broadcast_in_dim3A_0 {strides = array<i32>} : memref<128x128xf32, #tpu.memory_space<vmem>>, vector<16xf32>,
      %swap3A_58 = arith.index_cast %scan3A_49 : i32 to index
      %swap3A_59 = arith.constant 48 : index
      %swap3A_60 = tpu.vector_load %arg14[%swap3A_58, %swap3A_59] {strides = array<i32>} : memref<128x128xf32, #tpu.memory_space<vmem>>, vector<16xf32>,
      tpu.vector_store %arg14[%swap3A_58, %swap3A_59], %broadcast_in_dim3A_0 {strides = array<i32>} : memref<128x128xf32, #tpu.memory_space<vmem>>, vector<16xf32>,
      %swap3A_61 = arith.index_cast %scan3A_49 : i32 to index
      %swap3A_62 = arith.constant 64 : index
      %swap3A_63 = tpu.vector_load %arg14[%swap3A_61, %swap3A_62] {strides = array<i32>} : memref<128x128xf32, #tpu.memory_space<vmem>>, vector<16xf32>,
      tpu.vector_store %arg14[%swap3A_61, %swap3A_62], %broadcast_in_dim3A_0 {strides = array<i32>} : memref<128x128xf32, #tpu.memory_space<vmem>>, vector<16xf32>,
      %swap3A_64 = arith.index_cast %scan3A_49 : i32 to index
      %swap3A_65 = arith.constant 80 : index
      %swap3A_66 = tpu.vector_load %arg14[%swap3A_64, %swap3A_65] {strides = array<i32>} : memref<128x128xf32, #tpu.memory_space<vmem>>, vector<16xf32>,
      tpu.vector_store %arg14[%swap3A_64, %swap3A_65], %broadcast_in_dim3A_0 {strides = array<i32>} : memref<128x128xf32, #tpu.memory_space<vmem>>, vector<16xf32>,
      %swap3A_67 = arith.index_cast %scan3A_49 : i32 to index
      %swap3A_68 = arith.constant 96 : index
      %swap3A_69 = tpu.vector_load %arg14[%swap3A_67, %swap3A_68] {strides = array<i32>} : memref<128x128xf32, #tpu.memory_space<vmem>>, vector<16xf32>,
      tpu.vector_store %arg14[%swap3A_67, %swap3A_68], %broadcast_in_dim3A_0 {strides = array<i32>} : memref<128x128xf32, #tpu.memory_space<vmem>>, vector<16xf32>,
      %swap3A_70 = arith.index_cast %scan3A_49 : i32 to index
      %swap3A_71 = arith.constant 112 : index
      %swap3A_72 = tpu.vector_load %arg14[%swap3A_70, %swap3A_71] {strides = array<i32>} : memref<128x128xf32, #tpu.memory_space<vmem>>, vector<16xf32>,
      tpu.vector_store %arg14[%swap3A_70, %swap3A_71], %broadcast_in_dim3A_0 {strides = array<i32>} : memref<128x128xf32, #tpu.memory_space<vmem>>, vector<16xf32>,
    }
    %scan3A_5 = arith.constant 128 : i32
    %scan3A_6 = arith.constant 0 : i32
    %scan3A_7 = arith.constant 0 : i32
    %scan3A_8 = arith.constant 8 : i32
    %scan3A_9 = arith.addi %scan3A_7, %scan3A_8 : i32
    %scan3A_10 = arith.constant 1 : i32
    scf.for %scan3A_49 = %scan3A_7 to %scan3A_9 step %scan3A_10  : i32 {
      %mul3A_50 = arith.constant 16 : i32
      %mul3A_51 = arith.muli %mul3A_50, %scan3A_49 : i32
      %swap3A = arith.index_cast %mul3A_51 : i32 to index
      %swap3A_52 = tpu.vector_load %arg13[%swap3A] {strides = array<i32>} : memref<128xf32, #tpu.memory_space<vmem>>, vector<16xf32>,
      tpu.vector_store %arg13[%swap3A], %broadcast_in_dim3A_0 {strides = array<i32>} : memref<128xf32, #tpu.memory_space<vmem>>, vector<16xf32>,
    }
    %scan3A_11 = arith.constant 8 : i32
    %mul3A = arith.constant 640 : i32
    %mul3A_12 = arith.muli %arg1, %mul3A : i32
    %add3A = arith.constant 0 : i32
    %add3A_13 = arith.addi %mul3A_12, %add3A : i32
    "tpu.region"() ({
      %run_scoped3A = tpu.sem_alloc : memref<!tpu.dma_semaphore, #tpu.memory_space<semaphore_mem>>
      %dma_start3A = arith.constant 0 : i32
      %dma_start3A_49 = tpu.memref_slice %arg15[%add3A_13, %dma_start3A] : memref<10240x128xf32, #tpu.memory_space<vmem_shared>> -> memref<128x128xf32, #tpu.memory_space<vmem_shared>>
      %dma_start3A_50 = arith.constant 0 : i32
      %dma_start3A_51 = tpu.memref_slice %arg15[%add3A_13, %dma_start3A_50] : memref<10240x128xf32, #tpu.memory_space<vmem_shared>> -> memref<128x128xf32, #tpu.memory_space<vmem_shared>>
      tpu.enqueue_dma source(%arg14 : memref<128x128xf32, #tpu.memory_space<vmem>>) target(%dma_start3A_51 : memref<128x128xf32, #tpu.memory_space<vmem_shared>>) target_semaphore(%run_scoped3A : memref<!tpu.dma_semaphore, #tpu.memory_space<semaphore_mem>>)
      %dma_wait3A = arith.constant 0 : i32
      %dma_wait3A_52 = tpu.memref_slice %arg15[%add3A_13, %dma_wait3A] : memref<10240x128xf32, #tpu.memory_space<vmem_shared>> -> memref<128x128xf32, #tpu.memory_space<vmem_shared>>
      %dma_wait3A_53 = arith.constant 0 : i32
      %dma_wait3A_54 = tpu.memref_slice %arg15[%add3A_13, %dma_wait3A_53] : memref<10240x128xf32, #tpu.memory_space<vmem_shared>> -> memref<128x128xf32, #tpu.memory_space<vmem_shared>>
      tpu.wait_dma2 semaphore(%run_scoped3A : memref<!tpu.dma_semaphore, #tpu.memory_space<semaphore_mem>>) src(%arg14 : memref<128x128xf32, #tpu.memory_space<vmem>>) dst(%dma_wait3A_54 : memref<128x128xf32, #tpu.memory_space<vmem_shared>>)
      tpu.yield
    }) : () -> ()
    %add3A_14 = arith.constant 128 : i32
    %add3A_15 = arith.addi %mul3A_12, %add3A_14 : i32
    "tpu.region"() ({
      %run_scoped3A = tpu.sem_alloc : memref<!tpu.dma_semaphore, #tpu.memory_space<semaphore_mem>>
      %dma_start3A = arith.constant 0 : i32
      %dma_start3A_49 = tpu.memref_slice %arg15[%add3A_15, %dma_start3A] : memref<10240x128xf32, #tpu.memory_space<vmem_shared>> -> memref<128x128xf32, #tpu.memory_space<vmem_shared>>
      %dma_start3A_50 = arith.constant 0 : i32
      %dma_start3A_51 = tpu.memref_slice %arg15[%add3A_15, %dma_start3A_50] : memref<10240x128xf32, #tpu.memory_space<vmem_shared>> -> memref<128x128xf32, #tpu.memory_space<vmem_shared>>
      tpu.enqueue_dma source(%arg14 : memref<128x128xf32, #tpu.memory_space<vmem>>) target(%dma_start3A_51 : memref<128x128xf32, #tpu.memory_space<vmem_shared>>) target_semaphore(%run_scoped3A : memref<!tpu.dma_semaphore, #tpu.memory_space<semaphore_mem>>)
      %dma_wait3A = arith.constant 0 : i32
      %dma_wait3A_52 = tpu.memref_slice %arg15[%add3A_15, %dma_wait3A] : memref<10240x128xf32, #tpu.memory_space<vmem_shared>> -> memref<128x128xf32, #tpu.memory_space<vmem_shared>>
      %dma_wait3A_53 = arith.constant 0 : i32
      %dma_wait3A_54 = tpu.memref_slice %arg15[%add3A_15, %dma_wait3A_53] : memref<10240x128xf32, #tpu.memory_space<vmem_shared>> -> memref<128x128xf32, #tpu.memory_space<vmem_shared>>
      tpu.wait_dma2 semaphore(%run_scoped3A : memref<!tpu.dma_semaphore, #tpu.memory_space<semaphore_mem>>) src(%arg14 : memref<128x128xf32, #tpu.memory_space<vmem>>) dst(%dma_wait3A_54 : memref<128x128xf32, #tpu.memory_space<vmem_shared>>)
      tpu.yield
    }) : () -> ()
    %add3A_16 = arith.constant 256 : i32
    %add3A_17 = arith.addi %mul3A_12, %add3A_16 : i32
    "tpu.region"() ({
      %run_scoped3A = tpu.sem_alloc : memref<!tpu.dma_semaphore, #tpu.memory_space<semaphore_mem>>
      %dma_start3A = arith.constant 0 : i32
      %dma_start3A_49 = tpu.memref_slice %arg15[%add3A_17, %dma_start3A] : memref<10240x128xf32, #tpu.memory_space<vmem_shared>> -> memref<128x128xf32, #tpu.memory_space<vmem_shared>>
      %dma_start3A_50 = arith.constant 0 : i32
      %dma_start3A_51 = tpu.memref_slice %arg15[%add3A_17, %dma_start3A_50] : memref<10240x128xf32, #tpu.memory_space<vmem_shared>> -> memref<128x128xf32, #tpu.memory_space<vmem_shared>>
      tpu.enqueue_dma source(%arg14 : memref<128x128xf32, #tpu.memory_space<vmem>>) target(%dma_start3A_51 : memref<128x128xf32, #tpu.memory_space<vmem_shared>>) target_semaphore(%run_scoped3A : memref<!tpu.dma_semaphore, #tpu.memory_space<semaphore_mem>>)
      %dma_wait3A = arith.constant 0 : i32
      %dma_wait3A_52 = tpu.memref_slice %arg15[%add3A_17, %dma_wait3A] : memref<10240x128xf32, #tpu.memory_space<vmem_shared>> -> memref<128x128xf32, #tpu.memory_space<vmem_shared>>
      %dma_wait3A_53 = arith.constant 0 : i32
      %dma_wait3A_54 = tpu.memref_slice %arg15[%add3A_17, %dma_wait3A_53] : memref<10240x128xf32, #tpu.memory_space<vmem_shared>> -> memref<128x128xf32, #tpu.memory_space<vmem_shared>>
      tpu.wait_dma2 semaphore(%run_scoped3A : memref<!tpu.dma_semaphore, #tpu.memory_space<semaphore_mem>>) src(%arg14 : memref<128x128xf32, #tpu.memory_space<vmem>>) dst(%dma_wait3A_54 : memref<128x128xf32, #tpu.memory_space<vmem_shared>>)
      tpu.yield
    }) : () -> ()
    %add3A_18 = arith.constant 384 : i32
    %add3A_19 = arith.addi %mul3A_12, %add3A_18 : i32
    "tpu.region"() ({
      %run_scoped3A = tpu.sem_alloc : memref<!tpu.dma_semaphore, #tpu.memory_space<semaphore_mem>>
      %dma_start3A = arith.constant 0 : i32
      %dma_start3A_49 = tpu.memref_slice %arg15[%add3A_19, %dma_start3A] : memref<10240x128xf32, #tpu.memory_space<vmem_shared>> -> memref<128x128xf32, #tpu.memory_space<vmem_shared>>
      %dma_start3A_50 = arith.constant 0 : i32
      %dma_start3A_51 = tpu.memref_slice %arg15[%add3A_19, %dma_start3A_50] : memref<10240x128xf32, #tpu.memory_space<vmem_shared>> -> memref<128x128xf32, #tpu.memory_space<vmem_shared>>
      tpu.enqueue_dma source(%arg14 : memref<128x128xf32, #tpu.memory_space<vmem>>) target(%dma_start3A_51 : memref<128x128xf32, #tpu.memory_space<vmem_shared>>) target_semaphore(%run_scoped3A : memref<!tpu.dma_semaphore, #tpu.memory_space<semaphore_mem>>)
      %dma_wait3A = arith.constant 0 : i32
      %dma_wait3A_52 = tpu.memref_slice %arg15[%add3A_19, %dma_wait3A] : memref<10240x128xf32, #tpu.memory_space<vmem_shared>> -> memref<128x128xf32, #tpu.memory_space<vmem_shared>>
      %dma_wait3A_53 = arith.constant 0 : i32
      %dma_wait3A_54 = tpu.memref_slice %arg15[%add3A_19, %dma_wait3A_53] : memref<10240x128xf32, #tpu.memory_space<vmem_shared>> -> memref<128x128xf32, #tpu.memory_space<vmem_shared>>
      tpu.wait_dma2 semaphore(%run_scoped3A : memref<!tpu.dma_semaphore, #tpu.memory_space<semaphore_mem>>) src(%arg14 : memref<128x128xf32, #tpu.memory_space<vmem>>) dst(%dma_wait3A_54 : memref<128x128xf32, #tpu.memory_space<vmem_shared>>)
      tpu.yield
    }) : () -> ()
    %add3A_20 = arith.constant 512 : i32
    %add3A_21 = arith.addi %mul3A_12, %add3A_20 : i32
    "tpu.region"() ({
      %run_scoped3A = tpu.sem_alloc : memref<!tpu.dma_semaphore, #tpu.memory_space<semaphore_mem>>
      %dma_start3A = arith.constant 0 : i32
      %dma_start3A_49 = tpu.memref_slice %arg15[%add3A_21, %dma_start3A] : memref<10240x128xf32, #tpu.memory_space<vmem_shared>> -> memref<128x128xf32, #tpu.memory_space<vmem_shared>>
      %dma_start3A_50 = arith.constant 0 : i32
      %dma_start3A_51 = tpu.memref_slice %arg15[%add3A_21, %dma_start3A_50] : memref<10240x128xf32, #tpu.memory_space<vmem_shared>> -> memref<128x128xf32, #tpu.memory_space<vmem_shared>>
      tpu.enqueue_dma source(%arg14 : memref<128x128xf32, #tpu.memory_space<vmem>>) target(%dma_start3A_51 : memref<128x128xf32, #tpu.memory_space<vmem_shared>>) target_semaphore(%run_scoped3A : memref<!tpu.dma_semaphore, #tpu.memory_space<semaphore_mem>>)
      %dma_wait3A = arith.constant 0 : i32
      %dma_wait3A_52 = tpu.memref_slice %arg15[%add3A_21, %dma_wait3A] : memref<10240x128xf32, #tpu.memory_space<vmem_shared>> -> memref<128x128xf32, #tpu.memory_space<vmem_shared>>
      %dma_wait3A_53 = arith.constant 0 : i32
      %dma_wait3A_54 = tpu.memref_slice %arg15[%add3A_21, %dma_wait3A_53] : memref<10240x128xf32, #tpu.memory_space<vmem_shared>> -> memref<128x128xf32, #tpu.memory_space<vmem_shared>>
      tpu.wait_dma2 semaphore(%run_scoped3A : memref<!tpu.dma_semaphore, #tpu.memory_space<semaphore_mem>>) src(%arg14 : memref<128x128xf32, #tpu.memory_space<vmem>>) dst(%dma_wait3A_54 : memref<128x128xf32, #tpu.memory_space<vmem_shared>>)
      tpu.yield
    }) : () -> ()
    %mul3A_22 = arith.constant 1024 : i32
    %mul3A_23 = arith.muli %arg1, %mul3A_22 : i32
    %add3A_24 = arith.constant 0 : i32
    %add3A_25 = arith.addi %mul3A_23, %add3A_24 : i32
    "tpu.region"() ({
      %run_scoped3A = tpu.sem_alloc : memref<!tpu.dma_semaphore, #tpu.memory_space<semaphore_mem>>
      %dma_start3A = tpu.memref_slice %arg16[%add3A_25] : memref<16384xf32, #tpu.memory_space<vmem_shared>> -> memref<128xf32, #tpu.memory_space<vmem_shared>>
      %dma_start3A_49 = tpu.memref_slice %arg16[%add3A_25] : memref<16384xf32, #tpu.memory_space<vmem_shared>> -> memref<128xf32, #tpu.memory_space<vmem_shared>>
      tpu.enqueue_dma source(%arg13 : memref<128xf32, #tpu.memory_space<vmem>>) target(%dma_start3A_49 : memref<128xf32, #tpu.memory_space<vmem_shared>>) target_semaphore(%run_scoped3A : memref<!tpu.dma_semaphore, #tpu.memory_space<semaphore_mem>>)
      %dma_wait3A = tpu.memref_slice %arg16[%add3A_25] : memref<16384xf32, #tpu.memory_space<vmem_shared>> -> memref<128xf32, #tpu.memory_space<vmem_shared>>
      %dma_wait3A_50 = tpu.memref_slice %arg16[%add3A_25] : memref<16384xf32, #tpu.memory_space<vmem_shared>> -> memref<128xf32, #tpu.memory_space<vmem_shared>>
      tpu.wait_dma2 semaphore(%run_scoped3A : memref<!tpu.dma_semaphore, #tpu.memory_space<semaphore_mem>>) src(%arg13 : memref<128xf32, #tpu.memory_space<vmem>>) dst(%dma_wait3A_50 : memref<128xf32, #tpu.memory_space<vmem_shared>>)
      tpu.yield
    }) : () -> ()
    %add3A_26 = arith.constant 128 : i32
    %add3A_27 = arith.addi %mul3A_23, %add3A_26 : i32
    "tpu.region"() ({
      %run_scoped3A = tpu.sem_alloc : memref<!tpu.dma_semaphore, #tpu.memory_space<semaphore_mem>>
      %dma_start3A = tpu.memref_slice %arg16[%add3A_27] : memref<16384xf32, #tpu.memory_space<vmem_shared>> -> memref<128xf32, #tpu.memory_space<vmem_shared>>
      %dma_start3A_49 = tpu.memref_slice %arg16[%add3A_27] : memref<16384xf32, #tpu.memory_space<vmem_shared>> -> memref<128xf32, #tpu.memory_space<vmem_shared>>
      tpu.enqueue_dma source(%arg13 : memref<128xf32, #tpu.memory_space<vmem>>) target(%dma_start3A_49 : memref<128xf32, #tpu.memory_space<vmem_shared>>) target_semaphore(%run_scoped3A : memref<!tpu.dma_semaphore, #tpu.memory_space<semaphore_mem>>)
      %dma_wait3A = tpu.memref_slice %arg16[%add3A_27] : memref<16384xf32, #tpu.memory_space<vmem_shared>> -> memref<128xf32, #tpu.memory_space<vmem_shared>>
      %dma_wait3A_50 = tpu.memref_slice %arg16[%add3A_27] : memref<16384xf32, #tpu.memory_space<vmem_shared>> -> memref<128xf32, #tpu.memory_space<vmem_shared>>
      tpu.wait_dma2 semaphore(%run_scoped3A : memref<!tpu.dma_semaphore, #tpu.memory_space<semaphore_mem>>) src(%arg13 : memref<128xf32, #tpu.memory_space<vmem>>) dst(%dma_wait3A_50 : memref<128xf32, #tpu.memory_space<vmem_shared>>)
      tpu.yield
    }) : () -> ()
    %add3A_28 = arith.constant 256 : i32
    %add3A_29 = arith.addi %mul3A_23, %add3A_28 : i32
    "tpu.region"() ({
      %run_scoped3A = tpu.sem_alloc : memref<!tpu.dma_semaphore, #tpu.memory_space<semaphore_mem>>
      %dma_start3A = tpu.memref_slice %arg16[%add3A_29] : memref<16384xf32, #tpu.memory_space<vmem_shared>> -> memref<128xf32, #tpu.memory_space<vmem_shared>>
      %dma_start3A_49 = tpu.memref_slice %arg16[%add3A_29] : memref<16384xf32, #tpu.memory_space<vmem_shared>> -> memref<128xf32, #tpu.memory_space<vmem_shared>>
      tpu.enqueue_dma source(%arg13 : memref<128xf32, #tpu.memory_space<vmem>>) target(%dma_start3A_49 : memref<128xf32, #tpu.memory_space<vmem_shared>>) target_semaphore(%run_scoped3A : memref<!tpu.dma_semaphore, #tpu.memory_space<semaphore_mem>>)
      %dma_wait3A = tpu.memref_slice %arg16[%add3A_29] : memref<16384xf32, #tpu.memory_space<vmem_shared>> -> memref<128xf32, #tpu.memory_space<vmem_shared>>
      %dma_wait3A_50 = tpu.memref_slice %arg16[%add3A_29] : memref<16384xf32, #tpu.memory_space<vmem_shared>> -> memref<128xf32, #tpu.memory_space<vmem_shared>>
      tpu.wait_dma2 semaphore(%run_scoped3A : memref<!tpu.dma_semaphore, #tpu.memory_space<semaphore_mem>>) src(%arg13 : memref<128xf32, #tpu.memory_space<vmem>>) dst(%dma_wait3A_50 : memref<128xf32, #tpu.memory_space<vmem_shared>>)
      tpu.yield
    }) : () -> ()
    %add3A_30 = arith.constant 384 : i32
    %add3A_31 = arith.addi %mul3A_23, %add3A_30 : i32
    "tpu.region"() ({
      %run_scoped3A = tpu.sem_alloc : memref<!tpu.dma_semaphore, #tpu.memory_space<semaphore_mem>>
      %dma_start3A = tpu.memref_slice %arg16[%add3A_31] : memref<16384xf32, #tpu.memory_space<vmem_shared>> -> memref<128xf32, #tpu.memory_space<vmem_shared>>
      %dma_start3A_49 = tpu.memref_slice %arg16[%add3A_31] : memref<16384xf32, #tpu.memory_space<vmem_shared>> -> memref<128xf32, #tpu.memory_space<vmem_shared>>
      tpu.enqueue_dma source(%arg13 : memref<128xf32, #tpu.memory_space<vmem>>) target(%dma_start3A_49 : memref<128xf32, #tpu.memory_space<vmem_shared>>) target_semaphore(%run_scoped3A : memref<!tpu.dma_semaphore, #tpu.memory_space<semaphore_mem>>)
      %dma_wait3A = tpu.memref_slice %arg16[%add3A_31] : memref<16384xf32, #tpu.memory_space<vmem_shared>> -> memref<128xf32, #tpu.memory_space<vmem_shared>>
      %dma_wait3A_50 = tpu.memref_slice %arg16[%add3A_31] : memref<16384xf32, #tpu.memory_space<vmem_shared>> -> memref<128xf32, #tpu.memory_space<vmem_shared>>
      tpu.wait_dma2 semaphore(%run_scoped3A : memref<!tpu.dma_semaphore, #tpu.memory_space<semaphore_mem>>) src(%arg13 : memref<128xf32, #tpu.memory_space<vmem>>) dst(%dma_wait3A_50 : memref<128xf32, #tpu.memory_space<vmem_shared>>)
      tpu.yield
    }) : () -> ()
    %add3A_32 = arith.constant 512 : i32
    %add3A_33 = arith.addi %mul3A_23, %add3A_32 : i32
    "tpu.region"() ({
      %run_scoped3A = tpu.sem_alloc : memref<!tpu.dma_semaphore, #tpu.memory_space<semaphore_mem>>
      %dma_start3A = tpu.memref_slice %arg16[%add3A_33] : memref<16384xf32, #tpu.memory_space<vmem_shared>> -> memref<128xf32, #tpu.memory_space<vmem_shared>>
      %dma_start3A_49 = tpu.memref_slice %arg16[%add3A_33] : memref<16384xf32, #tpu.memory_space<vmem_shared>> -> memref<128xf32, #tpu.memory_space<vmem_shared>>
      tpu.enqueue_dma source(%arg13 : memref<128xf32, #tpu.memory_space<vmem>>) target(%dma_start3A_49 : memref<128xf32, #tpu.memory_space<vmem_shared>>) target_semaphore(%run_scoped3A : memref<!tpu.dma_semaphore, #tpu.memory_space<semaphore_mem>>)
      %dma_wait3A = tpu.memref_slice %arg16[%add3A_33] : memref<16384xf32, #tpu.memory_space<vmem_shared>> -> memref<128xf32, #tpu.memory_space<vmem_shared>>
      %dma_wait3A_50 = tpu.memref_slice %arg16[%add3A_33] : memref<16384xf32, #tpu.memory_space<vmem_shared>> -> memref<128xf32, #tpu.memory_space<vmem_shared>>
      tpu.wait_dma2 semaphore(%run_scoped3A : memref<!tpu.dma_semaphore, #tpu.memory_space<semaphore_mem>>) src(%arg13 : memref<128xf32, #tpu.memory_space<vmem>>) dst(%dma_wait3A_50 : memref<128xf32, #tpu.memory_space<vmem_shared>>)
      tpu.yield
    }) : () -> ()
    %add3A_34 = arith.constant 640 : i32
    %add3A_35 = arith.addi %mul3A_23, %add3A_34 : i32
    "tpu.region"() ({
      %run_scoped3A = tpu.sem_alloc : memref<!tpu.dma_semaphore, #tpu.memory_space<semaphore_mem>>
      %dma_start3A = tpu.memref_slice %arg16[%add3A_35] : memref<16384xf32, #tpu.memory_space<vmem_shared>> -> memref<128xf32, #tpu.memory_space<vmem_shared>>
      %dma_start3A_49 = tpu.memref_slice %arg16[%add3A_35] : memref<16384xf32, #tpu.memory_space<vmem_shared>> -> memref<128xf32, #tpu.memory_space<vmem_shared>>
      tpu.enqueue_dma source(%arg13 : memref<128xf32, #tpu.memory_space<vmem>>) target(%dma_start3A_49 : memref<128xf32, #tpu.memory_space<vmem_shared>>) target_semaphore(%run_scoped3A : memref<!tpu.dma_semaphore, #tpu.memory_space<semaphore_mem>>)
      %dma_wait3A = tpu.memref_slice %arg16[%add3A_35] : memref<16384xf32, #tpu.memory_space<vmem_shared>> -> memref<128xf32, #tpu.memory_space<vmem_shared>>
      %dma_wait3A_50 = tpu.memref_slice %arg16[%add3A_35] : memref<16384xf32, #tpu.memory_space<vmem_shared>> -> memref<128xf32, #tpu.memory_space<vmem_shared>>
      tpu.wait_dma2 semaphore(%run_scoped3A : memref<!tpu.dma_semaphore, #tpu.memory_space<semaphore_mem>>) src(%arg13 : memref<128xf32, #tpu.memory_space<vmem>>) dst(%dma_wait3A_50 : memref<128xf32, #tpu.memory_space<vmem_shared>>)
      tpu.yield
    }) : () -> ()
    %add3A_36 = arith.constant 768 : i32
    %add3A_37 = arith.addi %mul3A_23, %add3A_36 : i32
    "tpu.region"() ({
      %run_scoped3A = tpu.sem_alloc : memref<!tpu.dma_semaphore, #tpu.memory_space<semaphore_mem>>
      %dma_start3A = tpu.memref_slice %arg16[%add3A_37] : memref<16384xf32, #tpu.memory_space<vmem_shared>> -> memref<128xf32, #tpu.memory_space<vmem_shared>>
      %dma_start3A_49 = tpu.memref_slice %arg16[%add3A_37] : memref<16384xf32, #tpu.memory_space<vmem_shared>> -> memref<128xf32, #tpu.memory_space<vmem_shared>>
      tpu.enqueue_dma source(%arg13 : memref<128xf32, #tpu.memory_space<vmem>>) target(%dma_start3A_49 : memref<128xf32, #tpu.memory_space<vmem_shared>>) target_semaphore(%run_scoped3A : memref<!tpu.dma_semaphore, #tpu.memory_space<semaphore_mem>>)
      %dma_wait3A = tpu.memref_slice %arg16[%add3A_37] : memref<16384xf32, #tpu.memory_space<vmem_shared>> -> memref<128xf32, #tpu.memory_space<vmem_shared>>
      %dma_wait3A_50 = tpu.memref_slice %arg16[%add3A_37] : memref<16384xf32, #tpu.memory_space<vmem_shared>> -> memref<128xf32, #tpu.memory_space<vmem_shared>>
      tpu.wait_dma2 semaphore(%run_scoped3A : memref<!tpu.dma_semaphore, #tpu.memory_space<semaphore_mem>>) src(%arg13 : memref<128xf32, #tpu.memory_space<vmem>>) dst(%dma_wait3A_50 : memref<128xf32, #tpu.memory_space<vmem_shared>>)
      tpu.yield
    }) : () -> ()
    %add3A_38 = arith.constant 896 : i32
    %add3A_39 = arith.addi %mul3A_23, %add3A_38 : i32
    "tpu.region"() ({
      %run_scoped3A = tpu.sem_alloc : memref<!tpu.dma_semaphore, #tpu.memory_space<semaphore_mem>>
      %dma_start3A = tpu.memref_slice %arg16[%add3A_39] : memref<16384xf32, #tpu.memory_space<vmem_shared>> -> memref<128xf32, #tpu.memory_space<vmem_shared>>
      %dma_start3A_49 = tpu.memref_slice %arg16[%add3A_39] : memref<16384xf32, #tpu.memory_space<vmem_shared>> -> memref<128xf32, #tpu.memory_space<vmem_shared>>
      tpu.enqueue_dma source(%arg13 : memref<128xf32, #tpu.memory_space<vmem>>) target(%dma_start3A_49 : memref<128xf32, #tpu.memory_space<vmem_shared>>) target_semaphore(%run_scoped3A : memref<!tpu.dma_semaphore, #tpu.memory_space<semaphore_mem>>)
      %dma_wait3A = tpu.memref_slice %arg16[%add3A_39] : memref<16384xf32, #tpu.memory_space<vmem_shared>> -> memref<128xf32, #tpu.memory_space<vmem_shared>>
      %dma_wait3A_50 = tpu.memref_slice %arg16[%add3A_39] : memref<16384xf32, #tpu.memory_space<vmem_shared>> -> memref<128xf32, #tpu.memory_space<vmem_shared>>
      tpu.wait_dma2 semaphore(%run_scoped3A : memref<!tpu.dma_semaphore, #tpu.memory_space<semaphore_mem>>) src(%arg13 : memref<128xf32, #tpu.memory_space<vmem>>) dst(%dma_wait3A_50 : memref<128xf32, #tpu.memory_space<vmem_shared>>)
      tpu.yield
    }) : () -> ()
    "tpu.region"() ({
      %run_scoped3A = tpu.sem_alloc : memref<!tpu.dma_semaphore, #tpu.memory_space<semaphore_mem>>
      tpu.enqueue_dma source(%arg3 : memref<10240xf32, #tpu.memory_space<hbm>>) target(%arg9 : memref<10240xf32, #tpu.memory_space<vmem>>) target_semaphore(%run_scoped3A : memref<!tpu.dma_semaphore, #tpu.memory_space<semaphore_mem>>)
      tpu.wait_dma2 semaphore(%run_scoped3A : memref<!tpu.dma_semaphore, #tpu.memory_space<semaphore_mem>>) src(%arg3 : memref<10240xf32, #tpu.memory_space<hbm>>) dst(%arg9 : memref<10240xf32, #tpu.memory_space<vmem>>)
      tpu.yield
    }) : () -> ()
    "tpu.region"() ({
      %run_scoped3A = tpu.sem_alloc : memref<!tpu.dma_semaphore, #tpu.memory_space<semaphore_mem>>
      tpu.enqueue_dma source(%arg4 : memref<10240xf32, #tpu.memory_space<hbm>>) target(%arg10 : memref<10240xf32, #tpu.memory_space<vmem>>) target_semaphore(%run_scoped3A : memref<!tpu.dma_semaphore, #tpu.memory_space<semaphore_mem>>)
      tpu.wait_dma2 semaphore(%run_scoped3A : memref<!tpu.dma_semaphore, #tpu.memory_space<semaphore_mem>>) src(%arg4 : memref<10240xf32, #tpu.memory_space<hbm>>) dst(%arg10 : memref<10240xf32, #tpu.memory_space<vmem>>)
      tpu.yield
    }) : () -> ()
    %barrier3A = arith.constant 0 : index
    tpu.barrier barrier_id(%barrier3A)
    %mul3A_40 = arith.constant 20480 : i32
    %mul3A_41 = arith.muli %arg1, %mul3A_40 : i32
    %scan3A_42 = arith.constant 0 : i32
    %scan3A_43 = arith.constant 0 : i32
    %scan3A_44 = arith.constant 160 : i32
    %scan3A_45 = arith.addi %scan3A_43, %scan3A_44 : i32
    %scan3A_46 = arith.constant 1 : i32
    scf.for %scan3A_49 = %scan3A_43 to %scan3A_45 step %scan3A_46  : i32 {
      %mul3A_50 = arith.constant 128 : i32
      %mul3A_51 = arith.muli %scan3A_49, %mul3A_50 : i32
      %add3A_52 = arith.addi %mul3A_41, %mul3A_51 : i32
      "tpu.region"() ({
        %run_scoped3A = tpu.sem_alloc : memref<!tpu.dma_semaphore, #tpu.memory_space<semaphore_mem>>
        %dma_start3A_193 = tpu.memref_slice %arg5[%add3A_52] : memref<327680xi32, #tpu.memory_space<hbm>> -> memref<128xi32, #tpu.memory_space<hbm>>
        %dma_start3A_194 = tpu.memref_slice %arg5[%add3A_52] : memref<327680xi32, #tpu.memory_space<hbm>> -> memref<128xi32, #tpu.memory_space<hbm>>
        tpu.enqueue_dma source(%dma_start3A_194 : memref<128xi32, #tpu.memory_space<hbm>>) target(%arg11 : memref<128xi32, #tpu.memory_space<vmem>>) target_semaphore(%run_scoped3A : memref<!tpu.dma_semaphore, #tpu.memory_space<semaphore_mem>>)
        %dma_wait3A_195 = tpu.memref_slice %arg5[%add3A_52] : memref<327680xi32, #tpu.memory_space<hbm>> -> memref<128xi32, #tpu.memory_space<hbm>>
        %dma_wait3A_196 = tpu.memref_slice %arg5[%add3A_52] : memref<327680xi32, #tpu.memory_space<hbm>> -> memref<128xi32, #tpu.memory_space<hbm>>
        tpu.wait_dma2 semaphore(%run_scoped3A : memref<!tpu.dma_semaphore, #tpu.memory_space<semaphore_mem>>) src(%dma_wait3A_196 : memref<128xi32, #tpu.memory_space<hbm>>) dst(%arg11 : memref<128xi32, #tpu.memory_space<vmem>>)
        tpu.yield
      }) : () -> ()
      "tpu.region"() ({
        %run_scoped3A = tpu.sem_alloc : memref<!tpu.dma_semaphore, #tpu.memory_space<semaphore_mem>>
        %dma_start3A_193 = tpu.memref_slice %arg6[%add3A_52] : memref<327680xi32, #tpu.memory_space<hbm>> -> memref<128xi32, #tpu.memory_space<hbm>>
        %dma_start3A_194 = tpu.memref_slice %arg6[%add3A_52] : memref<327680xi32, #tpu.memory_space<hbm>> -> memref<128xi32, #tpu.memory_space<hbm>>
        tpu.enqueue_dma source(%dma_start3A_194 : memref<128xi32, #tpu.memory_space<hbm>>) target(%arg12 : memref<128xi32, #tpu.memory_space<vmem>>) target_semaphore(%run_scoped3A : memref<!tpu.dma_semaphore, #tpu.memory_space<semaphore_mem>>)
        %dma_wait3A_195 = tpu.memref_slice %arg6[%add3A_52] : memref<327680xi32, #tpu.memory_space<hbm>> -> memref<128xi32, #tpu.memory_space<hbm>>
        %dma_wait3A_196 = tpu.memref_slice %arg6[%add3A_52] : memref<327680xi32, #tpu.memory_space<hbm>> -> memref<128xi32, #tpu.memory_space<hbm>>
        tpu.wait_dma2 semaphore(%run_scoped3A : memref<!tpu.dma_semaphore, #tpu.memory_space<semaphore_mem>>) src(%dma_wait3A_196 : memref<128xi32, #tpu.memory_space<hbm>>) dst(%arg12 : memref<128xi32, #tpu.memory_space<vmem>>)
        tpu.yield
      }) : () -> ()
      %get3A = arith.constant 0 : index
      %get3A_53 = tpu.vector_load %arg11[%get3A] {strides = array<i32>} : memref<128xi32, #tpu.memory_space<vmem>>, vector<16xi32>,
      %get3A_54 = arith.constant 0 : index
      %get3A_55 = tpu.vector_load %arg12[%get3A_54] {strides = array<i32>} : memref<128xi32, #tpu.memory_space<vmem>>, vector<16xi32>,
      %gather3A = tpu.vector_load_idx %arg9[%get3A_53] : memref<10240xf32, #tpu.memory_space<vmem>>[vector<16xi32>], vector<16xf32>,
      %gather3A_56 = tpu.vector_load_idx %arg10[%get3A_55] : memref<10240xf32, #tpu.memory_space<vmem>>[vector<16xi32>], vector<16xf32>,
      %add3A_57 = arith.addf %gather3A, %gather3A_56 : vector<16xf32>
      %gt3A = arith.constant 0.000000e+00 : f32
      %gt3A_58 = vector.broadcast %gt3A : f32 to vector<16xf32>
      %gt3A_59 = arith.cmpf ogt, %add3A_57, %gt3A_58 : vector<16xf32>
      %mul3A_60 = arith.constant 2.000000e-01 : f32
      %mul3A_61 = vector.broadcast %mul3A_60 : f32 to vector<16xf32>
      %mul3A_62 = arith.mulf %mul3A_61, %add3A_57 : vector<16xf32>
      %select_n3A = arith.select %gt3A_59, %add3A_57, %mul3A_62 : vector<16xi1>, vector<16xf32>
      %exp3A = math.exp %select_n3A : vector<16xf32>
      %swap3A = arith.constant 0 : index
      %swap3A_63 = tpu.vector_load %arg13[%swap3A] {strides = array<i32>} : memref<128xf32, #tpu.memory_space<vmem>>, vector<16xf32>,
      tpu.vector_store %arg13[%swap3A], %exp3A {strides = array<i32>} : memref<128xf32, #tpu.memory_space<vmem>>, vector<16xf32>,
      %get3A_64 = arith.constant 16 : index
      %get3A_65 = tpu.vector_load %arg11[%get3A_64] {strides = array<i32>} : memref<128xi32, #tpu.memory_space<vmem>>, vector<16xi32>,
      %get3A_66 = arith.constant 16 : index
      %get3A_67 = tpu.vector_load %arg12[%get3A_66] {strides = array<i32>} : memref<128xi32, #tpu.memory_space<vmem>>, vector<16xi32>,
      %gather3A_68 = tpu.vector_load_idx %arg9[%get3A_65] : memref<10240xf32, #tpu.memory_space<vmem>>[vector<16xi32>], vector<16xf32>,
      %gather3A_69 = tpu.vector_load_idx %arg10[%get3A_67] : memref<10240xf32, #tpu.memory_space<vmem>>[vector<16xi32>], vector<16xf32>,
      %add3A_70 = arith.addf %gather3A_68, %gather3A_69 : vector<16xf32>
      %gt3A_71 = arith.constant 0.000000e+00 : f32
      %gt3A_72 = vector.broadcast %gt3A_71 : f32 to vector<16xf32>
      %gt3A_73 = arith.cmpf ogt, %add3A_70, %gt3A_72 : vector<16xf32>
      %mul3A_74 = arith.constant 2.000000e-01 : f32
      %mul3A_75 = vector.broadcast %mul3A_74 : f32 to vector<16xf32>
      %mul3A_76 = arith.mulf %mul3A_75, %add3A_70 : vector<16xf32>
      %select_n3A_77 = arith.select %gt3A_73, %add3A_70, %mul3A_76 : vector<16xi1>, vector<16xf32>
      %exp3A_78 = math.exp %select_n3A_77 : vector<16xf32>
      %swap3A_79 = arith.constant 16 : index
      %swap3A_80 = tpu.vector_load %arg13[%swap3A_79] {strides = array<i32>} : memref<128xf32, #tpu.memory_space<vmem>>, vector<16xf32>,
      tpu.vector_store %arg13[%swap3A_79], %exp3A_78 {strides = array<i32>} : memref<128xf32, #tpu.memory_space<vmem>>, vector<16xf32>,
      %get3A_81 = arith.constant 32 : index
      %get3A_82 = tpu.vector_load %arg11[%get3A_81] {strides = array<i32>} : memref<128xi32, #tpu.memory_space<vmem>>, vector<16xi32>,
      %get3A_83 = arith.constant 32 : index
      %get3A_84 = tpu.vector_load %arg12[%get3A_83] {strides = array<i32>} : memref<128xi32, #tpu.memory_space<vmem>>, vector<16xi32>,
      %gather3A_85 = tpu.vector_load_idx %arg9[%get3A_82] : memref<10240xf32, #tpu.memory_space<vmem>>[vector<16xi32>], vector<16xf32>,
      %gather3A_86 = tpu.vector_load_idx %arg10[%get3A_84] : memref<10240xf32, #tpu.memory_space<vmem>>[vector<16xi32>], vector<16xf32>,
      %add3A_87 = arith.addf %gather3A_85, %gather3A_86 : vector<16xf32>
      %gt3A_88 = arith.constant 0.000000e+00 : f32
      %gt3A_89 = vector.broadcast %gt3A_88 : f32 to vector<16xf32>
      %gt3A_90 = arith.cmpf ogt, %add3A_87, %gt3A_89 : vector<16xf32>
      %mul3A_91 = arith.constant 2.000000e-01 : f32
      %mul3A_92 = vector.broadcast %mul3A_91 : f32 to vector<16xf32>
      %mul3A_93 = arith.mulf %mul3A_92, %add3A_87 : vector<16xf32>
      %select_n3A_94 = arith.select %gt3A_90, %add3A_87, %mul3A_93 : vector<16xi1>, vector<16xf32>
      %exp3A_95 = math.exp %select_n3A_94 : vector<16xf32>
      %swap3A_96 = arith.constant 32 : index
      %swap3A_97 = tpu.vector_load %arg13[%swap3A_96] {strides = array<i32>} : memref<128xf32, #tpu.memory_space<vmem>>, vector<16xf32>,
      tpu.vector_store %arg13[%swap3A_96], %exp3A_95 {strides = array<i32>} : memref<128xf32, #tpu.memory_space<vmem>>, vector<16xf32>,
      %get3A_98 = arith.constant 48 : index
      %get3A_99 = tpu.vector_load %arg11[%get3A_98] {strides = array<i32>} : memref<128xi32, #tpu.memory_space<vmem>>, vector<16xi32>,
      %get3A_100 = arith.constant 48 : index
      %get3A_101 = tpu.vector_load %arg12[%get3A_100] {strides = array<i32>} : memref<128xi32, #tpu.memory_space<vmem>>, vector<16xi32>,
      %gather3A_102 = tpu.vector_load_idx %arg9[%get3A_99] : memref<10240xf32, #tpu.memory_space<vmem>>[vector<16xi32>], vector<16xf32>,
      %gather3A_103 = tpu.vector_load_idx %arg10[%get3A_101] : memref<10240xf32, #tpu.memory_space<vmem>>[vector<16xi32>], vector<16xf32>,
      %add3A_104 = arith.addf %gather3A_102, %gather3A_103 : vector<16xf32>
      %gt3A_105 = arith.constant 0.000000e+00 : f32
      %gt3A_106 = vector.broadcast %gt3A_105 : f32 to vector<16xf32>
      %gt3A_107 = arith.cmpf ogt, %add3A_104, %gt3A_106 : vector<16xf32>
      %mul3A_108 = arith.constant 2.000000e-01 : f32
      %mul3A_109 = vector.broadcast %mul3A_108 : f32 to vector<16xf32>
      %mul3A_110 = arith.mulf %mul3A_109, %add3A_104 : vector<16xf32>
      %select_n3A_111 = arith.select %gt3A_107, %add3A_104, %mul3A_110 : vector<16xi1>, vector<16xf32>
      %exp3A_112 = math.exp %select_n3A_111 : vector<16xf32>
      %swap3A_113 = arith.constant 48 : index
      %swap3A_114 = tpu.vector_load %arg13[%swap3A_113] {strides = array<i32>} : memref<128xf32, #tpu.memory_space<vmem>>, vector<16xf32>,
      tpu.vector_store %arg13[%swap3A_113], %exp3A_112 {strides = array<i32>} : memref<128xf32, #tpu.memory_space<vmem>>, vector<16xf32>,
      %get3A_115 = arith.constant 64 : index
      %get3A_116 = tpu.vector_load %arg11[%get3A_115] {strides = array<i32>} : memref<128xi32, #tpu.memory_space<vmem>>, vector<16xi32>,
      %get3A_117 = arith.constant 64 : index
      %get3A_118 = tpu.vector_load %arg12[%get3A_117] {strides = array<i32>} : memref<128xi32, #tpu.memory_space<vmem>>, vector<16xi32>,
      %gather3A_119 = tpu.vector_load_idx %arg9[%get3A_116] : memref<10240xf32, #tpu.memory_space<vmem>>[vector<16xi32>], vector<16xf32>,
      %gather3A_120 = tpu.vector_load_idx %arg10[%get3A_118] : memref<10240xf32, #tpu.memory_space<vmem>>[vector<16xi32>], vector<16xf32>,
      %add3A_121 = arith.addf %gather3A_119, %gather3A_120 : vector<16xf32>
      %gt3A_122 = arith.constant 0.000000e+00 : f32
      %gt3A_123 = vector.broadcast %gt3A_122 : f32 to vector<16xf32>
      %gt3A_124 = arith.cmpf ogt, %add3A_121, %gt3A_123 : vector<16xf32>
      %mul3A_125 = arith.constant 2.000000e-01 : f32
      %mul3A_126 = vector.broadcast %mul3A_125 : f32 to vector<16xf32>
      %mul3A_127 = arith.mulf %mul3A_126, %add3A_121 : vector<16xf32>
      %select_n3A_128 = arith.select %gt3A_124, %add3A_121, %mul3A_127 : vector<16xi1>, vector<16xf32>
      %exp3A_129 = math.exp %select_n3A_128 : vector<16xf32>
      %swap3A_130 = arith.constant 64 : index
      %swap3A_131 = tpu.vector_load %arg13[%swap3A_130] {strides = array<i32>} : memref<128xf32, #tpu.memory_space<vmem>>, vector<16xf32>,
      tpu.vector_store %arg13[%swap3A_130], %exp3A_129 {strides = array<i32>} : memref<128xf32, #tpu.memory_space<vmem>>, vector<16xf32>,
      %get3A_132 = arith.constant 80 : index
      %get3A_133 = tpu.vector_load %arg11[%get3A_132] {strides = array<i32>} : memref<128xi32, #tpu.memory_space<vmem>>, vector<16xi32>,
      %get3A_134 = arith.constant 80 : index
      %get3A_135 = tpu.vector_load %arg12[%get3A_134] {strides = array<i32>} : memref<128xi32, #tpu.memory_space<vmem>>, vector<16xi32>,
      %gather3A_136 = tpu.vector_load_idx %arg9[%get3A_133] : memref<10240xf32, #tpu.memory_space<vmem>>[vector<16xi32>], vector<16xf32>,
      %gather3A_137 = tpu.vector_load_idx %arg10[%get3A_135] : memref<10240xf32, #tpu.memory_space<vmem>>[vector<16xi32>], vector<16xf32>,
      %add3A_138 = arith.addf %gather3A_136, %gather3A_137 : vector<16xf32>
      %gt3A_139 = arith.constant 0.000000e+00 : f32
      %gt3A_140 = vector.broadcast %gt3A_139 : f32 to vector<16xf32>
      %gt3A_141 = arith.cmpf ogt, %add3A_138, %gt3A_140 : vector<16xf32>
      %mul3A_142 = arith.constant 2.000000e-01 : f32
      %mul3A_143 = vector.broadcast %mul3A_142 : f32 to vector<16xf32>
      %mul3A_144 = arith.mulf %mul3A_143, %add3A_138 : vector<16xf32>
      %select_n3A_145 = arith.select %gt3A_141, %add3A_138, %mul3A_144 : vector<16xi1>, vector<16xf32>
      %exp3A_146 = math.exp %select_n3A_145 : vector<16xf32>
      %swap3A_147 = arith.constant 80 : index
      %swap3A_148 = tpu.vector_load %arg13[%swap3A_147] {strides = array<i32>} : memref<128xf32, #tpu.memory_space<vmem>>, vector<16xf32>,
      tpu.vector_store %arg13[%swap3A_147], %exp3A_146 {strides = array<i32>} : memref<128xf32, #tpu.memory_space<vmem>>, vector<16xf32>,
      %get3A_149 = arith.constant 96 : index
      %get3A_150 = tpu.vector_load %arg11[%get3A_149] {strides = array<i32>} : memref<128xi32, #tpu.memory_space<vmem>>, vector<16xi32>,
      %get3A_151 = arith.constant 96 : index
      %get3A_152 = tpu.vector_load %arg12[%get3A_151] {strides = array<i32>} : memref<128xi32, #tpu.memory_space<vmem>>, vector<16xi32>,
      %gather3A_153 = tpu.vector_load_idx %arg9[%get3A_150] : memref<10240xf32, #tpu.memory_space<vmem>>[vector<16xi32>], vector<16xf32>,
      %gather3A_154 = tpu.vector_load_idx %arg10[%get3A_152] : memref<10240xf32, #tpu.memory_space<vmem>>[vector<16xi32>], vector<16xf32>,
      %add3A_155 = arith.addf %gather3A_153, %gather3A_154 : vector<16xf32>
      %gt3A_156 = arith.constant 0.000000e+00 : f32
      %gt3A_157 = vector.broadcast %gt3A_156 : f32 to vector<16xf32>
      %gt3A_158 = arith.cmpf ogt, %add3A_155, %gt3A_157 : vector<16xf32>
      %mul3A_159 = arith.constant 2.000000e-01 : f32
      %mul3A_160 = vector.broadcast %mul3A_159 : f32 to vector<16xf32>
      %mul3A_161 = arith.mulf %mul3A_160, %add3A_155 : vector<16xf32>
      %select_n3A_162 = arith.select %gt3A_158, %add3A_155, %mul3A_161 : vector<16xi1>, vector<16xf32>
      %exp3A_163 = math.exp %select_n3A_162 : vector<16xf32>
      %swap3A_164 = arith.constant 96 : index
      %swap3A_165 = tpu.vector_load %arg13[%swap3A_164] {strides = array<i32>} : memref<128xf32, #tpu.memory_space<vmem>>, vector<16xf32>,
      tpu.vector_store %arg13[%swap3A_164], %exp3A_163 {strides = array<i32>} : memref<128xf32, #tpu.memory_space<vmem>>, vector<16xf32>,
      %get3A_166 = arith.constant 112 : index
      %get3A_167 = tpu.vector_load %arg11[%get3A_166] {strides = array<i32>} : memref<128xi32, #tpu.memory_space<vmem>>, vector<16xi32>,
      %get3A_168 = arith.constant 112 : index
      %get3A_169 = tpu.vector_load %arg12[%get3A_168] {strides = array<i32>} : memref<128xi32, #tpu.memory_space<vmem>>, vector<16xi32>,
      %gather3A_170 = tpu.vector_load_idx %arg9[%get3A_167] : memref<10240xf32, #tpu.memory_space<vmem>>[vector<16xi32>], vector<16xf32>,
      %gather3A_171 = tpu.vector_load_idx %arg10[%get3A_169] : memref<10240xf32, #tpu.memory_space<vmem>>[vector<16xi32>], vector<16xf32>,
      %add3A_172 = arith.addf %gather3A_170, %gather3A_171 : vector<16xf32>
      %gt3A_173 = arith.constant 0.000000e+00 : f32
      %gt3A_174 = vector.broadcast %gt3A_173 : f32 to vector<16xf32>
      %gt3A_175 = arith.cmpf ogt, %add3A_172, %gt3A_174 : vector<16xf32>
      %mul3A_176 = arith.constant 2.000000e-01 : f32
      %mul3A_177 = vector.broadcast %mul3A_176 : f32 to vector<16xf32>
      %mul3A_178 = arith.mulf %mul3A_177, %add3A_172 : vector<16xf32>
      %select_n3A_179 = arith.select %gt3A_175, %add3A_172, %mul3A_178 : vector<16xi1>, vector<16xf32>
      %exp3A_180 = math.exp %select_n3A_179 : vector<16xf32>
      %swap3A_181 = arith.constant 112 : index
      %swap3A_182 = tpu.vector_load %arg13[%swap3A_181] {strides = array<i32>} : memref<128xf32, #tpu.memory_space<vmem>>, vector<16xf32>,
      tpu.vector_store %arg13[%swap3A_181], %exp3A_180 {strides = array<i32>} : memref<128xf32, #tpu.memory_space<vmem>>, vector<16xf32>,
      %dma_start3A = arith.constant 0 : i32
      %dma_start3A_183 = arith.constant 0 : i32
      %dma_start3A_184 = tpu.memref_slice %arg2[%dma_start3A, %dma_start3A_183] : memref<10240x128xf32, #tpu.memory_space<hbm>> -> memref<10240x128xf32, #tpu.memory_space<hbm>>
      tpu.enqueue_indirect_dma source(%dma_start3A_184 : memref<10240x128xf32, #tpu.memory_space<hbm>>) target(%arg14 : memref<128x128xf32, #tpu.memory_space<vmem>>) offsets(%arg11 : memref<128xi32, #tpu.memory_space<vmem>>) semaphore(%arg17 : memref<!tpu.dma_semaphore, #tpu.memory_space<semaphore_mem>>)
      %dma_wait3A = arith.constant 0 : i32
      %dma_wait3A_185 = arith.constant 0 : i32
      %dma_wait3A_186 = tpu.memref_slice %arg2[%dma_wait3A, %dma_wait3A_185] : memref<10240x128xf32, #tpu.memory_space<hbm>> -> memref<10240x128xf32, #tpu.memory_space<hbm>>
      tpu.wait_indirect_dma semaphore(%arg17 : memref<!tpu.dma_semaphore, #tpu.memory_space<semaphore_mem>>) src(%dma_wait3A_186 : memref<10240x128xf32, #tpu.memory_space<hbm>>) dst(%arg14 : memref<128x128xf32, #tpu.memory_space<vmem>>)
      %scan3A_187 = arith.constant 0 : i32
      %scan3A_188 = arith.constant 0 : i32
      %scan3A_189 = arith.constant 128 : i32
      %scan3A_190 = arith.addi %scan3A_188, %scan3A_189 : i32
      %scan3A_191 = arith.constant 1 : i32
      scf.for %scan3A_193 = %scan3A_188 to %scan3A_190 step %scan3A_191  : i32 {
        %broadcast_in_dim3A_194 = vector.broadcast %scan3A_193 : i32 to vector<16xi32>
        %gather3A_195 = tpu.vector_load_idx %arg13[%broadcast_in_dim3A_194] : memref<128xf32, #tpu.memory_space<vmem>>[vector<16xi32>], vector<16xf32>,
        %get3A_196 = arith.index_cast %scan3A_193 : i32 to index
        %get3A_197 = arith.constant 0 : index
        %get3A_198 = tpu.vector_load %arg14[%get3A_196, %get3A_197] {strides = array<i32>} : memref<128x128xf32, #tpu.memory_space<vmem>>, vector<16xf32>,
        %mul3A_199 = arith.mulf %get3A_198, %gather3A_195 : vector<16xf32>
        %swap3A_200 = arith.index_cast %scan3A_193 : i32 to index
        %swap3A_201 = arith.constant 0 : index
        %swap3A_202 = tpu.vector_load %arg14[%swap3A_200, %swap3A_201] {strides = array<i32>} : memref<128x128xf32, #tpu.memory_space<vmem>>, vector<16xf32>,
        tpu.vector_store %arg14[%swap3A_200, %swap3A_201], %mul3A_199 {strides = array<i32>} : memref<128x128xf32, #tpu.memory_space<vmem>>, vector<16xf32>,
        %get3A_203 = arith.index_cast %scan3A_193 : i32 to index
        %get3A_204 = arith.constant 16 : index
        %get3A_205 = tpu.vector_load %arg14[%get3A_203, %get3A_204] {strides = array<i32>} : memref<128x128xf32, #tpu.memory_space<vmem>>, vector<16xf32>,
        %mul3A_206 = arith.mulf %get3A_205, %gather3A_195 : vector<16xf32>
        %swap3A_207 = arith.index_cast %scan3A_193 : i32 to index
        %swap3A_208 = arith.constant 16 : index
        %swap3A_209 = tpu.vector_load %arg14[%swap3A_207, %swap3A_208] {strides = array<i32>} : memref<128x128xf32, #tpu.memory_space<vmem>>, vector<16xf32>,
        tpu.vector_store %arg14[%swap3A_207, %swap3A_208], %mul3A_206 {strides = array<i32>} : memref<128x128xf32, #tpu.memory_space<vmem>>, vector<16xf32>,
        %get3A_210 = arith.index_cast %scan3A_193 : i32 to index
        %get3A_211 = arith.constant 32 : index
        %get3A_212 = tpu.vector_load %arg14[%get3A_210, %get3A_211] {strides = array<i32>} : memref<128x128xf32, #tpu.memory_space<vmem>>, vector<16xf32>,
        %mul3A_213 = arith.mulf %get3A_212, %gather3A_195 : vector<16xf32>
        %swap3A_214 = arith.index_cast %scan3A_193 : i32 to index
        %swap3A_215 = arith.constant 32 : index
        %swap3A_216 = tpu.vector_load %arg14[%swap3A_214, %swap3A_215] {strides = array<i32>} : memref<128x128xf32, #tpu.memory_space<vmem>>, vector<16xf32>,
        tpu.vector_store %arg14[%swap3A_214, %swap3A_215], %mul3A_213 {strides = array<i32>} : memref<128x128xf32, #tpu.memory_space<vmem>>, vector<16xf32>,
        %get3A_217 = arith.index_cast %scan3A_193 : i32 to index
        %get3A_218 = arith.constant 48 : index
        %get3A_219 = tpu.vector_load %arg14[%get3A_217, %get3A_218] {strides = array<i32>} : memref<128x128xf32, #tpu.memory_space<vmem>>, vector<16xf32>,
        %mul3A_220 = arith.mulf %get3A_219, %gather3A_195 : vector<16xf32>
        %swap3A_221 = arith.index_cast %scan3A_193 : i32 to index
        %swap3A_222 = arith.constant 48 : index
        %swap3A_223 = tpu.vector_load %arg14[%swap3A_221, %swap3A_222] {strides = array<i32>} : memref<128x128xf32, #tpu.memory_space<vmem>>, vector<16xf32>,
        tpu.vector_store %arg14[%swap3A_221, %swap3A_222], %mul3A_220 {strides = array<i32>} : memref<128x128xf32, #tpu.memory_space<vmem>>, vector<16xf32>,
        %get3A_224 = arith.index_cast %scan3A_193 : i32 to index
        %get3A_225 = arith.constant 64 : index
        %get3A_226 = tpu.vector_load %arg14[%get3A_224, %get3A_225] {strides = array<i32>} : memref<128x128xf32, #tpu.memory_space<vmem>>, vector<16xf32>,
        %mul3A_227 = arith.mulf %get3A_226, %gather3A_195 : vector<16xf32>
        %swap3A_228 = arith.index_cast %scan3A_193 : i32 to index
        %swap3A_229 = arith.constant 64 : index
        %swap3A_230 = tpu.vector_load %arg14[%swap3A_228, %swap3A_229] {strides = array<i32>} : memref<128x128xf32, #tpu.memory_space<vmem>>, vector<16xf32>,
        tpu.vector_store %arg14[%swap3A_228, %swap3A_229], %mul3A_227 {strides = array<i32>} : memref<128x128xf32, #tpu.memory_space<vmem>>, vector<16xf32>,
        %get3A_231 = arith.index_cast %scan3A_193 : i32 to index
        %get3A_232 = arith.constant 80 : index
        %get3A_233 = tpu.vector_load %arg14[%get3A_231, %get3A_232] {strides = array<i32>} : memref<128x128xf32, #tpu.memory_space<vmem>>, vector<16xf32>,
        %mul3A_234 = arith.mulf %get3A_233, %gather3A_195 : vector<16xf32>
        %swap3A_235 = arith.index_cast %scan3A_193 : i32 to index
        %swap3A_236 = arith.constant 80 : index
        %swap3A_237 = tpu.vector_load %arg14[%swap3A_235, %swap3A_236] {strides = array<i32>} : memref<128x128xf32, #tpu.memory_space<vmem>>, vector<16xf32>,
        tpu.vector_store %arg14[%swap3A_235, %swap3A_236], %mul3A_234 {strides = array<i32>} : memref<128x128xf32, #tpu.memory_space<vmem>>, vector<16xf32>,
        %get3A_238 = arith.index_cast %scan3A_193 : i32 to index
        %get3A_239 = arith.constant 96 : index
        %get3A_240 = tpu.vector_load %arg14[%get3A_238, %get3A_239] {strides = array<i32>} : memref<128x128xf32, #tpu.memory_space<vmem>>, vector<16xf32>,
        %mul3A_241 = arith.mulf %get3A_240, %gather3A_195 : vector<16xf32>
        %swap3A_242 = arith.index_cast %scan3A_193 : i32 to index
        %swap3A_243 = arith.constant 96 : index
        %swap3A_244 = tpu.vector_load %arg14[%swap3A_242, %swap3A_243] {strides = array<i32>} : memref<128x128xf32, #tpu.memory_space<vmem>>, vector<16xf32>,
        tpu.vector_store %arg14[%swap3A_242, %swap3A_243], %mul3A_241 {strides = array<i32>} : memref<128x128xf32, #tpu.memory_space<vmem>>, vector<16xf32>,
        %get3A_245 = arith.index_cast %scan3A_193 : i32 to index
        %get3A_246 = arith.constant 112 : index
        %get3A_247 = tpu.vector_load %arg14[%get3A_245, %get3A_246] {strides = array<i32>} : memref<128x128xf32, #tpu.memory_space<vmem>>, vector<16xf32>,
        %mul3A_248 = arith.mulf %get3A_247, %gather3A_195 : vector<16xf32>
        %swap3A_249 = arith.index_cast %scan3A_193 : i32 to index
        %swap3A_250 = arith.constant 112 : index
        %swap3A_251 = tpu.vector_load %arg14[%swap3A_249, %swap3A_250] {strides = array<i32>} : memref<128x128xf32, #tpu.memory_space<vmem>>, vector<16xf32>,
        tpu.vector_store %arg14[%swap3A_249, %swap3A_250], %mul3A_248 {strides = array<i32>} : memref<128x128xf32, #tpu.memory_space<vmem>>, vector<16xf32>,
      }
      %scan3A_192 = arith.constant 128 : i32
      "tpu.region"() ({
        %run_scoped3A = tpu.sem_alloc : memref<!tpu.dma_semaphore, #tpu.memory_space<semaphore_mem>>
        %dma_start3A_193 = arith.constant 0 : i32
        %dma_start3A_194 = arith.constant 0 : i32
        %dma_start3A_195 = tpu.memref_slice %arg15[%dma_start3A_193, %dma_start3A_194] : memref<10240x128xf32, #tpu.memory_space<vmem_shared>> -> memref<10240x128xf32, #tpu.memory_space<vmem_shared>>
        tpu.enqueue_indirect_dma source(%arg14 : memref<128x128xf32, #tpu.memory_space<vmem>>) target(%dma_start3A_195 : memref<10240x128xf32, #tpu.memory_space<vmem_shared>>) offsets(%arg12 : memref<128xi32, #tpu.memory_space<vmem>>) semaphore(%run_scoped3A : memref<!tpu.dma_semaphore, #tpu.memory_space<semaphore_mem>>) {add = true}
        %dma_wait3A_196 = arith.constant 0 : i32
        %dma_wait3A_197 = arith.constant 0 : i32
        %dma_wait3A_198 = tpu.memref_slice %arg15[%dma_wait3A_196, %dma_wait3A_197] : memref<10240x128xf32, #tpu.memory_space<vmem_shared>> -> memref<10240x128xf32, #tpu.memory_space<vmem_shared>>
        tpu.wait_indirect_dma semaphore(%run_scoped3A : memref<!tpu.dma_semaphore, #tpu.memory_space<semaphore_mem>>) src(%arg14 : memref<128x128xf32, #tpu.memory_space<vmem>>) dst(%dma_wait3A_198 : memref<10240x128xf32, #tpu.memory_space<vmem_shared>>)
        tpu.yield
      }) : () -> ()
      "tpu.region"() ({
        %run_scoped3A = tpu.sem_alloc : memref<!tpu.dma_semaphore, #tpu.memory_space<semaphore_mem>>
        %dma_start3A_193 = arith.constant 0 : i32
        %dma_start3A_194 = tpu.memref_slice %arg16[%dma_start3A_193] : memref<16384xf32, #tpu.memory_space<vmem_shared>> -> memref<16384xf32, #tpu.memory_space<vmem_shared>>
        tpu.enqueue_indirect_dma source(%arg13 : memref<128xf32, #tpu.memory_space<vmem>>) target(%dma_start3A_194 : memref<16384xf32, #tpu.memory_space<vmem_shared>>) offsets(%arg12 : memref<128xi32, #tpu.memory_space<vmem>>) semaphore(%run_scoped3A : memref<!tpu.dma_semaphore, #tpu.memory_space<semaphore_mem>>) {add = true}
        %dma_wait3A_195 = arith.constant 0 : i32
        %dma_wait3A_196 = tpu.memref_slice %arg16[%dma_wait3A_195] : memref<16384xf32, #tpu.memory_space<vmem_shared>> -> memref<16384xf32, #tpu.memory_space<vmem_shared>>
        tpu.wait_indirect_dma semaphore(%run_scoped3A : memref<!tpu.dma_semaphore, #tpu.memory_space<semaphore_mem>>) src(%arg13 : memref<128xf32, #tpu.memory_space<vmem>>) dst(%dma_wait3A_196 : memref<16384xf32, #tpu.memory_space<vmem_shared>>)
        tpu.yield
      }) : () -> ()
    }
    %scan3A_47 = arith.constant 160 : i32
    %barrier3A_48 = arith.constant 0 : index
    tpu.barrier barrier_id(%barrier3A_48)
    "tpu.region"() ({
      %run_scoped3A = tpu.sem_alloc : memref<!tpu.dma_semaphore, #tpu.memory_space<semaphore_mem>>
      %dma_start3A = arith.constant 0 : i32
      %dma_start3A_49 = tpu.memref_slice %arg7[%mul3A_12, %dma_start3A] : memref<10240x128xf32, #tpu.memory_space<hbm>> -> memref<640x128xf32, #tpu.memory_space<hbm>>
      %dma_start3A_50 = arith.constant 0 : i32
      %dma_start3A_51 = tpu.memref_slice %arg15[%mul3A_12, %dma_start3A_50] : memref<10240x128xf32, #tpu.memory_space<vmem_shared>> -> memref<640x128xf32, #tpu.memory_space<vmem_shared>>
      tpu.enqueue_dma source(%dma_start3A_51 : memref<640x128xf32, #tpu.memory_space<vmem_shared>>) target(%dma_start3A_49 : memref<640x128xf32, #tpu.memory_space<hbm>>) target_semaphore(%run_scoped3A : memref<!tpu.dma_semaphore, #tpu.memory_space<semaphore_mem>>)
      %dma_wait3A = arith.constant 0 : i32
      %dma_wait3A_52 = tpu.memref_slice %arg7[%mul3A_12, %dma_wait3A] : memref<10240x128xf32, #tpu.memory_space<hbm>> -> memref<640x128xf32, #tpu.memory_space<hbm>>
      %dma_wait3A_53 = arith.constant 0 : i32
      %dma_wait3A_54 = tpu.memref_slice %arg15[%mul3A_12, %dma_wait3A_53] : memref<10240x128xf32, #tpu.memory_space<vmem_shared>> -> memref<640x128xf32, #tpu.memory_space<vmem_shared>>
      tpu.wait_dma2 semaphore(%run_scoped3A : memref<!tpu.dma_semaphore, #tpu.memory_space<semaphore_mem>>) src(%dma_wait3A_54 : memref<640x128xf32, #tpu.memory_space<vmem_shared>>) dst(%dma_wait3A_52 : memref<640x128xf32, #tpu.memory_space<hbm>>)
      tpu.yield
    }) : () -> ()
    "tpu.region"() ({
      %run_scoped3A = tpu.sem_alloc : memref<!tpu.dma_semaphore, #tpu.memory_space<semaphore_mem>>
      %dma_start3A = tpu.memref_slice %arg8[%mul3A_23] : memref<16384xf32, #tpu.memory_space<hbm>> -> memref<1024xf32, #tpu.memory_space<hbm>>
      %dma_start3A_49 = tpu.memref_slice %arg16[%mul3A_23] : memref<16384xf32, #tpu.memory_space<vmem_shared>> -> memref<1024xf32, #tpu.memory_space<vmem_shared>>
      tpu.enqueue_dma source(%dma_start3A_49 : memref<1024xf32, #tpu.memory_space<vmem_shared>>) target(%dma_start3A : memref<1024xf32, #tpu.memory_space<hbm>>) target_semaphore(%run_scoped3A : memref<!tpu.dma_semaphore, #tpu.memory_space<semaphore_mem>>)
      %dma_wait3A = tpu.memref_slice %arg8[%mul3A_23] : memref<16384xf32, #tpu.memory_space<hbm>> -> memref<1024xf32, #tpu.memory_space<hbm>>
      %dma_wait3A_50 = tpu.memref_slice %arg16[%mul3A_23] : memref<16384xf32, #tpu.memory_space<vmem_shared>> -> memref<1024xf32, #tpu.memory_space<vmem_shared>>
      tpu.wait_dma2 semaphore(%run_scoped3A : memref<!tpu.dma_semaphore, #tpu.memory_space<semaphore_mem>>) src(%dma_wait3A_50 : memref<1024xf32, #tpu.memory_space<vmem_shared>>) dst(%dma_wait3A : memref<1024xf32, #tpu.memory_space<hbm>>)
      tpu.yield
    }) : () -> ()
    return
  }
}

#map = affine_map<(d0, d1) -> (0, 0)>
#map1 = affine_map<(d0, d1) -> (0)>
module attributes {stable_mosaic.version = 14 : i64} {
  func.func @_fin(%arg0: i32, %arg1: i32, %arg2: memref<10240x128xf32, #tpu.memory_space<hbm>>, %arg3: memref<16384xf32, #tpu.memory_space<hbm>>, %arg4: memref<128xf32, #tpu.memory_space<hbm>>, %arg5: memref<10240x128xf32, #tpu.memory_space<hbm>>, %arg6: memref<128x128xf32, #tpu.memory_space<vmem>>, %arg7: memref<16384xf32, #tpu.memory_space<vmem>>, %arg8: memref<128xf32, #tpu.memory_space<vmem>>) attributes {dimension_semantics = [#tpu.dimension_semantics<core_parallel>, #tpu.dimension_semantics<subcore_parallel>], iteration_bounds = array<i64: 2, 16>, scalar_prefetch = 0 : i64, scratch_operands = 3 : i64, tpu.core_type = #tpu.core_type<sc_vector_subcore>, window_params = [{transform_indices = #map}, {transform_indices = #map1}, {transform_indices = #map1}, {transform_indices = #map}]} {
    %mul3A = arith.constant 2 : i32
    %mul3A_0 = arith.muli %arg1, %mul3A : i32
    %add3A = arith.addi %mul3A_0, %arg0 : i32
    "tpu.region"() ({
      %run_scoped3A = tpu.sem_alloc : memref<!tpu.dma_semaphore, #tpu.memory_space<semaphore_mem>>
      tpu.enqueue_dma source(%arg4 : memref<128xf32, #tpu.memory_space<hbm>>) target(%arg8 : memref<128xf32, #tpu.memory_space<vmem>>) target_semaphore(%run_scoped3A : memref<!tpu.dma_semaphore, #tpu.memory_space<semaphore_mem>>)
      tpu.wait_dma2 semaphore(%run_scoped3A : memref<!tpu.dma_semaphore, #tpu.memory_space<semaphore_mem>>) src(%arg4 : memref<128xf32, #tpu.memory_space<hbm>>) dst(%arg8 : memref<128xf32, #tpu.memory_space<vmem>>)
      tpu.yield
    }) : () -> ()
    "tpu.region"() ({
      %run_scoped3A = tpu.sem_alloc : memref<!tpu.dma_semaphore, #tpu.memory_space<semaphore_mem>>
      tpu.enqueue_dma source(%arg3 : memref<16384xf32, #tpu.memory_space<hbm>>) target(%arg7 : memref<16384xf32, #tpu.memory_space<vmem>>) target_semaphore(%run_scoped3A : memref<!tpu.dma_semaphore, #tpu.memory_space<semaphore_mem>>)
      tpu.wait_dma2 semaphore(%run_scoped3A : memref<!tpu.dma_semaphore, #tpu.memory_space<semaphore_mem>>) src(%arg3 : memref<16384xf32, #tpu.memory_space<hbm>>) dst(%arg7 : memref<16384xf32, #tpu.memory_space<vmem>>)
      tpu.yield
    }) : () -> ()
    %scan3A = arith.constant 0 : i32
    %scan3A_1 = arith.constant 0 : i32
    %scan3A_2 = arith.constant 1024 : i32
    %scan3A_3 = arith.addi %scan3A_1, %scan3A_2 : i32
    %scan3A_4 = arith.constant 1 : i32
    scf.for %scan3A_12 = %scan3A_1 to %scan3A_3 step %scan3A_4  : i32 {
      %mul3A_13 = arith.constant 16 : i32
      %mul3A_14 = arith.muli %mul3A_13, %scan3A_12 : i32
      %get3A = arith.index_cast %mul3A_14 : i32 to index
      %get3A_15 = tpu.vector_load %arg7[%get3A] {strides = array<i32>} : memref<16384xf32, #tpu.memory_space<vmem>>, vector<16xf32>,
      %add3A_16 = arith.constant 9.99999971E-10 : f32
      %add3A_17 = vector.broadcast %add3A_16 : f32 to vector<16xf32>
      %add3A_18 = arith.addf %get3A_15, %add3A_17 : vector<16xf32>
      %swap3A = arith.index_cast %mul3A_14 : i32 to index
      %swap3A_19 = tpu.vector_load %arg7[%swap3A] {strides = array<i32>} : memref<16384xf32, #tpu.memory_space<vmem>>, vector<16xf32>,
      tpu.vector_store %arg7[%swap3A], %add3A_18 {strides = array<i32>} : memref<16384xf32, #tpu.memory_space<vmem>>, vector<16xf32>,
    }
    %scan3A_5 = arith.constant 1024 : i32
    %scan3A_6 = arith.constant 0 : i32
    %scan3A_7 = arith.constant 0 : i32
    %scan3A_8 = arith.constant 3 : i32
    %scan3A_9 = arith.addi %scan3A_7, %scan3A_8 : i32
    %scan3A_10 = arith.constant 1 : i32
    scf.for %scan3A_12 = %scan3A_7 to %scan3A_9 step %scan3A_10  : i32 {
      %mul3A_13 = arith.constant 32 : i32
      %mul3A_14 = arith.muli %mul3A_13, %scan3A_12 : i32
      %add3A_15 = arith.addi %add3A, %mul3A_14 : i32
      %lt3A = arith.constant 80 : i32
      %lt3A_16 = arith.cmpi slt, %add3A_15, %lt3A : i32
      %convert_element_type3A = arith.extui %lt3A_16 : i1 to i32
      %cond3A = arith.constant 0 : i32
      %cond3A_17 = arith.cmpi ne, %convert_element_type3A, %cond3A : i32
      scf.if %cond3A_17 {
        %mul3A_18 = arith.constant 128 : i32
        %mul3A_19 = arith.muli %add3A_15, %mul3A_18 : i32
        "tpu.region"() ({
          %run_scoped3A = tpu.sem_alloc : memref<!tpu.dma_semaphore, #tpu.memory_space<semaphore_mem>>
          %dma_start3A = arith.constant 0 : i32
          %dma_start3A_26 = tpu.memref_slice %arg2[%mul3A_19, %dma_start3A] : memref<10240x128xf32, #tpu.memory_space<hbm>> -> memref<128x128xf32, #tpu.memory_space<hbm>>
          %dma_start3A_27 = arith.constant 0 : i32
          %dma_start3A_28 = tpu.memref_slice %arg2[%mul3A_19, %dma_start3A_27] : memref<10240x128xf32, #tpu.memory_space<hbm>> -> memref<128x128xf32, #tpu.memory_space<hbm>>
          tpu.enqueue_dma source(%dma_start3A_28 : memref<128x128xf32, #tpu.memory_space<hbm>>) target(%arg6 : memref<128x128xf32, #tpu.memory_space<vmem>>) target_semaphore(%run_scoped3A : memref<!tpu.dma_semaphore, #tpu.memory_space<semaphore_mem>>)
          %dma_wait3A = arith.constant 0 : i32
          %dma_wait3A_29 = tpu.memref_slice %arg2[%mul3A_19, %dma_wait3A] : memref<10240x128xf32, #tpu.memory_space<hbm>> -> memref<128x128xf32, #tpu.memory_space<hbm>>
          %dma_wait3A_30 = arith.constant 0 : i32
          %dma_wait3A_31 = tpu.memref_slice %arg2[%mul3A_19, %dma_wait3A_30] : memref<10240x128xf32, #tpu.memory_space<hbm>> -> memref<128x128xf32, #tpu.memory_space<hbm>>
          tpu.wait_dma2 semaphore(%run_scoped3A : memref<!tpu.dma_semaphore, #tpu.memory_space<semaphore_mem>>) src(%dma_wait3A_31 : memref<128x128xf32, #tpu.memory_space<hbm>>) dst(%arg6 : memref<128x128xf32, #tpu.memory_space<vmem>>)
          tpu.yield
        }) : () -> ()
        %scan3A_20 = arith.constant 0 : i32
        %scan3A_21 = arith.constant 0 : i32
        %scan3A_22 = arith.constant 128 : i32
        %scan3A_23 = arith.addi %scan3A_21, %scan3A_22 : i32
        %scan3A_24 = arith.constant 1 : i32
        scf.for %scan3A_26 = %scan3A_21 to %scan3A_23 step %scan3A_24  : i32 {
          %add3A_27 = arith.addi %mul3A_19, %scan3A_26 : i32
          %broadcast_in_dim3A = vector.broadcast %add3A_27 : i32 to vector<16xi32>
          %gather3A = tpu.vector_load_idx %arg7[%broadcast_in_dim3A] : memref<16384xf32, #tpu.memory_space<vmem>>[vector<16xi32>], vector<16xf32>,
          %get3A = arith.index_cast %scan3A_26 : i32 to index
          %get3A_28 = arith.constant 0 : index
          %get3A_29 = tpu.vector_load %arg6[%get3A, %get3A_28] {strides = array<i32>} : memref<128x128xf32, #tpu.memory_space<vmem>>, vector<16xf32>,
          %div3A = arith.divf %get3A_29, %gather3A : vector<16xf32>
          %get3A_30 = arith.constant 0 : index
          %get3A_31 = tpu.vector_load %arg8[%get3A_30] {strides = array<i32>} : memref<128xf32, #tpu.memory_space<vmem>>, vector<16xf32>,
          %add3A_32 = arith.addf %div3A, %get3A_31 : vector<16xf32>
          %swap3A = arith.index_cast %scan3A_26 : i32 to index
          %swap3A_33 = arith.constant 0 : index
          %swap3A_34 = tpu.vector_load %arg6[%swap3A, %swap3A_33] {strides = array<i32>} : memref<128x128xf32, #tpu.memory_space<vmem>>, vector<16xf32>,
          tpu.vector_store %arg6[%swap3A, %swap3A_33], %add3A_32 {strides = array<i32>} : memref<128x128xf32, #tpu.memory_space<vmem>>, vector<16xf32>,
          %get3A_35 = arith.index_cast %scan3A_26 : i32 to index
          %get3A_36 = arith.constant 16 : index
          %get3A_37 = tpu.vector_load %arg6[%get3A_35, %get3A_36] {strides = array<i32>} : memref<128x128xf32, #tpu.memory_space<vmem>>, vector<16xf32>,
          %div3A_38 = arith.divf %get3A_37, %gather3A : vector<16xf32>
          %get3A_39 = arith.constant 16 : index
          %get3A_40 = tpu.vector_load %arg8[%get3A_39] {strides = array<i32>} : memref<128xf32, #tpu.memory_space<vmem>>, vector<16xf32>,
          %add3A_41 = arith.addf %div3A_38, %get3A_40 : vector<16xf32>
          %swap3A_42 = arith.index_cast %scan3A_26 : i32 to index
          %swap3A_43 = arith.constant 16 : index
          %swap3A_44 = tpu.vector_load %arg6[%swap3A_42, %swap3A_43] {strides = array<i32>} : memref<128x128xf32, #tpu.memory_space<vmem>>, vector<16xf32>,
          tpu.vector_store %arg6[%swap3A_42, %swap3A_43], %add3A_41 {strides = array<i32>} : memref<128x128xf32, #tpu.memory_space<vmem>>, vector<16xf32>,
          %get3A_45 = arith.index_cast %scan3A_26 : i32 to index
          %get3A_46 = arith.constant 32 : index
          %get3A_47 = tpu.vector_load %arg6[%get3A_45, %get3A_46] {strides = array<i32>} : memref<128x128xf32, #tpu.memory_space<vmem>>, vector<16xf32>,
          %div3A_48 = arith.divf %get3A_47, %gather3A : vector<16xf32>
          %get3A_49 = arith.constant 32 : index
          %get3A_50 = tpu.vector_load %arg8[%get3A_49] {strides = array<i32>} : memref<128xf32, #tpu.memory_space<vmem>>, vector<16xf32>,
          %add3A_51 = arith.addf %div3A_48, %get3A_50 : vector<16xf32>
          %swap3A_52 = arith.index_cast %scan3A_26 : i32 to index
          %swap3A_53 = arith.constant 32 : index
          %swap3A_54 = tpu.vector_load %arg6[%swap3A_52, %swap3A_53] {strides = array<i32>} : memref<128x128xf32, #tpu.memory_space<vmem>>, vector<16xf32>,
          tpu.vector_store %arg6[%swap3A_52, %swap3A_53], %add3A_51 {strides = array<i32>} : memref<128x128xf32, #tpu.memory_space<vmem>>, vector<16xf32>,
          %get3A_55 = arith.index_cast %scan3A_26 : i32 to index
          %get3A_56 = arith.constant 48 : index
          %get3A_57 = tpu.vector_load %arg6[%get3A_55, %get3A_56] {strides = array<i32>} : memref<128x128xf32, #tpu.memory_space<vmem>>, vector<16xf32>,
          %div3A_58 = arith.divf %get3A_57, %gather3A : vector<16xf32>
          %get3A_59 = arith.constant 48 : index
          %get3A_60 = tpu.vector_load %arg8[%get3A_59] {strides = array<i32>} : memref<128xf32, #tpu.memory_space<vmem>>, vector<16xf32>,
          %add3A_61 = arith.addf %div3A_58, %get3A_60 : vector<16xf32>
          %swap3A_62 = arith.index_cast %scan3A_26 : i32 to index
          %swap3A_63 = arith.constant 48 : index
          %swap3A_64 = tpu.vector_load %arg6[%swap3A_62, %swap3A_63] {strides = array<i32>} : memref<128x128xf32, #tpu.memory_space<vmem>>, vector<16xf32>,
          tpu.vector_store %arg6[%swap3A_62, %swap3A_63], %add3A_61 {strides = array<i32>} : memref<128x128xf32, #tpu.memory_space<vmem>>, vector<16xf32>,
          %get3A_65 = arith.index_cast %scan3A_26 : i32 to index
          %get3A_66 = arith.constant 64 : index
          %get3A_67 = tpu.vector_load %arg6[%get3A_65, %get3A_66] {strides = array<i32>} : memref<128x128xf32, #tpu.memory_space<vmem>>, vector<16xf32>,
          %div3A_68 = arith.divf %get3A_67, %gather3A : vector<16xf32>
          %get3A_69 = arith.constant 64 : index
          %get3A_70 = tpu.vector_load %arg8[%get3A_69] {strides = array<i32>} : memref<128xf32, #tpu.memory_space<vmem>>, vector<16xf32>,
          %add3A_71 = arith.addf %div3A_68, %get3A_70 : vector<16xf32>
          %swap3A_72 = arith.index_cast %scan3A_26 : i32 to index
          %swap3A_73 = arith.constant 64 : index
          %swap3A_74 = tpu.vector_load %arg6[%swap3A_72, %swap3A_73] {strides = array<i32>} : memref<128x128xf32, #tpu.memory_space<vmem>>, vector<16xf32>,
          tpu.vector_store %arg6[%swap3A_72, %swap3A_73], %add3A_71 {strides = array<i32>} : memref<128x128xf32, #tpu.memory_space<vmem>>, vector<16xf32>,
          %get3A_75 = arith.index_cast %scan3A_26 : i32 to index
          %get3A_76 = arith.constant 80 : index
          %get3A_77 = tpu.vector_load %arg6[%get3A_75, %get3A_76] {strides = array<i32>} : memref<128x128xf32, #tpu.memory_space<vmem>>, vector<16xf32>,
          %div3A_78 = arith.divf %get3A_77, %gather3A : vector<16xf32>
          %get3A_79 = arith.constant 80 : index
          %get3A_80 = tpu.vector_load %arg8[%get3A_79] {strides = array<i32>} : memref<128xf32, #tpu.memory_space<vmem>>, vector<16xf32>,
          %add3A_81 = arith.addf %div3A_78, %get3A_80 : vector<16xf32>
          %swap3A_82 = arith.index_cast %scan3A_26 : i32 to index
          %swap3A_83 = arith.constant 80 : index
          %swap3A_84 = tpu.vector_load %arg6[%swap3A_82, %swap3A_83] {strides = array<i32>} : memref<128x128xf32, #tpu.memory_space<vmem>>, vector<16xf32>,
          tpu.vector_store %arg6[%swap3A_82, %swap3A_83], %add3A_81 {strides = array<i32>} : memref<128x128xf32, #tpu.memory_space<vmem>>, vector<16xf32>,
          %get3A_85 = arith.index_cast %scan3A_26 : i32 to index
          %get3A_86 = arith.constant 96 : index
          %get3A_87 = tpu.vector_load %arg6[%get3A_85, %get3A_86] {strides = array<i32>} : memref<128x128xf32, #tpu.memory_space<vmem>>, vector<16xf32>,
          %div3A_88 = arith.divf %get3A_87, %gather3A : vector<16xf32>
          %get3A_89 = arith.constant 96 : index
          %get3A_90 = tpu.vector_load %arg8[%get3A_89] {strides = array<i32>} : memref<128xf32, #tpu.memory_space<vmem>>, vector<16xf32>,
          %add3A_91 = arith.addf %div3A_88, %get3A_90 : vector<16xf32>
          %swap3A_92 = arith.index_cast %scan3A_26 : i32 to index
          %swap3A_93 = arith.constant 96 : index
          %swap3A_94 = tpu.vector_load %arg6[%swap3A_92, %swap3A_93] {strides = array<i32>} : memref<128x128xf32, #tpu.memory_space<vmem>>, vector<16xf32>,
          tpu.vector_store %arg6[%swap3A_92, %swap3A_93], %add3A_91 {strides = array<i32>} : memref<128x128xf32, #tpu.memory_space<vmem>>, vector<16xf32>,
          %get3A_95 = arith.index_cast %scan3A_26 : i32 to index
          %get3A_96 = arith.constant 112 : index
          %get3A_97 = tpu.vector_load %arg6[%get3A_95, %get3A_96] {strides = array<i32>} : memref<128x128xf32, #tpu.memory_space<vmem>>, vector<16xf32>,
          %div3A_98 = arith.divf %get3A_97, %gather3A : vector<16xf32>
          %get3A_99 = arith.constant 112 : index
          %get3A_100 = tpu.vector_load %arg8[%get3A_99] {strides = array<i32>} : memref<128xf32, #tpu.memory_space<vmem>>, vector<16xf32>,
          %add3A_101 = arith.addf %div3A_98, %get3A_100 : vector<16xf32>
          %swap3A_102 = arith.index_cast %scan3A_26 : i32 to index
          %swap3A_103 = arith.constant 112 : index
          %swap3A_104 = tpu.vector_load %arg6[%swap3A_102, %swap3A_103] {strides = array<i32>} : memref<128x128xf32, #tpu.memory_space<vmem>>, vector<16xf32>,
          tpu.vector_store %arg6[%swap3A_102, %swap3A_103], %add3A_101 {strides = array<i32>} : memref<128x128xf32, #tpu.memory_space<vmem>>, vector<16xf32>,
        }
        %scan3A_25 = arith.constant 128 : i32
        "tpu.region"() ({
          %run_scoped3A = tpu.sem_alloc : memref<!tpu.dma_semaphore, #tpu.memory_space<semaphore_mem>>
          %dma_start3A = arith.constant 0 : i32
          %dma_start3A_26 = tpu.memref_slice %arg5[%mul3A_19, %dma_start3A] : memref<10240x128xf32, #tpu.memory_space<hbm>> -> memref<128x128xf32, #tpu.memory_space<hbm>>
          %dma_start3A_27 = arith.constant 0 : i32
          %dma_start3A_28 = tpu.memref_slice %arg5[%mul3A_19, %dma_start3A_27] : memref<10240x128xf32, #tpu.memory_space<hbm>> -> memref<128x128xf32, #tpu.memory_space<hbm>>
          tpu.enqueue_dma source(%arg6 : memref<128x128xf32, #tpu.memory_space<vmem>>) target(%dma_start3A_28 : memref<128x128xf32, #tpu.memory_space<hbm>>) target_semaphore(%run_scoped3A : memref<!tpu.dma_semaphore, #tpu.memory_space<semaphore_mem>>)
          %dma_wait3A = arith.constant 0 : i32
          %dma_wait3A_29 = tpu.memref_slice %arg5[%mul3A_19, %dma_wait3A] : memref<10240x128xf32, #tpu.memory_space<hbm>> -> memref<128x128xf32, #tpu.memory_space<hbm>>
          %dma_wait3A_30 = arith.constant 0 : i32
          %dma_wait3A_31 = tpu.memref_slice %arg5[%mul3A_19, %dma_wait3A_30] : memref<10240x128xf32, #tpu.memory_space<hbm>> -> memref<128x128xf32, #tpu.memory_space<hbm>>
          tpu.wait_dma2 semaphore(%run_scoped3A : memref<!tpu.dma_semaphore, #tpu.memory_space<semaphore_mem>>) src(%arg6 : memref<128x128xf32, #tpu.memory_space<vmem>>) dst(%dma_wait3A_31 : memref<128x128xf32, #tpu.memory_space<hbm>>)
          tpu.yield
        }) : () -> ()
      } else {
      }
    }
    %scan3A_11 = arith.constant 3 : i32
    return
  }
}

module attributes {stable_mosaic.version = 14 : i64} {
  func.func @_proj_body(%arg0: memref<10240x128xf32, #tpu.memory_space<vmem>>, %arg1: memref<128x128xf32, #tpu.memory_space<vmem>>, %arg2: memref<1x128xf32, #tpu.memory_space<vmem>>, %arg3: memref<1x128xf32, #tpu.memory_space<vmem>>, %arg4: memref<10240x128xf32, #tpu.memory_space<vmem>>, %arg5: memref<10240xf32, #tpu.memory_space<vmem>>, %arg6: memref<10240xf32, #tpu.memory_space<vmem>>) attributes {dimension_semantics = [], scalar_prefetch = 0 : i64, scratch_operands = 0 : i64, tpu.core_type = #tpu.core_type<tc>} {
    %get3A = arith.constant 0 : index
    %get3A_0 = arith.constant 0 : index
    %get3A_1 = vector.load %arg0[%get3A, %get3A_0] : memref<10240x128xf32, #tpu.memory_space<vmem>>, vector<10240x128xf32>
    %get3A_2 = arith.constant 0 : index
    %get3A_3 = arith.constant 0 : index
    %get3A_4 = vector.load %arg1[%get3A_2, %get3A_3] : memref<128x128xf32, #tpu.memory_space<vmem>>, vector<128x128xf32>
    %dot_general3A = arith.constant dense<0.000000e+00> : vector<10240x128xf32>
    %dot_general3A_5 = tpu.matmul %get3A_1, %get3A_4, %dot_general3A {dimension_numbers = #tpu.dot_dimension_numbers<[1], [0], [0], [1], [0, 0, 1, 1], [], []>, transpose_lhs_hint = false} : vector<10240x128xf32>, vector<128x128xf32>, vector<10240x128xf32> -> vector<10240x128xf32>
    %swap3A = arith.constant 0 : index
    %swap3A_6 = arith.constant 0 : index
    %swap3A_7 = vector.load %arg4[%swap3A, %swap3A_6] : memref<10240x128xf32, #tpu.memory_space<vmem>>, vector<10240x128xf32>
    tpu.vector_store %arg4[%swap3A, %swap3A_6], %dot_general3A_5 {strides = array<i32>} : memref<10240x128xf32, #tpu.memory_space<vmem>>, vector<10240x128xf32>,
    %get3A_8 = arith.constant 0 : index
    %get3A_9 = arith.constant 0 : index
    %get3A_10 = vector.load %arg2[%get3A_8, %get3A_9] : memref<1x128xf32, #tpu.memory_space<vmem>>, vector<1x128xf32>
    %mul3A = vector.broadcast %get3A_10 : vector<1x128xf32> to vector<10240x128xf32>
    %mul3A_11 = arith.mulf %dot_general3A_5, %mul3A : vector<10240x128xf32>
    %reduce_sum3A = arith.constant dense<0.000000e+00> : vector<10240xf32>
    %reduce_sum3A_12 = vector.multi_reduction <add>, %mul3A_11, %reduce_sum3A [1] : vector<10240x128xf32> to vector<10240xf32>
    %swap3A_13 = arith.constant 0 : index
    %swap3A_14 = vector.load %arg5[%swap3A_13] : memref<10240xf32, #tpu.memory_space<vmem>>, vector<10240xf32>
    tpu.vector_store %arg5[%swap3A_13], %reduce_sum3A_12 {strides = array<i32>} : memref<10240xf32, #tpu.memory_space<vmem>>, vector<10240xf32>,
    %get3A_15 = arith.constant 0 : index
    %get3A_16 = arith.constant 0 : index
    %get3A_17 = vector.load %arg3[%get3A_15, %get3A_16] : memref<1x128xf32, #tpu.memory_space<vmem>>, vector<1x128xf32>
    %mul3A_18 = vector.broadcast %get3A_17 : vector<1x128xf32> to vector<10240x128xf32>
    %mul3A_19 = arith.mulf %dot_general3A_5, %mul3A_18 : vector<10240x128xf32>
    %reduce_sum3A_20 = arith.constant dense<0.000000e+00> : vector<10240xf32>
    %reduce_sum3A_21 = vector.multi_reduction <add>, %mul3A_19, %reduce_sum3A_20 [1] : vector<10240x128xf32> to vector<10240xf32>
    %swap3A_22 = arith.constant 0 : index
    %swap3A_23 = vector.load %arg6[%swap3A_22] : memref<10240xf32, #tpu.memory_space<vmem>>, vector<10240xf32>
    tpu.vector_store %arg6[%swap3A_22], %reduce_sum3A_21 {strides = array<i32>} : memref<10240xf32, #tpu.memory_space<vmem>>, vector<10240xf32>,
    return
  }
}

</mosaic_0001>

<sc_bundles>
// kernel: kernel.11.cloned.1.call-start
scs
__scs_entry_jumppad:
0x0: {  	(pc) =	sbr.rel $0x88, $3  }
0x1: {  	(tag) =	ssettag $0x0;
	lr =	simm.s32 $0x1  }
0x2: {  	[smem:$0x3F93] =	sst lr;
	_ =	strace $0xD0000000  }
0x3: {  	_ = 	snop  }
0x4: {  	_ = 	snop  }
0x5: {  	_ = 	snop  }
0x6: {  	_ = 	snop  }
0x7: {  	_ = 	snop  }
__scs_overlays_trampoline_lowered:
0x8: {  	[smem:$0x3FA2] =	sst s0  }
0x9: {  	[smem:$0x3FA3] =	sst s1  }
0xa: {  	[smem:$0x3FA4] =	sst s2  }
0xb: {  	[smem:$0x3FA5] =	sst s3  }
0xc: {  	[smem:$0x3FA6] =	sst s4  }
0xd: {  	[smem:$0x3FA7] =	sst s5  }
0xe: {  	[smem:$0x3FA8] =	sst s6  }
0xf: {  	[smem:$0x3FA9] =	sst s7  }
0x10: {  	[smem:$0x3FAA] =	sst s8  }
0x11: {  	[smem:$0x3FAB] =	sst s9;
	s0 =	simm.s32 @!p0 $0x0  }
0x12: {  	s1 =	sld [smem:$0x3F91];
	s0 =	simm.s32 @p0 $0x1  }
0x13: {  	[smem:$0x3FAC] =	sst s0;
	s0 =	simm.s32 @!p1 $0x0  }
0x14: {  	s2 =	sld [smem:$0x3F90];
	s0 =	simm.s32 @p1 $0x1  }
0x15: {  	[smem:$0x3FAD] =	sst s0;
	s0 =	simm.s32 @!p2 $0x0  }
0x16: {  	s3 =	sld [smem:$0x3FDB];
	s0 =	simm.s32 @p2 $0x1  }
0x17: {  	s4 =	simm.s32 $0x1BF5;
	[smem:$0x3FAF] =	sst s0  }
0x18: {  	s0 =	sld [smem:$0x3F92];
	_ =	swait.ge [sflag:s4], $0x0  }
0x19: {  	s7 =	sld [smem:$0x3F93]  }
0x1a: {  	s8 =	sadd.s32 $0xFFFFE003, lr  }
0x1b: {  	s9 =	sadd.s32 $0xFFFFFEF7, lr;
	s5 =	simm.s32 $0xFFFFFFFF;
	p2 =	slt.u32 s8, $0xFFFFF086  }
0x1c: {  	p1 =	slt.u32 s9, $0xF7A;
	s5 =	simm.s32 @!p2 $0x0  }
0x1d: {  	s5 =	simm.s32 @p1 $0x1;
	p0 =	seq.s32 s7, s2  }
0x1e: {  	s7 =	smul.u32 @!p0 $0xF7A, s2;
	p2 =	seq.s32 @!p0 s5, $0x0  }
0x1f: {  	s9 =	smul.u32 $0xF7A, s1;
	s8 =	simm.s32 @!p0 $0x1BF5;
	p2 =	por !p2, p0  }
0x20: {  	[sflag:s8] =	ssyncset.s32 @!p0 $0xFFFFF086;
	s6 =	sadd.s32 @!p0 s3, s7;
	s7 =	simm.s32 @!p0 $0x108  }
0x21: {  	s3 =	sadd.s32 s3, s9;
	s6 =	sadd.s32 @!p0 $0x88, s6;
	s7 =	simm.s32 @p2 $0x1082  }
0x22: {  	[simem:s7], [sflag:s8] =	dma.local @!p0 [hbm:s6], $0xF7A  }
0x23: {  	s9 =	sor.u32 $0xD0000000, s2;
	s6 =	simm.s32 $0x108;
	_ =	swait.ge @!p0 [sflag:s8], $0x0  }
0x24: {  	s3 =	sadd.s32 $0x88, s3;
	s6 =	simm.s32 @!p1 $0x1082;
	[sflag:s4] =	ssyncset.s32 $0xFFFFF086  }
0x25: {  	[simem:s6], [sflag:s4] =	dma.local [hbm:s3], $0xF7A  }
0x26: {  	[smem:$0x3F93] =	sst s1;
	(tag) =	ssettag s2;
	_ =	strace s9  }
0x27: {  	s1 =	sld [smem:$0x3FA3]  }
0x28: {  	s2 =	sld [smem:$0x3FA4]  }
0x29: {  	s4 =	sld [smem:$0x3FA6]  }
0x2a: {  	p0 =	seq.s32 s5, $0x0;
	s5 =	sld [smem:$0x3FA7]  }
0x2b: {  	s6 =	sld [smem:$0x3FA8]  }
0x2c: {  	s7 =	sld [smem:$0x3FA9]  }
0x2d: {  	s3 =	simm.s32 $0x108;
	s8 =	sld [smem:$0x3FAA]  }
0x2e: {  	s3 =	simm.s32 @!p0 $0x1082;
	s9 =	sld [smem:$0x3FAB]  }
0x2f: {  	lr =	sadd.s32 s0, s3;
	s0 =	sld [smem:$0x3FA2]  }
0x30: {  	s3 =	sld [smem:$0x3FA5]  }
0x31: {  	[smem:$0x3FAE] =	sst s10  }
0x32: {  	s10 =	sld [smem:$0x3FAC];
	_ =	sdelay $0x3  }
0x33: {  	p0 =	seq.s32 s10, $0x1;
	s10 =	sld [smem:$0x3FAE];
	_ =	sdelay $0x3  }
0x34: {  	[smem:$0x3FAE] =	sst s10  }
0x35: {  	s10 =	sld [smem:$0x3FAD];
	_ =	sdelay $0x3  }
0x36: {  	p1 =	seq.s32 s10, $0x1;
	s10 =	sld [smem:$0x3FAE];
	_ =	sdelay $0x3  }
0x37: {  	[smem:$0x3FAE] =	sst s10  }
0x38: {  	s10 =	sld [smem:$0x3FAF]  }
0x39: {  	_ = 	snop;
	(pc) =	sbr.ind lr, $3  }
0x3a: {  	_ = 	snop  }
0x3b: {  	_ = 	snop  }
0x3c: {  	p2 =	seq.s32 s10, $0x1;
	s10 =	sld [smem:$0x3FAE]  }
0x3d: {  	_ =	shalt  }
0x3e: {  	_ =	shalt  }
0x3f: {  	_ =	shalt  }
0x40: {  	_ =	shalt  }
0x41: {  	_ =	shalt  }
0x42: {  	_ =	shalt  }
0x43: {  	_ =	shalt  }
0x44: {  	_ =	shalt  }
0x45: {  	_ =	shalt  }
0x46: {  	_ =	shalt  }
0x47: {  	_ =	shalt  }
0x48: {  	_ =	shalt  }
0x49: {  	_ =	shalt  }
0x4a: {  	_ =	shalt  }
0x4b: {  	_ =	shalt  }
0x4c: {  	_ =	shalt  }
0x4d: {  	_ =	shalt  }
0x4e: {  	_ =	shalt  }
0x4f: {  	_ =	shalt  }
0x50: {  	_ =	shalt  }
0x51: {  	_ =	shalt  }
0x52: {  	_ =	shalt  }
0x53: {  	_ =	shalt  }
0x54: {  	_ =	shalt  }
0x55: {  	_ =	shalt  }
0x56: {  	_ =	shalt  }
0x57: {  	_ =	shalt  }
0x58: {  	_ =	shalt  }
0x59: {  	_ =	shalt  }
0x5a: {  	_ =	shalt  }
0x5b: {  	_ =	shalt  }
0x5c: {  	_ =	shalt  }
0x5d: {  	_ =	shalt  }
0x5e: {  	_ =	shalt  }
0x5f: {  	_ =	shalt  }
0x60: {  	_ =	shalt  }
0x61: {  	_ =	shalt  }
0x62: {  	_ =	shalt  }
0x63: {  	_ =	shalt  }
0x64: {  	_ =	shalt  }
0x65: {  	_ =	shalt  }
0x66: {  	_ =	shalt  }
0x67: {  	_ =	shalt  }
0x68: {  	_ =	shalt  }
0x69: {  	_ =	shalt  }
0x6a: {  	_ =	shalt  }
0x6b: {  	_ =	shalt  }
0x6c: {  	_ =	shalt  }
0x6d: {  	_ =	shalt  }
0x6e: {  	_ =	shalt  }
0x6f: {  	_ =	shalt  }
0x70: {  	_ =	shalt  }
0x71: {  	_ =	shalt  }
0x72: {  	_ =	shalt  }
0x73: {  	_ =	shalt  }
0x74: {  	_ =	shalt  }
0x75: {  	_ =	shalt  }
0x76: {  	_ =	shalt  }
0x77: {  	_ =	shalt  }
0x78: {  	_ =	shalt  }
0x79: {  	_ =	shalt  }
0x7a: {  	_ =	shalt  }
0x7b: {  	_ =	shalt  }
0x7c: {  	_ =	shalt  }
0x7d: {  	_ =	shalt  }
0x7e: {  	_ =	shalt  }
0x7f: {  	_ =	shalt  }
0x80: {  	_ =	shalt  }
0x81: {  	_ =	shalt  }
0x82: {  	_ =	shalt  }
0x83: {  	_ =	shalt  }
0x84: {  	_ =	shalt  }
0x85: {  	_ =	shalt  }
0x86: {  	_ =	shalt  }
0x87: {  	_ =	shalt  }
.Lfunc_end0:
.L_simem_size_0:
called_computation_lowered:
.L_overlay_start_0:
0x88: {  	s0 =	sld [smem:$0x3FD9]  }
0x89: {  	s1 =	sld [smem:$0x3FFE];
	_ =	sdelay $0x3  }
0x8a: {  	s0 =	sadd.s32 s1, s0  }
0x8b: {  	[smem:$0x3FBA] =	sst s0  }
0x8c: {  	_ = 	snop  }
0x8d: {  	s0 =	sld [smem:$0x3FD0];
	(tm) =	ssettm $0x1  }
0x8e: {  	s16 =	sld [smem:$0x3FFB];
	_ =	sdelay $0x3  }
0x8f: {  	_ =	strace s16  }
0x90: {  	s1 =	sld [smem:$0x3FFC];
	_ =	sdelay $0x3  }
0x91: {  	_ =	strace s1  }
0x92: {  	s1 =	sld [smem:$0x3FFD];
	_ =	sdelay $0x3  }
0x93: {  	_ =	strace s1  }
0x94: {  	_ =	strace $0x8FFFFFFF  }
0x95: {  	s17 =	sld [smem:$0x3FDB];
	_ =	sdelay $0x1  }
0x96: {  	s2 =	simm.s32 $_scs_section_size  }
0x97: {  	s3 =	simm.s32 $_size__tile_overlayer_lowered;
	s4 =	simm.s32 $_tile_overlayer_lowered  }
0x98: {  	s20 =	simm.s32 $0x1BFF;
	s19 =	sshll.u32 s4, $0x1;
	s1 =	sadd.s32 s2, s17  }
0x99: {  	s5 =	simm.s32 $0x0;
	s18 =	sshll.u32 s3, $0x1;
	s3 =	sadd.s32 s19, s1  }
0x9a: {  	[timem:s5], [sflag:s20] =	dma.local [hbm:s3], s18  }
0x9b: {  	_ =	swait.ge [sflag:s20], s18  }
0x9c: {  	s2 =	ssub.s32 $0x0, s18;
	[sflag:s20] =	ssyncset.done $0x0  }
0x9d: {  	[sflag:s20] =	ssyncadd.s32 s2;
	_ =	sdelay $0x1  }
0x9e: {  	s21 =	simm.s32 $0x1B8B  }
0x9f: {  	_ =	swait.ge [sflag:s21], $0x1  }
0xa0: {  	[sflag:s21] =	ssyncset.done $0x0  }
0xa1: {  	s23 =	simm.s32 $0x1B8E;
	s22 =	sld [smem:$0x3FFE];
	[sflag:s21] =	ssyncadd.s32 $0xFFFFFFFF  }
0xa2: {  	s24 =	simm.s32 $execute0_lowered;
	[smem:$0x3FD2] =	sst s23  }
0xa3: {  	s3 =	sshll.u32 s24, $0x1;
	_ =	strace $0x80000046;
	[dreg:$0x1] =	wrdreg $0xFFFFFFFF  }
0xa4: {  	s25 =	simm.s32 $_size_execute0_lowered;
	s1 =	sadd.s32 s1, s3;
	[dreg:$0x0] =	wrdreg $0x0  }
0xa5: {  	s3 =	sshll.u32 s25, $0x1;
	[dreg:$0x2] =	wrdreg s1  }
0xa6: {  	[dreg:$0x3] =	wrdreg s3  }
0xa7: {  	[dreg:$0x4] =	wrdreg $0xC0  }
0xa8: {  	_ =	task [dreg:s5], $0x5FFFF  }
0xa9: {  	[dreg:$0x1] =	wrdreg $0xFFFFFFFF  }
0xaa: {  	[dreg:$0x0] =	wrdreg $0x60  }
0xab: {  	[dreg:$0x2] =	wrdreg s22  }
0xac: {  	[dreg:$0x3] =	wrdreg s0  }
0xad: {  	[dreg:$0x4] =	wrdreg $0x91800  }
0xae: {  	[dreg:$0x5] =	wrdreg $0x1D1800  }
0xaf: {  	[dreg:$0x6] =	wrdreg $0x9  }
0xb0: {  	_ =	task.clear_ibuf [dreg:s5], $0x7FFFF;
	_ =	strace $0x90000046  }
0xb1: {  	s26 =	simm.s32 $0x9;
	_ =	strace $0x80000048  }
0xb2: {  	_ =	swait.ge [sflag:s26], $0x1  }
0xb3: {  	[sflag:s26] =	ssyncadd.s32 $0xFFFFFFFF  }
0xb4: {  	_ =	strace $0x90000048  }
0xb5: {  	_ =	sfence  }
0xb6: {  	s28 =	sld [smem:$0x0];
	_ =	sdelay $0x1  }
0xb7: {  	s29 =	srdreg.scid  }
0xb8: {  	s30 =	sshll.u32 s29, $0xD;
	s31 =	sshrl.u32 s29, $0x2  }
0xb9: {  	s2 =	sand.u32 $0x4000, s30;
	s1 =	sand.u32 $0x1, s29;
	s0 =	sadd.s32 s31, s28  }
0xba: {  	s1 =	sor.u32 s2, s1;
	s0 =	sshll.u32 s0, $0x11  }
0xbb: {  	s0 =	sor.u32 s0, s1  }
0xbc: {  	s0 =	sadd.s32 $0x8F2B, s0  }
0xbd: {  	[sflag:s0] =	ssyncadd.remote.s32 $0x1  }
0xbe: {  	_ =	sfence.sel $0xFFFF  }
0xbf: {  	[dreg:$0x0] =	wrdreg $0xFFFFFFFF;
	(pc) =	sbr.abs _section_cstart, $3  }
0xc0: {  	[dreg:$0x1] =	wrdreg $0xFFFFFFFF  }
0xc1: {  	_ =	task.clear_ibuf [dreg:s5], $0x2FFFF;
	_ =	strace $0x9FFFFFFF  }
0xc2: {  	(tm) =	ssettm $0x7FFFFFFF  }
0xc3: {  	_ =	shalt  }
tec
execute0_lowered:
.L_overlay_start_1:
0x0: {  	(tag) =	ssettag $0x1  }
0x1: {  	s1 =	rddreg [dreg:$0x0]  }
0x2: {  	s3 =	rddreg [dreg:$0x1]  }
0x3: {  	s4 =	rddreg [dreg:$0x2]  }
0x4: {  	s5 =	rddreg [dreg:$0x3]  }
0x5: {  	s0 =	rddreg [dreg:$0x4]  }
0x6: {  	s2 =	simm.s32 $0x0;
	s9 =	simm.s32 $0x0;
	s10 =	simm.s32 $0x200  }
0x7: {  	[smem:$0x7FF] =	sst s2;
	s6 =	sadd.s32 $0xEC00, s1;
	s15 =	sadd.s32 $0x36C00, s1  }
0x8: {  	s16 =	sadd.s32 $0x37200, s1;
	s8 =	sadd.s32 $0x4C00, s1;
	s7 =	sadd.s32 $0x37800, s1  }
0x9: {  	v0 =	vimm.f32 $0.0e+00;
	s2 =	sadd.s32 $0x5F800, s1;
	s1 =	stileid.u32;
	_ =	strace $0x80000047  }
.LBB2_1:
0xa: {  	p0 =	sne.s32 s10, $0xFE00;
	[tilespmem:s9+$0x51F0] =	vst v0  }
0xb: {  	[tilespmem:s9+$0x5180] =	vst v0  }
0xc: {  	[tilespmem:s9+$0x5190] =	vst v0  }
.Ltmp0:
0xd: {  	[tilespmem:s9+$0x51A0] =	vst v0;
	(pc) =	sbr.rel @p0 .LBB2_1-.Ltmp0, $4  }
0xe: {  	[tilespmem:s9+$0x51B0] =	vst v0  }
0xf: {  	[tilespmem:s9+$0x51C0] =	vst v0  }
0x10: {  	[tilespmem:s9+$0x51D0] =	vst v0  }
0x11: {  	[tilespmem:s9+$0x51E0] =	vst v0;
	s9 =	sshra.s32 s10, $0x2;
	s10 =	sadd.s32 $0x200, s10  }
0x12: {  	[tilespmem:s9+$0x51F0] =	vst v0  }
0x13: {  	[tilespmem:s9+$0x5180] =	vst v0  }
0x14: {  	[tilespmem:s9+$0x5190] =	vst v0  }
0x15: {  	[tilespmem:s9+$0x51A0] =	vst v0  }
0x16: {  	[tilespmem:s9+$0x51B0] =	vst v0  }
0x17: {  	[tilespmem:s9+$0x51C0] =	vst v0  }
0x18: {  	[tilespmem:s9+$0x51D0] =	vst v0  }
0x19: {  	[tilespmem:s9+$0x51E0] =	vst v0;
	v63 =	vimm.f32 $0.0e+00  }
0x1a: {  	[tilespmem:$0x5100] =	vst v63  }
0x1b: {  	[tilespmem:$0x5110] =	vst v63  }
0x1c: {  	[tilespmem:$0x5120] =	vst v63  }
0x1d: {  	[tilespmem:$0x5130] =	vst v63  }
0x1e: {  	s20 =	smul.u32 $0x50000, s1;
	[tilespmem:$0x5140] =	vst v63  }
0x1f: {  	[tilespmem:$0x5150] =	vst v63  }
0x20: {  	[tilespmem:$0x5160] =	vst v63;
	s9 =	sshrl.u32 s20, $0x2  }
0x21: {  	s10 =	simm.s32 $0x5180;
	s11 =	simm.s32 $0x2;
	[tilespmem:$0x5170] =	vst v63;
	s9 =	sadd.s32 s9, s4  }
0x22: {  	[spmem:s9] =	stream.linear.scatter [tilespmem:s10], [sflag:$0x2], $0x4000, $0x38;
	[tilespmem:$0x1D580] =	vst v63  }
0x23: {  	_ =	swait.ge [sflag:s11], $0x4000  }
0x24: {  	[sflag:s11] =	ssyncset.done $0x0  }
0x25: {  	s12 =	sadd.s32 $0x4000, s9;
	[sflag:s11] =	ssyncadd.s32 $0xFFFFC000  }
0x26: {  	[spmem:s12] =	stream.linear.scatter [tilespmem:s10], [sflag:$0x2], $0x4000, $0x38;
	[tilespmem:$0x1D580] =	vst v63  }
0x27: {  	_ =	swait.ge [sflag:s11], $0x4000  }
0x28: {  	[sflag:s11] =	ssyncset.done $0x0  }
0x29: {  	s21 =	sadd.s32 $0x8000, s9;
	[sflag:s11] =	ssyncadd.s32 $0xFFFFC000  }
0x2a: {  	[spmem:s21] =	stream.linear.scatter [tilespmem:s10], [sflag:$0x2], $0x4000, $0x38;
	[tilespmem:$0x1D580] =	vst v63  }
0x2b: {  	_ =	swait.ge [sflag:s11], $0x4000  }
0x2c: {  	[sflag:s11] =	ssyncset.done $0x0  }
0x2d: {  	s22 =	sadd.s32 $0xC000, s9;
	[sflag:s11] =	ssyncadd.s32 $0xFFFFC000  }
0x2e: {  	[spmem:s22] =	stream.linear.scatter [tilespmem:s10], [sflag:$0x2], $0x4000, $0x38;
	[tilespmem:$0x1D580] =	vst v63  }
0x2f: {  	_ =	swait.ge [sflag:s11], $0x4000  }
0x30: {  	[sflag:s11] =	ssyncset.done $0x0  }
0x31: {  	s23 =	sadd.s32 $0x10000, s9;
	[sflag:s11] =	ssyncadd.s32 $0xFFFFC000  }
0x32: {  	[spmem:s23] =	stream.linear.scatter [tilespmem:s10], [sflag:$0x2], $0x4000, $0x38;
	[tilespmem:$0x1D580] =	vst v63  }
0x33: {  	_ =	swait.ge [sflag:s11], $0x4000  }
0x34: {  	s24 =	sshll.u32 s1, $0xA;
	[sflag:s11] =	ssyncset.done $0x0  }
0x35: {  	s13 =	simm.s32 $0x5100;
	s12 =	sadd.s32 s24, s5;
	[sflag:s11] =	ssyncadd.s32 $0xFFFFC000  }
0x36: {  	[spmem:s12] =	stream.linear.scatter [tilespmem:s13], [sflag:$0x2], $0x80, $0x38;
	[tilespmem:$0x1D580] =	vst v63  }
0x37: {  	_ =	swait.ge [sflag:s11], $0x80  }
0x38: {  	[sflag:s11] =	ssyncset.done $0x0  }
0x39: {  	s14 =	sadd.s32 $0x80, s12;
	[sflag:s11] =	ssyncadd.s32 $0xFFFFFF80  }
0x3a: {  	[spmem:s14] =	stream.linear.scatter [tilespmem:s13], [sflag:$0x2], $0x80, $0x38;
	[tilespmem:$0x1D580] =	vst v63  }
0x3b: {  	_ =	swait.ge [sflag:s11], $0x80  }
0x3c: {  	[sflag:s11] =	ssyncset.done $0x0  }
0x3d: {  	s25 =	sadd.s32 $0x100, s12;
	[sflag:s11] =	ssyncadd.s32 $0xFFFFFF80  }
0x3e: {  	[spmem:s25] =	stream.linear.scatter [tilespmem:s13], [sflag:$0x2], $0x80, $0x38;
	[tilespmem:$0x1D580] =	vst v63  }
0x3f: {  	_ =	swait.ge [sflag:s11], $0x80  }
0x40: {  	[sflag:s11] =	ssyncset.done $0x0  }
0x41: {  	s26 =	sadd.s32 $0x180, s12;
	[sflag:s11] =	ssyncadd.s32 $0xFFFFFF80  }
0x42: {  	[spmem:s26] =	stream.linear.scatter [tilespmem:s13], [sflag:$0x2], $0x80, $0x38;
	[tilespmem:$0x1D580] =	vst v63  }
0x43: {  	_ =	swait.ge [sflag:s11], $0x80  }
0x44: {  	[sflag:s11] =	ssyncset.done $0x0  }
0x45: {  	s28 =	sadd.s32 $0x200, s12;
	[sflag:s11] =	ssyncadd.s32 $0xFFFFFF80  }
0x46: {  	[spmem:s28] =	stream.linear.scatter [tilespmem:s13], [sflag:$0x2], $0x80, $0x38;
	[tilespmem:$0x1D580] =	vst v63  }
0x47: {  	_ =	swait.ge [sflag:s11], $0x80  }
0x48: {  	[sflag:s11] =	ssyncset.done $0x0  }
0x49: {  	s29 =	sadd.s32 $0x280, s12;
	[sflag:s11] =	ssyncadd.s32 $0xFFFFFF80  }
0x4a: {  	[spmem:s29] =	stream.linear.scatter [tilespmem:s13], [sflag:$0x2], $0x80, $0x38;
	[tilespmem:$0x1D580] =	vst v63  }
0x4b: {  	_ =	swait.ge [sflag:s11], $0x80  }
0x4c: {  	[sflag:s11] =	ssyncset.done $0x0  }
0x4d: {  	s30 =	sadd.s32 $0x300, s12;
	[sflag:s11] =	ssyncadd.s32 $0xFFFFFF80  }
0x4e: {  	[spmem:s30] =	stream.linear.scatter [tilespmem:s13], [sflag:$0x2], $0x80, $0x38;
	[tilespmem:$0x1D580] =	vst v63  }
0x4f: {  	_ =	swait.ge [sflag:s11], $0x80  }
0x50: {  	[sflag:s11] =	ssyncset.done $0x0  }
0x51: {  	s31 =	sadd.s32 $0x380, s12;
	[sflag:s11] =	ssyncadd.s32 $0xFFFFFF80  }
0x52: {  	[spmem:s31] =	stream.linear.scatter [tilespmem:s13], [sflag:$0x2], $0x80, $0x38;
	[tilespmem:$0x1D580] =	vst v63  }
0x53: {  	_ =	swait.ge [sflag:s11], $0x80  }
0x54: {  	[sflag:s11] =	ssyncset.done $0x0  }
0x55: {  	s14 =	simm.s32 $0x0;
	[sflag:s11] =	ssyncadd.s32 $0xFFFFFF80  }
0x56: {  	[tilespmem:s14], [sflag:$0x2] =	stream.linear.gather [hbm4b:s15+s14], $0x2800, $0x38;
	[tilespmem:$0x1D580] =	vst v63  }
0x57: {  	_ =	swait.ge [sflag:s11], $0x2800  }
0x58: {  	[sflag:s11] =	ssyncset.done $0x0  }
0x59: {  	s15 =	simm.s32 $0x2800;
	[sflag:s11] =	ssyncadd.s32 $0xFFFFD800  }
0x5a: {  	[tilespmem:s15], [sflag:$0x2] =	stream.linear.gather [hbm4b:s16+s14], $0x2800, $0x38;
	[tilespmem:$0x1D580] =	vst v63  }
0x5b: {  	_ =	swait.ge [sflag:s11], $0x2800  }
0x5c: {  	s17 =	simm.s32 $0x5000;
	s18 =	simm.s32 $0x5080;
	[sflag:s11] =	ssyncset.done $0x0  }
0x5d: {  	s19 =	simm.s32 $0x80;
	s20 =	simm.s32 $0x1;
	[sflag:s11] =	ssyncadd.s32 $0xFFFFD800  }
0x5e: {  	s21 =	simm.s32 $0x0;
	s16 =	smul.u32 $0xA0, s1;
	[bflag:$0x0] =	sbarrier.arrive $0xFFFF  }
.LBB2_3:
0x5f: {  	_ = 	snop  }
0x60: {  	s22 =	sadd.s32 s16, s21  }
0x61: {  	s22 =	sshll.u32 s22, $0x4  }
0x62: {  	s23 =	sadd.s32 s3, s22  }
0x63: {  	[tilespmem:s17], [sflag:$0x2] =	stream.linear.gather [hbm4b:s23+s14], $0x80, $0x38;
	[tilespmem:$0x1D580] =	vst v63  }
0x64: {  	_ =	swait.ge [sflag:s11], $0x80  }
0x65: {  	[sflag:s11] =	ssyncset.done $0x0  }
0x66: {  	s22 =	sadd.s32 s8, s22;
	[sflag:s11] =	ssyncadd.s32 $0xFFFFFF80  }
0x67: {  	[tilespmem:s18], [sflag:$0x2] =	stream.linear.gather [hbm4b:s22+s14], $0x80, $0x38;
	[tilespmem:$0x1D580] =	vst v63  }
0x68: {  	_ =	swait.ge [sflag:s11], $0x80  }
0x69: {  	[sflag:s11] =	ssyncset.done $0x0  }
0x6a: {  	[sflag:s11] =	ssyncadd.s32 $0xFFFFFF80  }
0x6b: {  	v0 =	vld [tilespmem:$0x5000]  }
0x6c: {  	v1 =	vld [tilespmem:$0x5080];
	_ =	sdelay $0x6  }
0x6d: {  	v0 =	vld.idx.msk [tilespmem:v0+s14+$0x0], $0xffff  }
0x6e: {  	v1 =	vld.idx.msk [tilespmem:v1+s15+$0x0], $0xffff;
	_ =	sdelay $0x4  }
0x6f: {  	v0 =	vadd.f32 v1, v0;
	_ =	sdelay $0x1  }
0x70: {  	v1 =	vmul.f32 $2.000000030e-01, v0  }
0x71: {  	vm0 =	vgt.f32 v0, $0.0e+00  }
0x72: {  	v0 =	vsel vm0, v0, v1  }
0x73: {  	v0 =	vmul.f32 $1.442695020e+00, v0;
	_ =	sdelay $0x1  }
0x74: {  	(erf) = vpow2.f32 v0;
	_ =	sdelay $0x2  }
0x75: {  	v0 =	vld [tilespmem:$0x5010]  }
0x76: {  	v1 =	vld [tilespmem:$0x5090];
	_ =	sdelay $0x4  }
0x77: {  	v2 =	vpop (erf)  }
0x78: {  	[tilespmem:$0x5100] =	vst v2  }
0x79: {  	v0 =	vld.idx.msk [tilespmem:v0+s14+$0x0], $0xffff  }
0x7a: {  	v1 =	vld.idx.msk [tilespmem:v1+s15+$0x0], $0xffff;
	_ =	sdelay $0x4  }
0x7b: {  	v0 =	vadd.f32 v1, v0;
	_ =	sdelay $0x1  }
0x7c: {  	v1 =	vmul.f32 $2.000000030e-01, v0  }
0x7d: {  	vm9 =	vgt.f32 v0, $0.0e+00  }
0x7e: {  	v0 =	vsel vm9, v0, v1  }
0x7f: {  	v0 =	vmul.f32 $1.442695020e+00, v0;
	_ =	sdelay $0x1  }
0x80: {  	(erf) = vpow2.f32 v0;
	_ =	sdelay $0x2  }
0x81: {  	v0 =	vld [tilespmem:$0x5020]  }
0x82: {  	v1 =	vld [tilespmem:$0x50A0];
	_ =	sdelay $0x4  }
0x83: {  	v2 =	vpop (erf)  }
0x84: {  	[tilespmem:$0x5110] =	vst v2  }
0x85: {  	v0 =	vld.idx.msk [tilespmem:v0+s14+$0x0], $0xffff  }
0x86: {  	v1 =	vld.idx.msk [tilespmem:v1+s15+$0x0], $0xffff;
	_ =	sdelay $0x4  }
0x87: {  	v0 =	vadd.f32 v1, v0;
	_ =	sdelay $0x1  }
0x88: {  	v1 =	vmul.f32 $2.000000030e-01, v0  }
0x89: {  	vm10 =	vgt.f32 v0, $0.0e+00  }
0x8a: {  	v0 =	vsel vm10, v0, v1  }
0x8b: {  	v0 =	vmul.f32 $1.442695020e+00, v0;
	_ =	sdelay $0x1  }
0x8c: {  	(erf) = vpow2.f32 v0;
	_ =	sdelay $0x2  }
0x8d: {  	v0 =	vld [tilespmem:$0x5030]  }
0x8e: {  	v1 =	vld [tilespmem:$0x50B0];
	_ =	sdelay $0x4  }
0x8f: {  	v2 =	vpop (erf)  }
0x90: {  	[tilespmem:$0x5120] =	vst v2  }
0x91: {  	v0 =	vld.idx.msk [tilespmem:v0+s14+$0x0], $0xffff  }
0x92: {  	v1 =	vld.idx.msk [tilespmem:v1+s15+$0x0], $0xffff;
	_ =	sdelay $0x4  }
0x93: {  	v0 =	vadd.f32 v1, v0;
	_ =	sdelay $0x1  }
0x94: {  	v1 =	vmul.f32 $2.000000030e-01, v0  }
0x95: {  	vm11 =	vgt.f32 v0, $0.0e+00  }
0x96: {  	v0 =	vsel vm11, v0, v1  }
0x97: {  	v0 =	vmul.f32 $1.442695020e+00, v0;
	_ =	sdelay $0x1  }
0x98: {  	(erf) = vpow2.f32 v0;
	_ =	sdelay $0x2  }
0x99: {  	v0 =	vld [tilespmem:$0x5040]  }
0x9a: {  	v1 =	vld [tilespmem:$0x50C0];
	_ =	sdelay $0x4  }
0x9b: {  	v2 =	vpop (erf)  }
0x9c: {  	[tilespmem:$0x5130] =	vst v2  }
0x9d: {  	v0 =	vld.idx.msk [tilespmem:v0+s14+$0x0], $0xffff  }
0x9e: {  	v1 =	vld.idx.msk [tilespmem:v1+s15+$0x0], $0xffff;
	_ =	sdelay $0x4  }
0x9f: {  	v0 =	vadd.f32 v1, v0;
	_ =	sdelay $0x1  }
0xa0: {  	v1 =	vmul.f32 $2.000000030e-01, v0  }
0xa1: {  	vm12 =	vgt.f32 v0, $0.0e+00  }
0xa2: {  	v0 =	vsel vm12, v0, v1  }
0xa3: {  	v0 =	vmul.f32 $1.442695020e+00, v0;
	_ =	sdelay $0x1  }
0xa4: {  	(erf) = vpow2.f32 v0;
	_ =	sdelay $0x2  }
0xa5: {  	v0 =	vld [tilespmem:$0x5050]  }
0xa6: {  	v1 =	vld [tilespmem:$0x50D0];
	_ =	sdelay $0x4  }
0xa7: {  	v2 =	vpop (erf)  }
0xa8: {  	[tilespmem:$0x5140] =	vst v2  }
0xa9: {  	v0 =	vld.idx.msk [tilespmem:v0+s14+$0x0], $0xffff  }
0xaa: {  	v1 =	vld.idx.msk [tilespmem:v1+s15+$0x0], $0xffff;
	_ =	sdelay $0x4  }
0xab: {  	v0 =	vadd.f32 v1, v0;
	_ =	sdelay $0x1  }
0xac: {  	v1 =	vmul.f32 $2.000000030e-01, v0  }
0xad: {  	vm13 =	vgt.f32 v0, $0.0e+00  }
0xae: {  	v0 =	vsel vm13, v0, v1  }
0xaf: {  	v0 =	vmul.f32 $1.442695020e+00, v0;
	_ =	sdelay $0x1  }
0xb0: {  	(erf) = vpow2.f32 v0;
	_ =	sdelay $0x2  }
0xb1: {  	v0 =	vld [tilespmem:$0x5060]  }
0xb2: {  	v1 =	vld [tilespmem:$0x50E0];
	_ =	sdelay $0x4  }
0xb3: {  	v2 =	vpop (erf)  }
0xb4: {  	[tilespmem:$0x5150] =	vst v2  }
0xb5: {  	v0 =	vld.idx.msk [tilespmem:v0+s14+$0x0], $0xffff  }
0xb6: {  	v1 =	vld.idx.msk [tilespmem:v1+s15+$0x0], $0xffff;
	_ =	sdelay $0x4  }
0xb7: {  	v0 =	vadd.f32 v1, v0;
	_ =	sdelay $0x1  }
0xb8: {  	v1 =	vmul.f32 $2.000000030e-01, v0  }
0xb9: {  	vm14 =	vgt.f32 v0, $0.0e+00  }
0xba: {  	v0 =	vsel vm14, v0, v1  }
0xbb: {  	v0 =	vmul.f32 $1.442695020e+00, v0;
	_ =	sdelay $0x1  }
0xbc: {  	(erf) = vpow2.f32 v0;
	_ =	sdelay $0x2  }
0xbd: {  	v0 =	vld [tilespmem:$0x5070]  }
0xbe: {  	v1 =	vld [tilespmem:$0x50F0];
	_ =	sdelay $0x4  }
0xbf: {  	v2 =	vpop (erf)  }
0xc0: {  	[tilespmem:$0x5160] =	vst v2  }
0xc1: {  	v0 =	vld.idx.msk [tilespmem:v0+s14+$0x0], $0xffff  }
0xc2: {  	v1 =	vld.idx.msk [tilespmem:v1+s15+$0x0], $0xffff;
	_ =	sdelay $0x4  }
0xc3: {  	v0 =	vadd.f32 v1, v0;
	_ =	sdelay $0x1  }
0xc4: {  	v1 =	vmul.f32 $2.000000030e-01, v0  }
0xc5: {  	vm15 =	vgt.f32 v0, $0.0e+00  }
0xc6: {  	v0 =	vsel vm15, v0, v1  }
0xc7: {  	v0 =	vmul.f32 $1.442695020e+00, v0;
	_ =	sdelay $0x1  }
0xc8: {  	(erf) = vpow2.f32 v0;
	_ =	sdelay $0x8  }
0xc9: {  	v0 =	vpop (erf)  }
0xca: {  	[tilespmem:$0x5170] =	vst v0  }
0xcb: {  	[tilespmem:s10], [sflag:$0x1] =	stream.indirect.gather [hbm4b:s6+s19], $0x80, s17, s19, $0xb8;
	[tilespmem:$0x1D580] =	vst v63  }
0xcc: {  	_ =	swait.ge [sflag:s20], $0x4000  }
0xcd: {  	v0 =	vmov s14;
	[sflag:s20] =	ssyncset.done $0x0  }
0xce: {  	s22 =	simm.s32 $0x51C0;
	[sflag:s20] =	ssyncadd.s32 $0xFFFFC000  }
0xcf: {  	v4 =	vld [tilespmem:s22+$0x30]  }
0xd0: {  	v7 =	vld [tilespmem:s22+$0x10]  }
0xd1: {  	v5 =	vld [tilespmem:s22+$0xFFFFFFC0]  }
0xd2: {  	v1 =	vld.idx.msk [tilespmem:v0+s13+$0x0], $0xffff  }
0xd3: {  	v9 =	vld [tilespmem:s22+$0xFFFFFFE0]  }
0xd4: {  	v0 =	vld [tilespmem:s22+$0xFFFFFFF0]  }
0xd5: {  	v2 =	vld [tilespmem:s22+$0x20]  }
0xd6: {  	v3 =	vld [tilespmem:s22+$0xFFFFFFD0]  }
0xd7: {  	v8 =	vmul.f32 v4, v1;
	v4 =	vld [tilespmem:s22+$0x0]  }
0xd8: {  	v6 =	vmul.f32 v5, v1  }
0xd9: {  	s24 =	simm.s32 $0x51C0;
	s23 =	simm.s32 $0x1;
	v5 =	vmul.f32 v9, v1;
	v7 =	vmul.f32 v7, v1  }
.LBB2_4:
0xda: {  	p0 =	sne.s32 s23, $0x7F  }
0xdb: {  	v3 =	vmul.f32 v3, v1;
	v2 =	vmul.f32 v2, v1;
	[tilespmem:s22+$0x30] =	vst v8;
	s24 =	sadd.s32 $0x80, s24;
	s25 =	smov.u32 s23;
	s23 =	sadd.s32 $0x1, s23  }
0xdc: {  	[tilespmem:s22+$0xFFFFFFC0] =	vst v6;
	v6 =	vmul.f32 v0, v1;
	v1 =	vmul.f32 v4, v1  }
0xdd: {  	[tilespmem:s22+$0x10] =	vst v7  }
0xde: {  	v4 =	vmov s25;
	[tilespmem:s22+$0xFFFFFFE0] =	vst v5  }
0xdf: {  	v0 =	vld [tilespmem:s24+$0xFFFFFFF0];
	[tilespmem:s22+$0xFFFFFFF0] =	vst v6  }
0xe0: {  	v5 =	vld [tilespmem:s24+$0x30];
	[tilespmem:s22+$0x0] =	vst v1  }
0xe1: {  	v7 =	vld [tilespmem:s24+$0x10];
	[tilespmem:s22+$0x20] =	vst v2  }
0xe2: {  	v6 =	vld [tilespmem:s24+$0xFFFFFFC0];
	[tilespmem:s22+$0xFFFFFFD0] =	vst v3;
	s22 =	smov.u32 s24  }
0xe3: {  	v1 =	vld.idx.msk [tilespmem:v4+s13+$0x0], $0xffff  }
0xe4: {  	v9 =	vld [tilespmem:s24+$0xFFFFFFE0]  }
0xe5: {  	v2 =	vld [tilespmem:s24+$0x20]  }
.Ltmp1:
0xe6: {  	v3 =	vld [tilespmem:s24+$0xFFFFFFD0];
	(pc) =	sbr.rel @p0 .LBB2_4-.Ltmp1, $3  }
0xe7: {  	v4 =	vld [tilespmem:s24+$0x0];
	_ =	sdelay $0x1  }
0xe8: {  	v6 =	vmul.f32 v6, v1;
	v8 =	vmul.f32 v5, v1  }
0xe9: {  	v7 =	vmul.f32 v7, v1;
	v5 =	vmul.f32 v9, v1  }
0xea: {  	[tilespmem:s22+$0x30] =	vst v8  }
0xeb: {  	[tilespmem:s22+$0xFFFFFFC0] =	vst v6  }
0xec: {  	v0 =	vmul.f32 v0, v1;
	[tilespmem:s22+$0x10] =	vst v7  }
0xed: {  	v2 =	vmul.f32 v2, v1;
	[tilespmem:s22+$0xFFFFFFE0] =	vst v5  }
0xee: {  	v63 =	vmul.f32 v3, v1;
	[tilespmem:s22+$0xFFFFFFF0] =	vst v0  }
0xef: {  	v4 =	vmul.f32 v4, v1;
	[tilespmem:s22+$0x20] =	vst v2  }
0xf0: {  	[tilespmem:s22+$0xFFFFFFD0] =	vst v63  }
0xf1: {  	[tilespmem:s22+$0x0] =	vst v4  }
0xf2: {  	[spmem:s4] =	stream.indirect.scatter.add.f32 [tilespmem:s10], [sflag:$0x2], $0x80, s18, s19, $0xb8;
	[tilespmem:$0x1D580] =	vst v63  }
0xf3: {  	s21 =	sadd.s32 $0x1, s21;
	_ =	swait.ge [sflag:s11], $0x4000  }
0xf4: {  	p0 =	sne.s32 s21, $0xA0;
	[sflag:s11] =	ssyncset.done $0x0  }
.Ltmp2:
0xf5: {  	[sflag:s11] =	ssyncadd.s32 $0xFFFFC000;
	(pc) =	sbr.rel @p0 .LBB2_3-.Ltmp2, $4  }
0xf6: {  	[spmem:s5] =	stream.indirect.scatter.add.f32 [tilespmem:s13], [sflag:$0x2], $0x1, s18, s19, $0xb8;
	[tilespmem:$0x1D580] =	vst v63  }
0xf7: {  	_ =	swait.ge [sflag:s11], $0x80  }
0xf8: {  	[sflag:s11] =	ssyncset.done $0x0  }
0xf9: {  	[sflag:s11] =	ssyncadd.s32 $0xFFFFFF80  }
0xfa: {  	s3 =	smul.u32 $0x2800, s1  }
0xfb: {  	s4 =	sshll.u32 s1, $0x6;
	[bflag:$0x0] =	sbarrier.arrive $0xFFFF;
	s5 =	sshrl.u32 s9, $0x3  }
0xfc: {  	s29 =	simm.s32 $0x2;
	s4 =	sor.u32 $0x1C02, s4;
	s3 =	sadd.s32 s7, s3  }
0xfd: {  	[hbm:s3], [sflag:s4] =	dma.local [spmem:s5], $0x2800  }
0xfe: {  	_ =	swait.ge [sflag:s29], $0x2800  }
0xff: {  	s30 =	sshll.u32 s1, $0x7;
	[sflag:s29] =	ssyncset.done $0x0  }
0x100: {  	s31 =	sshrl.u32 s12, $0x3;
	s2 =	sadd.s32 s2, s30;
	[sflag:s29] =	ssyncadd.s32 $0xFFFFD800  }
0x101: {  	[hbm:s2], [sflag:s4] =	dma.local [spmem:s31], $0x80  }
0x102: {  	_ =	swait.ge [sflag:s29], $0x80  }
0x103: {  	[sflag:s29] =	ssyncset.done $0x0  }
0x104: {  	[sflag:s29] =	ssyncadd.s32 $0xFFFFFF80  }
0x105: {  	_ =	sfence.sel $0x180000  }
0x106: {  	[bflag:$0x0] =	sbarrier.arrive $0xFFFF  }
0x107: {  	p0 =	sne.s32 s1, $0x0;
	_ =	strace $0x90000047  }
0x108: {  	s0 =	sadd.s32 @!p0 $0x100000, s0;
	[bflag:$0x2] =	sbarrier.arrive $0xFFFF  }
0x109: {  	[sflag:s0] =	ssyncadd.tile.s32 @!p0 $0x1;
	_ =	shalt  }
.Lfunc_end2:
_tile_overlayer_lowered:
.L_overlay_start_2:
0x10a: {  	(tag) =	ssettag $0x2  }
0x10b: {  	s0 =	rddreg [dreg:$0x0];
	s2 =	stileid.u32  }
0x10c: {  	s1 =	rddreg [dreg:$0x1];
	p0 =	sne.s32 s2, $0x0  }
0x10d: {  	s3 =	rddreg [dreg:$0x2];
	[bflag:$0x3] =	sbarrier.arrive $0xFFFF;
	s2 =	simm.s32 @!p0 $0x1C02  }
0x10e: {  	[timem:s3], [sflag:s2] =	dma.local @!p0 [hbm:s0], s1  }
0x10f: {  	s0 =	simm.s32 @!p0 $0x2  }
0x110: {  	_ =	swait.ge @!p0 [sflag:s0], s1  }
0x111: {  	s1 =	ssub.s32 @!p0 $0x0, s1;
	[sflag:s0] =	ssyncset.done @!p0 $0x0  }
0x112: {  	[sflag:s0] =	ssyncadd.s32 @!p0 s1  }
0x113: {  	[bflag:$0x3] =	sbarrier.arrive $0xFFFF  }
0x114: {  	_ =	shalt  }

// kernel: kernel.14.cloned.1.call-start
scs
__scs_entry_jumppad:
0x0: {  	(pc) =	sbr.rel $0x88, $3  }
0x1: {  	(tag) =	ssettag $0x0;
	lr =	simm.s32 $0x1  }
0x2: {  	[smem:$0x3F93] =	sst lr;
	_ =	strace $0xD0000000  }
0x3: {  	_ = 	snop  }
0x4: {  	_ = 	snop  }
0x5: {  	_ = 	snop  }
0x6: {  	_ = 	snop  }
0x7: {  	_ = 	snop  }
__scs_overlays_trampoline_lowered:
0x8: {  	[smem:$0x3FA2] =	sst s0  }
0x9: {  	[smem:$0x3FA3] =	sst s1  }
0xa: {  	[smem:$0x3FA4] =	sst s2  }
0xb: {  	[smem:$0x3FA5] =	sst s3  }
0xc: {  	[smem:$0x3FA6] =	sst s4  }
0xd: {  	[smem:$0x3FA7] =	sst s5  }
0xe: {  	[smem:$0x3FA8] =	sst s6  }
0xf: {  	[smem:$0x3FA9] =	sst s7  }
0x10: {  	[smem:$0x3FAA] =	sst s8  }
0x11: {  	[smem:$0x3FAB] =	sst s9;
	s0 =	simm.s32 @!p0 $0x0  }
0x12: {  	s1 =	sld [smem:$0x3F91];
	s0 =	simm.s32 @p0 $0x1  }
0x13: {  	[smem:$0x3FAC] =	sst s0;
	s0 =	simm.s32 @!p1 $0x0  }
0x14: {  	s2 =	sld [smem:$0x3F90];
	s0 =	simm.s32 @p1 $0x1  }
0x15: {  	[smem:$0x3FAD] =	sst s0;
	s0 =	simm.s32 @!p2 $0x0  }
0x16: {  	s3 =	sld [smem:$0x3FDB];
	s0 =	simm.s32 @p2 $0x1  }
0x17: {  	s4 =	simm.s32 $0x1BF5;
	[smem:$0x3FAF] =	sst s0  }
0x18: {  	s0 =	sld [smem:$0x3F92];
	_ =	swait.ge [sflag:s4], $0x0  }
0x19: {  	s7 =	sld [smem:$0x3F93]  }
0x1a: {  	s8 =	sadd.s32 $0xFFFFE003, lr  }
0x1b: {  	s9 =	sadd.s32 $0xFFFFFEF7, lr;
	s5 =	simm.s32 $0xFFFFFFFF;
	p2 =	slt.u32 s8, $0xFFFFF086  }
0x1c: {  	p1 =	slt.u32 s9, $0xF7A;
	s5 =	simm.s32 @!p2 $0x0  }
0x1d: {  	s5 =	simm.s32 @p1 $0x1;
	p0 =	seq.s32 s7, s2  }
0x1e: {  	s7 =	smul.u32 @!p0 $0xF7A, s2;
	p2 =	seq.s32 @!p0 s5, $0x0  }
0x1f: {  	s9 =	smul.u32 $0xF7A, s1;
	s8 =	simm.s32 @!p0 $0x1BF5;
	p2 =	por !p2, p0  }
0x20: {  	[sflag:s8] =	ssyncset.s32 @!p0 $0xFFFFF086;
	s6 =	sadd.s32 @!p0 s3, s7;
	s7 =	simm.s32 @!p0 $0x108  }
0x21: {  	s3 =	sadd.s32 s3, s9;
	s6 =	sadd.s32 @!p0 $0x88, s6;
	s7 =	simm.s32 @p2 $0x1082  }
0x22: {  	[simem:s7], [sflag:s8] =	dma.local @!p0 [hbm:s6], $0xF7A  }
0x23: {  	s9 =	sor.u32 $0xD0000000, s2;
	s6 =	simm.s32 $0x108;
	_ =	swait.ge @!p0 [sflag:s8], $0x0  }
0x24: {  	s3 =	sadd.s32 $0x88, s3;
	s6 =	simm.s32 @!p1 $0x1082;
	[sflag:s4] =	ssyncset.s32 $0xFFFFF086  }
0x25: {  	[simem:s6], [sflag:s4] =	dma.local [hbm:s3], $0xF7A  }
0x26: {  	[smem:$0x3F93] =	sst s1;
	(tag) =	ssettag s2;
	_ =	strace s9  }
0x27: {  	s1 =	sld [smem:$0x3FA3]  }
0x28: {  	s2 =	sld [smem:$0x3FA4]  }
0x29: {  	s4 =	sld [smem:$0x3FA6]  }
0x2a: {  	p0 =	seq.s32 s5, $0x0;
	s5 =	sld [smem:$0x3FA7]  }
0x2b: {  	s6 =	sld [smem:$0x3FA8]  }
0x2c: {  	s7 =	sld [smem:$0x3FA9]  }
0x2d: {  	s3 =	simm.s32 $0x108;
	s8 =	sld [smem:$0x3FAA]  }
0x2e: {  	s3 =	simm.s32 @!p0 $0x1082;
	s9 =	sld [smem:$0x3FAB]  }
0x2f: {  	lr =	sadd.s32 s0, s3;
	s0 =	sld [smem:$0x3FA2]  }
0x30: {  	s3 =	sld [smem:$0x3FA5]  }
0x31: {  	[smem:$0x3FAE] =	sst s10  }
0x32: {  	s10 =	sld [smem:$0x3FAC];
	_ =	sdelay $0x3  }
0x33: {  	p0 =	seq.s32 s10, $0x1;
	s10 =	sld [smem:$0x3FAE];
	_ =	sdelay $0x3  }
0x34: {  	[smem:$0x3FAE] =	sst s10  }
0x35: {  	s10 =	sld [smem:$0x3FAD];
	_ =	sdelay $0x3  }
0x36: {  	p1 =	seq.s32 s10, $0x1;
	s10 =	sld [smem:$0x3FAE];
	_ =	sdelay $0x3  }
0x37: {  	[smem:$0x3FAE] =	sst s10  }
0x38: {  	s10 =	sld [smem:$0x3FAF]  }
0x39: {  	_ = 	snop;
	(pc) =	sbr.ind lr, $3  }
0x3a: {  	_ = 	snop  }
0x3b: {  	_ = 	snop  }
0x3c: {  	p2 =	seq.s32 s10, $0x1;
	s10 =	sld [smem:$0x3FAE]  }
0x3d: {  	_ =	shalt  }
0x3e: {  	_ =	shalt  }
0x3f: {  	_ =	shalt  }
0x40: {  	_ =	shalt  }
0x41: {  	_ =	shalt  }
0x42: {  	_ =	shalt  }
0x43: {  	_ =	shalt  }
0x44: {  	_ =	shalt  }
0x45: {  	_ =	shalt  }
0x46: {  	_ =	shalt  }
0x47: {  	_ =	shalt  }
0x48: {  	_ =	shalt  }
0x49: {  	_ =	shalt  }
0x4a: {  	_ =	shalt  }
0x4b: {  	_ =	shalt  }
0x4c: {  	_ =	shalt  }
0x4d: {  	_ =	shalt  }
0x4e: {  	_ =	shalt  }
0x4f: {  	_ =	shalt  }
0x50: {  	_ =	shalt  }
0x51: {  	_ =	shalt  }
0x52: {  	_ =	shalt  }
0x53: {  	_ =	shalt  }
0x54: {  	_ =	shalt  }
0x55: {  	_ =	shalt  }
0x56: {  	_ =	shalt  }
0x57: {  	_ =	shalt  }
0x58: {  	_ =	shalt  }
0x59: {  	_ =	shalt  }
0x5a: {  	_ =	shalt  }
0x5b: {  	_ =	shalt  }
0x5c: {  	_ =	shalt  }
0x5d: {  	_ =	shalt  }
0x5e: {  	_ =	shalt  }
0x5f: {  	_ =	shalt  }
0x60: {  	_ =	shalt  }
0x61: {  	_ =	shalt  }
0x62: {  	_ =	shalt  }
0x63: {  	_ =	shalt  }
0x64: {  	_ =	shalt  }
0x65: {  	_ =	shalt  }
0x66: {  	_ =	shalt  }
0x67: {  	_ =	shalt  }
0x68: {  	_ =	shalt  }
0x69: {  	_ =	shalt  }
0x6a: {  	_ =	shalt  }
0x6b: {  	_ =	shalt  }
0x6c: {  	_ =	shalt  }
0x6d: {  	_ =	shalt  }
0x6e: {  	_ =	shalt  }
0x6f: {  	_ =	shalt  }
0x70: {  	_ =	shalt  }
0x71: {  	_ =	shalt  }
0x72: {  	_ =	shalt  }
0x73: {  	_ =	shalt  }
0x74: {  	_ =	shalt  }
0x75: {  	_ =	shalt  }
0x76: {  	_ =	shalt  }
0x77: {  	_ =	shalt  }
0x78: {  	_ =	shalt  }
0x79: {  	_ =	shalt  }
0x7a: {  	_ =	shalt  }
0x7b: {  	_ =	shalt  }
0x7c: {  	_ =	shalt  }
0x7d: {  	_ =	shalt  }
0x7e: {  	_ =	shalt  }
0x7f: {  	_ =	shalt  }
0x80: {  	_ =	shalt  }
0x81: {  	_ =	shalt  }
0x82: {  	_ =	shalt  }
0x83: {  	_ =	shalt  }
0x84: {  	_ =	shalt  }
0x85: {  	_ =	shalt  }
0x86: {  	_ =	shalt  }
0x87: {  	_ =	shalt  }
.Lfunc_end0:
.L_simem_size_0:
called_computation.1_lowered:
.L_overlay_start_0:
0x88: {  	s2 =	sld [smem:$0x3FD9]  }
0x89: {  	s3 =	sld [smem:$0x3FFE];
	_ =	sdelay $0x1  }
0x8a: {  	s1 =	srdreg.scid  }
0x8b: {  	s0 =	sand.u32 $0x1, s1  }
0x8c: {  	s17 =	sshll.u32 s0, $0xA;
	s2 =	sadd.s32 s3, s2  }
0x8d: {  	s2 =	sadd.s32 s2, s17  }
0x8e: {  	[smem:$0x3FBA] =	sst s2  }
0x8f: {  	_ = 	snop  }
0x90: {  	s2 =	sld [smem:$0x3FC4];
	(tm) =	ssettm $0x1  }
0x91: {  	s18 =	sld [smem:$0x3FFB];
	_ =	sdelay $0x3  }
0x92: {  	_ =	strace s18  }
0x93: {  	s3 =	sld [smem:$0x3FFC];
	_ =	sdelay $0x3  }
0x94: {  	_ =	strace s3  }
0x95: {  	s3 =	sld [smem:$0x3FFD];
	_ =	sdelay $0x3  }
0x96: {  	_ =	strace s3  }
0x97: {  	_ =	strace $0x8FFFFFFF  }
0x98: {  	s19 =	sld [smem:$0x3FDB];
	_ =	sdelay $0x1  }
0x99: {  	s4 =	simm.s32 $_scs_section_size  }
0x9a: {  	s5 =	simm.s32 $_size__tile_overlayer_lowered;
	s6 =	simm.s32 $_tile_overlayer_lowered  }
0x9b: {  	s22 =	simm.s32 $0x1BFF;
	s21 =	sshll.u32 s6, $0x1;
	s3 =	sadd.s32 s4, s19  }
0x9c: {  	s7 =	simm.s32 $0x0;
	s20 =	sshll.u32 s5, $0x1;
	s5 =	sadd.s32 s21, s3  }
0x9d: {  	[timem:s7], [sflag:s22] =	dma.local [hbm:s5], s20  }
0x9e: {  	_ =	swait.ge [sflag:s22], s20  }
0x9f: {  	s4 =	ssub.s32 $0x0, s20;
	[sflag:s22] =	ssyncset.done $0x0  }
0xa0: {  	[sflag:s22] =	ssyncadd.s32 s4;
	_ =	sdelay $0x1  }
0xa1: {  	s23 =	simm.s32 $0x1B8B  }
0xa2: {  	_ =	swait.ge [sflag:s23], $0x1  }
0xa3: {  	[sflag:s23] =	ssyncset.done $0x0  }
0xa4: {  	s25 =	simm.s32 $0x1B8E;
	s24 =	sld [smem:$0x3FFE];
	[sflag:s23] =	ssyncadd.s32 $0xFFFFFFFF  }
0xa5: {  	s26 =	simm.s32 $execute0_lowered;
	[smem:$0x3FD2] =	sst s25  }
0xa6: {  	s5 =	sshll.u32 s26, $0x1;
	_ =	strace $0x80000049;
	[dreg:$0x1] =	wrdreg $0xFFFFFFFF  }
0xa7: {  	s28 =	simm.s32 $_size_execute0_lowered;
	s3 =	sadd.s32 s3, s5;
	[dreg:$0x0] =	wrdreg $0x0  }
0xa8: {  	s5 =	sshll.u32 s28, $0x1;
	[dreg:$0x2] =	wrdreg s3  }
0xa9: {  	[dreg:$0x3] =	wrdreg s5  }
0xaa: {  	[dreg:$0x4] =	wrdreg $0xC0  }
0xab: {  	_ =	task [dreg:s7], $0x5FFFF  }
0xac: {  	[dreg:$0x1] =	wrdreg $0xFFFFFFFF  }
0xad: {  	[dreg:$0x0] =	wrdreg $0x60  }
0xae: {  	[dreg:$0x2] =	wrdreg s24  }
0xaf: {  	[dreg:$0x3] =	wrdreg s2  }
0xb0: {  	[dreg:$0x4] =	wrdreg $0x9  }
0xb1: {  	_ =	task.clear_ibuf [dreg:s7], $0x5FFFF;
	_ =	strace $0x90000049  }
0xb2: {  	s29 =	simm.s32 $0x9;
	_ =	strace $0x8000004B  }
0xb3: {  	_ =	swait.ge [sflag:s29], $0x1  }
0xb4: {  	[sflag:s29] =	ssyncadd.s32 $0xFFFFFFFF  }
0xb5: {  	_ =	strace $0x9000004B  }
0xb6: {  	_ =	sfence  }
0xb7: {  	s30 =	sld [smem:$0x0];
	_ =	sdelay $0x2  }
0xb8: {  	s31 =	sshll.u32 s1, $0xD;
	s1 =	sshrl.u32 s1, $0x2  }
0xb9: {  	s3 =	sand.u32 $0x4000, s31;
	s1 =	sadd.s32 s1, s30  }
0xba: {  	s0 =	sor.u32 s3, s0;
	s1 =	sshll.u32 s1, $0x11  }
0xbb: {  	s0 =	sor.u32 s1, s0  }
0xbc: {  	s0 =	sadd.s32 $0x8F2B, s0  }
0xbd: {  	[sflag:s0] =	ssyncadd.remote.s32 $0x1  }
0xbe: {  	_ =	sfence.sel $0xFFFF  }
0xbf: {  	[dreg:$0x0] =	wrdreg $0xFFFFFFFF;
	(pc) =	sbr.abs _section_cstart, $3  }
0xc0: {  	[dreg:$0x1] =	wrdreg $0xFFFFFFFF  }
0xc1: {  	_ =	task.clear_ibuf [dreg:s7], $0x2FFFF;
	_ =	strace $0x9FFFFFFF  }
0xc2: {  	(tm) =	ssettm $0x7FFFFFFF  }
0xc3: {  	_ =	shalt  }
tec
execute0_lowered:
.L_overlay_start_1:
0x0: {  	(tag) =	ssettag $0x1  }
0x1: {  	s7 =	rddreg [dreg:$0x0]  }
0x2: {  	s1 =	rddreg [dreg:$0x1]  }
0x3: {  	s0 =	rddreg [dreg:$0x2];
	s2 =	simm.s32 $0x0;
	s3 =	srdreg.scid  }
0x4: {  	s4 =	stileid.u32;
	s12 =	simm.s32 $0x1;
	s13 =	simm.s32 $0x4000  }
0x5: {  	s14 =	simm.s32 $0x2;
	s15 =	simm.s32 $0x0;
	[smem:$0x7FF] =	sst s2  }
.Ltmp0:
0x6: {  	s3 =	sand.u32 $0x1, s3;
	s5 =	sadd.s32 $0x37800, s7;
	(pc) =	sbr.rel .LBB2_1-.Ltmp0, $4  }
0x7: {  	s6 =	sadd.s32 $0x5F800, s7;
	s7 =	sadd.s32 $0xEC00, s7;
	s8 =	ssub.s32 $0x2, s3  }
0x8: {  	s10 =	sshll.u32 s4, $0x8;
	s11 =	sshll.u32 s3, $0x7;
	s9 =	sshrl.u32 s8, $0x1  }
0x9: {  	_ =	strace $0x8000004A;
	s10 =	sor.u32 s11, s10;
	s9 =	ssub.s32 s8, s9  }
0xa: {  	s11 =	simm.s32 $0x8000;
	s8 =	sshll.u32 s4, $0x1;
	s9 =	smax.u32 s9, $0x1  }
.LBB2_9:
0xb: {  	s15 =	sadd.s32 $0x1, s15  }
0xc: {  	p0 =	sne.s32 s15, s9  }
.Ltmp1:
0xd: {  	_ = 	snop;
	(pc) =	sbr.rel @!p0 .LBB2_10-.Ltmp1, $1  }
0xe: {  	_ =	sdelay $0x3  }
.LBB2_1:
0xf: {  	[tilespmem:s11], [sflag:$0x1] =	stream.linear.gather [hbm4b:s1+s2], $0x80, $0x38;
	[tilespmem:$0x8080] =	vst v63  }
0x10: {  	_ =	swait.ge [sflag:s12], $0x80  }
0x11: {  	[sflag:s12] =	ssyncset.done $0x0  }
0x12: {  	[sflag:s12] =	ssyncadd.s32 $0xFFFFFF80  }
0x13: {  	[tilespmem:s13], [sflag:$0x1] =	stream.linear.gather [hbm4b:s6+s2], $0x4000, $0x38;
	[tilespmem:$0x8080] =	vst v63  }
0x14: {  	_ =	swait.ge [sflag:s12], $0x4000  }
0x15: {  	[sflag:s12] =	ssyncset.done $0x0  }
0x16: {  	s16 =	simm.s32 $0x0;
	s17 =	simm.s32 $0x40;
	[sflag:s12] =	ssyncadd.s32 $0xFFFFC000  }
.LBB2_2:
0x17: {  	p0 =	sne.s32 s17, $0xFFC0;
	v0 =	vld [tilespmem:s16+$0x4000];
	_ =	sdelay $0x2  }
.Ltmp2:
0x18: {  	(pc) =	sbr.rel @p0 .LBB2_2-.Ltmp2, $3  }
0x19: {  	_ = 	snop  }
0x1a: {  	v0 =	vadd.f32 $9.999999710e-10, v0;
	_ =	sdelay $0x1  }
0x1b: {  	[tilespmem:s16+$0x4000] =	vst v0;
	s16 =	sshra.s32 s17, $0x2;
	s17 =	sadd.s32 $0x40, s17  }
0x1c: {  	v0 =	vld [tilespmem:s16+$0x4000];
	_ =	sdelay $0x2  }
.Ltmp3:
0x1d: {  	_ = 	snop;
	(pc) =	sbr.rel .LBB2_4-.Ltmp3, $3  }
0x1e: {  	_ = 	snop  }
0x1f: {  	v0 =	vadd.f32 $9.999999710e-10, v0;
	_ =	sdelay $0x1  }
0x20: {  	s17 =	smov.u32 s10;
	[tilespmem:s16+$0x4000] =	vst v0;
	s16 =	simm.s32 $0x0  }
.LBB2_8:
0x21: {  	s16 =	sadd.s32 $0x1, s16  }
0x22: {  	p0 =	sne.s32 s16, $0x3  }
.Ltmp4:
0x23: {  	_ = 	snop;
	(pc) =	sbr.rel @!p0 .LBB2_9-.Ltmp4, $2  }
0x24: {  	_ =	sdelay $0x2  }
0x25: {  	s17 =	sadd.s32 $0x1000, s17  }
.LBB2_4:
0x26: {  	s18 =	sshll.u32 s16, $0x5  }
0x27: {  	s18 =	sor.u32 s8, s18  }
0x28: {  	p0 =	sgt.u32 s18, $0x4F  }
.Ltmp5:
0x29: {  	_ = 	snop;
	(pc) =	sbr.rel @p0 .LBB2_8-.Ltmp5, $1  }
0x2a: {  	_ =	sdelay $0x3  }
0x2b: {  	s18 =	sor.u32 s3, s18  }
0x2c: {  	s19 =	sadd.s32 $0x0, s17;
	s18 =	sshll.u32 s18, $0xB  }
0x2d: {  	s21 =	simm.s32 $0x0;
	v0 =	vmov s19;
	s20 =	sadd.s32 s5, s18  }
0x2e: {  	[tilespmem:s21], [sflag:$0x2] =	stream.linear.gather [hbm4b:s20+s21], $0x4000, $0x38;
	[tilespmem:$0x8080] =	vst v63  }
0x2f: {  	_ =	swait.ge [sflag:s14], $0x4000  }
0x30: {  	[sflag:s14] =	ssyncset.done $0x0  }
0x31: {  	[sflag:s14] =	ssyncadd.s32 $0xFFFFC000  }
0x32: {  	v0 =	vld.idx.msk [tilespmem:v0+s13+$0x0], $0xffff;
	_ =	sdelay $0x4  }
0x33: {  	(erf) = vrcp.f32 v0;
	_ =	sdelay $0x3  }
0x34: {  	s19 =	simm.s32 $0x40  }
0x35: {  	v0 =	vld [tilespmem:s19+$0xFFFFFFC0];
	_ =	sdelay $0x1  }
0x36: {  	v1 =	vld [tilespmem:$0x8000];
	_ =	sdelay $0x1  }
0x37: {  	v2 =	vpop (erf)  }
0x38: {  	v0 =	vmul.f32 v2, v0;
	_ =	sdelay $0x1  }
0x39: {  	v0 =	vadd.f32 v1, v0  }
0x3a: {  	v1 =	vld [tilespmem:s19+$0xFFFFFFD0]  }
0x3b: {  	[tilespmem:s19+$0xFFFFFFC0] =	vst v0  }
0x3c: {  	v0 =	vld [tilespmem:$0x8010];
	_ =	sdelay $0x2  }
0x3d: {  	v1 =	vmul.f32 v1, v2;
	_ =	sdelay $0x1  }
0x3e: {  	v0 =	vadd.f32 v0, v1  }
0x3f: {  	v1 =	vld [tilespmem:s19+$0xFFFFFFE0]  }
0x40: {  	[tilespmem:s19+$0xFFFFFFD0] =	vst v0  }
0x41: {  	v0 =	vld [tilespmem:$0x8020];
	_ =	sdelay $0x2  }
0x42: {  	v1 =	vmul.f32 v1, v2;
	_ =	sdelay $0x1  }
0x43: {  	v0 =	vadd.f32 v0, v1  }
0x44: {  	v1 =	vld [tilespmem:s19+$0xFFFFFFF0]  }
0x45: {  	[tilespmem:s19+$0xFFFFFFE0] =	vst v0  }
0x46: {  	v0 =	vld [tilespmem:$0x8030];
	_ =	sdelay $0x2  }
0x47: {  	v1 =	vmul.f32 v1, v2;
	_ =	sdelay $0x1  }
0x48: {  	v0 =	vadd.f32 v0, v1  }
0x49: {  	v1 =	vld [tilespmem:s19+$0x0]  }
0x4a: {  	[tilespmem:s19+$0xFFFFFFF0] =	vst v0  }
0x4b: {  	v0 =	vld [tilespmem:$0x8040];
	_ =	sdelay $0x2  }
0x4c: {  	v1 =	vmul.f32 v1, v2;
	_ =	sdelay $0x1  }
0x4d: {  	v0 =	vadd.f32 v0, v1  }
0x4e: {  	v1 =	vld [tilespmem:s19+$0x10]  }
0x4f: {  	[tilespmem:s19+$0x0] =	vst v0  }
0x50: {  	v0 =	vld [tilespmem:$0x8050];
	_ =	sdelay $0x2  }
0x51: {  	v1 =	vmul.f32 v1, v2;
	_ =	sdelay $0x1  }
0x52: {  	v0 =	vadd.f32 v0, v1  }
0x53: {  	v1 =	vld [tilespmem:s19+$0x20]  }
0x54: {  	[tilespmem:s19+$0x10] =	vst v0  }
0x55: {  	v0 =	vld [tilespmem:$0x8060];
	_ =	sdelay $0x2  }
0x56: {  	v1 =	vmul.f32 v1, v2;
	_ =	sdelay $0x1  }
0x57: {  	v0 =	vadd.f32 v0, v1  }
0x58: {  	v1 =	vld [tilespmem:s19+$0x30]  }
0x59: {  	[tilespmem:s19+$0x20] =	vst v0  }
0x5a: {  	v3 =	vld [tilespmem:$0x8070];
	_ =	sdelay $0x1  }
0x5b: {  	s31 =	sadd.s32 $0x1, s17  }
0x5c: {  	v0 =	vmov s31;
	v1 =	vmul.f32 v1, v2;
	_ =	sdelay $0x1  }
0x5d: {  	s20 =	simm.s32 $0x2;
	v1 =	vadd.f32 v3, v1  }
.LBB2_6:
0x5e: {  	p0 =	sne.s32 s20, $0x7F  }
0x5f: {  	s21 =	smov.u32 s20;
	s20 =	sadd.s32 $0x1, s20;
	[tilespmem:s19+$0x30] =	vst v1;
	s19 =	sadd.s32 $0x80, s19  }
0x60: {  	v0 =	vld.idx.msk [tilespmem:v0+s13+$0x0], $0xffff;
	_ =	sdelay $0x5  }
0x61: {  	(erf) = vrcp.f32 v0;
	_ =	sdelay $0x4  }
0x62: {  	v0 =	vld [tilespmem:s19+$0xFFFFFFC0];
	_ =	sdelay $0x1  }
0x63: {  	v1 =	vld [tilespmem:$0x8000];
	_ =	sdelay $0x1  }
0x64: {  	v2 =	vpop (erf)  }
0x65: {  	v0 =	vmul.f32 v2, v0;
	_ =	sdelay $0x1  }
0x66: {  	v0 =	vadd.f32 v1, v0  }
0x67: {  	v1 =	vld [tilespmem:s19+$0xFFFFFFD0]  }
0x68: {  	[tilespmem:s19+$0xFFFFFFC0] =	vst v0  }
0x69: {  	v0 =	vld [tilespmem:$0x8010];
	_ =	sdelay $0x2  }
0x6a: {  	v1 =	vmul.f32 v1, v2;
	_ =	sdelay $0x1  }
0x6b: {  	v0 =	vadd.f32 v0, v1  }
0x6c: {  	v1 =	vld [tilespmem:s19+$0xFFFFFFE0]  }
0x6d: {  	[tilespmem:s19+$0xFFFFFFD0] =	vst v0  }
0x6e: {  	v0 =	vld [tilespmem:$0x8020];
	_ =	sdelay $0x2  }
0x6f: {  	v1 =	vmul.f32 v1, v2;
	_ =	sdelay $0x1  }
0x70: {  	v0 =	vadd.f32 v0, v1  }
0x71: {  	v1 =	vld [tilespmem:s19+$0xFFFFFFF0]  }
0x72: {  	[tilespmem:s19+$0xFFFFFFE0] =	vst v0  }
0x73: {  	v0 =	vld [tilespmem:$0x8030];
	_ =	sdelay $0x2  }
0x74: {  	v1 =	vmul.f32 v1, v2;
	_ =	sdelay $0x1  }
0x75: {  	v0 =	vadd.f32 v0, v1  }
0x76: {  	v1 =	vld [tilespmem:s19+$0x0]  }
0x77: {  	[tilespmem:s19+$0xFFFFFFF0] =	vst v0  }
0x78: {  	v0 =	vld [tilespmem:$0x8040];
	_ =	sdelay $0x2  }
0x79: {  	v1 =	vmul.f32 v1, v2;
	_ =	sdelay $0x1  }
0x7a: {  	v0 =	vadd.f32 v0, v1  }
0x7b: {  	v1 =	vld [tilespmem:s19+$0x10]  }
0x7c: {  	[tilespmem:s19+$0x0] =	vst v0  }
0x7d: {  	v0 =	vld [tilespmem:$0x8050];
	_ =	sdelay $0x2  }
0x7e: {  	v1 =	vmul.f32 v1, v2;
	_ =	sdelay $0x1  }
0x7f: {  	v0 =	vadd.f32 v0, v1  }
0x80: {  	v1 =	vld [tilespmem:s19+$0x20]  }
0x81: {  	[tilespmem:s19+$0x10] =	vst v0  }
0x82: {  	v0 =	vld [tilespmem:$0x8060];
	_ =	sdelay $0x2  }
0x83: {  	v1 =	vmul.f32 v1, v2;
	_ =	sdelay $0x1  }
0x84: {  	v0 =	vadd.f32 v0, v1  }
0x85: {  	v1 =	vld [tilespmem:s19+$0x30]  }
0x86: {  	[tilespmem:s19+$0x20] =	vst v0  }
0x87: {  	v3 =	vld [tilespmem:$0x8070]  }
.Ltmp6:
0x88: {  	(pc) =	sbr.rel @p0 .LBB2_6-.Ltmp6, $3  }
0x89: {  	s21 =	sadd.s32 s21, s17  }
0x8a: {  	v0 =	vmov s21;
	v1 =	vmul.f32 v1, v2;
	_ =	sdelay $0x1  }
0x8b: {  	v1 =	vadd.f32 v3, v1  }
0x8c: {  	_ =	sdelay $0x2  }
0x8d: {  	[tilespmem:s19+$0x30] =	vst v1  }
0x8e: {  	v0 =	vld.idx.msk [tilespmem:v0+s13+$0x0], $0xffff;
	_ =	sdelay $0x4  }
0x8f: {  	(erf) = vrcp.f32 v0;
	_ =	sdelay $0x3  }
0x90: {  	s31 =	sadd.s32 $0x80, s19  }
0x91: {  	v56 =	vld [tilespmem:s31+$0xFFFFFFC0];
	_ =	sdelay $0x1  }
0x92: {  	v1 =	vld [tilespmem:$0x8000];
	_ =	sdelay $0x1  }
0x93: {  	v2 =	vpop (erf)  }
0x94: {  	v0 =	vmul.f32 v2, v56;
	_ =	sdelay $0x1  }
0x95: {  	v0 =	vadd.f32 v1, v0  }
0x96: {  	v57 =	vld [tilespmem:s31+$0xFFFFFFD0]  }
0x97: {  	[tilespmem:s31+$0xFFFFFFC0] =	vst v0  }
0x98: {  	v0 =	vld [tilespmem:$0x8010];
	_ =	sdelay $0x2  }
0x99: {  	v1 =	vmul.f32 v57, v2;
	_ =	sdelay $0x1  }
0x9a: {  	v0 =	vadd.f32 v0, v1  }
0x9b: {  	v58 =	vld [tilespmem:s31+$0xFFFFFFE0]  }
0x9c: {  	[tilespmem:s31+$0xFFFFFFD0] =	vst v0  }
0x9d: {  	v0 =	vld [tilespmem:$0x8020];
	_ =	sdelay $0x2  }
0x9e: {  	v1 =	vmul.f32 v58, v2;
	_ =	sdelay $0x1  }
0x9f: {  	v0 =	vadd.f32 v0, v1  }
0xa0: {  	v59 =	vld [tilespmem:s31+$0xFFFFFFF0]  }
0xa1: {  	[tilespmem:s31+$0xFFFFFFE0] =	vst v0  }
0xa2: {  	v0 =	vld [tilespmem:$0x8030];
	_ =	sdelay $0x2  }
0xa3: {  	v1 =	vmul.f32 v59, v2;
	_ =	sdelay $0x1  }
0xa4: {  	v0 =	vadd.f32 v0, v1  }
0xa5: {  	v60 =	vld [tilespmem:s31+$0x0]  }
0xa6: {  	[tilespmem:s31+$0xFFFFFFF0] =	vst v0  }
0xa7: {  	v0 =	vld [tilespmem:$0x8040];
	_ =	sdelay $0x2  }
0xa8: {  	v1 =	vmul.f32 v60, v2;
	_ =	sdelay $0x1  }
0xa9: {  	v0 =	vadd.f32 v0, v1  }
0xaa: {  	v61 =	vld [tilespmem:s31+$0x10]  }
0xab: {  	[tilespmem:s31+$0x0] =	vst v0  }
0xac: {  	v0 =	vld [tilespmem:$0x8050];
	_ =	sdelay $0x2  }
0xad: {  	v1 =	vmul.f32 v61, v2;
	_ =	sdelay $0x1  }
0xae: {  	v0 =	vadd.f32 v0, v1  }
0xaf: {  	v62 =	vld [tilespmem:s31+$0x20]  }
0xb0: {  	[tilespmem:s31+$0x10] =	vst v0  }
0xb1: {  	v0 =	vld [tilespmem:$0x8060];
	_ =	sdelay $0x2  }
0xb2: {  	v1 =	vmul.f32 v62, v2;
	_ =	sdelay $0x1  }
0xb3: {  	v0 =	vadd.f32 v0, v1  }
0xb4: {  	v63 =	vld [tilespmem:s31+$0x30]  }
0xb5: {  	[tilespmem:s31+$0x20] =	vst v0  }
0xb6: {  	v0 =	vld [tilespmem:$0x8070];
	_ =	sdelay $0x2  }
0xb7: {  	v1 =	vmul.f32 v63, v2;
	_ =	sdelay $0x1  }
0xb8: {  	v0 =	vadd.f32 v0, v1;
	_ =	sdelay $0x1  }
.Ltmp7:
0xb9: {  	s18 =	sadd.s32 s7, s18;
	[tilespmem:s31+$0x30] =	vst v0;
	(pc) =	sbr.rel .LBB2_8-.Ltmp7, $4  }
0xba: {  	[hbm4b:s18+s2] =	stream.linear.scatter [tilespmem:s2], [sflag:$0x1], $0x4000, $0x38;
	[tilespmem:$0x8080] =	vst v63  }
0xbb: {  	_ =	swait.ge [sflag:s12], $0x4000  }
0xbc: {  	[sflag:s12] =	ssyncset.done $0x0  }
0xbd: {  	[sflag:s12] =	ssyncadd.s32 $0xFFFFC000  }
.LBB2_10:
0xbe: {  	_ =	sfence.sel $0x180000  }
0xbf: {  	[bflag:$0x0] =	sbarrier.arrive $0xFFFF  }
0xc0: {  	p0 =	sne.s32 s4, $0x0;
	_ =	strace $0x9000004A  }
0xc1: {  	s0 =	sadd.s32 @!p0 $0x100000, s0;
	[bflag:$0x2] =	sbarrier.arrive $0xFFFF  }
0xc2: {  	[sflag:s0] =	ssyncadd.tile.s32 @!p0 $0x1;
	_ =	shalt  }
.Lfunc_end2:
_tile_overlayer_lowered:
.L_overlay_start_2:
0xc3: {  	(tag) =	ssettag $0x2  }
0xc4: {  	s0 =	rddreg [dreg:$0x0];
	s2 =	stileid.u32  }
0xc5: {  	s1 =	rddreg [dreg:$0x1];
	p0 =	sne.s32 s2, $0x0  }
0xc6: {  	s3 =	rddreg [dreg:$0x2];
	[bflag:$0x3] =	sbarrier.arrive $0xFFFF;
	s2 =	simm.s32 @!p0 $0x1C01  }
0xc7: {  	[timem:s3], [sflag:s2] =	dma.local @!p0 [hbm:s0], s1  }
0xc8: {  	s0 =	simm.s32 @!p0 $0x1  }
0xc9: {  	_ =	swait.ge @!p0 [sflag:s0], s1  }
0xca: {  	s1 =	ssub.s32 @!p0 $0x0, s1;
	[sflag:s0] =	ssyncset.done @!p0 $0x0  }
0xcb: {  	[sflag:s0] =	ssyncadd.s32 @!p0 s1  }
0xcc: {  	[bflag:$0x3] =	sbarrier.arrive $0xFFFF  }
0xcd: {  	_ =	shalt  }

// kernel: kernel.17.cloned.1.call-start
scs
__scs_entry_jumppad:
0x0: {  	(pc) =	sbr.rel $0x88, $3  }
0x1: {  	(tag) =	ssettag $0x0;
	lr =	simm.s32 $0x1  }
0x2: {  	[smem:$0x3F93] =	sst lr;
	_ =	strace $0xD0000000  }
0x3: {  	_ = 	snop  }
0x4: {  	_ = 	snop  }
0x5: {  	_ = 	snop  }
0x6: {  	_ = 	snop  }
0x7: {  	_ = 	snop  }
__scs_overlays_trampoline_lowered:
0x8: {  	[smem:$0x3FA2] =	sst s0  }
0x9: {  	[smem:$0x3FA3] =	sst s1  }
0xa: {  	[smem:$0x3FA4] =	sst s2  }
0xb: {  	[smem:$0x3FA5] =	sst s3  }
0xc: {  	[smem:$0x3FA6] =	sst s4  }
0xd: {  	[smem:$0x3FA7] =	sst s5  }
0xe: {  	[smem:$0x3FA8] =	sst s6  }
0xf: {  	[smem:$0x3FA9] =	sst s7  }
0x10: {  	[smem:$0x3FAA] =	sst s8  }
0x11: {  	[smem:$0x3FAB] =	sst s9;
	s0 =	simm.s32 @!p0 $0x0  }
0x12: {  	s1 =	sld [smem:$0x3F91];
	s0 =	simm.s32 @p0 $0x1  }
0x13: {  	[smem:$0x3FAC] =	sst s0;
	s0 =	simm.s32 @!p1 $0x0  }
0x14: {  	s2 =	sld [smem:$0x3F90];
	s0 =	simm.s32 @p1 $0x1  }
0x15: {  	[smem:$0x3FAD] =	sst s0;
	s0 =	simm.s32 @!p2 $0x0  }
0x16: {  	s3 =	sld [smem:$0x3FDB];
	s0 =	simm.s32 @p2 $0x1  }
0x17: {  	s4 =	simm.s32 $0x1BF5;
	[smem:$0x3FAF] =	sst s0  }
0x18: {  	s0 =	sld [smem:$0x3F92];
	_ =	swait.ge [sflag:s4], $0x0  }
0x19: {  	s7 =	sld [smem:$0x3F93]  }
0x1a: {  	s8 =	sadd.s32 $0xFFFFE003, lr  }
0x1b: {  	s9 =	sadd.s32 $0xFFFFFEF7, lr;
	s5 =	simm.s32 $0xFFFFFFFF;
	p2 =	slt.u32 s8, $0xFFFFF086  }
0x1c: {  	p1 =	slt.u32 s9, $0xF7A;
	s5 =	simm.s32 @!p2 $0x0  }
0x1d: {  	s5 =	simm.s32 @p1 $0x1;
	p0 =	seq.s32 s7, s2  }
0x1e: {  	s7 =	smul.u32 @!p0 $0xF7A, s2;
	p2 =	seq.s32 @!p0 s5, $0x0  }
0x1f: {  	s9 =	smul.u32 $0xF7A, s1;
	s8 =	simm.s32 @!p0 $0x1BF5;
	p2 =	por !p2, p0  }
0x20: {  	[sflag:s8] =	ssyncset.s32 @!p0 $0xFFFFF086;
	s6 =	sadd.s32 @!p0 s3, s7;
	s7 =	simm.s32 @!p0 $0x108  }
0x21: {  	s3 =	sadd.s32 s3, s9;
	s6 =	sadd.s32 @!p0 $0x88, s6;
	s7 =	simm.s32 @p2 $0x1082  }
0x22: {  	[simem:s7], [sflag:s8] =	dma.local @!p0 [hbm:s6], $0xF7A  }
0x23: {  	s9 =	sor.u32 $0xD0000000, s2;
	s6 =	simm.s32 $0x108;
	_ =	swait.ge @!p0 [sflag:s8], $0x0  }
0x24: {  	s3 =	sadd.s32 $0x88, s3;
	s6 =	simm.s32 @!p1 $0x1082;
	[sflag:s4] =	ssyncset.s32 $0xFFFFF086  }
0x25: {  	[simem:s6], [sflag:s4] =	dma.local [hbm:s3], $0xF7A  }
0x26: {  	[smem:$0x3F93] =	sst s1;
	(tag) =	ssettag s2;
	_ =	strace s9  }
0x27: {  	s1 =	sld [smem:$0x3FA3]  }
0x28: {  	s2 =	sld [smem:$0x3FA4]  }
0x29: {  	s4 =	sld [smem:$0x3FA6]  }
0x2a: {  	p0 =	seq.s32 s5, $0x0;
	s5 =	sld [smem:$0x3FA7]  }
0x2b: {  	s6 =	sld [smem:$0x3FA8]  }
0x2c: {  	s7 =	sld [smem:$0x3FA9]  }
0x2d: {  	s3 =	simm.s32 $0x108;
	s8 =	sld [smem:$0x3FAA]  }
0x2e: {  	s3 =	simm.s32 @!p0 $0x1082;
	s9 =	sld [smem:$0x3FAB]  }
0x2f: {  	lr =	sadd.s32 s0, s3;
	s0 =	sld [smem:$0x3FA2]  }
0x30: {  	s3 =	sld [smem:$0x3FA5]  }
0x31: {  	[smem:$0x3FAE] =	sst s10  }
0x32: {  	s10 =	sld [smem:$0x3FAC];
	_ =	sdelay $0x3  }
0x33: {  	p0 =	seq.s32 s10, $0x1;
	s10 =	sld [smem:$0x3FAE];
	_ =	sdelay $0x3  }
0x34: {  	[smem:$0x3FAE] =	sst s10  }
0x35: {  	s10 =	sld [smem:$0x3FAD];
	_ =	sdelay $0x3  }
0x36: {  	p1 =	seq.s32 s10, $0x1;
	s10 =	sld [smem:$0x3FAE];
	_ =	sdelay $0x3  }
0x37: {  	[smem:$0x3FAE] =	sst s10  }
0x38: {  	s10 =	sld [smem:$0x3FAF]  }
0x39: {  	_ = 	snop;
	(pc) =	sbr.ind lr, $3  }
0x3a: {  	_ = 	snop  }
0x3b: {  	_ = 	snop  }
0x3c: {  	p2 =	seq.s32 s10, $0x1;
	s10 =	sld [smem:$0x3FAE]  }
0x3d: {  	_ =	shalt  }
0x3e: {  	_ =	shalt  }
0x3f: {  	_ =	shalt  }
0x40: {  	_ =	shalt  }
0x41: {  	_ =	shalt  }
0x42: {  	_ =	shalt  }
0x43: {  	_ =	shalt  }
0x44: {  	_ =	shalt  }
0x45: {  	_ =	shalt  }
0x46: {  	_ =	shalt  }
0x47: {  	_ =	shalt  }
0x48: {  	_ =	shalt  }
0x49: {  	_ =	shalt  }
0x4a: {  	_ =	shalt  }
0x4b: {  	_ =	shalt  }
0x4c: {  	_ =	shalt  }
0x4d: {  	_ =	shalt  }
0x4e: {  	_ =	shalt  }
0x4f: {  	_ =	shalt  }
0x50: {  	_ =	shalt  }
0x51: {  	_ =	shalt  }
0x52: {  	_ =	shalt  }
0x53: {  	_ =	shalt  }
0x54: {  	_ =	shalt  }
0x55: {  	_ =	shalt  }
0x56: {  	_ =	shalt  }
0x57: {  	_ =	shalt  }
0x58: {  	_ =	shalt  }
0x59: {  	_ =	shalt  }
0x5a: {  	_ =	shalt  }
0x5b: {  	_ =	shalt  }
0x5c: {  	_ =	shalt  }
0x5d: {  	_ =	shalt  }
0x5e: {  	_ =	shalt  }
0x5f: {  	_ =	shalt  }
0x60: {  	_ =	shalt  }
0x61: {  	_ =	shalt  }
0x62: {  	_ =	shalt  }
0x63: {  	_ =	shalt  }
0x64: {  	_ =	shalt  }
0x65: {  	_ =	shalt  }
0x66: {  	_ =	shalt  }
0x67: {  	_ =	shalt  }
0x68: {  	_ =	shalt  }
0x69: {  	_ =	shalt  }
0x6a: {  	_ =	shalt  }
0x6b: {  	_ =	shalt  }
0x6c: {  	_ =	shalt  }
0x6d: {  	_ =	shalt  }
0x6e: {  	_ =	shalt  }
0x6f: {  	_ =	shalt  }
0x70: {  	_ =	shalt  }
0x71: {  	_ =	shalt  }
0x72: {  	_ =	shalt  }
0x73: {  	_ =	shalt  }
0x74: {  	_ =	shalt  }
0x75: {  	_ =	shalt  }
0x76: {  	_ =	shalt  }
0x77: {  	_ =	shalt  }
0x78: {  	_ =	shalt  }
0x79: {  	_ =	shalt  }
0x7a: {  	_ =	shalt  }
0x7b: {  	_ =	shalt  }
0x7c: {  	_ =	shalt  }
0x7d: {  	_ =	shalt  }
0x7e: {  	_ =	shalt  }
0x7f: {  	_ =	shalt  }
0x80: {  	_ =	shalt  }
0x81: {  	_ =	shalt  }
0x82: {  	_ =	shalt  }
0x83: {  	_ =	shalt  }
0x84: {  	_ =	shalt  }
0x85: {  	_ =	shalt  }
0x86: {  	_ =	shalt  }
0x87: {  	_ =	shalt  }
.Lfunc_end0:
.L_simem_size_0:
called_computation.2_lowered:
.L_overlay_start_0:
0x88: {  	s0 =	sld [smem:$0x3FD9]  }
0x89: {  	s1 =	sld [smem:$0x3FFE];
	_ =	sdelay $0x3  }
0x8a: {  	s0 =	sadd.s32 s1, s0  }
0x8b: {  	[smem:$0x3FBA] =	sst s0  }
0x8c: {  	_ = 	snop  }
0x8d: {  	s0 =	sld [smem:$0x3FD0];
	(tm) =	ssettm $0x1  }
0x8e: {  	s16 =	sld [smem:$0x3FFB];
	_ =	sdelay $0x3  }
0x8f: {  	_ =	strace s16  }
0x90: {  	s1 =	sld [smem:$0x3FFC];
	_ =	sdelay $0x3  }
0x91: {  	_ =	strace s1  }
0x92: {  	s1 =	sld [smem:$0x3FFD];
	_ =	sdelay $0x3  }
0x93: {  	_ =	strace s1  }
0x94: {  	_ =	strace $0x8FFFFFFF  }
0x95: {  	s17 =	sld [smem:$0x3FDB];
	_ =	sdelay $0x1  }
0x96: {  	s2 =	simm.s32 $_scs_section_size  }
0x97: {  	s3 =	simm.s32 $_size__tile_overlayer_lowered;
	s4 =	simm.s32 $_tile_overlayer_lowered  }
0x98: {  	s20 =	simm.s32 $0x1BFF;
	s19 =	sshll.u32 s4, $0x1;
	s1 =	sadd.s32 s2, s17  }
0x99: {  	s5 =	simm.s32 $0x0;
	s18 =	sshll.u32 s3, $0x1;
	s3 =	sadd.s32 s19, s1  }
0x9a: {  	[timem:s5], [sflag:s20] =	dma.local [hbm:s3], s18  }
0x9b: {  	_ =	swait.ge [sflag:s20], s18  }
0x9c: {  	s2 =	ssub.s32 $0x0, s18;
	[sflag:s20] =	ssyncset.done $0x0  }
0x9d: {  	[sflag:s20] =	ssyncadd.s32 s2;
	_ =	sdelay $0x1  }
0x9e: {  	s21 =	simm.s32 $0x1B8B  }
0x9f: {  	_ =	swait.ge [sflag:s21], $0x1  }
0xa0: {  	[sflag:s21] =	ssyncset.done $0x0  }
0xa1: {  	s23 =	simm.s32 $0x1B8E;
	s22 =	sld [smem:$0x3FFE];
	[sflag:s21] =	ssyncadd.s32 $0xFFFFFFFF  }
0xa2: {  	s24 =	simm.s32 $execute0_lowered;
	[smem:$0x3FD2] =	sst s23  }
0xa3: {  	s3 =	sshll.u32 s24, $0x1;
	_ =	strace $0x8000004C;
	[dreg:$0x1] =	wrdreg $0xFFFFFFFF  }
0xa4: {  	s25 =	simm.s32 $_size_execute0_lowered;
	s1 =	sadd.s32 s1, s3;
	[dreg:$0x0] =	wrdreg $0x0  }
0xa5: {  	s3 =	sshll.u32 s25, $0x1;
	[dreg:$0x2] =	wrdreg s1  }
0xa6: {  	[dreg:$0x3] =	wrdreg s3  }
0xa7: {  	[dreg:$0x4] =	wrdreg $0xC0  }
0xa8: {  	_ =	task [dreg:s5], $0x5FFFF  }
0xa9: {  	[dreg:$0x1] =	wrdreg $0xFFFFFFFF  }
0xaa: {  	[dreg:$0x0] =	wrdreg $0x60  }
0xab: {  	[dreg:$0x2] =	wrdreg s22  }
0xac: {  	[dreg:$0x3] =	wrdreg s0  }
0xad: {  	[dreg:$0x4] =	wrdreg $0x91800  }
0xae: {  	[dreg:$0x5] =	wrdreg $0x1D1800  }
0xaf: {  	[dreg:$0x6] =	wrdreg $0x9  }
0xb0: {  	_ =	task.clear_ibuf [dreg:s5], $0x7FFFF;
	_ =	strace $0x9000004C  }
0xb1: {  	s26 =	simm.s32 $0x9;
	_ =	strace $0x8000004E  }
0xb2: {  	_ =	swait.ge [sflag:s26], $0x1  }
0xb3: {  	[sflag:s26] =	ssyncadd.s32 $0xFFFFFFFF  }
0xb4: {  	_ =	strace $0x9000004E  }
0xb5: {  	_ =	sfence  }
0xb6: {  	s28 =	sld [smem:$0x0];
	_ =	sdelay $0x1  }
0xb7: {  	s29 =	srdreg.scid  }
0xb8: {  	s30 =	sshll.u32 s29, $0xD;
	s31 =	sshrl.u32 s29, $0x2  }
0xb9: {  	s2 =	sand.u32 $0x4000, s30;
	s1 =	sand.u32 $0x1, s29;
	s0 =	sadd.s32 s31, s28  }
0xba: {  	s1 =	sor.u32 s2, s1;
	s0 =	sshll.u32 s0, $0x11  }
0xbb: {  	s0 =	sor.u32 s0, s1  }
0xbc: {  	s0 =	sadd.s32 $0x8F2B, s0  }
0xbd: {  	[sflag:s0] =	ssyncadd.remote.s32 $0x1  }
0xbe: {  	_ =	sfence.sel $0xFFFF  }
0xbf: {  	[dreg:$0x0] =	wrdreg $0xFFFFFFFF;
	(pc) =	sbr.abs _section_cstart, $3  }
0xc0: {  	[dreg:$0x1] =	wrdreg $0xFFFFFFFF  }
0xc1: {  	_ =	task.clear_ibuf [dreg:s5], $0x2FFFF;
	_ =	strace $0x9FFFFFFF  }
0xc2: {  	(tm) =	ssettm $0x7FFFFFFF  }
0xc3: {  	_ =	shalt  }
tec
execute0_lowered:
.L_overlay_start_1:
0x0: {  	(tag) =	ssettag $0x1  }
0x1: {  	s1 =	rddreg [dreg:$0x0]  }
0x2: {  	s3 =	rddreg [dreg:$0x1]  }
0x3: {  	s4 =	rddreg [dreg:$0x2]  }
0x4: {  	s5 =	rddreg [dreg:$0x3]  }
0x5: {  	s0 =	rddreg [dreg:$0x4]  }
0x6: {  	s2 =	simm.s32 $0x0;
	s9 =	simm.s32 $0x0;
	s10 =	simm.s32 $0x200  }
0x7: {  	[smem:$0x7FF] =	sst s2;
	s6 =	sadd.s32 $0xEC00, s1;
	s15 =	sadd.s32 $0x36C00, s1  }
0x8: {  	s16 =	sadd.s32 $0x37200, s1;
	s8 =	sadd.s32 $0x4C00, s1;
	s7 =	sadd.s32 $0x37800, s1  }
0x9: {  	v0 =	vimm.f32 $0.0e+00;
	s2 =	sadd.s32 $0x5F800, s1;
	s1 =	stileid.u32;
	_ =	strace $0x8000004D  }
.LBB2_1:
0xa: {  	p0 =	sne.s32 s10, $0xFE00;
	[tilespmem:s9+$0x51F0] =	vst v0  }
0xb: {  	[tilespmem:s9+$0x5180] =	vst v0  }
0xc: {  	[tilespmem:s9+$0x5190] =	vst v0  }
.Ltmp0:
0xd: {  	[tilespmem:s9+$0x51A0] =	vst v0;
	(pc) =	sbr.rel @p0 .LBB2_1-.Ltmp0, $4  }
0xe: {  	[tilespmem:s9+$0x51B0] =	vst v0  }
0xf: {  	[tilespmem:s9+$0x51C0] =	vst v0  }
0x10: {  	[tilespmem:s9+$0x51D0] =	vst v0  }
0x11: {  	[tilespmem:s9+$0x51E0] =	vst v0;
	s9 =	sshra.s32 s10, $0x2;
	s10 =	sadd.s32 $0x200, s10  }
0x12: {  	[tilespmem:s9+$0x51F0] =	vst v0  }
0x13: {  	[tilespmem:s9+$0x5180] =	vst v0  }
0x14: {  	[tilespmem:s9+$0x5190] =	vst v0  }
0x15: {  	[tilespmem:s9+$0x51A0] =	vst v0  }
0x16: {  	[tilespmem:s9+$0x51B0] =	vst v0  }
0x17: {  	[tilespmem:s9+$0x51C0] =	vst v0  }
0x18: {  	[tilespmem:s9+$0x51D0] =	vst v0  }
0x19: {  	[tilespmem:s9+$0x51E0] =	vst v0;
	v63 =	vimm.f32 $0.0e+00  }
0x1a: {  	[tilespmem:$0x5100] =	vst v63  }
0x1b: {  	[tilespmem:$0x5110] =	vst v63  }
0x1c: {  	[tilespmem:$0x5120] =	vst v63  }
0x1d: {  	[tilespmem:$0x5130] =	vst v63  }
0x1e: {  	s20 =	smul.u32 $0x50000, s1;
	[tilespmem:$0x5140] =	vst v63  }
0x1f: {  	[tilespmem:$0x5150] =	vst v63  }
0x20: {  	[tilespmem:$0x5160] =	vst v63;
	s9 =	sshrl.u32 s20, $0x2  }
0x21: {  	s10 =	simm.s32 $0x5180;
	s11 =	simm.s32 $0x2;
	[tilespmem:$0x5170] =	vst v63;
	s9 =	sadd.s32 s9, s4  }
0x22: {  	[spmem:s9] =	stream.linear.scatter [tilespmem:s10], [sflag:$0x2], $0x4000, $0x38;
	[tilespmem:$0x1D580] =	vst v63  }
0x23: {  	_ =	swait.ge [sflag:s11], $0x4000  }
0x24: {  	[sflag:s11] =	ssyncset.done $0x0  }
0x25: {  	s12 =	sadd.s32 $0x4000, s9;
	[sflag:s11] =	ssyncadd.s32 $0xFFFFC000  }
0x26: {  	[spmem:s12] =	stream.linear.scatter [tilespmem:s10], [sflag:$0x2], $0x4000, $0x38;
	[tilespmem:$0x1D580] =	vst v63  }
0x27: {  	_ =	swait.ge [sflag:s11], $0x4000  }
0x28: {  	[sflag:s11] =	ssyncset.done $0x0  }
0x29: {  	s21 =	sadd.s32 $0x8000, s9;
	[sflag:s11] =	ssyncadd.s32 $0xFFFFC000  }
0x2a: {  	[spmem:s21] =	stream.linear.scatter [tilespmem:s10], [sflag:$0x2], $0x4000, $0x38;
	[tilespmem:$0x1D580] =	vst v63  }
0x2b: {  	_ =	swait.ge [sflag:s11], $0x4000  }
0x2c: {  	[sflag:s11] =	ssyncset.done $0x0  }
0x2d: {  	s22 =	sadd.s32 $0xC000, s9;
	[sflag:s11] =	ssyncadd.s32 $0xFFFFC000  }
0x2e: {  	[spmem:s22] =	stream.linear.scatter [tilespmem:s10], [sflag:$0x2], $0x4000, $0x38;
	[tilespmem:$0x1D580] =	vst v63  }
0x2f: {  	_ =	swait.ge [sflag:s11], $0x4000  }
0x30: {  	[sflag:s11] =	ssyncset.done $0x0  }
0x31: {  	s23 =	sadd.s32 $0x10000, s9;
	[sflag:s11] =	ssyncadd.s32 $0xFFFFC000  }
0x32: {  	[spmem:s23] =	stream.linear.scatter [tilespmem:s10], [sflag:$0x2], $0x4000, $0x38;
	[tilespmem:$0x1D580] =	vst v63  }
0x33: {  	_ =	swait.ge [sflag:s11], $0x4000  }
0x34: {  	s24 =	sshll.u32 s1, $0xA;
	[sflag:s11] =	ssyncset.done $0x0  }
0x35: {  	s13 =	simm.s32 $0x5100;
	s12 =	sadd.s32 s24, s5;
	[sflag:s11] =	ssyncadd.s32 $0xFFFFC000  }
0x36: {  	[spmem:s12] =	stream.linear.scatter [tilespmem:s13], [sflag:$0x2], $0x80, $0x38;
	[tilespmem:$0x1D580] =	vst v63  }
0x37: {  	_ =	swait.ge [sflag:s11], $0x80  }
0x38: {  	[sflag:s11] =	ssyncset.done $0x0  }
0x39: {  	s14 =	sadd.s32 $0x80, s12;
	[sflag:s11] =	ssyncadd.s32 $0xFFFFFF80  }
0x3a: {  	[spmem:s14] =	stream.linear.scatter [tilespmem:s13], [sflag:$0x2], $0x80, $0x38;
	[tilespmem:$0x1D580] =	vst v63  }
0x3b: {  	_ =	swait.ge [sflag:s11], $0x80  }
0x3c: {  	[sflag:s11] =	ssyncset.done $0x0  }
0x3d: {  	s25 =	sadd.s32 $0x100, s12;
	[sflag:s11] =	ssyncadd.s32 $0xFFFFFF80  }
0x3e: {  	[spmem:s25] =	stream.linear.scatter [tilespmem:s13], [sflag:$0x2], $0x80, $0x38;
	[tilespmem:$0x1D580] =	vst v63  }
0x3f: {  	_ =	swait.ge [sflag:s11], $0x80  }
0x40: {  	[sflag:s11] =	ssyncset.done $0x0  }
0x41: {  	s26 =	sadd.s32 $0x180, s12;
	[sflag:s11] =	ssyncadd.s32 $0xFFFFFF80  }
0x42: {  	[spmem:s26] =	stream.linear.scatter [tilespmem:s13], [sflag:$0x2], $0x80, $0x38;
	[tilespmem:$0x1D580] =	vst v63  }
0x43: {  	_ =	swait.ge [sflag:s11], $0x80  }
0x44: {  	[sflag:s11] =	ssyncset.done $0x0  }
0x45: {  	s28 =	sadd.s32 $0x200, s12;
	[sflag:s11] =	ssyncadd.s32 $0xFFFFFF80  }
0x46: {  	[spmem:s28] =	stream.linear.scatter [tilespmem:s13], [sflag:$0x2], $0x80, $0x38;
	[tilespmem:$0x1D580] =	vst v63  }
0x47: {  	_ =	swait.ge [sflag:s11], $0x80  }
0x48: {  	[sflag:s11] =	ssyncset.done $0x0  }
0x49: {  	s29 =	sadd.s32 $0x280, s12;
	[sflag:s11] =	ssyncadd.s32 $0xFFFFFF80  }
0x4a: {  	[spmem:s29] =	stream.linear.scatter [tilespmem:s13], [sflag:$0x2], $0x80, $0x38;
	[tilespmem:$0x1D580] =	vst v63  }
0x4b: {  	_ =	swait.ge [sflag:s11], $0x80  }
0x4c: {  	[sflag:s11] =	ssyncset.done $0x0  }
0x4d: {  	s30 =	sadd.s32 $0x300, s12;
	[sflag:s11] =	ssyncadd.s32 $0xFFFFFF80  }
0x4e: {  	[spmem:s30] =	stream.linear.scatter [tilespmem:s13], [sflag:$0x2], $0x80, $0x38;
	[tilespmem:$0x1D580] =	vst v63  }
0x4f: {  	_ =	swait.ge [sflag:s11], $0x80  }
0x50: {  	[sflag:s11] =	ssyncset.done $0x0  }
0x51: {  	s31 =	sadd.s32 $0x380, s12;
	[sflag:s11] =	ssyncadd.s32 $0xFFFFFF80  }
0x52: {  	[spmem:s31] =	stream.linear.scatter [tilespmem:s13], [sflag:$0x2], $0x80, $0x38;
	[tilespmem:$0x1D580] =	vst v63  }
0x53: {  	_ =	swait.ge [sflag:s11], $0x80  }
0x54: {  	[sflag:s11] =	ssyncset.done $0x0  }
0x55: {  	s14 =	simm.s32 $0x0;
	[sflag:s11] =	ssyncadd.s32 $0xFFFFFF80  }
0x56: {  	[tilespmem:s14], [sflag:$0x2] =	stream.linear.gather [hbm4b:s15+s14], $0x2800, $0x38;
	[tilespmem:$0x1D580] =	vst v63  }
0x57: {  	_ =	swait.ge [sflag:s11], $0x2800  }
0x58: {  	[sflag:s11] =	ssyncset.done $0x0  }
0x59: {  	s15 =	simm.s32 $0x2800;
	[sflag:s11] =	ssyncadd.s32 $0xFFFFD800  }
0x5a: {  	[tilespmem:s15], [sflag:$0x2] =	stream.linear.gather [hbm4b:s16+s14], $0x2800, $0x38;
	[tilespmem:$0x1D580] =	vst v63  }
0x5b: {  	_ =	swait.ge [sflag:s11], $0x2800  }
0x5c: {  	s17 =	simm.s32 $0x5000;
	s18 =	simm.s32 $0x5080;
	[sflag:s11] =	ssyncset.done $0x0  }
0x5d: {  	s19 =	simm.s32 $0x80;
	s20 =	simm.s32 $0x1;
	[sflag:s11] =	ssyncadd.s32 $0xFFFFD800  }
0x5e: {  	s21 =	simm.s32 $0x0;
	s16 =	smul.u32 $0xA0, s1;
	[bflag:$0x0] =	sbarrier.arrive $0xFFFF  }
.LBB2_3:
0x5f: {  	_ = 	snop  }
0x60: {  	s22 =	sadd.s32 s16, s21  }
0x61: {  	s22 =	sshll.u32 s22, $0x4  }
0x62: {  	s23 =	sadd.s32 s3, s22  }
0x63: {  	[tilespmem:s17], [sflag:$0x2] =	stream.linear.gather [hbm4b:s23+s14], $0x80, $0x38;
	[tilespmem:$0x1D580] =	vst v63  }
0x64: {  	_ =	swait.ge [sflag:s11], $0x80  }
0x65: {  	[sflag:s11] =	ssyncset.done $0x0  }
0x66: {  	s22 =	sadd.s32 s8, s22;
	[sflag:s11] =	ssyncadd.s32 $0xFFFFFF80  }
0x67: {  	[tilespmem:s18], [sflag:$0x2] =	stream.linear.gather [hbm4b:s22+s14], $0x80, $0x38;
	[tilespmem:$0x1D580] =	vst v63  }
0x68: {  	_ =	swait.ge [sflag:s11], $0x80  }
0x69: {  	[sflag:s11] =	ssyncset.done $0x0  }
0x6a: {  	[sflag:s11] =	ssyncadd.s32 $0xFFFFFF80  }
0x6b: {  	v0 =	vld [tilespmem:$0x5000]  }
0x6c: {  	v1 =	vld [tilespmem:$0x5080];
	_ =	sdelay $0x6  }
0x6d: {  	v0 =	vld.idx.msk [tilespmem:v0+s14+$0x0], $0xffff  }
0x6e: {  	v1 =	vld.idx.msk [tilespmem:v1+s15+$0x0], $0xffff;
	_ =	sdelay $0x4  }
0x6f: {  	v0 =	vadd.f32 v1, v0;
	_ =	sdelay $0x1  }
0x70: {  	v1 =	vmul.f32 $2.000000030e-01, v0  }
0x71: {  	vm0 =	vgt.f32 v0, $0.0e+00  }
0x72: {  	v0 =	vsel vm0, v0, v1  }
0x73: {  	v0 =	vmul.f32 $1.442695020e+00, v0;
	_ =	sdelay $0x1  }
0x74: {  	(erf) = vpow2.f32 v0;
	_ =	sdelay $0x2  }
0x75: {  	v0 =	vld [tilespmem:$0x5010]  }
0x76: {  	v1 =	vld [tilespmem:$0x5090];
	_ =	sdelay $0x4  }
0x77: {  	v2 =	vpop (erf)  }
0x78: {  	[tilespmem:$0x5100] =	vst v2  }
0x79: {  	v0 =	vld.idx.msk [tilespmem:v0+s14+$0x0], $0xffff  }
0x7a: {  	v1 =	vld.idx.msk [tilespmem:v1+s15+$0x0], $0xffff;
	_ =	sdelay $0x4  }
0x7b: {  	v0 =	vadd.f32 v1, v0;
	_ =	sdelay $0x1  }
0x7c: {  	v1 =	vmul.f32 $2.000000030e-01, v0  }
0x7d: {  	vm9 =	vgt.f32 v0, $0.0e+00  }
0x7e: {  	v0 =	vsel vm9, v0, v1  }
0x7f: {  	v0 =	vmul.f32 $1.442695020e+00, v0;
	_ =	sdelay $0x1  }
0x80: {  	(erf) = vpow2.f32 v0;
	_ =	sdelay $0x2  }
0x81: {  	v0 =	vld [tilespmem:$0x5020]  }
0x82: {  	v1 =	vld [tilespmem:$0x50A0];
	_ =	sdelay $0x4  }
0x83: {  	v2 =	vpop (erf)  }
0x84: {  	[tilespmem:$0x5110] =	vst v2  }
0x85: {  	v0 =	vld.idx.msk [tilespmem:v0+s14+$0x0], $0xffff  }
0x86: {  	v1 =	vld.idx.msk [tilespmem:v1+s15+$0x0], $0xffff;
	_ =	sdelay $0x4  }
0x87: {  	v0 =	vadd.f32 v1, v0;
	_ =	sdelay $0x1  }
0x88: {  	v1 =	vmul.f32 $2.000000030e-01, v0  }
0x89: {  	vm10 =	vgt.f32 v0, $0.0e+00  }
0x8a: {  	v0 =	vsel vm10, v0, v1  }
0x8b: {  	v0 =	vmul.f32 $1.442695020e+00, v0;
	_ =	sdelay $0x1  }
0x8c: {  	(erf) = vpow2.f32 v0;
	_ =	sdelay $0x2  }
0x8d: {  	v0 =	vld [tilespmem:$0x5030]  }
0x8e: {  	v1 =	vld [tilespmem:$0x50B0];
	_ =	sdelay $0x4  }
0x8f: {  	v2 =	vpop (erf)  }
0x90: {  	[tilespmem:$0x5120] =	vst v2  }
0x91: {  	v0 =	vld.idx.msk [tilespmem:v0+s14+$0x0], $0xffff  }
0x92: {  	v1 =	vld.idx.msk [tilespmem:v1+s15+$0x0], $0xffff;
	_ =	sdelay $0x4  }
0x93: {  	v0 =	vadd.f32 v1, v0;
	_ =	sdelay $0x1  }
0x94: {  	v1 =	vmul.f32 $2.000000030e-01, v0  }
0x95: {  	vm11 =	vgt.f32 v0, $0.0e+00  }
0x96: {  	v0 =	vsel vm11, v0, v1  }
0x97: {  	v0 =	vmul.f32 $1.442695020e+00, v0;
	_ =	sdelay $0x1  }
0x98: {  	(erf) = vpow2.f32 v0;
	_ =	sdelay $0x2  }
0x99: {  	v0 =	vld [tilespmem:$0x5040]  }
0x9a: {  	v1 =	vld [tilespmem:$0x50C0];
	_ =	sdelay $0x4  }
0x9b: {  	v2 =	vpop (erf)  }
0x9c: {  	[tilespmem:$0x5130] =	vst v2  }
0x9d: {  	v0 =	vld.idx.msk [tilespmem:v0+s14+$0x0], $0xffff  }
0x9e: {  	v1 =	vld.idx.msk [tilespmem:v1+s15+$0x0], $0xffff;
	_ =	sdelay $0x4  }
0x9f: {  	v0 =	vadd.f32 v1, v0;
	_ =	sdelay $0x1  }
0xa0: {  	v1 =	vmul.f32 $2.000000030e-01, v0  }
0xa1: {  	vm12 =	vgt.f32 v0, $0.0e+00  }
0xa2: {  	v0 =	vsel vm12, v0, v1  }
0xa3: {  	v0 =	vmul.f32 $1.442695020e+00, v0;
	_ =	sdelay $0x1  }
0xa4: {  	(erf) = vpow2.f32 v0;
	_ =	sdelay $0x2  }
0xa5: {  	v0 =	vld [tilespmem:$0x5050]  }
0xa6: {  	v1 =	vld [tilespmem:$0x50D0];
	_ =	sdelay $0x4  }
0xa7: {  	v2 =	vpop (erf)  }
0xa8: {  	[tilespmem:$0x5140] =	vst v2  }
0xa9: {  	v0 =	vld.idx.msk [tilespmem:v0+s14+$0x0], $0xffff  }
0xaa: {  	v1 =	vld.idx.msk [tilespmem:v1+s15+$0x0], $0xffff;
	_ =	sdelay $0x4  }
0xab: {  	v0 =	vadd.f32 v1, v0;
	_ =	sdelay $0x1  }
0xac: {  	v1 =	vmul.f32 $2.000000030e-01, v0  }
0xad: {  	vm13 =	vgt.f32 v0, $0.0e+00  }
0xae: {  	v0 =	vsel vm13, v0, v1  }
0xaf: {  	v0 =	vmul.f32 $1.442695020e+00, v0;
	_ =	sdelay $0x1  }
0xb0: {  	(erf) = vpow2.f32 v0;
	_ =	sdelay $0x2  }
0xb1: {  	v0 =	vld [tilespmem:$0x5060]  }
0xb2: {  	v1 =	vld [tilespmem:$0x50E0];
	_ =	sdelay $0x4  }
0xb3: {  	v2 =	vpop (erf)  }
0xb4: {  	[tilespmem:$0x5150] =	vst v2  }
0xb5: {  	v0 =	vld.idx.msk [tilespmem:v0+s14+$0x0], $0xffff  }
0xb6: {  	v1 =	vld.idx.msk [tilespmem:v1+s15+$0x0], $0xffff;
	_ =	sdelay $0x4  }
0xb7: {  	v0 =	vadd.f32 v1, v0;
	_ =	sdelay $0x1  }
0xb8: {  	v1 =	vmul.f32 $2.000000030e-01, v0  }
0xb9: {  	vm14 =	vgt.f32 v0, $0.0e+00  }
0xba: {  	v0 =	vsel vm14, v0, v1  }
0xbb: {  	v0 =	vmul.f32 $1.442695020e+00, v0;
	_ =	sdelay $0x1  }
0xbc: {  	(erf) = vpow2.f32 v0;
	_ =	sdelay $0x2  }
0xbd: {  	v0 =	vld [tilespmem:$0x5070]  }
0xbe: {  	v1 =	vld [tilespmem:$0x50F0];
	_ =	sdelay $0x4  }
0xbf: {  	v2 =	vpop (erf)  }
0xc0: {  	[tilespmem:$0x5160] =	vst v2  }
0xc1: {  	v0 =	vld.idx.msk [tilespmem:v0+s14+$0x0], $0xffff  }
0xc2: {  	v1 =	vld.idx.msk [tilespmem:v1+s15+$0x0], $0xffff;
	_ =	sdelay $0x4  }
0xc3: {  	v0 =	vadd.f32 v1, v0;
	_ =	sdelay $0x1  }
0xc4: {  	v1 =	vmul.f32 $2.000000030e-01, v0  }
0xc5: {  	vm15 =	vgt.f32 v0, $0.0e+00  }
0xc6: {  	v0 =	vsel vm15, v0, v1  }
0xc7: {  	v0 =	vmul.f32 $1.442695020e+00, v0;
	_ =	sdelay $0x1  }
0xc8: {  	(erf) = vpow2.f32 v0;
	_ =	sdelay $0x8  }
0xc9: {  	v0 =	vpop (erf)  }
0xca: {  	[tilespmem:$0x5170] =	vst v0  }
0xcb: {  	[tilespmem:s10], [sflag:$0x1] =	stream.indirect.gather [hbm4b:s6+s19], $0x80, s17, s19, $0xb8;
	[tilespmem:$0x1D580] =	vst v63  }
0xcc: {  	_ =	swait.ge [sflag:s20], $0x4000  }
0xcd: {  	v0 =	vmov s14;
	[sflag:s20] =	ssyncset.done $0x0  }
0xce: {  	s22 =	simm.s32 $0x51C0;
	[sflag:s20] =	ssyncadd.s32 $0xFFFFC000  }
0xcf: {  	v4 =	vld [tilespmem:s22+$0x30]  }
0xd0: {  	v7 =	vld [tilespmem:s22+$0x10]  }
0xd1: {  	v5 =	vld [tilespmem:s22+$0xFFFFFFC0]  }
0xd2: {  	v1 =	vld.idx.msk [tilespmem:v0+s13+$0x0], $0xffff  }
0xd3: {  	v9 =	vld [tilespmem:s22+$0xFFFFFFE0]  }
0xd4: {  	v0 =	vld [tilespmem:s22+$0xFFFFFFF0]  }
0xd5: {  	v2 =	vld [tilespmem:s22+$0x20]  }
0xd6: {  	v3 =	vld [tilespmem:s22+$0xFFFFFFD0]  }
0xd7: {  	v8 =	vmul.f32 v4, v1;
	v4 =	vld [tilespmem:s22+$0x0]  }
0xd8: {  	v6 =	vmul.f32 v5, v1  }
0xd9: {  	s24 =	simm.s32 $0x51C0;
	s23 =	simm.s32 $0x1;
	v5 =	vmul.f32 v9, v1;
	v7 =	vmul.f32 v7, v1  }
.LBB2_4:
0xda: {  	p0 =	sne.s32 s23, $0x7F  }
0xdb: {  	v3 =	vmul.f32 v3, v1;
	v2 =	vmul.f32 v2, v1;
	[tilespmem:s22+$0x30] =	vst v8;
	s24 =	sadd.s32 $0x80, s24;
	s25 =	smov.u32 s23;
	s23 =	sadd.s32 $0x1, s23  }
0xdc: {  	[tilespmem:s22+$0xFFFFFFC0] =	vst v6;
	v6 =	vmul.f32 v0, v1;
	v1 =	vmul.f32 v4, v1  }
0xdd: {  	[tilespmem:s22+$0x10] =	vst v7  }
0xde: {  	v4 =	vmov s25;
	[tilespmem:s22+$0xFFFFFFE0] =	vst v5  }
0xdf: {  	v0 =	vld [tilespmem:s24+$0xFFFFFFF0];
	[tilespmem:s22+$0xFFFFFFF0] =	vst v6  }
0xe0: {  	v5 =	vld [tilespmem:s24+$0x30];
	[tilespmem:s22+$0x0] =	vst v1  }
0xe1: {  	v7 =	vld [tilespmem:s24+$0x10];
	[tilespmem:s22+$0x20] =	vst v2  }
0xe2: {  	v6 =	vld [tilespmem:s24+$0xFFFFFFC0];
	[tilespmem:s22+$0xFFFFFFD0] =	vst v3;
	s22 =	smov.u32 s24  }
0xe3: {  	v1 =	vld.idx.msk [tilespmem:v4+s13+$0x0], $0xffff  }
0xe4: {  	v9 =	vld [tilespmem:s24+$0xFFFFFFE0]  }
0xe5: {  	v2 =	vld [tilespmem:s24+$0x20]  }
.Ltmp1:
0xe6: {  	v3 =	vld [tilespmem:s24+$0xFFFFFFD0];
	(pc) =	sbr.rel @p0 .LBB2_4-.Ltmp1, $3  }
0xe7: {  	v4 =	vld [tilespmem:s24+$0x0];
	_ =	sdelay $0x1  }
0xe8: {  	v6 =	vmul.f32 v6, v1;
	v8 =	vmul.f32 v5, v1  }
0xe9: {  	v7 =	vmul.f32 v7, v1;
	v5 =	vmul.f32 v9, v1  }
0xea: {  	[tilespmem:s22+$0x30] =	vst v8  }
0xeb: {  	[tilespmem:s22+$0xFFFFFFC0] =	vst v6  }
0xec: {  	v0 =	vmul.f32 v0, v1;
	[tilespmem:s22+$0x10] =	vst v7  }
0xed: {  	v2 =	vmul.f32 v2, v1;
	[tilespmem:s22+$0xFFFFFFE0] =	vst v5  }
0xee: {  	v63 =	vmul.f32 v3, v1;
	[tilespmem:s22+$0xFFFFFFF0] =	vst v0  }
0xef: {  	v4 =	vmul.f32 v4, v1;
	[tilespmem:s22+$0x20] =	vst v2  }
0xf0: {  	[tilespmem:s22+$0xFFFFFFD0] =	vst v63  }
0xf1: {  	[tilespmem:s22+$0x0] =	vst v4  }
0xf2: {  	[spmem:s4] =	stream.indirect.scatter.add.f32 [tilespmem:s10], [sflag:$0x2], $0x80, s18, s19, $0xb8;
	[tilespmem:$0x1D580] =	vst v63  }
0xf3: {  	s21 =	sadd.s32 $0x1, s21;
	_ =	swait.ge [sflag:s11], $0x4000  }
0xf4: {  	p0 =	sne.s32 s21, $0xA0;
	[sflag:s11] =	ssyncset.done $0x0  }
.Ltmp2:
0xf5: {  	[sflag:s11] =	ssyncadd.s32 $0xFFFFC000;
	(pc) =	sbr.rel @p0 .LBB2_3-.Ltmp2, $4  }
0xf6: {  	[spmem:s5] =	stream.indirect.scatter.add.f32 [tilespmem:s13], [sflag:$0x2], $0x1, s18, s19, $0xb8;
	[tilespmem:$0x1D580] =	vst v63  }
0xf7: {  	_ =	swait.ge [sflag:s11], $0x80  }
0xf8: {  	[sflag:s11] =	ssyncset.done $0x0  }
0xf9: {  	[sflag:s11] =	ssyncadd.s32 $0xFFFFFF80  }
0xfa: {  	s3 =	smul.u32 $0x2800, s1  }
0xfb: {  	s4 =	sshll.u32 s1, $0x6;
	[bflag:$0x0] =	sbarrier.arrive $0xFFFF;
	s5 =	sshrl.u32 s9, $0x3  }
0xfc: {  	s29 =	simm.s32 $0x2;
	s4 =	sor.u32 $0x1C02, s4;
	s3 =	sadd.s32 s7, s3  }
0xfd: {  	[hbm:s3], [sflag:s4] =	dma.local [spmem:s5], $0x2800  }
0xfe: {  	_ =	swait.ge [sflag:s29], $0x2800  }
0xff: {  	s30 =	sshll.u32 s1, $0x7;
	[sflag:s29] =	ssyncset.done $0x0  }
0x100: {  	s31 =	sshrl.u32 s12, $0x3;
	s2 =	sadd.s32 s2, s30;
	[sflag:s29] =	ssyncadd.s32 $0xFFFFD800  }
0x101: {  	[hbm:s2], [sflag:s4] =	dma.local [spmem:s31], $0x80  }
0x102: {  	_ =	swait.ge [sflag:s29], $0x80  }
0x103: {  	[sflag:s29] =	ssyncset.done $0x0  }
0x104: {  	[sflag:s29] =	ssyncadd.s32 $0xFFFFFF80  }
0x105: {  	_ =	sfence.sel $0x180000  }
0x106: {  	[bflag:$0x0] =	sbarrier.arrive $0xFFFF  }
0x107: {  	p0 =	sne.s32 s1, $0x0;
	_ =	strace $0x9000004D  }
0x108: {  	s0 =	sadd.s32 @!p0 $0x100000, s0;
	[bflag:$0x2] =	sbarrier.arrive $0xFFFF  }
0x109: {  	[sflag:s0] =	ssyncadd.tile.s32 @!p0 $0x1;
	_ =	shalt  }
.Lfunc_end2:
_tile_overlayer_lowered:
.L_overlay_start_2:
0x10a: {  	(tag) =	ssettag $0x2  }
0x10b: {  	s0 =	rddreg [dreg:$0x0];
	s2 =	stileid.u32  }
0x10c: {  	s1 =	rddreg [dreg:$0x1];
	p0 =	sne.s32 s2, $0x0  }
0x10d: {  	s3 =	rddreg [dreg:$0x2];
	[bflag:$0x3] =	sbarrier.arrive $0xFFFF;
	s2 =	simm.s32 @!p0 $0x1C02  }
0x10e: {  	[timem:s3], [sflag:s2] =	dma.local @!p0 [hbm:s0], s1  }
0x10f: {  	s0 =	simm.s32 @!p0 $0x2  }
0x110: {  	_ =	swait.ge @!p0 [sflag:s0], s1  }
0x111: {  	s1 =	ssub.s32 @!p0 $0x0, s1;
	[sflag:s0] =	ssyncset.done @!p0 $0x0  }
0x112: {  	[sflag:s0] =	ssyncadd.s32 @!p0 s1  }
0x113: {  	[bflag:$0x3] =	sbarrier.arrive $0xFFFF  }
0x114: {  	_ =	shalt  }

// kernel: kernel.20.cloned.1.call-start
scs
__scs_entry_jumppad:
0x0: {  	(pc) =	sbr.rel $0x88, $3  }
0x1: {  	(tag) =	ssettag $0x0;
	lr =	simm.s32 $0x1  }
0x2: {  	[smem:$0x3F93] =	sst lr;
	_ =	strace $0xD0000000  }
0x3: {  	_ = 	snop  }
0x4: {  	_ = 	snop  }
0x5: {  	_ = 	snop  }
0x6: {  	_ = 	snop  }
0x7: {  	_ = 	snop  }
__scs_overlays_trampoline_lowered:
0x8: {  	[smem:$0x3FA2] =	sst s0  }
0x9: {  	[smem:$0x3FA3] =	sst s1  }
0xa: {  	[smem:$0x3FA4] =	sst s2  }
0xb: {  	[smem:$0x3FA5] =	sst s3  }
0xc: {  	[smem:$0x3FA6] =	sst s4  }
0xd: {  	[smem:$0x3FA7] =	sst s5  }
0xe: {  	[smem:$0x3FA8] =	sst s6  }
0xf: {  	[smem:$0x3FA9] =	sst s7  }
0x10: {  	[smem:$0x3FAA] =	sst s8  }
0x11: {  	[smem:$0x3FAB] =	sst s9;
	s0 =	simm.s32 @!p0 $0x0  }
0x12: {  	s1 =	sld [smem:$0x3F91];
	s0 =	simm.s32 @p0 $0x1  }
0x13: {  	[smem:$0x3FAC] =	sst s0;
	s0 =	simm.s32 @!p1 $0x0  }
0x14: {  	s2 =	sld [smem:$0x3F90];
	s0 =	simm.s32 @p1 $0x1  }
0x15: {  	[smem:$0x3FAD] =	sst s0;
	s0 =	simm.s32 @!p2 $0x0  }
0x16: {  	s3 =	sld [smem:$0x3FDB];
	s0 =	simm.s32 @p2 $0x1  }
0x17: {  	s4 =	simm.s32 $0x1BF5;
	[smem:$0x3FAF] =	sst s0  }
0x18: {  	s0 =	sld [smem:$0x3F92];
	_ =	swait.ge [sflag:s4], $0x0  }
0x19: {  	s7 =	sld [smem:$0x3F93]  }
0x1a: {  	s8 =	sadd.s32 $0xFFFFE003, lr  }
0x1b: {  	s9 =	sadd.s32 $0xFFFFFEF7, lr;
	s5 =	simm.s32 $0xFFFFFFFF;
	p2 =	slt.u32 s8, $0xFFFFF086  }
0x1c: {  	p1 =	slt.u32 s9, $0xF7A;
	s5 =	simm.s32 @!p2 $0x0  }
0x1d: {  	s5 =	simm.s32 @p1 $0x1;
	p0 =	seq.s32 s7, s2  }
0x1e: {  	s7 =	smul.u32 @!p0 $0xF7A, s2;
	p2 =	seq.s32 @!p0 s5, $0x0  }
0x1f: {  	s9 =	smul.u32 $0xF7A, s1;
	s8 =	simm.s32 @!p0 $0x1BF5;
	p2 =	por !p2, p0  }
0x20: {  	[sflag:s8] =	ssyncset.s32 @!p0 $0xFFFFF086;
	s6 =	sadd.s32 @!p0 s3, s7;
	s7 =	simm.s32 @!p0 $0x108  }
0x21: {  	s3 =	sadd.s32 s3, s9;
	s6 =	sadd.s32 @!p0 $0x88, s6;
	s7 =	simm.s32 @p2 $0x1082  }
0x22: {  	[simem:s7], [sflag:s8] =	dma.local @!p0 [hbm:s6], $0xF7A  }
0x23: {  	s9 =	sor.u32 $0xD0000000, s2;
	s6 =	simm.s32 $0x108;
	_ =	swait.ge @!p0 [sflag:s8], $0x0  }
0x24: {  	s3 =	sadd.s32 $0x88, s3;
	s6 =	simm.s32 @!p1 $0x1082;
	[sflag:s4] =	ssyncset.s32 $0xFFFFF086  }
0x25: {  	[simem:s6], [sflag:s4] =	dma.local [hbm:s3], $0xF7A  }
0x26: {  	[smem:$0x3F93] =	sst s1;
	(tag) =	ssettag s2;
	_ =	strace s9  }
0x27: {  	s1 =	sld [smem:$0x3FA3]  }
0x28: {  	s2 =	sld [smem:$0x3FA4]  }
0x29: {  	s4 =	sld [smem:$0x3FA6]  }
0x2a: {  	p0 =	seq.s32 s5, $0x0;
	s5 =	sld [smem:$0x3FA7]  }
0x2b: {  	s6 =	sld [smem:$0x3FA8]  }
0x2c: {  	s7 =	sld [smem:$0x3FA9]  }
0x2d: {  	s3 =	simm.s32 $0x108;
	s8 =	sld [smem:$0x3FAA]  }
0x2e: {  	s3 =	simm.s32 @!p0 $0x1082;
	s9 =	sld [smem:$0x3FAB]  }
0x2f: {  	lr =	sadd.s32 s0, s3;
	s0 =	sld [smem:$0x3FA2]  }
0x30: {  	s3 =	sld [smem:$0x3FA5]  }
0x31: {  	[smem:$0x3FAE] =	sst s10  }
0x32: {  	s10 =	sld [smem:$0x3FAC];
	_ =	sdelay $0x3  }
0x33: {  	p0 =	seq.s32 s10, $0x1;
	s10 =	sld [smem:$0x3FAE];
	_ =	sdelay $0x3  }
0x34: {  	[smem:$0x3FAE] =	sst s10  }
0x35: {  	s10 =	sld [smem:$0x3FAD];
	_ =	sdelay $0x3  }
0x36: {  	p1 =	seq.s32 s10, $0x1;
	s10 =	sld [smem:$0x3FAE];
	_ =	sdelay $0x3  }
0x37: {  	[smem:$0x3FAE] =	sst s10  }
0x38: {  	s10 =	sld [smem:$0x3FAF]  }
0x39: {  	_ = 	snop;
	(pc) =	sbr.ind lr, $3  }
0x3a: {  	_ = 	snop  }
0x3b: {  	_ = 	snop  }
0x3c: {  	p2 =	seq.s32 s10, $0x1;
	s10 =	sld [smem:$0x3FAE]  }
0x3d: {  	_ =	shalt  }
0x3e: {  	_ =	shalt  }
0x3f: {  	_ =	shalt  }
0x40: {  	_ =	shalt  }
0x41: {  	_ =	shalt  }
0x42: {  	_ =	shalt  }
0x43: {  	_ =	shalt  }
0x44: {  	_ =	shalt  }
0x45: {  	_ =	shalt  }
0x46: {  	_ =	shalt  }
0x47: {  	_ =	shalt  }
0x48: {  	_ =	shalt  }
0x49: {  	_ =	shalt  }
0x4a: {  	_ =	shalt  }
0x4b: {  	_ =	shalt  }
0x4c: {  	_ =	shalt  }
0x4d: {  	_ =	shalt  }
0x4e: {  	_ =	shalt  }
0x4f: {  	_ =	shalt  }
0x50: {  	_ =	shalt  }
0x51: {  	_ =	shalt  }
0x52: {  	_ =	shalt  }
0x53: {  	_ =	shalt  }
0x54: {  	_ =	shalt  }
0x55: {  	_ =	shalt  }
0x56: {  	_ =	shalt  }
0x57: {  	_ =	shalt  }
0x58: {  	_ =	shalt  }
0x59: {  	_ =	shalt  }
0x5a: {  	_ =	shalt  }
0x5b: {  	_ =	shalt  }
0x5c: {  	_ =	shalt  }
0x5d: {  	_ =	shalt  }
0x5e: {  	_ =	shalt  }
0x5f: {  	_ =	shalt  }
0x60: {  	_ =	shalt  }
0x61: {  	_ =	shalt  }
0x62: {  	_ =	shalt  }
0x63: {  	_ =	shalt  }
0x64: {  	_ =	shalt  }
0x65: {  	_ =	shalt  }
0x66: {  	_ =	shalt  }
0x67: {  	_ =	shalt  }
0x68: {  	_ =	shalt  }
0x69: {  	_ =	shalt  }
0x6a: {  	_ =	shalt  }
0x6b: {  	_ =	shalt  }
0x6c: {  	_ =	shalt  }
0x6d: {  	_ =	shalt  }
0x6e: {  	_ =	shalt  }
0x6f: {  	_ =	shalt  }
0x70: {  	_ =	shalt  }
0x71: {  	_ =	shalt  }
0x72: {  	_ =	shalt  }
0x73: {  	_ =	shalt  }
0x74: {  	_ =	shalt  }
0x75: {  	_ =	shalt  }
0x76: {  	_ =	shalt  }
0x77: {  	_ =	shalt  }
0x78: {  	_ =	shalt  }
0x79: {  	_ =	shalt  }
0x7a: {  	_ =	shalt  }
0x7b: {  	_ =	shalt  }
0x7c: {  	_ =	shalt  }
0x7d: {  	_ =	shalt  }
0x7e: {  	_ =	shalt  }
0x7f: {  	_ =	shalt  }
0x80: {  	_ =	shalt  }
0x81: {  	_ =	shalt  }
0x82: {  	_ =	shalt  }
0x83: {  	_ =	shalt  }
0x84: {  	_ =	shalt  }
0x85: {  	_ =	shalt  }
0x86: {  	_ =	shalt  }
0x87: {  	_ =	shalt  }
.Lfunc_end0:
.L_simem_size_0:
called_computation.3_lowered:
.L_overlay_start_0:
0x88: {  	s2 =	sld [smem:$0x3FD9]  }
0x89: {  	s3 =	sld [smem:$0x3FFE];
	_ =	sdelay $0x1  }
0x8a: {  	s1 =	srdreg.scid  }
0x8b: {  	s0 =	sand.u32 $0x1, s1  }
0x8c: {  	s17 =	sshll.u32 s0, $0xA;
	s2 =	sadd.s32 s3, s2  }
0x8d: {  	s2 =	sadd.s32 s2, s17  }
0x8e: {  	[smem:$0x3FBA] =	sst s2  }
0x8f: {  	_ = 	snop  }
0x90: {  	s2 =	sld [smem:$0x3FC0];
	(tm) =	ssettm $0x1  }
0x91: {  	s18 =	sld [smem:$0x3FFB];
	_ =	sdelay $0x3  }
0x92: {  	_ =	strace s18  }
0x93: {  	s3 =	sld [smem:$0x3FFC];
	_ =	sdelay $0x3  }
0x94: {  	_ =	strace s3  }
0x95: {  	s3 =	sld [smem:$0x3FFD];
	_ =	sdelay $0x3  }
0x96: {  	_ =	strace s3  }
0x97: {  	_ =	strace $0x8FFFFFFF  }
0x98: {  	s19 =	sld [smem:$0x3FDB];
	_ =	sdelay $0x1  }
0x99: {  	s4 =	simm.s32 $_scs_section_size  }
0x9a: {  	s5 =	simm.s32 $_size__tile_overlayer_lowered;
	s6 =	simm.s32 $_tile_overlayer_lowered  }
0x9b: {  	s22 =	simm.s32 $0x1BFF;
	s21 =	sshll.u32 s6, $0x1;
	s3 =	sadd.s32 s4, s19  }
0x9c: {  	s7 =	simm.s32 $0x0;
	s20 =	sshll.u32 s5, $0x1;
	s5 =	sadd.s32 s21, s3  }
0x9d: {  	[timem:s7], [sflag:s22] =	dma.local [hbm:s5], s20  }
0x9e: {  	_ =	swait.ge [sflag:s22], s20  }
0x9f: {  	s4 =	ssub.s32 $0x0, s20;
	[sflag:s22] =	ssyncset.done $0x0  }
0xa0: {  	[sflag:s22] =	ssyncadd.s32 s4;
	_ =	sdelay $0x1  }
0xa1: {  	s23 =	simm.s32 $0x1B8B  }
0xa2: {  	_ =	swait.ge [sflag:s23], $0x1  }
0xa3: {  	[sflag:s23] =	ssyncset.done $0x0  }
0xa4: {  	s25 =	simm.s32 $0x1B8E;
	s24 =	sld [smem:$0x3FFE];
	[sflag:s23] =	ssyncadd.s32 $0xFFFFFFFF  }
0xa5: {  	s26 =	simm.s32 $execute0_lowered;
	[smem:$0x3FD2] =	sst s25  }
0xa6: {  	s5 =	sshll.u32 s26, $0x1;
	_ =	strace $0x8000004F;
	[dreg:$0x1] =	wrdreg $0xFFFFFFFF  }
0xa7: {  	s28 =	simm.s32 $_size_execute0_lowered;
	s3 =	sadd.s32 s3, s5;
	[dreg:$0x0] =	wrdreg $0x0  }
0xa8: {  	s5 =	sshll.u32 s28, $0x1;
	[dreg:$0x2] =	wrdreg s3  }
0xa9: {  	[dreg:$0x3] =	wrdreg s5  }
0xaa: {  	[dreg:$0x4] =	wrdreg $0xC0  }
0xab: {  	_ =	task [dreg:s7], $0x5FFFF  }
0xac: {  	[dreg:$0x1] =	wrdreg $0xFFFFFFFF  }
0xad: {  	[dreg:$0x0] =	wrdreg $0x60  }
0xae: {  	[dreg:$0x2] =	wrdreg s24  }
0xaf: {  	[dreg:$0x3] =	wrdreg s2  }
0xb0: {  	[dreg:$0x4] =	wrdreg $0x9  }
0xb1: {  	_ =	task.clear_ibuf [dreg:s7], $0x5FFFF;
	_ =	strace $0x9000004F  }
0xb2: {  	s29 =	simm.s32 $0x9;
	_ =	strace $0x80000051  }
0xb3: {  	_ =	swait.ge [sflag:s29], $0x1  }
0xb4: {  	[sflag:s29] =	ssyncadd.s32 $0xFFFFFFFF  }
0xb5: {  	_ =	strace $0x90000051  }
0xb6: {  	_ =	sfence  }
0xb7: {  	s30 =	sld [smem:$0x0];
	_ =	sdelay $0x2  }
0xb8: {  	s31 =	sshll.u32 s1, $0xD;
	s1 =	sshrl.u32 s1, $0x2  }
0xb9: {  	s3 =	sand.u32 $0x4000, s31;
	s1 =	sadd.s32 s1, s30  }
0xba: {  	s0 =	sor.u32 s3, s0;
	s1 =	sshll.u32 s1, $0x11  }
0xbb: {  	s0 =	sor.u32 s1, s0  }
0xbc: {  	s0 =	sadd.s32 $0x8F2B, s0  }
0xbd: {  	[sflag:s0] =	ssyncadd.remote.s32 $0x1  }
0xbe: {  	_ =	sfence.sel $0xFFFF  }
0xbf: {  	[dreg:$0x0] =	wrdreg $0xFFFFFFFF;
	(pc) =	sbr.abs _section_cstart, $3  }
0xc0: {  	[dreg:$0x1] =	wrdreg $0xFFFFFFFF  }
0xc1: {  	_ =	task.clear_ibuf [dreg:s7], $0x2FFFF;
	_ =	strace $0x9FFFFFFF  }
0xc2: {  	(tm) =	ssettm $0x7FFFFFFF  }
0xc3: {  	_ =	shalt  }
tec
execute0_lowered:
.L_overlay_start_1:
0x0: {  	(tag) =	ssettag $0x1  }
0x1: {  	s7 =	rddreg [dreg:$0x0]  }
0x2: {  	s1 =	rddreg [dreg:$0x1]  }
0x3: {  	s0 =	rddreg [dreg:$0x2];
	s2 =	simm.s32 $0x0;
	s3 =	srdreg.scid  }
0x4: {  	s4 =	stileid.u32;
	s12 =	simm.s32 $0x1;
	s13 =	simm.s32 $0x4000  }
0x5: {  	s14 =	simm.s32 $0x2;
	s15 =	simm.s32 $0x0;
	[smem:$0x7FF] =	sst s2  }
.Ltmp0:
0x6: {  	s3 =	sand.u32 $0x1, s3;
	s5 =	sadd.s32 $0x37800, s7;
	(pc) =	sbr.rel .LBB2_1-.Ltmp0, $4  }
0x7: {  	s6 =	sadd.s32 $0x5F800, s7;
	s7 =	sadd.s32 $0xEC00, s7;
	s8 =	ssub.s32 $0x2, s3  }
0x8: {  	s10 =	sshll.u32 s4, $0x8;
	s11 =	sshll.u32 s3, $0x7;
	s9 =	sshrl.u32 s8, $0x1  }
0x9: {  	_ =	strace $0x80000050;
	s10 =	sor.u32 s11, s10;
	s9 =	ssub.s32 s8, s9  }
0xa: {  	s11 =	simm.s32 $0x8000;
	s8 =	sshll.u32 s4, $0x1;
	s9 =	smax.u32 s9, $0x1  }
.LBB2_9:
0xb: {  	s15 =	sadd.s32 $0x1, s15  }
0xc: {  	p0 =	sne.s32 s15, s9  }
.Ltmp1:
0xd: {  	_ = 	snop;
	(pc) =	sbr.rel @!p0 .LBB2_10-.Ltmp1, $1  }
0xe: {  	_ =	sdelay $0x3  }
.LBB2_1:
0xf: {  	[tilespmem:s11], [sflag:$0x1] =	stream.linear.gather [hbm4b:s1+s2], $0x80, $0x38;
	[tilespmem:$0x8080] =	vst v63  }
0x10: {  	_ =	swait.ge [sflag:s12], $0x80  }
0x11: {  	[sflag:s12] =	ssyncset.done $0x0  }
0x12: {  	[sflag:s12] =	ssyncadd.s32 $0xFFFFFF80  }
0x13: {  	[tilespmem:s13], [sflag:$0x1] =	stream.linear.gather [hbm4b:s6+s2], $0x4000, $0x38;
	[tilespmem:$0x8080] =	vst v63  }
0x14: {  	_ =	swait.ge [sflag:s12], $0x4000  }
0x15: {  	[sflag:s12] =	ssyncset.done $0x0  }
0x16: {  	s16 =	simm.s32 $0x0;
	s17 =	simm.s32 $0x40;
	[sflag:s12] =	ssyncadd.s32 $0xFFFFC000  }
.LBB2_2:
0x17: {  	p0 =	sne.s32 s17, $0xFFC0;
	v0 =	vld [tilespmem:s16+$0x4000];
	_ =	sdelay $0x2  }
.Ltmp2:
0x18: {  	(pc) =	sbr.rel @p0 .LBB2_2-.Ltmp2, $3  }
0x19: {  	_ = 	snop  }
0x1a: {  	v0 =	vadd.f32 $9.999999710e-10, v0;
	_ =	sdelay $0x1  }
0x1b: {  	[tilespmem:s16+$0x4000] =	vst v0;
	s16 =	sshra.s32 s17, $0x2;
	s17 =	sadd.s32 $0x40, s17  }
0x1c: {  	v0 =	vld [tilespmem:s16+$0x4000];
	_ =	sdelay $0x2  }
.Ltmp3:
0x1d: {  	_ = 	snop;
	(pc) =	sbr.rel .LBB2_4-.Ltmp3, $3  }
0x1e: {  	_ = 	snop  }
0x1f: {  	v0 =	vadd.f32 $9.999999710e-10, v0;
	_ =	sdelay $0x1  }
0x20: {  	s17 =	smov.u32 s10;
	[tilespmem:s16+$0x4000] =	vst v0;
	s16 =	simm.s32 $0x0  }
.LBB2_8:
0x21: {  	s16 =	sadd.s32 $0x1, s16  }
0x22: {  	p0 =	sne.s32 s16, $0x3  }
.Ltmp4:
0x23: {  	_ = 	snop;
	(pc) =	sbr.rel @!p0 .LBB2_9-.Ltmp4, $2  }
0x24: {  	_ =	sdelay $0x2  }
0x25: {  	s17 =	sadd.s32 $0x1000, s17  }
.LBB2_4:
0x26: {  	s18 =	sshll.u32 s16, $0x5  }
0x27: {  	s18 =	sor.u32 s8, s18  }
0x28: {  	p0 =	sgt.u32 s18, $0x4F  }
.Ltmp5:
0x29: {  	_ = 	snop;
	(pc) =	sbr.rel @p0 .LBB2_8-.Ltmp5, $1  }
0x2a: {  	_ =	sdelay $0x3  }
0x2b: {  	s18 =	sor.u32 s3, s18  }
0x2c: {  	s19 =	sadd.s32 $0x0, s17;
	s18 =	sshll.u32 s18, $0xB  }
0x2d: {  	s21 =	simm.s32 $0x0;
	v0 =	vmov s19;
	s20 =	sadd.s32 s5, s18  }
0x2e: {  	[tilespmem:s21], [sflag:$0x2] =	stream.linear.gather [hbm4b:s20+s21], $0x4000, $0x38;
	[tilespmem:$0x8080] =	vst v63  }
0x2f: {  	_ =	swait.ge [sflag:s14], $0x4000  }
0x30: {  	[sflag:s14] =	ssyncset.done $0x0  }
0x31: {  	[sflag:s14] =	ssyncadd.s32 $0xFFFFC000  }
0x32: {  	v0 =	vld.idx.msk [tilespmem:v0+s13+$0x0], $0xffff;
	_ =	sdelay $0x4  }
0x33: {  	(erf) = vrcp.f32 v0;
	_ =	sdelay $0x3  }
0x34: {  	s19 =	simm.s32 $0x40  }
0x35: {  	v0 =	vld [tilespmem:s19+$0xFFFFFFC0];
	_ =	sdelay $0x1  }
0x36: {  	v1 =	vld [tilespmem:$0x8000];
	_ =	sdelay $0x1  }
0x37: {  	v2 =	vpop (erf)  }
0x38: {  	v0 =	vmul.f32 v2, v0;
	_ =	sdelay $0x1  }
0x39: {  	v0 =	vadd.f32 v1, v0  }
0x3a: {  	v1 =	vld [tilespmem:s19+$0xFFFFFFD0]  }
0x3b: {  	[tilespmem:s19+$0xFFFFFFC0] =	vst v0  }
0x3c: {  	v0 =	vld [tilespmem:$0x8010];
	_ =	sdelay $0x2  }
0x3d: {  	v1 =	vmul.f32 v1, v2;
	_ =	sdelay $0x1  }
0x3e: {  	v0 =	vadd.f32 v0, v1  }
0x3f: {  	v1 =	vld [tilespmem:s19+$0xFFFFFFE0]  }
0x40: {  	[tilespmem:s19+$0xFFFFFFD0] =	vst v0  }
0x41: {  	v0 =	vld [tilespmem:$0x8020];
	_ =	sdelay $0x2  }
0x42: {  	v1 =	vmul.f32 v1, v2;
	_ =	sdelay $0x1  }
0x43: {  	v0 =	vadd.f32 v0, v1  }
0x44: {  	v1 =	vld [tilespmem:s19+$0xFFFFFFF0]  }
0x45: {  	[tilespmem:s19+$0xFFFFFFE0] =	vst v0  }
0x46: {  	v0 =	vld [tilespmem:$0x8030];
	_ =	sdelay $0x2  }
0x47: {  	v1 =	vmul.f32 v1, v2;
	_ =	sdelay $0x1  }
0x48: {  	v0 =	vadd.f32 v0, v1  }
0x49: {  	v1 =	vld [tilespmem:s19+$0x0]  }
0x4a: {  	[tilespmem:s19+$0xFFFFFFF0] =	vst v0  }
0x4b: {  	v0 =	vld [tilespmem:$0x8040];
	_ =	sdelay $0x2  }
0x4c: {  	v1 =	vmul.f32 v1, v2;
	_ =	sdelay $0x1  }
0x4d: {  	v0 =	vadd.f32 v0, v1  }
0x4e: {  	v1 =	vld [tilespmem:s19+$0x10]  }
0x4f: {  	[tilespmem:s19+$0x0] =	vst v0  }
0x50: {  	v0 =	vld [tilespmem:$0x8050];
	_ =	sdelay $0x2  }
0x51: {  	v1 =	vmul.f32 v1, v2;
	_ =	sdelay $0x1  }
0x52: {  	v0 =	vadd.f32 v0, v1  }
0x53: {  	v1 =	vld [tilespmem:s19+$0x20]  }
0x54: {  	[tilespmem:s19+$0x10] =	vst v0  }
0x55: {  	v0 =	vld [tilespmem:$0x8060];
	_ =	sdelay $0x2  }
0x56: {  	v1 =	vmul.f32 v1, v2;
	_ =	sdelay $0x1  }
0x57: {  	v0 =	vadd.f32 v0, v1  }
0x58: {  	v1 =	vld [tilespmem:s19+$0x30]  }
0x59: {  	[tilespmem:s19+$0x20] =	vst v0  }
0x5a: {  	v3 =	vld [tilespmem:$0x8070];
	_ =	sdelay $0x1  }
0x5b: {  	s31 =	sadd.s32 $0x1, s17  }
0x5c: {  	v0 =	vmov s31;
	v1 =	vmul.f32 v1, v2;
	_ =	sdelay $0x1  }
0x5d: {  	s20 =	simm.s32 $0x2;
	v1 =	vadd.f32 v3, v1  }
.LBB2_6:
0x5e: {  	p0 =	sne.s32 s20, $0x7F  }
0x5f: {  	s21 =	smov.u32 s20;
	s20 =	sadd.s32 $0x1, s20;
	[tilespmem:s19+$0x30] =	vst v1;
	s19 =	sadd.s32 $0x80, s19  }
0x60: {  	v0 =	vld.idx.msk [tilespmem:v0+s13+$0x0], $0xffff;
	_ =	sdelay $0x5  }
0x61: {  	(erf) = vrcp.f32 v0;
	_ =	sdelay $0x4  }
0x62: {  	v0 =	vld [tilespmem:s19+$0xFFFFFFC0];
	_ =	sdelay $0x1  }
0x63: {  	v1 =	vld [tilespmem:$0x8000];
	_ =	sdelay $0x1  }
0x64: {  	v2 =	vpop (erf)  }
0x65: {  	v0 =	vmul.f32 v2, v0;
	_ =	sdelay $0x1  }
0x66: {  	v0 =	vadd.f32 v1, v0  }
0x67: {  	v1 =	vld [tilespmem:s19+$0xFFFFFFD0]  }
0x68: {  	[tilespmem:s19+$0xFFFFFFC0] =	vst v0  }
0x69: {  	v0 =	vld [tilespmem:$0x8010];
	_ =	sdelay $0x2  }
0x6a: {  	v1 =	vmul.f32 v1, v2;
	_ =	sdelay $0x1  }
0x6b: {  	v0 =	vadd.f32 v0, v1  }
0x6c: {  	v1 =	vld [tilespmem:s19+$0xFFFFFFE0]  }
0x6d: {  	[tilespmem:s19+$0xFFFFFFD0] =	vst v0  }
0x6e: {  	v0 =	vld [tilespmem:$0x8020];
	_ =	sdelay $0x2  }
0x6f: {  	v1 =	vmul.f32 v1, v2;
	_ =	sdelay $0x1  }
0x70: {  	v0 =	vadd.f32 v0, v1  }
0x71: {  	v1 =	vld [tilespmem:s19+$0xFFFFFFF0]  }
0x72: {  	[tilespmem:s19+$0xFFFFFFE0] =	vst v0  }
0x73: {  	v0 =	vld [tilespmem:$0x8030];
	_ =	sdelay $0x2  }
0x74: {  	v1 =	vmul.f32 v1, v2;
	_ =	sdelay $0x1  }
0x75: {  	v0 =	vadd.f32 v0, v1  }
0x76: {  	v1 =	vld [tilespmem:s19+$0x0]  }
0x77: {  	[tilespmem:s19+$0xFFFFFFF0] =	vst v0  }
0x78: {  	v0 =	vld [tilespmem:$0x8040];
	_ =	sdelay $0x2  }
0x79: {  	v1 =	vmul.f32 v1, v2;
	_ =	sdelay $0x1  }
0x7a: {  	v0 =	vadd.f32 v0, v1  }
0x7b: {  	v1 =	vld [tilespmem:s19+$0x10]  }
0x7c: {  	[tilespmem:s19+$0x0] =	vst v0  }
0x7d: {  	v0 =	vld [tilespmem:$0x8050];
	_ =	sdelay $0x2  }
0x7e: {  	v1 =	vmul.f32 v1, v2;
	_ =	sdelay $0x1  }
0x7f: {  	v0 =	vadd.f32 v0, v1  }
0x80: {  	v1 =	vld [tilespmem:s19+$0x20]  }
0x81: {  	[tilespmem:s19+$0x10] =	vst v0  }
0x82: {  	v0 =	vld [tilespmem:$0x8060];
	_ =	sdelay $0x2  }
0x83: {  	v1 =	vmul.f32 v1, v2;
	_ =	sdelay $0x1  }
0x84: {  	v0 =	vadd.f32 v0, v1  }
0x85: {  	v1 =	vld [tilespmem:s19+$0x30]  }
0x86: {  	[tilespmem:s19+$0x20] =	vst v0  }
0x87: {  	v3 =	vld [tilespmem:$0x8070]  }
.Ltmp6:
0x88: {  	(pc) =	sbr.rel @p0 .LBB2_6-.Ltmp6, $3  }
0x89: {  	s21 =	sadd.s32 s21, s17  }
0x8a: {  	v0 =	vmov s21;
	v1 =	vmul.f32 v1, v2;
	_ =	sdelay $0x1  }
0x8b: {  	v1 =	vadd.f32 v3, v1  }
0x8c: {  	_ =	sdelay $0x2  }
0x8d: {  	[tilespmem:s19+$0x30] =	vst v1  }
0x8e: {  	v0 =	vld.idx.msk [tilespmem:v0+s13+$0x0], $0xffff;
	_ =	sdelay $0x4  }
0x8f: {  	(erf) = vrcp.f32 v0;
	_ =	sdelay $0x3  }
0x90: {  	s31 =	sadd.s32 $0x80, s19  }
0x91: {  	v56 =	vld [tilespmem:s31+$0xFFFFFFC0];
	_ =	sdelay $0x1  }
0x92: {  	v1 =	vld [tilespmem:$0x8000];
	_ =	sdelay $0x1  }
0x93: {  	v2 =	vpop (erf)  }
0x94: {  	v0 =	vmul.f32 v2, v56;
	_ =	sdelay $0x1  }
0x95: {  	v0 =	vadd.f32 v1, v0  }
0x96: {  	v57 =	vld [tilespmem:s31+$0xFFFFFFD0]  }
0x97: {  	[tilespmem:s31+$0xFFFFFFC0] =	vst v0  }
0x98: {  	v0 =	vld [tilespmem:$0x8010];
	_ =	sdelay $0x2  }
0x99: {  	v1 =	vmul.f32 v57, v2;
	_ =	sdelay $0x1  }
0x9a: {  	v0 =	vadd.f32 v0, v1  }
0x9b: {  	v58 =	vld [tilespmem:s31+$0xFFFFFFE0]  }
0x9c: {  	[tilespmem:s31+$0xFFFFFFD0] =	vst v0  }
0x9d: {  	v0 =	vld [tilespmem:$0x8020];
	_ =	sdelay $0x2  }
0x9e: {  	v1 =	vmul.f32 v58, v2;
	_ =	sdelay $0x1  }
0x9f: {  	v0 =	vadd.f32 v0, v1  }
0xa0: {  	v59 =	vld [tilespmem:s31+$0xFFFFFFF0]  }
0xa1: {  	[tilespmem:s31+$0xFFFFFFE0] =	vst v0  }
0xa2: {  	v0 =	vld [tilespmem:$0x8030];
	_ =	sdelay $0x2  }
0xa3: {  	v1 =	vmul.f32 v59, v2;
	_ =	sdelay $0x1  }
0xa4: {  	v0 =	vadd.f32 v0, v1  }
0xa5: {  	v60 =	vld [tilespmem:s31+$0x0]  }
0xa6: {  	[tilespmem:s31+$0xFFFFFFF0] =	vst v0  }
0xa7: {  	v0 =	vld [tilespmem:$0x8040];
	_ =	sdelay $0x2  }
0xa8: {  	v1 =	vmul.f32 v60, v2;
	_ =	sdelay $0x1  }
0xa9: {  	v0 =	vadd.f32 v0, v1  }
0xaa: {  	v61 =	vld [tilespmem:s31+$0x10]  }
0xab: {  	[tilespmem:s31+$0x0] =	vst v0  }
0xac: {  	v0 =	vld [tilespmem:$0x8050];
	_ =	sdelay $0x2  }
0xad: {  	v1 =	vmul.f32 v61, v2;
	_ =	sdelay $0x1  }
0xae: {  	v0 =	vadd.f32 v0, v1  }
0xaf: {  	v62 =	vld [tilespmem:s31+$0x20]  }
0xb0: {  	[tilespmem:s31+$0x10] =	vst v0  }
0xb1: {  	v0 =	vld [tilespmem:$0x8060];
	_ =	sdelay $0x2  }
0xb2: {  	v1 =	vmul.f32 v62, v2;
	_ =	sdelay $0x1  }
0xb3: {  	v0 =	vadd.f32 v0, v1  }
0xb4: {  	v63 =	vld [tilespmem:s31+$0x30]  }
0xb5: {  	[tilespmem:s31+$0x20] =	vst v0  }
0xb6: {  	v0 =	vld [tilespmem:$0x8070];
	_ =	sdelay $0x2  }
0xb7: {  	v1 =	vmul.f32 v63, v2;
	_ =	sdelay $0x1  }
0xb8: {  	v0 =	vadd.f32 v0, v1;
	_ =	sdelay $0x1  }
.Ltmp7:
0xb9: {  	s18 =	sadd.s32 s7, s18;
	[tilespmem:s31+$0x30] =	vst v0;
	(pc) =	sbr.rel .LBB2_8-.Ltmp7, $4  }
0xba: {  	[hbm4b:s18+s2] =	stream.linear.scatter [tilespmem:s2], [sflag:$0x1], $0x4000, $0x38;
	[tilespmem:$0x8080] =	vst v63  }
0xbb: {  	_ =	swait.ge [sflag:s12], $0x4000  }
0xbc: {  	[sflag:s12] =	ssyncset.done $0x0  }
0xbd: {  	[sflag:s12] =	ssyncadd.s32 $0xFFFFC000  }
.LBB2_10:
0xbe: {  	_ =	sfence.sel $0x180000  }
0xbf: {  	[bflag:$0x0] =	sbarrier.arrive $0xFFFF  }
0xc0: {  	p0 =	sne.s32 s4, $0x0;
	_ =	strace $0x90000050  }
0xc1: {  	s0 =	sadd.s32 @!p0 $0x100000, s0;
	[bflag:$0x2] =	sbarrier.arrive $0xFFFF  }
0xc2: {  	[sflag:s0] =	ssyncadd.tile.s32 @!p0 $0x1;
	_ =	shalt  }
.Lfunc_end2:
_tile_overlayer_lowered:
.L_overlay_start_2:
0xc3: {  	(tag) =	ssettag $0x2  }
0xc4: {  	s0 =	rddreg [dreg:$0x0];
	s2 =	stileid.u32  }
0xc5: {  	s1 =	rddreg [dreg:$0x1];
	p0 =	sne.s32 s2, $0x0  }
0xc6: {  	s3 =	rddreg [dreg:$0x2];
	[bflag:$0x3] =	sbarrier.arrive $0xFFFF;
	s2 =	simm.s32 @!p0 $0x1C01  }
0xc7: {  	[timem:s3], [sflag:s2] =	dma.local @!p0 [hbm:s0], s1  }
0xc8: {  	s0 =	simm.s32 @!p0 $0x1  }
0xc9: {  	_ =	swait.ge @!p0 [sflag:s0], s1  }
0xca: {  	s1 =	ssub.s32 @!p0 $0x0, s1;
	[sflag:s0] =	ssyncset.done @!p0 $0x0  }
0xcb: {  	[sflag:s0] =	ssyncadd.s32 @!p0 s1  }
0xcc: {  	[bflag:$0x3] =	sbarrier.arrive $0xFFFF  }
0xcd: {  	_ =	shalt  }

// kernel: kernel.23.cloned.1.call-start
scs
__scs_entry_jumppad:
0x0: {  	(pc) =	sbr.rel $0x88, $3  }
0x1: {  	(tag) =	ssettag $0x0;
	lr =	simm.s32 $0x1  }
0x2: {  	[smem:$0x3F93] =	sst lr;
	_ =	strace $0xD0000000  }
0x3: {  	_ = 	snop  }
0x4: {  	_ = 	snop  }
0x5: {  	_ = 	snop  }
0x6: {  	_ = 	snop  }
0x7: {  	_ = 	snop  }
__scs_overlays_trampoline_lowered:
0x8: {  	[smem:$0x3FA2] =	sst s0  }
0x9: {  	[smem:$0x3FA3] =	sst s1  }
0xa: {  	[smem:$0x3FA4] =	sst s2  }
0xb: {  	[smem:$0x3FA5] =	sst s3  }
0xc: {  	[smem:$0x3FA6] =	sst s4  }
0xd: {  	[smem:$0x3FA7] =	sst s5  }
0xe: {  	[smem:$0x3FA8] =	sst s6  }
0xf: {  	[smem:$0x3FA9] =	sst s7  }
0x10: {  	[smem:$0x3FAA] =	sst s8  }
0x11: {  	[smem:$0x3FAB] =	sst s9;
	s0 =	simm.s32 @!p0 $0x0  }
0x12: {  	s1 =	sld [smem:$0x3F91];
	s0 =	simm.s32 @p0 $0x1  }
0x13: {  	[smem:$0x3FAC] =	sst s0;
	s0 =	simm.s32 @!p1 $0x0  }
0x14: {  	s2 =	sld [smem:$0x3F90];
	s0 =	simm.s32 @p1 $0x1  }
0x15: {  	[smem:$0x3FAD] =	sst s0;
	s0 =	simm.s32 @!p2 $0x0  }
0x16: {  	s3 =	sld [smem:$0x3FDB];
	s0 =	simm.s32 @p2 $0x1  }
0x17: {  	s4 =	simm.s32 $0x1BF5;
	[smem:$0x3FAF] =	sst s0  }
0x18: {  	s0 =	sld [smem:$0x3F92];
	_ =	swait.ge [sflag:s4], $0x0  }
0x19: {  	s7 =	sld [smem:$0x3F93]  }
0x1a: {  	s8 =	sadd.s32 $0xFFFFE003, lr  }
0x1b: {  	s9 =	sadd.s32 $0xFFFFFEF7, lr;
	s5 =	simm.s32 $0xFFFFFFFF;
	p2 =	slt.u32 s8, $0xFFFFF086  }
0x1c: {  	p1 =	slt.u32 s9, $0xF7A;
	s5 =	simm.s32 @!p2 $0x0  }
0x1d: {  	s5 =	simm.s32 @p1 $0x1;
	p0 =	seq.s32 s7, s2  }
0x1e: {  	s7 =	smul.u32 @!p0 $0xF7A, s2;
	p2 =	seq.s32 @!p0 s5, $0x0  }
0x1f: {  	s9 =	smul.u32 $0xF7A, s1;
	s8 =	simm.s32 @!p0 $0x1BF5;
	p2 =	por !p2, p0  }
0x20: {  	[sflag:s8] =	ssyncset.s32 @!p0 $0xFFFFF086;
	s6 =	sadd.s32 @!p0 s3, s7;
	s7 =	simm.s32 @!p0 $0x108  }
0x21: {  	s3 =	sadd.s32 s3, s9;
	s6 =	sadd.s32 @!p0 $0x88, s6;
	s7 =	simm.s32 @p2 $0x1082  }
0x22: {  	[simem:s7], [sflag:s8] =	dma.local @!p0 [hbm:s6], $0xF7A  }
0x23: {  	s9 =	sor.u32 $0xD0000000, s2;
	s6 =	simm.s32 $0x108;
	_ =	swait.ge @!p0 [sflag:s8], $0x0  }
0x24: {  	s3 =	sadd.s32 $0x88, s3;
	s6 =	simm.s32 @!p1 $0x1082;
	[sflag:s4] =	ssyncset.s32 $0xFFFFF086  }
0x25: {  	[simem:s6], [sflag:s4] =	dma.local [hbm:s3], $0xF7A  }
0x26: {  	[smem:$0x3F93] =	sst s1;
	(tag) =	ssettag s2;
	_ =	strace s9  }
0x27: {  	s1 =	sld [smem:$0x3FA3]  }
0x28: {  	s2 =	sld [smem:$0x3FA4]  }
0x29: {  	s4 =	sld [smem:$0x3FA6]  }
0x2a: {  	p0 =	seq.s32 s5, $0x0;
	s5 =	sld [smem:$0x3FA7]  }
0x2b: {  	s6 =	sld [smem:$0x3FA8]  }
0x2c: {  	s7 =	sld [smem:$0x3FA9]  }
0x2d: {  	s3 =	simm.s32 $0x108;
	s8 =	sld [smem:$0x3FAA]  }
0x2e: {  	s3 =	simm.s32 @!p0 $0x1082;
	s9 =	sld [smem:$0x3FAB]  }
0x2f: {  	lr =	sadd.s32 s0, s3;
	s0 =	sld [smem:$0x3FA2]  }
0x30: {  	s3 =	sld [smem:$0x3FA5]  }
0x31: {  	[smem:$0x3FAE] =	sst s10  }
0x32: {  	s10 =	sld [smem:$0x3FAC];
	_ =	sdelay $0x3  }
0x33: {  	p0 =	seq.s32 s10, $0x1;
	s10 =	sld [smem:$0x3FAE];
	_ =	sdelay $0x3  }
0x34: {  	[smem:$0x3FAE] =	sst s10  }
0x35: {  	s10 =	sld [smem:$0x3FAD];
	_ =	sdelay $0x3  }
0x36: {  	p1 =	seq.s32 s10, $0x1;
	s10 =	sld [smem:$0x3FAE];
	_ =	sdelay $0x3  }
0x37: {  	[smem:$0x3FAE] =	sst s10  }
0x38: {  	s10 =	sld [smem:$0x3FAF]  }
0x39: {  	_ = 	snop;
	(pc) =	sbr.ind lr, $3  }
0x3a: {  	_ = 	snop  }
0x3b: {  	_ = 	snop  }
0x3c: {  	p2 =	seq.s32 s10, $0x1;
	s10 =	sld [smem:$0x3FAE]  }
0x3d: {  	_ =	shalt  }
0x3e: {  	_ =	shalt  }
0x3f: {  	_ =	shalt  }
0x40: {  	_ =	shalt  }
0x41: {  	_ =	shalt  }
0x42: {  	_ =	shalt  }
0x43: {  	_ =	shalt  }
0x44: {  	_ =	shalt  }
0x45: {  	_ =	shalt  }
0x46: {  	_ =	shalt  }
0x47: {  	_ =	shalt  }
0x48: {  	_ =	shalt  }
0x49: {  	_ =	shalt  }
0x4a: {  	_ =	shalt  }
0x4b: {  	_ =	shalt  }
0x4c: {  	_ =	shalt  }
0x4d: {  	_ =	shalt  }
0x4e: {  	_ =	shalt  }
0x4f: {  	_ =	shalt  }
0x50: {  	_ =	shalt  }
0x51: {  	_ =	shalt  }
0x52: {  	_ =	shalt  }
0x53: {  	_ =	shalt  }
0x54: {  	_ =	shalt  }
0x55: {  	_ =	shalt  }
0x56: {  	_ =	shalt  }
0x57: {  	_ =	shalt  }
0x58: {  	_ =	shalt  }
0x59: {  	_ =	shalt  }
0x5a: {  	_ =	shalt  }
0x5b: {  	_ =	shalt  }
0x5c: {  	_ =	shalt  }
0x5d: {  	_ =	shalt  }
0x5e: {  	_ =	shalt  }
0x5f: {  	_ =	shalt  }
0x60: {  	_ =	shalt  }
0x61: {  	_ =	shalt  }
0x62: {  	_ =	shalt  }
0x63: {  	_ =	shalt  }
0x64: {  	_ =	shalt  }
0x65: {  	_ =	shalt  }
0x66: {  	_ =	shalt  }
0x67: {  	_ =	shalt  }
0x68: {  	_ =	shalt  }
0x69: {  	_ =	shalt  }
0x6a: {  	_ =	shalt  }
0x6b: {  	_ =	shalt  }
0x6c: {  	_ =	shalt  }
0x6d: {  	_ =	shalt  }
0x6e: {  	_ =	shalt  }
0x6f: {  	_ =	shalt  }
0x70: {  	_ =	shalt  }
0x71: {  	_ =	shalt  }
0x72: {  	_ =	shalt  }
0x73: {  	_ =	shalt  }
0x74: {  	_ =	shalt  }
0x75: {  	_ =	shalt  }
0x76: {  	_ =	shalt  }
0x77: {  	_ =	shalt  }
0x78: {  	_ =	shalt  }
0x79: {  	_ =	shalt  }
0x7a: {  	_ =	shalt  }
0x7b: {  	_ =	shalt  }
0x7c: {  	_ =	shalt  }
0x7d: {  	_ =	shalt  }
0x7e: {  	_ =	shalt  }
0x7f: {  	_ =	shalt  }
0x80: {  	_ =	shalt  }
0x81: {  	_ =	shalt  }
0x82: {  	_ =	shalt  }
0x83: {  	_ =	shalt  }
0x84: {  	_ =	shalt  }
0x85: {  	_ =	shalt  }
0x86: {  	_ =	shalt  }
0x87: {  	_ =	shalt  }
.Lfunc_end0:
.L_simem_size_0:
called_computation.4_lowered:
.L_overlay_start_0:
0x88: {  	s0 =	sld [smem:$0x3FD9]  }
0x89: {  	s1 =	sld [smem:$0x3FFE];
	_ =	sdelay $0x3  }
0x8a: {  	s0 =	sadd.s32 s1, s0  }
0x8b: {  	[smem:$0x3FBA] =	sst s0  }
0x8c: {  	_ = 	snop  }
0x8d: {  	s0 =	sld [smem:$0x3FD0];
	(tm) =	ssettm $0x1  }
0x8e: {  	s16 =	sld [smem:$0x3FFB];
	_ =	sdelay $0x3  }
0x8f: {  	_ =	strace s16  }
0x90: {  	s1 =	sld [smem:$0x3FFC];
	_ =	sdelay $0x3  }
0x91: {  	_ =	strace s1  }
0x92: {  	s1 =	sld [smem:$0x3FFD];
	_ =	sdelay $0x3  }
0x93: {  	_ =	strace s1  }
0x94: {  	_ =	strace $0x8FFFFFFF  }
0x95: {  	s17 =	sld [smem:$0x3FDB];
	_ =	sdelay $0x1  }
0x96: {  	s2 =	simm.s32 $_scs_section_size  }
0x97: {  	s3 =	simm.s32 $_size__tile_overlayer_lowered;
	s4 =	simm.s32 $_tile_overlayer_lowered  }
0x98: {  	s20 =	simm.s32 $0x1BFF;
	s19 =	sshll.u32 s4, $0x1;
	s1 =	sadd.s32 s2, s17  }
0x99: {  	s5 =	simm.s32 $0x0;
	s18 =	sshll.u32 s3, $0x1;
	s3 =	sadd.s32 s19, s1  }
0x9a: {  	[timem:s5], [sflag:s20] =	dma.local [hbm:s3], s18  }
0x9b: {  	_ =	swait.ge [sflag:s20], s18  }
0x9c: {  	s2 =	ssub.s32 $0x0, s18;
	[sflag:s20] =	ssyncset.done $0x0  }
0x9d: {  	[sflag:s20] =	ssyncadd.s32 s2;
	_ =	sdelay $0x1  }
0x9e: {  	s21 =	simm.s32 $0x1B8B  }
0x9f: {  	_ =	swait.ge [sflag:s21], $0x1  }
0xa0: {  	[sflag:s21] =	ssyncset.done $0x0  }
0xa1: {  	s23 =	simm.s32 $0x1B8E;
	s22 =	sld [smem:$0x3FFE];
	[sflag:s21] =	ssyncadd.s32 $0xFFFFFFFF  }
0xa2: {  	s24 =	simm.s32 $execute0_lowered;
	[smem:$0x3FD2] =	sst s23  }
0xa3: {  	s3 =	sshll.u32 s24, $0x1;
	_ =	strace $0x80000052;
	[dreg:$0x1] =	wrdreg $0xFFFFFFFF  }
0xa4: {  	s25 =	simm.s32 $_size_execute0_lowered;
	s1 =	sadd.s32 s1, s3;
	[dreg:$0x0] =	wrdreg $0x0  }
0xa5: {  	s3 =	sshll.u32 s25, $0x1;
	[dreg:$0x2] =	wrdreg s1  }
0xa6: {  	[dreg:$0x3] =	wrdreg s3  }
0xa7: {  	[dreg:$0x4] =	wrdreg $0xC0  }
0xa8: {  	_ =	task [dreg:s5], $0x5FFFF  }
0xa9: {  	[dreg:$0x1] =	wrdreg $0xFFFFFFFF  }
0xaa: {  	[dreg:$0x0] =	wrdreg $0x60  }
0xab: {  	[dreg:$0x2] =	wrdreg s22  }
0xac: {  	[dreg:$0x3] =	wrdreg s0  }
0xad: {  	[dreg:$0x4] =	wrdreg $0x91800  }
0xae: {  	[dreg:$0x5] =	wrdreg $0x1D1800  }
0xaf: {  	[dreg:$0x6] =	wrdreg $0x9  }
0xb0: {  	_ =	task.clear_ibuf [dreg:s5], $0x7FFFF;
	_ =	strace $0x90000052  }
0xb1: {  	s26 =	simm.s32 $0x9;
	_ =	strace $0x80000054  }
0xb2: {  	_ =	swait.ge [sflag:s26], $0x1  }
0xb3: {  	[sflag:s26] =	ssyncadd.s32 $0xFFFFFFFF  }
0xb4: {  	_ =	strace $0x90000054  }
0xb5: {  	_ =	sfence  }
0xb6: {  	s28 =	sld [smem:$0x0];
	_ =	sdelay $0x1  }
0xb7: {  	s29 =	srdreg.scid  }
0xb8: {  	s30 =	sshll.u32 s29, $0xD;
	s31 =	sshrl.u32 s29, $0x2  }
0xb9: {  	s2 =	sand.u32 $0x4000, s30;
	s1 =	sand.u32 $0x1, s29;
	s0 =	sadd.s32 s31, s28  }
0xba: {  	s1 =	sor.u32 s2, s1;
	s0 =	sshll.u32 s0, $0x11  }
0xbb: {  	s0 =	sor.u32 s0, s1  }
0xbc: {  	s0 =	sadd.s32 $0x8F2B, s0  }
0xbd: {  	[sflag:s0] =	ssyncadd.remote.s32 $0x1  }
0xbe: {  	_ =	sfence.sel $0xFFFF  }
0xbf: {  	[dreg:$0x0] =	wrdreg $0xFFFFFFFF;
	(pc) =	sbr.abs _section_cstart, $3  }
0xc0: {  	[dreg:$0x1] =	wrdreg $0xFFFFFFFF  }
0xc1: {  	_ =	task.clear_ibuf [dreg:s5], $0x2FFFF;
	_ =	strace $0x9FFFFFFF  }
0xc2: {  	(tm) =	ssettm $0x7FFFFFFF  }
0xc3: {  	_ =	shalt  }
tec
execute0_lowered:
.L_overlay_start_1:
0x0: {  	(tag) =	ssettag $0x1  }
0x1: {  	s1 =	rddreg [dreg:$0x0]  }
0x2: {  	s3 =	rddreg [dreg:$0x1]  }
0x3: {  	s4 =	rddreg [dreg:$0x2]  }
0x4: {  	s5 =	rddreg [dreg:$0x3]  }
0x5: {  	s0 =	rddreg [dreg:$0x4]  }
0x6: {  	s2 =	simm.s32 $0x0;
	s9 =	simm.s32 $0x0;
	s10 =	simm.s32 $0x200  }
0x7: {  	[smem:$0x7FF] =	sst s2;
	s6 =	sadd.s32 $0xEC00, s1;
	s15 =	sadd.s32 $0x36C00, s1  }
0x8: {  	s16 =	sadd.s32 $0x37200, s1;
	s8 =	sadd.s32 $0x4C00, s1;
	s7 =	sadd.s32 $0x37800, s1  }
0x9: {  	v0 =	vimm.f32 $0.0e+00;
	s2 =	sadd.s32 $0x5F800, s1;
	s1 =	stileid.u32;
	_ =	strace $0x80000053  }
.LBB2_1:
0xa: {  	p0 =	sne.s32 s10, $0xFE00;
	[tilespmem:s9+$0x51F0] =	vst v0  }
0xb: {  	[tilespmem:s9+$0x5180] =	vst v0  }
0xc: {  	[tilespmem:s9+$0x5190] =	vst v0  }
.Ltmp0:
0xd: {  	[tilespmem:s9+$0x51A0] =	vst v0;
	(pc) =	sbr.rel @p0 .LBB2_1-.Ltmp0, $4  }
0xe: {  	[tilespmem:s9+$0x51B0] =	vst v0  }
0xf: {  	[tilespmem:s9+$0x51C0] =	vst v0  }
0x10: {  	[tilespmem:s9+$0x51D0] =	vst v0  }
0x11: {  	[tilespmem:s9+$0x51E0] =	vst v0;
	s9 =	sshra.s32 s10, $0x2;
	s10 =	sadd.s32 $0x200, s10  }
0x12: {  	[tilespmem:s9+$0x51F0] =	vst v0  }
0x13: {  	[tilespmem:s9+$0x5180] =	vst v0  }
0x14: {  	[tilespmem:s9+$0x5190] =	vst v0  }
0x15: {  	[tilespmem:s9+$0x51A0] =	vst v0  }
0x16: {  	[tilespmem:s9+$0x51B0] =	vst v0  }
0x17: {  	[tilespmem:s9+$0x51C0] =	vst v0  }
0x18: {  	[tilespmem:s9+$0x51D0] =	vst v0  }
0x19: {  	[tilespmem:s9+$0x51E0] =	vst v0;
	v63 =	vimm.f32 $0.0e+00  }
0x1a: {  	[tilespmem:$0x5100] =	vst v63  }
0x1b: {  	[tilespmem:$0x5110] =	vst v63  }
0x1c: {  	[tilespmem:$0x5120] =	vst v63  }
0x1d: {  	[tilespmem:$0x5130] =	vst v63  }
0x1e: {  	s20 =	smul.u32 $0x50000, s1;
	[tilespmem:$0x5140] =	vst v63  }
0x1f: {  	[tilespmem:$0x5150] =	vst v63  }
0x20: {  	[tilespmem:$0x5160] =	vst v63;
	s9 =	sshrl.u32 s20, $0x2  }
0x21: {  	s10 =	simm.s32 $0x5180;
	s11 =	simm.s32 $0x2;
	[tilespmem:$0x5170] =	vst v63;
	s9 =	sadd.s32 s9, s4  }
0x22: {  	[spmem:s9] =	stream.linear.scatter [tilespmem:s10], [sflag:$0x2], $0x4000, $0x38;
	[tilespmem:$0x1D580] =	vst v63  }
0x23: {  	_ =	swait.ge [sflag:s11], $0x4000  }
0x24: {  	[sflag:s11] =	ssyncset.done $0x0  }
0x25: {  	s12 =	sadd.s32 $0x4000, s9;
	[sflag:s11] =	ssyncadd.s32 $0xFFFFC000  }
0x26: {  	[spmem:s12] =	stream.linear.scatter [tilespmem:s10], [sflag:$0x2], $0x4000, $0x38;
	[tilespmem:$0x1D580] =	vst v63  }
0x27: {  	_ =	swait.ge [sflag:s11], $0x4000  }
0x28: {  	[sflag:s11] =	ssyncset.done $0x0  }
0x29: {  	s21 =	sadd.s32 $0x8000, s9;
	[sflag:s11] =	ssyncadd.s32 $0xFFFFC000  }
0x2a: {  	[spmem:s21] =	stream.linear.scatter [tilespmem:s10], [sflag:$0x2], $0x4000, $0x38;
	[tilespmem:$0x1D580] =	vst v63  }
0x2b: {  	_ =	swait.ge [sflag:s11], $0x4000  }
0x2c: {  	[sflag:s11] =	ssyncset.done $0x0  }
0x2d: {  	s22 =	sadd.s32 $0xC000, s9;
	[sflag:s11] =	ssyncadd.s32 $0xFFFFC000  }
0x2e: {  	[spmem:s22] =	stream.linear.scatter [tilespmem:s10], [sflag:$0x2], $0x4000, $0x38;
	[tilespmem:$0x1D580] =	vst v63  }
0x2f: {  	_ =	swait.ge [sflag:s11], $0x4000  }
0x30: {  	[sflag:s11] =	ssyncset.done $0x0  }
0x31: {  	s23 =	sadd.s32 $0x10000, s9;
	[sflag:s11] =	ssyncadd.s32 $0xFFFFC000  }
0x32: {  	[spmem:s23] =	stream.linear.scatter [tilespmem:s10], [sflag:$0x2], $0x4000, $0x38;
	[tilespmem:$0x1D580] =	vst v63  }
0x33: {  	_ =	swait.ge [sflag:s11], $0x4000  }
0x34: {  	s24 =	sshll.u32 s1, $0xA;
	[sflag:s11] =	ssyncset.done $0x0  }
0x35: {  	s13 =	simm.s32 $0x5100;
	s12 =	sadd.s32 s24, s5;
	[sflag:s11] =	ssyncadd.s32 $0xFFFFC000  }
0x36: {  	[spmem:s12] =	stream.linear.scatter [tilespmem:s13], [sflag:$0x2], $0x80, $0x38;
	[tilespmem:$0x1D580] =	vst v63  }
0x37: {  	_ =	swait.ge [sflag:s11], $0x80  }
0x38: {  	[sflag:s11] =	ssyncset.done $0x0  }
0x39: {  	s14 =	sadd.s32 $0x80, s12;
	[sflag:s11] =	ssyncadd.s32 $0xFFFFFF80  }
0x3a: {  	[spmem:s14] =	stream.linear.scatter [tilespmem:s13], [sflag:$0x2], $0x80, $0x38;
	[tilespmem:$0x1D580] =	vst v63  }
0x3b: {  	_ =	swait.ge [sflag:s11], $0x80  }
0x3c: {  	[sflag:s11] =	ssyncset.done $0x0  }
0x3d: {  	s25 =	sadd.s32 $0x100, s12;
	[sflag:s11] =	ssyncadd.s32 $0xFFFFFF80  }
0x3e: {  	[spmem:s25] =	stream.linear.scatter [tilespmem:s13], [sflag:$0x2], $0x80, $0x38;
	[tilespmem:$0x1D580] =	vst v63  }
0x3f: {  	_ =	swait.ge [sflag:s11], $0x80  }
0x40: {  	[sflag:s11] =	ssyncset.done $0x0  }
0x41: {  	s26 =	sadd.s32 $0x180, s12;
	[sflag:s11] =	ssyncadd.s32 $0xFFFFFF80  }
0x42: {  	[spmem:s26] =	stream.linear.scatter [tilespmem:s13], [sflag:$0x2], $0x80, $0x38;
	[tilespmem:$0x1D580] =	vst v63  }
0x43: {  	_ =	swait.ge [sflag:s11], $0x80  }
0x44: {  	[sflag:s11] =	ssyncset.done $0x0  }
0x45: {  	s28 =	sadd.s32 $0x200, s12;
	[sflag:s11] =	ssyncadd.s32 $0xFFFFFF80  }
0x46: {  	[spmem:s28] =	stream.linear.scatter [tilespmem:s13], [sflag:$0x2], $0x80, $0x38;
	[tilespmem:$0x1D580] =	vst v63  }
0x47: {  	_ =	swait.ge [sflag:s11], $0x80  }
0x48: {  	[sflag:s11] =	ssyncset.done $0x0  }
0x49: {  	s29 =	sadd.s32 $0x280, s12;
	[sflag:s11] =	ssyncadd.s32 $0xFFFFFF80  }
0x4a: {  	[spmem:s29] =	stream.linear.scatter [tilespmem:s13], [sflag:$0x2], $0x80, $0x38;
	[tilespmem:$0x1D580] =	vst v63  }
0x4b: {  	_ =	swait.ge [sflag:s11], $0x80  }
0x4c: {  	[sflag:s11] =	ssyncset.done $0x0  }
0x4d: {  	s30 =	sadd.s32 $0x300, s12;
	[sflag:s11] =	ssyncadd.s32 $0xFFFFFF80  }
0x4e: {  	[spmem:s30] =	stream.linear.scatter [tilespmem:s13], [sflag:$0x2], $0x80, $0x38;
	[tilespmem:$0x1D580] =	vst v63  }
0x4f: {  	_ =	swait.ge [sflag:s11], $0x80  }
0x50: {  	[sflag:s11] =	ssyncset.done $0x0  }
0x51: {  	s31 =	sadd.s32 $0x380, s12;
	[sflag:s11] =	ssyncadd.s32 $0xFFFFFF80  }
0x52: {  	[spmem:s31] =	stream.linear.scatter [tilespmem:s13], [sflag:$0x2], $0x80, $0x38;
	[tilespmem:$0x1D580] =	vst v63  }
0x53: {  	_ =	swait.ge [sflag:s11], $0x80  }
0x54: {  	[sflag:s11] =	ssyncset.done $0x0  }
0x55: {  	s14 =	simm.s32 $0x0;
	[sflag:s11] =	ssyncadd.s32 $0xFFFFFF80  }
0x56: {  	[tilespmem:s14], [sflag:$0x2] =	stream.linear.gather [hbm4b:s15+s14], $0x2800, $0x38;
	[tilespmem:$0x1D580] =	vst v63  }
0x57: {  	_ =	swait.ge [sflag:s11], $0x2800  }
0x58: {  	[sflag:s11] =	ssyncset.done $0x0  }
0x59: {  	s15 =	simm.s32 $0x2800;
	[sflag:s11] =	ssyncadd.s32 $0xFFFFD800  }
0x5a: {  	[tilespmem:s15], [sflag:$0x2] =	stream.linear.gather [hbm4b:s16+s14], $0x2800, $0x38;
	[tilespmem:$0x1D580] =	vst v63  }
0x5b: {  	_ =	swait.ge [sflag:s11], $0x2800  }
0x5c: {  	s17 =	simm.s32 $0x5000;
	s18 =	simm.s32 $0x5080;
	[sflag:s11] =	ssyncset.done $0x0  }
0x5d: {  	s19 =	simm.s32 $0x80;
	s20 =	simm.s32 $0x1;
	[sflag:s11] =	ssyncadd.s32 $0xFFFFD800  }
0x5e: {  	s21 =	simm.s32 $0x0;
	s16 =	smul.u32 $0xA0, s1;
	[bflag:$0x0] =	sbarrier.arrive $0xFFFF  }
.LBB2_3:
0x5f: {  	_ = 	snop  }
0x60: {  	s22 =	sadd.s32 s16, s21  }
0x61: {  	s22 =	sshll.u32 s22, $0x4  }
0x62: {  	s23 =	sadd.s32 s3, s22  }
0x63: {  	[tilespmem:s17], [sflag:$0x2] =	stream.linear.gather [hbm4b:s23+s14], $0x80, $0x38;
	[tilespmem:$0x1D580] =	vst v63  }
0x64: {  	_ =	swait.ge [sflag:s11], $0x80  }
0x65: {  	[sflag:s11] =	ssyncset.done $0x0  }
0x66: {  	s22 =	sadd.s32 s8, s22;
	[sflag:s11] =	ssyncadd.s32 $0xFFFFFF80  }
0x67: {  	[tilespmem:s18], [sflag:$0x2] =	stream.linear.gather [hbm4b:s22+s14], $0x80, $0x38;
	[tilespmem:$0x1D580] =	vst v63  }
0x68: {  	_ =	swait.ge [sflag:s11], $0x80  }
0x69: {  	[sflag:s11] =	ssyncset.done $0x0  }
0x6a: {  	[sflag:s11] =	ssyncadd.s32 $0xFFFFFF80  }
0x6b: {  	v0 =	vld [tilespmem:$0x5000]  }
0x6c: {  	v1 =	vld [tilespmem:$0x5080];
	_ =	sdelay $0x6  }
0x6d: {  	v0 =	vld.idx.msk [tilespmem:v0+s14+$0x0], $0xffff  }
0x6e: {  	v1 =	vld.idx.msk [tilespmem:v1+s15+$0x0], $0xffff;
	_ =	sdelay $0x4  }
0x6f: {  	v0 =	vadd.f32 v1, v0;
	_ =	sdelay $0x1  }
0x70: {  	v1 =	vmul.f32 $2.000000030e-01, v0  }
0x71: {  	vm0 =	vgt.f32 v0, $0.0e+00  }
0x72: {  	v0 =	vsel vm0, v0, v1  }
0x73: {  	v0 =	vmul.f32 $1.442695020e+00, v0;
	_ =	sdelay $0x1  }
0x74: {  	(erf) = vpow2.f32 v0;
	_ =	sdelay $0x2  }
0x75: {  	v0 =	vld [tilespmem:$0x5010]  }
0x76: {  	v1 =	vld [tilespmem:$0x5090];
	_ =	sdelay $0x4  }
0x77: {  	v2 =	vpop (erf)  }
0x78: {  	[tilespmem:$0x5100] =	vst v2  }
0x79: {  	v0 =	vld.idx.msk [tilespmem:v0+s14+$0x0], $0xffff  }
0x7a: {  	v1 =	vld.idx.msk [tilespmem:v1+s15+$0x0], $0xffff;
	_ =	sdelay $0x4  }
0x7b: {  	v0 =	vadd.f32 v1, v0;
	_ =	sdelay $0x1  }
0x7c: {  	v1 =	vmul.f32 $2.000000030e-01, v0  }
0x7d: {  	vm9 =	vgt.f32 v0, $0.0e+00  }
0x7e: {  	v0 =	vsel vm9, v0, v1  }
0x7f: {  	v0 =	vmul.f32 $1.442695020e+00, v0;
	_ =	sdelay $0x1  }
0x80: {  	(erf) = vpow2.f32 v0;
	_ =	sdelay $0x2  }
0x81: {  	v0 =	vld [tilespmem:$0x5020]  }
0x82: {  	v1 =	vld [tilespmem:$0x50A0];
	_ =	sdelay $0x4  }
0x83: {  	v2 =	vpop (erf)  }
0x84: {  	[tilespmem:$0x5110] =	vst v2  }
0x85: {  	v0 =	vld.idx.msk [tilespmem:v0+s14+$0x0], $0xffff  }
0x86: {  	v1 =	vld.idx.msk [tilespmem:v1+s15+$0x0], $0xffff;
	_ =	sdelay $0x4  }
0x87: {  	v0 =	vadd.f32 v1, v0;
	_ =	sdelay $0x1  }
0x88: {  	v1 =	vmul.f32 $2.000000030e-01, v0  }
0x89: {  	vm10 =	vgt.f32 v0, $0.0e+00  }
0x8a: {  	v0 =	vsel vm10, v0, v1  }
0x8b: {  	v0 =	vmul.f32 $1.442695020e+00, v0;
	_ =	sdelay $0x1  }
0x8c: {  	(erf) = vpow2.f32 v0;
	_ =	sdelay $0x2  }
0x8d: {  	v0 =	vld [tilespmem:$0x5030]  }
0x8e: {  	v1 =	vld [tilespmem:$0x50B0];
	_ =	sdelay $0x4  }
0x8f: {  	v2 =	vpop (erf)  }
0x90: {  	[tilespmem:$0x5120] =	vst v2  }
0x91: {  	v0 =	vld.idx.msk [tilespmem:v0+s14+$0x0], $0xffff  }
0x92: {  	v1 =	vld.idx.msk [tilespmem:v1+s15+$0x0], $0xffff;
	_ =	sdelay $0x4  }
0x93: {  	v0 =	vadd.f32 v1, v0;
	_ =	sdelay $0x1  }
0x94: {  	v1 =	vmul.f32 $2.000000030e-01, v0  }
0x95: {  	vm11 =	vgt.f32 v0, $0.0e+00  }
0x96: {  	v0 =	vsel vm11, v0, v1  }
0x97: {  	v0 =	vmul.f32 $1.442695020e+00, v0;
	_ =	sdelay $0x1  }
0x98: {  	(erf) = vpow2.f32 v0;
	_ =	sdelay $0x2  }
0x99: {  	v0 =	vld [tilespmem:$0x5040]  }
0x9a: {  	v1 =	vld [tilespmem:$0x50C0];
	_ =	sdelay $0x4  }
0x9b: {  	v2 =	vpop (erf)  }
0x9c: {  	[tilespmem:$0x5130] =	vst v2  }
0x9d: {  	v0 =	vld.idx.msk [tilespmem:v0+s14+$0x0], $0xffff  }
0x9e: {  	v1 =	vld.idx.msk [tilespmem:v1+s15+$0x0], $0xffff;
	_ =	sdelay $0x4  }
0x9f: {  	v0 =	vadd.f32 v1, v0;
	_ =	sdelay $0x1  }
0xa0: {  	v1 =	vmul.f32 $2.000000030e-01, v0  }
0xa1: {  	vm12 =	vgt.f32 v0, $0.0e+00  }
0xa2: {  	v0 =	vsel vm12, v0, v1  }
0xa3: {  	v0 =	vmul.f32 $1.442695020e+00, v0;
	_ =	sdelay $0x1  }
0xa4: {  	(erf) = vpow2.f32 v0;
	_ =	sdelay $0x2  }
0xa5: {  	v0 =	vld [tilespmem:$0x5050]  }
0xa6: {  	v1 =	vld [tilespmem:$0x50D0];
	_ =	sdelay $0x4  }
0xa7: {  	v2 =	vpop (erf)  }
0xa8: {  	[tilespmem:$0x5140] =	vst v2  }
0xa9: {  	v0 =	vld.idx.msk [tilespmem:v0+s14+$0x0], $0xffff  }
0xaa: {  	v1 =	vld.idx.msk [tilespmem:v1+s15+$0x0], $0xffff;
	_ =	sdelay $0x4  }
0xab: {  	v0 =	vadd.f32 v1, v0;
	_ =	sdelay $0x1  }
0xac: {  	v1 =	vmul.f32 $2.000000030e-01, v0  }
0xad: {  	vm13 =	vgt.f32 v0, $0.0e+00  }
0xae: {  	v0 =	vsel vm13, v0, v1  }
0xaf: {  	v0 =	vmul.f32 $1.442695020e+00, v0;
	_ =	sdelay $0x1  }
0xb0: {  	(erf) = vpow2.f32 v0;
	_ =	sdelay $0x2  }
0xb1: {  	v0 =	vld [tilespmem:$0x5060]  }
0xb2: {  	v1 =	vld [tilespmem:$0x50E0];
	_ =	sdelay $0x4  }
0xb3: {  	v2 =	vpop (erf)  }
0xb4: {  	[tilespmem:$0x5150] =	vst v2  }
0xb5: {  	v0 =	vld.idx.msk [tilespmem:v0+s14+$0x0], $0xffff  }
0xb6: {  	v1 =	vld.idx.msk [tilespmem:v1+s15+$0x0], $0xffff;
	_ =	sdelay $0x4  }
0xb7: {  	v0 =	vadd.f32 v1, v0;
	_ =	sdelay $0x1  }
0xb8: {  	v1 =	vmul.f32 $2.000000030e-01, v0  }
0xb9: {  	vm14 =	vgt.f32 v0, $0.0e+00  }
0xba: {  	v0 =	vsel vm14, v0, v1  }
0xbb: {  	v0 =	vmul.f32 $1.442695020e+00, v0;
	_ =	sdelay $0x1  }
0xbc: {  	(erf) = vpow2.f32 v0;
	_ =	sdelay $0x2  }
0xbd: {  	v0 =	vld [tilespmem:$0x5070]  }
0xbe: {  	v1 =	vld [tilespmem:$0x50F0];
	_ =	sdelay $0x4  }
0xbf: {  	v2 =	vpop (erf)  }
0xc0: {  	[tilespmem:$0x5160] =	vst v2  }
0xc1: {  	v0 =	vld.idx.msk [tilespmem:v0+s14+$0x0], $0xffff  }
0xc2: {  	v1 =	vld.idx.msk [tilespmem:v1+s15+$0x0], $0xffff;
	_ =	sdelay $0x4  }
0xc3: {  	v0 =	vadd.f32 v1, v0;
	_ =	sdelay $0x1  }
0xc4: {  	v1 =	vmul.f32 $2.000000030e-01, v0  }
0xc5: {  	vm15 =	vgt.f32 v0, $0.0e+00  }
0xc6: {  	v0 =	vsel vm15, v0, v1  }
0xc7: {  	v0 =	vmul.f32 $1.442695020e+00, v0;
	_ =	sdelay $0x1  }
0xc8: {  	(erf) = vpow2.f32 v0;
	_ =	sdelay $0x8  }
0xc9: {  	v0 =	vpop (erf)  }
0xca: {  	[tilespmem:$0x5170] =	vst v0  }
0xcb: {  	[tilespmem:s10], [sflag:$0x1] =	stream.indirect.gather [hbm4b:s6+s19], $0x80, s17, s19, $0xb8;
	[tilespmem:$0x1D580] =	vst v63  }
0xcc: {  	_ =	swait.ge [sflag:s20], $0x4000  }
0xcd: {  	v0 =	vmov s14;
	[sflag:s20] =	ssyncset.done $0x0  }
0xce: {  	s22 =	simm.s32 $0x51C0;
	[sflag:s20] =	ssyncadd.s32 $0xFFFFC000  }
0xcf: {  	v4 =	vld [tilespmem:s22+$0x30]  }
0xd0: {  	v7 =	vld [tilespmem:s22+$0x10]  }
0xd1: {  	v5 =	vld [tilespmem:s22+$0xFFFFFFC0]  }
0xd2: {  	v1 =	vld.idx.msk [tilespmem:v0+s13+$0x0], $0xffff  }
0xd3: {  	v9 =	vld [tilespmem:s22+$0xFFFFFFE0]  }
0xd4: {  	v0 =	vld [tilespmem:s22+$0xFFFFFFF0]  }
0xd5: {  	v2 =	vld [tilespmem:s22+$0x20]  }
0xd6: {  	v3 =	vld [tilespmem:s22+$0xFFFFFFD0]  }
0xd7: {  	v8 =	vmul.f32 v4, v1;
	v4 =	vld [tilespmem:s22+$0x0]  }
0xd8: {  	v6 =	vmul.f32 v5, v1  }
0xd9: {  	s24 =	simm.s32 $0x51C0;
	s23 =	simm.s32 $0x1;
	v5 =	vmul.f32 v9, v1;
	v7 =	vmul.f32 v7, v1  }
.LBB2_4:
0xda: {  	p0 =	sne.s32 s23, $0x7F  }
0xdb: {  	v3 =	vmul.f32 v3, v1;
	v2 =	vmul.f32 v2, v1;
	[tilespmem:s22+$0x30] =	vst v8;
	s24 =	sadd.s32 $0x80, s24;
	s25 =	smov.u32 s23;
	s23 =	sadd.s32 $0x1, s23  }
0xdc: {  	[tilespmem:s22+$0xFFFFFFC0] =	vst v6;
	v6 =	vmul.f32 v0, v1;
	v1 =	vmul.f32 v4, v1  }
0xdd: {  	[tilespmem:s22+$0x10] =	vst v7  }
0xde: {  	v4 =	vmov s25;
	[tilespmem:s22+$0xFFFFFFE0] =	vst v5  }
0xdf: {  	v0 =	vld [tilespmem:s24+$0xFFFFFFF0];
	[tilespmem:s22+$0xFFFFFFF0] =	vst v6  }
0xe0: {  	v5 =	vld [tilespmem:s24+$0x30];
	[tilespmem:s22+$0x0] =	vst v1  }
0xe1: {  	v7 =	vld [tilespmem:s24+$0x10];
	[tilespmem:s22+$0x20] =	vst v2  }
0xe2: {  	v6 =	vld [tilespmem:s24+$0xFFFFFFC0];
	[tilespmem:s22+$0xFFFFFFD0] =	vst v3;
	s22 =	smov.u32 s24  }
0xe3: {  	v1 =	vld.idx.msk [tilespmem:v4+s13+$0x0], $0xffff  }
0xe4: {  	v9 =	vld [tilespmem:s24+$0xFFFFFFE0]  }
0xe5: {  	v2 =	vld [tilespmem:s24+$0x20]  }
.Ltmp1:
0xe6: {  	v3 =	vld [tilespmem:s24+$0xFFFFFFD0];
	(pc) =	sbr.rel @p0 .LBB2_4-.Ltmp1, $3  }
0xe7: {  	v4 =	vld [tilespmem:s24+$0x0];
	_ =	sdelay $0x1  }
0xe8: {  	v6 =	vmul.f32 v6, v1;
	v8 =	vmul.f32 v5, v1  }
0xe9: {  	v7 =	vmul.f32 v7, v1;
	v5 =	vmul.f32 v9, v1  }
0xea: {  	[tilespmem:s22+$0x30] =	vst v8  }
0xeb: {  	[tilespmem:s22+$0xFFFFFFC0] =	vst v6  }
0xec: {  	v0 =	vmul.f32 v0, v1;
	[tilespmem:s22+$0x10] =	vst v7  }
0xed: {  	v2 =	vmul.f32 v2, v1;
	[tilespmem:s22+$0xFFFFFFE0] =	vst v5  }
0xee: {  	v63 =	vmul.f32 v3, v1;
	[tilespmem:s22+$0xFFFFFFF0] =	vst v0  }
0xef: {  	v4 =	vmul.f32 v4, v1;
	[tilespmem:s22+$0x20] =	vst v2  }
0xf0: {  	[tilespmem:s22+$0xFFFFFFD0] =	vst v63  }
0xf1: {  	[tilespmem:s22+$0x0] =	vst v4  }
0xf2: {  	[spmem:s4] =	stream.indirect.scatter.add.f32 [tilespmem:s10], [sflag:$0x2], $0x80, s18, s19, $0xb8;
	[tilespmem:$0x1D580] =	vst v63  }
0xf3: {  	s21 =	sadd.s32 $0x1, s21;
	_ =	swait.ge [sflag:s11], $0x4000  }
0xf4: {  	p0 =	sne.s32 s21, $0xA0;
	[sflag:s11] =	ssyncset.done $0x0  }
.Ltmp2:
0xf5: {  	[sflag:s11] =	ssyncadd.s32 $0xFFFFC000;
	(pc) =	sbr.rel @p0 .LBB2_3-.Ltmp2, $4  }
0xf6: {  	[spmem:s5] =	stream.indirect.scatter.add.f32 [tilespmem:s13], [sflag:$0x2], $0x1, s18, s19, $0xb8;
	[tilespmem:$0x1D580] =	vst v63  }
0xf7: {  	_ =	swait.ge [sflag:s11], $0x80  }
0xf8: {  	[sflag:s11] =	ssyncset.done $0x0  }
0xf9: {  	[sflag:s11] =	ssyncadd.s32 $0xFFFFFF80  }
0xfa: {  	s3 =	smul.u32 $0x2800, s1  }
0xfb: {  	s4 =	sshll.u32 s1, $0x6;
	[bflag:$0x0] =	sbarrier.arrive $0xFFFF;
	s5 =	sshrl.u32 s9, $0x3  }
0xfc: {  	s29 =	simm.s32 $0x2;
	s4 =	sor.u32 $0x1C02, s4;
	s3 =	sadd.s32 s7, s3  }
0xfd: {  	[hbm:s3], [sflag:s4] =	dma.local [spmem:s5], $0x2800  }
0xfe: {  	_ =	swait.ge [sflag:s29], $0x2800  }
0xff: {  	s30 =	sshll.u32 s1, $0x7;
	[sflag:s29] =	ssyncset.done $0x0  }
0x100: {  	s31 =	sshrl.u32 s12, $0x3;
	s2 =	sadd.s32 s2, s30;
	[sflag:s29] =	ssyncadd.s32 $0xFFFFD800  }
0x101: {  	[hbm:s2], [sflag:s4] =	dma.local [spmem:s31], $0x80  }
0x102: {  	_ =	swait.ge [sflag:s29], $0x80  }
0x103: {  	[sflag:s29] =	ssyncset.done $0x0  }
0x104: {  	[sflag:s29] =	ssyncadd.s32 $0xFFFFFF80  }
0x105: {  	_ =	sfence.sel $0x180000  }
0x106: {  	[bflag:$0x0] =	sbarrier.arrive $0xFFFF  }
0x107: {  	p0 =	sne.s32 s1, $0x0;
	_ =	strace $0x90000053  }
0x108: {  	s0 =	sadd.s32 @!p0 $0x100000, s0;
	[bflag:$0x2] =	sbarrier.arrive $0xFFFF  }
0x109: {  	[sflag:s0] =	ssyncadd.tile.s32 @!p0 $0x1;
	_ =	shalt  }
.Lfunc_end2:
_tile_overlayer_lowered:
.L_overlay_start_2:
0x10a: {  	(tag) =	ssettag $0x2  }
0x10b: {  	s0 =	rddreg [dreg:$0x0];
	s2 =	stileid.u32  }
0x10c: {  	s1 =	rddreg [dreg:$0x1];
	p0 =	sne.s32 s2, $0x0  }
0x10d: {  	s3 =	rddreg [dreg:$0x2];
	[bflag:$0x3] =	sbarrier.arrive $0xFFFF;
	s2 =	simm.s32 @!p0 $0x1C02  }
0x10e: {  	[timem:s3], [sflag:s2] =	dma.local @!p0 [hbm:s0], s1  }
0x10f: {  	s0 =	simm.s32 @!p0 $0x2  }
0x110: {  	_ =	swait.ge @!p0 [sflag:s0], s1  }
0x111: {  	s1 =	ssub.s32 @!p0 $0x0, s1;
	[sflag:s0] =	ssyncset.done @!p0 $0x0  }
0x112: {  	[sflag:s0] =	ssyncadd.s32 @!p0 s1  }
0x113: {  	[bflag:$0x3] =	sbarrier.arrive $0xFFFF  }
0x114: {  	_ =	shalt  }

// kernel: kernel.26.cloned.1.call-start
scs
__scs_entry_jumppad:
0x0: {  	(pc) =	sbr.rel $0x88, $3  }
0x1: {  	(tag) =	ssettag $0x0;
	lr =	simm.s32 $0x1  }
0x2: {  	[smem:$0x3F93] =	sst lr;
	_ =	strace $0xD0000000  }
0x3: {  	_ = 	snop  }
0x4: {  	_ = 	snop  }
0x5: {  	_ = 	snop  }
0x6: {  	_ = 	snop  }
0x7: {  	_ = 	snop  }
__scs_overlays_trampoline_lowered:
0x8: {  	[smem:$0x3FA2] =	sst s0  }
0x9: {  	[smem:$0x3FA3] =	sst s1  }
0xa: {  	[smem:$0x3FA4] =	sst s2  }
0xb: {  	[smem:$0x3FA5] =	sst s3  }
0xc: {  	[smem:$0x3FA6] =	sst s4  }
0xd: {  	[smem:$0x3FA7] =	sst s5  }
0xe: {  	[smem:$0x3FA8] =	sst s6  }
0xf: {  	[smem:$0x3FA9] =	sst s7  }
0x10: {  	[smem:$0x3FAA] =	sst s8  }
0x11: {  	[smem:$0x3FAB] =	sst s9;
	s0 =	simm.s32 @!p0 $0x0  }
0x12: {  	s1 =	sld [smem:$0x3F91];
	s0 =	simm.s32 @p0 $0x1  }
0x13: {  	[smem:$0x3FAC] =	sst s0;
	s0 =	simm.s32 @!p1 $0x0  }
0x14: {  	s2 =	sld [smem:$0x3F90];
	s0 =	simm.s32 @p1 $0x1  }
0x15: {  	[smem:$0x3FAD] =	sst s0;
	s0 =	simm.s32 @!p2 $0x0  }
0x16: {  	s3 =	sld [smem:$0x3FDB];
	s0 =	simm.s32 @p2 $0x1  }
0x17: {  	s4 =	simm.s32 $0x1BF5;
	[smem:$0x3FAF] =	sst s0  }
0x18: {  	s0 =	sld [smem:$0x3F92];
	_ =	swait.ge [sflag:s4], $0x0  }
0x19: {  	s7 =	sld [smem:$0x3F93]  }
0x1a: {  	s8 =	sadd.s32 $0xFFFFE003, lr  }
0x1b: {  	s9 =	sadd.s32 $0xFFFFFEF7, lr;
	s5 =	simm.s32 $0xFFFFFFFF;
	p2 =	slt.u32 s8, $0xFFFFF086  }
0x1c: {  	p1 =	slt.u32 s9, $0xF7A;
	s5 =	simm.s32 @!p2 $0x0  }
0x1d: {  	s5 =	simm.s32 @p1 $0x1;
	p0 =	seq.s32 s7, s2  }
0x1e: {  	s7 =	smul.u32 @!p0 $0xF7A, s2;
	p2 =	seq.s32 @!p0 s5, $0x0  }
0x1f: {  	s9 =	smul.u32 $0xF7A, s1;
	s8 =	simm.s32 @!p0 $0x1BF5;
	p2 =	por !p2, p0  }
0x20: {  	[sflag:s8] =	ssyncset.s32 @!p0 $0xFFFFF086;
	s6 =	sadd.s32 @!p0 s3, s7;
	s7 =	simm.s32 @!p0 $0x108  }
0x21: {  	s3 =	sadd.s32 s3, s9;
	s6 =	sadd.s32 @!p0 $0x88, s6;
	s7 =	simm.s32 @p2 $0x1082  }
0x22: {  	[simem:s7], [sflag:s8] =	dma.local @!p0 [hbm:s6], $0xF7A  }
0x23: {  	s9 =	sor.u32 $0xD0000000, s2;
	s6 =	simm.s32 $0x108;
	_ =	swait.ge @!p0 [sflag:s8], $0x0  }
0x24: {  	s3 =	sadd.s32 $0x88, s3;
	s6 =	simm.s32 @!p1 $0x1082;
	[sflag:s4] =	ssyncset.s32 $0xFFFFF086  }
0x25: {  	[simem:s6], [sflag:s4] =	dma.local [hbm:s3], $0xF7A  }
0x26: {  	[smem:$0x3F93] =	sst s1;
	(tag) =	ssettag s2;
	_ =	strace s9  }
0x27: {  	s1 =	sld [smem:$0x3FA3]  }
0x28: {  	s2 =	sld [smem:$0x3FA4]  }
0x29: {  	s4 =	sld [smem:$0x3FA6]  }
0x2a: {  	p0 =	seq.s32 s5, $0x0;
	s5 =	sld [smem:$0x3FA7]  }
0x2b: {  	s6 =	sld [smem:$0x3FA8]  }
0x2c: {  	s7 =	sld [smem:$0x3FA9]  }
0x2d: {  	s3 =	simm.s32 $0x108;
	s8 =	sld [smem:$0x3FAA]  }
0x2e: {  	s3 =	simm.s32 @!p0 $0x1082;
	s9 =	sld [smem:$0x3FAB]  }
0x2f: {  	lr =	sadd.s32 s0, s3;
	s0 =	sld [smem:$0x3FA2]  }
0x30: {  	s3 =	sld [smem:$0x3FA5]  }
0x31: {  	[smem:$0x3FAE] =	sst s10  }
0x32: {  	s10 =	sld [smem:$0x3FAC];
	_ =	sdelay $0x3  }
0x33: {  	p0 =	seq.s32 s10, $0x1;
	s10 =	sld [smem:$0x3FAE];
	_ =	sdelay $0x3  }
0x34: {  	[smem:$0x3FAE] =	sst s10  }
0x35: {  	s10 =	sld [smem:$0x3FAD];
	_ =	sdelay $0x3  }
0x36: {  	p1 =	seq.s32 s10, $0x1;
	s10 =	sld [smem:$0x3FAE];
	_ =	sdelay $0x3  }
0x37: {  	[smem:$0x3FAE] =	sst s10  }
0x38: {  	s10 =	sld [smem:$0x3FAF]  }
0x39: {  	_ = 	snop;
	(pc) =	sbr.ind lr, $3  }
0x3a: {  	_ = 	snop  }
0x3b: {  	_ = 	snop  }
0x3c: {  	p2 =	seq.s32 s10, $0x1;
	s10 =	sld [smem:$0x3FAE]  }
0x3d: {  	_ =	shalt  }
0x3e: {  	_ =	shalt  }
0x3f: {  	_ =	shalt  }
0x40: {  	_ =	shalt  }
0x41: {  	_ =	shalt  }
0x42: {  	_ =	shalt  }
0x43: {  	_ =	shalt  }
0x44: {  	_ =	shalt  }
0x45: {  	_ =	shalt  }
0x46: {  	_ =	shalt  }
0x47: {  	_ =	shalt  }
0x48: {  	_ =	shalt  }
0x49: {  	_ =	shalt  }
0x4a: {  	_ =	shalt  }
0x4b: {  	_ =	shalt  }
0x4c: {  	_ =	shalt  }
0x4d: {  	_ =	shalt  }
0x4e: {  	_ =	shalt  }
0x4f: {  	_ =	shalt  }
0x50: {  	_ =	shalt  }
0x51: {  	_ =	shalt  }
0x52: {  	_ =	shalt  }
0x53: {  	_ =	shalt  }
0x54: {  	_ =	shalt  }
0x55: {  	_ =	shalt  }
0x56: {  	_ =	shalt  }
0x57: {  	_ =	shalt  }
0x58: {  	_ =	shalt  }
0x59: {  	_ =	shalt  }
0x5a: {  	_ =	shalt  }
0x5b: {  	_ =	shalt  }
0x5c: {  	_ =	shalt  }
0x5d: {  	_ =	shalt  }
0x5e: {  	_ =	shalt  }
0x5f: {  	_ =	shalt  }
0x60: {  	_ =	shalt  }
0x61: {  	_ =	shalt  }
0x62: {  	_ =	shalt  }
0x63: {  	_ =	shalt  }
0x64: {  	_ =	shalt  }
0x65: {  	_ =	shalt  }
0x66: {  	_ =	shalt  }
0x67: {  	_ =	shalt  }
0x68: {  	_ =	shalt  }
0x69: {  	_ =	shalt  }
0x6a: {  	_ =	shalt  }
0x6b: {  	_ =	shalt  }
0x6c: {  	_ =	shalt  }
0x6d: {  	_ =	shalt  }
0x6e: {  	_ =	shalt  }
0x6f: {  	_ =	shalt  }
0x70: {  	_ =	shalt  }
0x71: {  	_ =	shalt  }
0x72: {  	_ =	shalt  }
0x73: {  	_ =	shalt  }
0x74: {  	_ =	shalt  }
0x75: {  	_ =	shalt  }
0x76: {  	_ =	shalt  }
0x77: {  	_ =	shalt  }
0x78: {  	_ =	shalt  }
0x79: {  	_ =	shalt  }
0x7a: {  	_ =	shalt  }
0x7b: {  	_ =	shalt  }
0x7c: {  	_ =	shalt  }
0x7d: {  	_ =	shalt  }
0x7e: {  	_ =	shalt  }
0x7f: {  	_ =	shalt  }
0x80: {  	_ =	shalt  }
0x81: {  	_ =	shalt  }
0x82: {  	_ =	shalt  }
0x83: {  	_ =	shalt  }
0x84: {  	_ =	shalt  }
0x85: {  	_ =	shalt  }
0x86: {  	_ =	shalt  }
0x87: {  	_ =	shalt  }
.Lfunc_end0:
.L_simem_size_0:
called_computation.5_lowered:
.L_overlay_start_0:
0x88: {  	s2 =	sld [smem:$0x3FD9]  }
0x89: {  	s3 =	sld [smem:$0x3FFE];
	_ =	sdelay $0x1  }
0x8a: {  	s1 =	srdreg.scid  }
0x8b: {  	s0 =	sand.u32 $0x1, s1  }
0x8c: {  	s17 =	sshll.u32 s0, $0xA;
	s2 =	sadd.s32 s3, s2  }
0x8d: {  	s2 =	sadd.s32 s2, s17  }
0x8e: {  	[smem:$0x3FBA] =	sst s2  }
0x8f: {  	_ = 	snop  }
0x90: {  	s2 =	sld [smem:$0x3FBC];
	(tm) =	ssettm $0x1  }
0x91: {  	s18 =	sld [smem:$0x3FFB];
	_ =	sdelay $0x3  }
0x92: {  	_ =	strace s18  }
0x93: {  	s3 =	sld [smem:$0x3FFC];
	_ =	sdelay $0x3  }
0x94: {  	_ =	strace s3  }
0x95: {  	s3 =	sld [smem:$0x3FFD];
	_ =	sdelay $0x3  }
0x96: {  	_ =	strace s3  }
0x97: {  	_ =	strace $0x8FFFFFFF  }
0x98: {  	s19 =	sld [smem:$0x3FDB];
	_ =	sdelay $0x1  }
0x99: {  	s4 =	simm.s32 $_scs_section_size  }
0x9a: {  	s5 =	simm.s32 $_size__tile_overlayer_lowered;
	s6 =	simm.s32 $_tile_overlayer_lowered  }
0x9b: {  	s22 =	simm.s32 $0x1BFF;
	s21 =	sshll.u32 s6, $0x1;
	s3 =	sadd.s32 s4, s19  }
0x9c: {  	s7 =	simm.s32 $0x0;
	s20 =	sshll.u32 s5, $0x1;
	s5 =	sadd.s32 s21, s3  }
0x9d: {  	[timem:s7], [sflag:s22] =	dma.local [hbm:s5], s20  }
0x9e: {  	_ =	swait.ge [sflag:s22], s20  }
0x9f: {  	s4 =	ssub.s32 $0x0, s20;
	[sflag:s22] =	ssyncset.done $0x0  }
0xa0: {  	[sflag:s22] =	ssyncadd.s32 s4;
	_ =	sdelay $0x1  }
0xa1: {  	s23 =	simm.s32 $0x1B8B  }
0xa2: {  	_ =	swait.ge [sflag:s23], $0x1  }
0xa3: {  	[sflag:s23] =	ssyncset.done $0x0  }
0xa4: {  	s25 =	simm.s32 $0x1B8E;
	s24 =	sld [smem:$0x3FFE];
	[sflag:s23] =	ssyncadd.s32 $0xFFFFFFFF  }
0xa5: {  	s26 =	simm.s32 $execute0_lowered;
	[smem:$0x3FD2] =	sst s25  }
0xa6: {  	s5 =	sshll.u32 s26, $0x1;
	_ =	strace $0x80000055;
	[dreg:$0x1] =	wrdreg $0xFFFFFFFF  }
0xa7: {  	s28 =	simm.s32 $_size_execute0_lowered;
	s3 =	sadd.s32 s3, s5;
	[dreg:$0x0] =	wrdreg $0x0  }
0xa8: {  	s5 =	sshll.u32 s28, $0x1;
	[dreg:$0x2] =	wrdreg s3  }
0xa9: {  	[dreg:$0x3] =	wrdreg s5  }
0xaa: {  	[dreg:$0x4] =	wrdreg $0xC0  }
0xab: {  	_ =	task [dreg:s7], $0x5FFFF  }
0xac: {  	[dreg:$0x1] =	wrdreg $0xFFFFFFFF  }
0xad: {  	[dreg:$0x0] =	wrdreg $0x60  }
0xae: {  	[dreg:$0x2] =	wrdreg s24  }
0xaf: {  	[dreg:$0x3] =	wrdreg s2  }
0xb0: {  	[dreg:$0x4] =	wrdreg $0x9  }
0xb1: {  	_ =	task.clear_ibuf [dreg:s7], $0x5FFFF;
	_ =	strace $0x90000055  }
0xb2: {  	s29 =	simm.s32 $0x9;
	_ =	strace $0x80000057  }
0xb3: {  	_ =	swait.ge [sflag:s29], $0x1  }
0xb4: {  	[sflag:s29] =	ssyncadd.s32 $0xFFFFFFFF  }
0xb5: {  	_ =	strace $0x90000057  }
0xb6: {  	_ =	sfence  }
0xb7: {  	s30 =	sld [smem:$0x0];
	_ =	sdelay $0x2  }
0xb8: {  	s31 =	sshll.u32 s1, $0xD;
	s1 =	sshrl.u32 s1, $0x2  }
0xb9: {  	s3 =	sand.u32 $0x4000, s31;
	s1 =	sadd.s32 s1, s30  }
0xba: {  	s0 =	sor.u32 s3, s0;
	s1 =	sshll.u32 s1, $0x11  }
0xbb: {  	s0 =	sor.u32 s1, s0  }
0xbc: {  	s0 =	sadd.s32 $0x8F2B, s0  }
0xbd: {  	[sflag:s0] =	ssyncadd.remote.s32 $0x1  }
0xbe: {  	_ =	sfence.sel $0xFFFF  }
0xbf: {  	[dreg:$0x0] =	wrdreg $0xFFFFFFFF;
	(pc) =	sbr.abs _section_cstart, $3  }
0xc0: {  	[dreg:$0x1] =	wrdreg $0xFFFFFFFF  }
0xc1: {  	_ =	task.clear_ibuf [dreg:s7], $0x2FFFF;
	_ =	strace $0x9FFFFFFF  }
0xc2: {  	(tm) =	ssettm $0x7FFFFFFF  }
0xc3: {  	_ =	shalt  }
tec
execute0_lowered:
.L_overlay_start_1:
0x0: {  	(tag) =	ssettag $0x1  }
0x1: {  	s7 =	rddreg [dreg:$0x0]  }
0x2: {  	s1 =	rddreg [dreg:$0x1]  }
0x3: {  	s0 =	rddreg [dreg:$0x2];
	s2 =	simm.s32 $0x0;
	s3 =	srdreg.scid  }
0x4: {  	s4 =	stileid.u32;
	s12 =	simm.s32 $0x1;
	s13 =	simm.s32 $0x4000  }
0x5: {  	s14 =	simm.s32 $0x2;
	s15 =	simm.s32 $0x0;
	[smem:$0x7FF] =	sst s2  }
.Ltmp0:
0x6: {  	s3 =	sand.u32 $0x1, s3;
	s5 =	sadd.s32 $0x37800, s7;
	(pc) =	sbr.rel .LBB2_1-.Ltmp0, $4  }
0x7: {  	s6 =	sadd.s32 $0x5F800, s7;
	s7 =	sadd.s32 $0x4C00, s7;
	s8 =	ssub.s32 $0x2, s3  }
0x8: {  	s10 =	sshll.u32 s4, $0x8;
	s11 =	sshll.u32 s3, $0x7;
	s9 =	sshrl.u32 s8, $0x1  }
0x9: {  	_ =	strace $0x80000056;
	s10 =	sor.u32 s11, s10;
	s9 =	ssub.s32 s8, s9  }
0xa: {  	s11 =	simm.s32 $0x8000;
	s8 =	sshll.u32 s4, $0x1;
	s9 =	smax.u32 s9, $0x1  }
.LBB2_9:
0xb: {  	s15 =	sadd.s32 $0x1, s15  }
0xc: {  	p0 =	sne.s32 s15, s9  }
.Ltmp1:
0xd: {  	_ = 	snop;
	(pc) =	sbr.rel @!p0 .LBB2_10-.Ltmp1, $1  }
0xe: {  	_ =	sdelay $0x3  }
.LBB2_1:
0xf: {  	[tilespmem:s11], [sflag:$0x1] =	stream.linear.gather [hbm4b:s1+s2], $0x80, $0x38;
	[tilespmem:$0x8080] =	vst v63  }
0x10: {  	_ =	swait.ge [sflag:s12], $0x80  }
0x11: {  	[sflag:s12] =	ssyncset.done $0x0  }
0x12: {  	[sflag:s12] =	ssyncadd.s32 $0xFFFFFF80  }
0x13: {  	[tilespmem:s13], [sflag:$0x1] =	stream.linear.gather [hbm4b:s6+s2], $0x4000, $0x38;
	[tilespmem:$0x8080] =	vst v63  }
0x14: {  	_ =	swait.ge [sflag:s12], $0x4000  }
0x15: {  	[sflag:s12] =	ssyncset.done $0x0  }
0x16: {  	s16 =	simm.s32 $0x0;
	s17 =	simm.s32 $0x40;
	[sflag:s12] =	ssyncadd.s32 $0xFFFFC000  }
.LBB2_2:
0x17: {  	p0 =	sne.s32 s17, $0xFFC0;
	v0 =	vld [tilespmem:s16+$0x4000];
	_ =	sdelay $0x2  }
.Ltmp2:
0x18: {  	(pc) =	sbr.rel @p0 .LBB2_2-.Ltmp2, $3  }
0x19: {  	_ = 	snop  }
0x1a: {  	v0 =	vadd.f32 $9.999999710e-10, v0;
	_ =	sdelay $0x1  }
0x1b: {  	[tilespmem:s16+$0x4000] =	vst v0;
	s16 =	sshra.s32 s17, $0x2;
	s17 =	sadd.s32 $0x40, s17  }
0x1c: {  	v0 =	vld [tilespmem:s16+$0x4000];
	_ =	sdelay $0x2  }
.Ltmp3:
0x1d: {  	_ = 	snop;
	(pc) =	sbr.rel .LBB2_4-.Ltmp3, $3  }
0x1e: {  	_ = 	snop  }
0x1f: {  	v0 =	vadd.f32 $9.999999710e-10, v0;
	_ =	sdelay $0x1  }
0x20: {  	s17 =	smov.u32 s10;
	[tilespmem:s16+$0x4000] =	vst v0;
	s16 =	simm.s32 $0x0  }
.LBB2_8:
0x21: {  	s16 =	sadd.s32 $0x1, s16  }
0x22: {  	p0 =	sne.s32 s16, $0x3  }
.Ltmp4:
0x23: {  	_ = 	snop;
	(pc) =	sbr.rel @!p0 .LBB2_9-.Ltmp4, $2  }
0x24: {  	_ =	sdelay $0x2  }
0x25: {  	s17 =	sadd.s32 $0x1000, s17  }
.LBB2_4:
0x26: {  	s18 =	sshll.u32 s16, $0x5  }
0x27: {  	s18 =	sor.u32 s8, s18  }
0x28: {  	p0 =	sgt.u32 s18, $0x4F  }
.Ltmp5:
0x29: {  	_ = 	snop;
	(pc) =	sbr.rel @p0 .LBB2_8-.Ltmp5, $1  }
0x2a: {  	_ =	sdelay $0x3  }
0x2b: {  	s18 =	sor.u32 s3, s18  }
0x2c: {  	s19 =	sadd.s32 $0x0, s17;
	s18 =	sshll.u32 s18, $0xB  }
0x2d: {  	s21 =	simm.s32 $0x0;
	v0 =	vmov s19;
	s20 =	sadd.s32 s5, s18  }
0x2e: {  	[tilespmem:s21], [sflag:$0x2] =	stream.linear.gather [hbm4b:s20+s21], $0x4000, $0x38;
	[tilespmem:$0x8080] =	vst v63  }
0x2f: {  	_ =	swait.ge [sflag:s14], $0x4000  }
0x30: {  	[sflag:s14] =	ssyncset.done $0x0  }
0x31: {  	[sflag:s14] =	ssyncadd.s32 $0xFFFFC000  }
0x32: {  	v0 =	vld.idx.msk [tilespmem:v0+s13+$0x0], $0xffff;
	_ =	sdelay $0x4  }
0x33: {  	(erf) = vrcp.f32 v0;
	_ =	sdelay $0x3  }
0x34: {  	s19 =	simm.s32 $0x40  }
0x35: {  	v0 =	vld [tilespmem:s19+$0xFFFFFFC0];
	_ =	sdelay $0x1  }
0x36: {  	v1 =	vld [tilespmem:$0x8000];
	_ =	sdelay $0x1  }
0x37: {  	v2 =	vpop (erf)  }
0x38: {  	v0 =	vmul.f32 v2, v0;
	_ =	sdelay $0x1  }
0x39: {  	v0 =	vadd.f32 v1, v0  }
0x3a: {  	v1 =	vld [tilespmem:s19+$0xFFFFFFD0]  }
0x3b: {  	[tilespmem:s19+$0xFFFFFFC0] =	vst v0  }
0x3c: {  	v0 =	vld [tilespmem:$0x8010];
	_ =	sdelay $0x2  }
0x3d: {  	v1 =	vmul.f32 v1, v2;
	_ =	sdelay $0x1  }
0x3e: {  	v0 =	vadd.f32 v0, v1  }
0x3f: {  	v1 =	vld [tilespmem:s19+$0xFFFFFFE0]  }
0x40: {  	[tilespmem:s19+$0xFFFFFFD0] =	vst v0  }
0x41: {  	v0 =	vld [tilespmem:$0x8020];
	_ =	sdelay $0x2  }
0x42: {  	v1 =	vmul.f32 v1, v2;
	_ =	sdelay $0x1  }
0x43: {  	v0 =	vadd.f32 v0, v1  }
0x44: {  	v1 =	vld [tilespmem:s19+$0xFFFFFFF0]  }
0x45: {  	[tilespmem:s19+$0xFFFFFFE0] =	vst v0  }
0x46: {  	v0 =	vld [tilespmem:$0x8030];
	_ =	sdelay $0x2  }
0x47: {  	v1 =	vmul.f32 v1, v2;
	_ =	sdelay $0x1  }
0x48: {  	v0 =	vadd.f32 v0, v1  }
0x49: {  	v1 =	vld [tilespmem:s19+$0x0]  }
0x4a: {  	[tilespmem:s19+$0xFFFFFFF0] =	vst v0  }
0x4b: {  	v0 =	vld [tilespmem:$0x8040];
	_ =	sdelay $0x2  }
0x4c: {  	v1 =	vmul.f32 v1, v2;
	_ =	sdelay $0x1  }
0x4d: {  	v0 =	vadd.f32 v0, v1  }
0x4e: {  	v1 =	vld [tilespmem:s19+$0x10]  }
0x4f: {  	[tilespmem:s19+$0x0] =	vst v0  }
0x50: {  	v0 =	vld [tilespmem:$0x8050];
	_ =	sdelay $0x2  }
0x51: {  	v1 =	vmul.f32 v1, v2;
	_ =	sdelay $0x1  }
0x52: {  	v0 =	vadd.f32 v0, v1  }
0x53: {  	v1 =	vld [tilespmem:s19+$0x20]  }
0x54: {  	[tilespmem:s19+$0x10] =	vst v0  }
0x55: {  	v0 =	vld [tilespmem:$0x8060];
	_ =	sdelay $0x2  }
0x56: {  	v1 =	vmul.f32 v1, v2;
	_ =	sdelay $0x1  }
0x57: {  	v0 =	vadd.f32 v0, v1  }
0x58: {  	v1 =	vld [tilespmem:s19+$0x30]  }
0x59: {  	[tilespmem:s19+$0x20] =	vst v0  }
0x5a: {  	v3 =	vld [tilespmem:$0x8070];
	_ =	sdelay $0x1  }
0x5b: {  	s31 =	sadd.s32 $0x1, s17  }
0x5c: {  	v0 =	vmov s31;
	v1 =	vmul.f32 v1, v2;
	_ =	sdelay $0x1  }
0x5d: {  	s20 =	simm.s32 $0x2;
	v1 =	vadd.f32 v3, v1  }
.LBB2_6:
0x5e: {  	p0 =	sne.s32 s20, $0x7F  }
0x5f: {  	s21 =	smov.u32 s20;
	s20 =	sadd.s32 $0x1, s20;
	[tilespmem:s19+$0x30] =	vst v1;
	s19 =	sadd.s32 $0x80, s19  }
0x60: {  	v0 =	vld.idx.msk [tilespmem:v0+s13+$0x0], $0xffff;
	_ =	sdelay $0x5  }
0x61: {  	(erf) = vrcp.f32 v0;
	_ =	sdelay $0x4  }
0x62: {  	v0 =	vld [tilespmem:s19+$0xFFFFFFC0];
	_ =	sdelay $0x1  }
0x63: {  	v1 =	vld [tilespmem:$0x8000];
	_ =	sdelay $0x1  }
0x64: {  	v2 =	vpop (erf)  }
0x65: {  	v0 =	vmul.f32 v2, v0;
	_ =	sdelay $0x1  }
0x66: {  	v0 =	vadd.f32 v1, v0  }
0x67: {  	v1 =	vld [tilespmem:s19+$0xFFFFFFD0]  }
0x68: {  	[tilespmem:s19+$0xFFFFFFC0] =	vst v0  }
0x69: {  	v0 =	vld [tilespmem:$0x8010];
	_ =	sdelay $0x2  }
0x6a: {  	v1 =	vmul.f32 v1, v2;
	_ =	sdelay $0x1  }
0x6b: {  	v0 =	vadd.f32 v0, v1  }
0x6c: {  	v1 =	vld [tilespmem:s19+$0xFFFFFFE0]  }
0x6d: {  	[tilespmem:s19+$0xFFFFFFD0] =	vst v0  }
0x6e: {  	v0 =	vld [tilespmem:$0x8020];
	_ =	sdelay $0x2  }
0x6f: {  	v1 =	vmul.f32 v1, v2;
	_ =	sdelay $0x1  }
0x70: {  	v0 =	vadd.f32 v0, v1  }
0x71: {  	v1 =	vld [tilespmem:s19+$0xFFFFFFF0]  }
0x72: {  	[tilespmem:s19+$0xFFFFFFE0] =	vst v0  }
0x73: {  	v0 =	vld [tilespmem:$0x8030];
	_ =	sdelay $0x2  }
0x74: {  	v1 =	vmul.f32 v1, v2;
	_ =	sdelay $0x1  }
0x75: {  	v0 =	vadd.f32 v0, v1  }
0x76: {  	v1 =	vld [tilespmem:s19+$0x0]  }
0x77: {  	[tilespmem:s19+$0xFFFFFFF0] =	vst v0  }
0x78: {  	v0 =	vld [tilespmem:$0x8040];
	_ =	sdelay $0x2  }
0x79: {  	v1 =	vmul.f32 v1, v2;
	_ =	sdelay $0x1  }
0x7a: {  	v0 =	vadd.f32 v0, v1  }
0x7b: {  	v1 =	vld [tilespmem:s19+$0x10]  }
0x7c: {  	[tilespmem:s19+$0x0] =	vst v0  }
0x7d: {  	v0 =	vld [tilespmem:$0x8050];
	_ =	sdelay $0x2  }
0x7e: {  	v1 =	vmul.f32 v1, v2;
	_ =	sdelay $0x1  }
0x7f: {  	v0 =	vadd.f32 v0, v1  }
0x80: {  	v1 =	vld [tilespmem:s19+$0x20]  }
0x81: {  	[tilespmem:s19+$0x10] =	vst v0  }
0x82: {  	v0 =	vld [tilespmem:$0x8060];
	_ =	sdelay $0x2  }
0x83: {  	v1 =	vmul.f32 v1, v2;
	_ =	sdelay $0x1  }
0x84: {  	v0 =	vadd.f32 v0, v1  }
0x85: {  	v1 =	vld [tilespmem:s19+$0x30]  }
0x86: {  	[tilespmem:s19+$0x20] =	vst v0  }
0x87: {  	v3 =	vld [tilespmem:$0x8070]  }
.Ltmp6:
0x88: {  	(pc) =	sbr.rel @p0 .LBB2_6-.Ltmp6, $3  }
0x89: {  	s21 =	sadd.s32 s21, s17  }
0x8a: {  	v0 =	vmov s21;
	v1 =	vmul.f32 v1, v2;
	_ =	sdelay $0x1  }
0x8b: {  	v1 =	vadd.f32 v3, v1  }
0x8c: {  	_ =	sdelay $0x2  }
0x8d: {  	[tilespmem:s19+$0x30] =	vst v1  }
0x8e: {  	v0 =	vld.idx.msk [tilespmem:v0+s13+$0x0], $0xffff;
	_ =	sdelay $0x4  }
0x8f: {  	(erf) = vrcp.f32 v0;
	_ =	sdelay $0x3  }
0x90: {  	s31 =	sadd.s32 $0x80, s19  }
0x91: {  	v56 =	vld [tilespmem:s31+$0xFFFFFFC0];
	_ =	sdelay $0x1  }
0x92: {  	v1 =	vld [tilespmem:$0x8000];
	_ =	sdelay $0x1  }
0x93: {  	v2 =	vpop (erf)  }
0x94: {  	v0 =	vmul.f32 v2, v56;
	_ =	sdelay $0x1  }
0x95: {  	v0 =	vadd.f32 v1, v0  }
0x96: {  	v57 =	vld [tilespmem:s31+$0xFFFFFFD0]  }
0x97: {  	[tilespmem:s31+$0xFFFFFFC0] =	vst v0  }
0x98: {  	v0 =	vld [tilespmem:$0x8010];
	_ =	sdelay $0x2  }
0x99: {  	v1 =	vmul.f32 v57, v2;
	_ =	sdelay $0x1  }
0x9a: {  	v0 =	vadd.f32 v0, v1  }
0x9b: {  	v58 =	vld [tilespmem:s31+$0xFFFFFFE0]  }
0x9c: {  	[tilespmem:s31+$0xFFFFFFD0] =	vst v0  }
0x9d: {  	v0 =	vld [tilespmem:$0x8020];
	_ =	sdelay $0x2  }
0x9e: {  	v1 =	vmul.f32 v58, v2;
	_ =	sdelay $0x1  }
0x9f: {  	v0 =	vadd.f32 v0, v1  }
0xa0: {  	v59 =	vld [tilespmem:s31+$0xFFFFFFF0]  }
0xa1: {  	[tilespmem:s31+$0xFFFFFFE0] =	vst v0  }
0xa2: {  	v0 =	vld [tilespmem:$0x8030];
	_ =	sdelay $0x2  }
0xa3: {  	v1 =	vmul.f32 v59, v2;
	_ =	sdelay $0x1  }
0xa4: {  	v0 =	vadd.f32 v0, v1  }
0xa5: {  	v60 =	vld [tilespmem:s31+$0x0]  }
0xa6: {  	[tilespmem:s31+$0xFFFFFFF0] =	vst v0  }
0xa7: {  	v0 =	vld [tilespmem:$0x8040];
	_ =	sdelay $0x2  }
0xa8: {  	v1 =	vmul.f32 v60, v2;
	_ =	sdelay $0x1  }
0xa9: {  	v0 =	vadd.f32 v0, v1  }
0xaa: {  	v61 =	vld [tilespmem:s31+$0x10]  }
0xab: {  	[tilespmem:s31+$0x0] =	vst v0  }
0xac: {  	v0 =	vld [tilespmem:$0x8050];
	_ =	sdelay $0x2  }
0xad: {  	v1 =	vmul.f32 v61, v2;
	_ =	sdelay $0x1  }
0xae: {  	v0 =	vadd.f32 v0, v1  }
0xaf: {  	v62 =	vld [tilespmem:s31+$0x20]  }
0xb0: {  	[tilespmem:s31+$0x10] =	vst v0  }
0xb1: {  	v0 =	vld [tilespmem:$0x8060];
	_ =	sdelay $0x2  }
0xb2: {  	v1 =	vmul.f32 v62, v2;
	_ =	sdelay $0x1  }
0xb3: {  	v0 =	vadd.f32 v0, v1  }
0xb4: {  	v63 =	vld [tilespmem:s31+$0x30]  }
0xb5: {  	[tilespmem:s31+$0x20] =	vst v0  }
0xb6: {  	v0 =	vld [tilespmem:$0x8070];
	_ =	sdelay $0x2  }
0xb7: {  	v1 =	vmul.f32 v63, v2;
	_ =	sdelay $0x1  }
0xb8: {  	v0 =	vadd.f32 v0, v1;
	_ =	sdelay $0x1  }
.Ltmp7:
0xb9: {  	s18 =	sadd.s32 s7, s18;
	[tilespmem:s31+$0x30] =	vst v0;
	(pc) =	sbr.rel .LBB2_8-.Ltmp7, $4  }
0xba: {  	[hbm4b:s18+s2] =	stream.linear.scatter [tilespmem:s2], [sflag:$0x1], $0x4000, $0x38;
	[tilespmem:$0x8080] =	vst v63  }
0xbb: {  	_ =	swait.ge [sflag:s12], $0x4000  }
0xbc: {  	[sflag:s12] =	ssyncset.done $0x0  }
0xbd: {  	[sflag:s12] =	ssyncadd.s32 $0xFFFFC000  }
.LBB2_10:
0xbe: {  	_ =	sfence.sel $0x180000  }
0xbf: {  	[bflag:$0x0] =	sbarrier.arrive $0xFFFF  }
0xc0: {  	p0 =	sne.s32 s4, $0x0;
	_ =	strace $0x90000056  }
0xc1: {  	s0 =	sadd.s32 @!p0 $0x100000, s0;
	[bflag:$0x2] =	sbarrier.arrive $0xFFFF  }
0xc2: {  	[sflag:s0] =	ssyncadd.tile.s32 @!p0 $0x1;
	_ =	shalt  }
.Lfunc_end2:
_tile_overlayer_lowered:
.L_overlay_start_2:
0xc3: {  	(tag) =	ssettag $0x2  }
0xc4: {  	s0 =	rddreg [dreg:$0x0];
	s2 =	stileid.u32  }
0xc5: {  	s1 =	rddreg [dreg:$0x1];
	p0 =	sne.s32 s2, $0x0  }
0xc6: {  	s3 =	rddreg [dreg:$0x2];
	[bflag:$0x3] =	sbarrier.arrive $0xFFFF;
	s2 =	simm.s32 @!p0 $0x1C01  }
0xc7: {  	[timem:s3], [sflag:s2] =	dma.local @!p0 [hbm:s0], s1  }
0xc8: {  	s0 =	simm.s32 @!p0 $0x1  }
0xc9: {  	_ =	swait.ge @!p0 [sflag:s0], s1  }
0xca: {  	s1 =	ssub.s32 @!p0 $0x0, s1;
	[sflag:s0] =	ssyncset.done @!p0 $0x0  }
0xcb: {  	[sflag:s0] =	ssyncadd.s32 @!p0 s1  }
0xcc: {  	[bflag:$0x3] =	sbarrier.arrive $0xFFFF  }
0xcd: {  	_ =	shalt  }

</sc_bundles>
